<compile_context>
chip_gen: v7x
topology: tpu7x:2x2x1
jax: 0.10.2.dev20260603
libtpu: 0.0.44.dev20260713+nightly
codegen_flags: <defaults>
</compile_context>

<pallas_src>
import functools

import jax
import jax.numpy as jnp
from jax import lax
from jax.experimental import pallas as pl
from jax.experimental.pallas import tpu as pltpu
from jax.experimental.pallas import tpu_sc as plsc

NC = 2
NS = 16
NW = NC * NS
L = 16

EB = 80
XW = 128
GW = 256


def _sc_mesh():
    return plsc.VectorSubcoreMesh(core_axis_name="c", subcore_axis_name="s")


_SC_PARAMS = pltpu.CompilerParams(needs_layout_passes=False)


def _deg_pass(col, ones_rows, zeros_xw, Np):
    E = col.shape[0]
    epw = E // NW
    nb = epw // EB
    rpt = Np // NS

    @functools.partial(
        pl.kernel,
        out_type=jax.ShapeDtypeStruct((NC, Np, XW), jnp.float32),
        mesh=_sc_mesh(),
        compiler_params=_SC_PARAMS,
        scratch_types=[
            pltpu.VMEM((1, EB), jnp.int32),
            pltpu.VMEM((EB, XW), jnp.float32),
            pltpu.VMEM_SHARED((Np, XW), jnp.float32),
            pltpu.SemaphoreType.DMA,
        ],
    )
    def k(col_hbm, ones_hbm, z_hbm, deg_out, idx_v, ones_v, deg_sh, dsem):
        c = lax.axis_index("c")
        s = lax.axis_index("s")
        wid = s * NC + c
        base = wid * epw
        pltpu.sync_copy(ones_hbm, ones_v)
        pltpu.sync_copy(z_hbm, deg_sh.at[pl.ds(s * rpt, rpt)])
        plsc.subcore_barrier()

        def body(b, carry):
            off = base + b * EB
            pltpu.sync_copy(col_hbm.at[pl.ds(off, EB)], idx_v.at[0])
            pltpu.async_copy(
                ones_v, deg_sh.at[idx_v.at[0]], dsem, add=True
            ).wait()
            return carry

        lax.fori_loop(0, nb, body, 0)
        plsc.subcore_barrier()
        pltpu.sync_copy(
            deg_sh.at[pl.ds(s * rpt, rpt)], deg_out.at[c, pl.ds(s * rpt, rpt)]
        )

    return k(col, ones_rows, zeros_xw)


def _tc_xwt(x, Wg, degraw):
    N, D = x.shape
    H = Wg.shape[1]
    BN = 1000

    def body(x_ref, wg_ref, dr_ref, o_ref):
        deg = dr_ref[0][:, 0:1] + dr_ref[1][:, 0:1] + 1.0
        dinv = lax.rsqrt(deg)
        xw = jnp.dot(x_ref[...], wg_ref[...], preferred_element_type=jnp.float32)
        xwt = xw * dinv
        o_ref[...] = jnp.concatenate(
            [xwt, jnp.zeros((BN, XW - H), jnp.float32)], axis=1
        )

    return pl.pallas_call(
        body,
        grid=(N // BN,),
        in_specs=[
            pl.BlockSpec((BN, D), lambda i: (i, 0)),
            pl.BlockSpec((D, H), lambda i: (0, 0)),
            pl.BlockSpec((2, BN, XW), lambda i: (0, i, 0)),
        ],
        out_specs=pl.BlockSpec((BN, XW), lambda i: (i, 0)),
        out_shape=jax.ShapeDtypeStruct((N, XW), jnp.float32),
    )(x, Wg, degraw)


def _acc_pass(row, col, xwt, zeros_xw, Np):
    E = row.shape[0]
    epw = E // NW
    nb = epw // EB
    rpt = Np // NS

    @functools.partial(
        pl.kernel,
        out_type=jax.ShapeDtypeStruct((NC, Np, XW), jnp.float32),
        mesh=_sc_mesh(),
        compiler_params=_SC_PARAMS,
        scratch_types=[
            pltpu.VMEM((epw,), jnp.int32),
            pltpu.VMEM((1, EB), jnp.int32),
            pltpu.VMEM((1, EB), jnp.int32),
            pltpu.VMEM((EB, XW), jnp.float32),
            pltpu.VMEM((EB, XW), jnp.float32),
            pltpu.VMEM_SHARED((Np, XW), jnp.float32),
            pltpu.SemaphoreType.DMA,
            pltpu.SemaphoreType.DMA,
        ],
    )
    def k(row_hbm, col_hbm, xwt_hbm, z_hbm, acc_out, idxr_all, idxc_a, idxc_b,
          rows_a, rows_b, acc_sh, sem_a, sem_b):
        c = lax.axis_index("c")
        s = lax.axis_index("s")
        wid = s * NC + c
        base = wid * epw
        pltpu.sync_copy(z_hbm, acc_sh.at[pl.ds(s * rpt, rpt)])
        pltpu.sync_copy(row_hbm.at[pl.ds(base, epw)], idxr_all)
        plsc.subcore_barrier()

        def start(b, rows_v, sem):
            pltpu.async_copy(
                xwt_hbm.at[idxr_all.at[pl.ds(b * EB, EB)]], rows_v, sem
            )

        def finish(b, rows_v, idxc, sem):
            pltpu.make_async_copy(
                xwt_hbm.at[idxr_all.at[pl.ds(b * EB, EB)]], rows_v, sem
            ).wait()
            pltpu.sync_copy(col_hbm.at[pl.ds(base + b * EB, EB)], idxc.at[0])
            pltpu.sync_copy(rows_v, acc_sh.at[idxc.at[0]], add=True)

        start(0, rows_a, sem_a)

        def pair(p, carry):
            b0 = 2 * p
            start(b0 + 1, rows_b, sem_b)
            finish(b0, rows_a, idxc_a, sem_a)
            start(b0 + 2, rows_a, sem_a)
            finish(b0 + 1, rows_b, idxc_b, sem_b)
            return carry

        lax.fori_loop(0, (nb - 1) // 2, pair, 0)
        finish(nb - 1, rows_a, idxc_a, sem_a)
        plsc.subcore_barrier()
        pltpu.sync_copy(
            acc_sh.at[pl.ds(s * rpt, rpt)], acc_out.at[c, pl.ds(s * rpt, rpt)]
        )

    return k(row, col, xwt, zeros_xw)


def _tc_tables(accraw, xwt, degraw, bg, Wsrc, Wdst, b_igo):
    N = xwt.shape[0]
    H = Wsrc.shape[0]
    G3 = Wsrc.shape[1]
    BN = 1000

    def body(ar_ref, xwt_ref, dr_ref, bg_ref, ws_ref, wd_ref, bs_ref, gs_ref, gd_ref):
        deg = dr_ref[0][:, 0:1] + dr_ref[1][:, 0:1] + 1.0
        dinv = lax.rsqrt(deg)
        acc = ar_ref[0][:, :H] + ar_ref[1][:, :H] + xwt_ref[:, :H]
        h = jnp.maximum(acc * dinv + bg_ref[...], 0.0)
        pad = jnp.zeros((BN, GW - G3), jnp.float32)
        gs = jnp.dot(h, ws_ref[...], preferred_element_type=jnp.float32) + bs_ref[...]
        gd = jnp.dot(h, wd_ref[...], preferred_element_type=jnp.float32)
        gs_ref[...] = jnp.concatenate([gs, pad], axis=1).astype(jnp.bfloat16)
        gd_ref[...] = jnp.concatenate([gd, pad], axis=1).astype(jnp.bfloat16)

    return pl.pallas_call(
        body,
        grid=(N // BN,),
        in_specs=[
            pl.BlockSpec((2, BN, XW), lambda i: (0, i, 0)),
            pl.BlockSpec((BN, XW), lambda i: (i, 0)),
            pl.BlockSpec((2, BN, XW), lambda i: (0, i, 0)),
            pl.BlockSpec((1, H), lambda i: (0, 0)),
            pl.BlockSpec((H, G3), lambda i: (0, 0)),
            pl.BlockSpec((H, G3), lambda i: (0, 0)),
            pl.BlockSpec((1, G3), lambda i: (0, 0)),
        ],
        out_specs=[
            pl.BlockSpec((BN, GW), lambda i: (i, 0)),
            pl.BlockSpec((BN, GW), lambda i: (i, 0)),
        ],
        out_shape=[
            jax.ShapeDtypeStruct((N, GW), jnp.bfloat16),
            jax.ShapeDtypeStruct((N, GW), jnp.bfloat16),
        ],
    )(accraw, xwt, degraw, bg, Wsrc, Wdst, b_igo)


def _edge_pass(row, col, Gsrc, Gdst, wtab, H):
    E = row.shape[0]
    epw = E // NW
    nb = epw // EB

    assert nb % 2 == 1
    NG = EB // L

    @functools.partial(
        pl.kernel,
        out_type=jax.ShapeDtypeStruct((E,), jnp.float32),
        mesh=_sc_mesh(),
        compiler_params=_SC_PARAMS,
        scratch_types=[
            pltpu.VMEM((epw,), jnp.int32),
            pltpu.VMEM((epw,), jnp.int32),
            pltpu.VMEM((epw,), jnp.float32),
            pltpu.VMEM((EB, GW // 2), jnp.float32),
            pltpu.VMEM((EB, GW // 2), jnp.float32),
            pltpu.VMEM((EB, GW // 2), jnp.float32),
            pltpu.VMEM((EB, GW // 2), jnp.float32),
            pltpu.VMEM((EB, L + 1), jnp.float32),
            pltpu.VMEM((80,), jnp.float32),
            pltpu.SemaphoreType.DMA,
            pltpu.SemaphoreType.DMA,
            pltpu.SemaphoreType.DMA,
            pltpu.SemaphoreType.DMA,
        ],
    )
    def k(row_hbm, col_hbm, gs_hbm, gd_hbm, wtab_hbm, out_hbm,
          idxr_all, idxc_all, out_all, bufs_a, bufd_a, bufs_b, bufd_b,
          part_v, wfc_v, sem_sa, sem_da, sem_sb, sem_db):
        c = lax.axis_index("c")
        s = lax.axis_index("s")
        wid = s * NC + c
        base = wid * epw
        pltpu.sync_copy(wtab_hbm, wfc_v)
        pltpu.sync_copy(row_hbm.at[pl.ds(base, epw)], idxr_all)
        pltpu.sync_copy(col_hbm.at[pl.ds(base, epw)], idxc_all)
        lanes = lax.iota(jnp.int32, L)
        bfc = plsc.load_gather(wfc_v, [jnp.full((L,), 64, jnp.int32)])

        def copies(b, bufs, bufd, sem_s, sem_d):
            sl = pl.ds(b * EB, EB)
            return (
                pltpu.make_async_copy(gs_hbm.at[idxr_all.at[sl]], bufs, sem_s),
                pltpu.make_async_copy(gd_hbm.at[idxc_all.at[sl]], bufd, sem_d),
            )

        def start(b, bufs, bufd, sem_s, sem_d):
            sl = pl.ds(b * EB, EB)
            pltpu.async_copy(gs_hbm.at[idxr_all.at[sl]], bufs, sem_s)
            pltpu.async_copy(gd_hbm.at[idxc_all.at[sl]], bufd, sem_d)

        def compute(b, bufs, bufd, sem_s, sem_d):
            cp1, cp2 = copies(b, bufs, bufd, sem_s, sem_d)
            cp1.wait()
            cp2.wait()

            def up(ref, j, wstart):
                bb = plsc.bitcast(ref[j, pl.ds(wstart, L)], jnp.bfloat16)
                return plsc.unpack(bb, format=plsc.PackFormat.INTERLEAVED)

            def edge(j, carry):
                acc = jnp.zeros((L,), jnp.float32)
                for grp in range(H // (2 * L)):
                    o = grp * L
                    si0, si1 = up(bufs, j, o)
                    di0, di1 = up(bufd, j, o)
                    sg0, sg1 = up(bufs, j, H // 2 + o)
                    dg0, dg1 = up(bufd, j, H // 2 + o)
                    so0, so1 = up(bufs, j, H + o)
                    do0, do1 = up(bufd, j, H + o)
                    for half, (xi, xg, xo) in enumerate(
                        [(si0 + di0, sg0 + dg0, so0 + do0),
                         (si1 + di1, sg1 + dg1, so1 + do1)]
                    ):
                        w_t = wfc_v[pl.ds(2 * o + half * L, L)]
                        e1 = jnp.exp(-xi)
                        e2 = jnp.exp(2.0 * jnp.minimum(xg, 15.0))
                        c1 = (e2 - 1.0) / ((1.0 + e1) * (e2 + 1.0))
                        e3 = jnp.exp(2.0 * c1)
                        e4 = jnp.exp(-xo)
                        h1 = (e3 - 1.0) / ((1.0 + e4) * (e3 + 1.0))
                        acc = acc + h1 * w_t
                part_v[j, pl.ds(0, L)] = acc
                return carry

            lax.fori_loop(0, EB, edge, 0)

            for g in range(NG):
                erow = jnp.full((L,), g * L, jnp.int32) + lanes
                total = bfc
                for t in range(L):
                    total = total + plsc.load_gather(
                        part_v, [erow, jnp.full((L,), t, jnp.int32)]
                    )
                out_all[pl.ds(b * EB + g * L, L)] = total

        start(0, bufs_a, bufd_a, sem_sa, sem_da)

        def pair(p, carry):
            b0 = 2 * p
            start(b0 + 1, bufs_b, bufd_b, sem_sb, sem_db)
            compute(b0, bufs_a, bufd_a, sem_sa, sem_da)
            start(b0 + 2, bufs_a, bufd_a, sem_sa, sem_da)
            compute(b0 + 1, bufs_b, bufd_b, sem_sb, sem_db)
            return carry

        lax.fori_loop(0, (nb - 1) // 2, pair, 0)
        compute(nb - 1, bufs_a, bufd_a, sem_sa, sem_da)
        pltpu.sync_copy(out_all, out_hbm.at[pl.ds(base, epw)])

    return k(row, col, Gsrc, Gdst, wtab)


def kernel(node_features, edge_index, W_gcn, b_gcn, W_ih, W_hh, b_ih, b_hh, W_fc, b_fc):
    del W_hh
    N, _ = node_features.shape
    E = edge_index.shape[1]
    H = W_gcn.shape[1]
    row = edge_index[0]
    col = edge_index[1]

    b2 = b_ih + b_hh
    igo = jnp.concatenate([W_ih[0:H], W_ih[2 * H:3 * H], W_ih[3 * H:4 * H]], axis=0)
    b_igo = jnp.concatenate([b2[0:H], b2[2 * H:3 * H], b2[3 * H:4 * H]])
    Wsrc = igo[:, :H].T
    Wdst = igo[:, H:].T
    w64 = W_fc[0]
    wtab = jnp.concatenate(
        [w64[0:32:2], w64[1:32:2], w64[32:64:2], w64[33:64:2],
         b_fc, jnp.zeros((15,), jnp.float32)]
    )

    ones_rows = jnp.concatenate(
        [jnp.ones((EB, 1), jnp.float32), jnp.zeros((EB, XW - 1), jnp.float32)],
        axis=1,
    )
    Np = -(-N // (8 * NS)) * 8 * NS
    rpt = Np // NS
    zeros_xw = jnp.zeros((rpt, XW), jnp.float32)

    degraw = _deg_pass(col, ones_rows, zeros_xw, Np)
    xwt = _tc_xwt(node_features, W_gcn, degraw)
    accraw = _acc_pass(row, col, xwt, zeros_xw, Np)
    gsrc, gdst = _tc_tables(
        accraw, xwt, degraw, b_gcn.reshape(1, H), Wsrc, Wdst, b_igo.reshape(1, 3 * H)
    )
    gs32 = lax.bitcast_convert_type(
        gsrc.reshape(N, GW // 2, 2), jnp.float32
    )
    gd32 = lax.bitcast_convert_type(
        gdst.reshape(N, GW // 2, 2), jnp.float32
    )
    out = _edge_pass(row, col, gs32, gd32, wtab, H)
    return out.reshape(E, 1)

# --- scband reference (transcript-rebuilt; emitter-appended) ---
"""Pipeline reference for scband-gnn-lstm-gravity-25838523253466 (READ-ONLY COPY).

The authoritative reference and input builder live on the scoring server;
editing this copy changes nothing except your own understanding.
"""

import jax, jax.numpy as jnp
import numpy as np

N = 10000
E = 320000
D_FEAT = 128
HIDDEN = 64


def setup_inputs(seed: int = 0) -> dict:
    key = jax.random.key(seed)
    ks = jax.random.split(key, 10)
    inp = {}
    inp["node_features"] = jax.random.normal(ks[0], (N, D_FEAT), dtype=jnp.float32)
    inp["edge_index"] = jax.random.randint(ks[1], (2, E), 0, N, dtype=jnp.int32)
    # GCNConv parameters
    inp["W_gcn"] = jax.random.normal(ks[2], (D_FEAT, HIDDEN), dtype=jnp.float32) * (1.0 / np.sqrt(D_FEAT))
    inp["b_gcn"] = jnp.zeros((HIDDEN,), dtype=jnp.float32)
    # LSTM (single layer, input = 2*HIDDEN, hidden = HIDDEN), PyTorch gate order i,f,g,o
    k_lstm = 1.0 / np.sqrt(HIDDEN)
    inp["W_ih"] = jax.random.uniform(ks[3], (4 * HIDDEN, 2 * HIDDEN), dtype=jnp.float32, minval=-k_lstm, maxval=k_lstm)
    inp["W_hh"] = jax.random.uniform(ks[4], (4 * HIDDEN, HIDDEN), dtype=jnp.float32, minval=-k_lstm, maxval=k_lstm)
    inp["b_ih"] = jax.random.uniform(ks[5], (4 * HIDDEN,), dtype=jnp.float32, minval=-k_lstm, maxval=k_lstm)
    inp["b_hh"] = jax.random.uniform(ks[6], (4 * HIDDEN,), dtype=jnp.float32, minval=-k_lstm, maxval=k_lstm)
    # Final linear HIDDEN -> 1
    k_fc = 1.0 / np.sqrt(HIDDEN)
    inp["W_fc"] = jax.random.uniform(ks[7], (1, HIDDEN), dtype=jnp.float32, minval=-k_fc, maxval=k_fc)
    inp["b_fc"] = jax.random.uniform(ks[8], (1,), dtype=jnp.float32, minval=-k_fc, maxval=k_fc)
    return inp


def _gcn_conv(x, edge_index, W, b):
    # PyG GCNConv: add self-loops, symmetric normalization D^-1/2 A D^-1/2 (X W) + b
    n = x.shape[0]
    loop = jnp.arange(n, dtype=edge_index.dtype)
    row = jnp.concatenate([edge_index[0], loop])
    col = jnp.concatenate([edge_index[1], loop])
    xw = x @ W
    deg = jnp.zeros((n,), dtype=x.dtype).at[col].add(1.0)
    deg_inv_sqrt = jax.lax.rsqrt(deg)  # deg >= 1 due to self-loops
    norm = deg_inv_sqrt[row] * deg_inv_sqrt[col]
    msg = xw[row] * norm[:, None]
    out = jnp.zeros((n, xw.shape[1]), dtype=x.dtype).at[col].add(msg)
    return out + b


def reference(node_features, edge_index, W_gcn, b_gcn, W_ih, W_hh, b_ih, b_hh, W_fc, b_fc):
    h_nodes = jax.nn.relu(_gcn_conv(node_features, edge_index, W_gcn, b_gcn))
    orig = h_nodes[edge_index[0]]
    dest = h_nodes[edge_index[1]]
    edge_feat = jnp.concatenate([orig, dest], axis=1)  # [E, 2*HIDDEN]
    # LSTM with seq_len = 1 (after unsqueeze(1)), h0 = c0 = 0
    e = edge_feat.shape[0]
    hdim = W_hh.shape[1]
    h0 = jnp.zeros((e, hdim), dtype=edge_feat.dtype)
    c0 = jnp.zeros((e, hdim), dtype=edge_feat.dtype)
    gates = edge_feat @ W_ih.T + b_ih + h0 @ W_hh.T + b_hh
    i_g, f_g, g_g, o_g = jnp.split(gates, 4, axis=1)
    c1 = jax.nn.sigmoid(f_g) * c0 + jax.nn.sigmoid(i_g) * jnp.tanh(g_g)
    h1 = jax.nn.sigmoid(o_g) * jnp.tanh(c1)
    return h1 @ W_fc.T + b_fc  # [E, 1]

if __name__ == "__main__":
    import jax
    _d = setup_inputs()
    print(jax.jit(kernel)(*tuple(_d.values())))

</pallas_src>

<mosaic_0001>
#map = affine_map<(d0, d1) -> (0)>
#map1 = affine_map<(d0, d1) -> (0, 0)>
#map2 = affine_map<(d0, d1) -> (0, 0, 0)>
module attributes {stable_mosaic.version = 14 : i64} {
  func.func @k(%arg0: i32, %arg1: i32, %arg2: memref<320000xi32, #tpu.memory_space<hbm>>, %arg3: memref<80x128xf32, #tpu.memory_space<hbm>>, %arg4: memref<632x128xf32, #tpu.memory_space<hbm>>, %arg5: memref<2x10112x128xf32, #tpu.memory_space<hbm>>, %arg6: memref<1x80xi32, #tpu.memory_space<vmem>>, %arg7: memref<80x128xf32, #tpu.memory_space<vmem>>, %arg8: memref<10112x128xf32, #tpu.memory_space<vmem_shared>>, %arg9: memref<!tpu.dma_semaphore, #tpu.memory_space<semaphore_mem>>) attributes {dimension_semantics = [#tpu.dimension_semantics<core_parallel>, #tpu.dimension_semantics<subcore_parallel>], iteration_bounds = array<i64: 2, 16>, scalar_prefetch = 0 : i64, scratch_operands = 4 : i64, tpu.core_type = #tpu.core_type<sc_vector_subcore>, window_params = [{transform_indices = #map}, {transform_indices = #map1}, {transform_indices = #map1}, {transform_indices = #map2}]} {
    %mul3A = arith.constant 2 : i32
    %mul3A_0 = arith.muli %arg1, %mul3A : i32
    %add3A = arith.addi %mul3A_0, %arg0 : i32
    %mul3A_1 = arith.constant 10000 : i32
    %mul3A_2 = arith.muli %add3A, %mul3A_1 : i32
    "tpu.region"() ({
      %run_scoped3A = tpu.sem_alloc : memref<!tpu.dma_semaphore, #tpu.memory_space<semaphore_mem>>
      tpu.enqueue_dma source(%arg3 : memref<80x128xf32, #tpu.memory_space<hbm>>) target(%arg7 : memref<80x128xf32, #tpu.memory_space<vmem>>) target_semaphore(%run_scoped3A : memref<!tpu.dma_semaphore, #tpu.memory_space<semaphore_mem>>)
      tpu.wait_dma2 semaphore(%run_scoped3A : memref<!tpu.dma_semaphore, #tpu.memory_space<semaphore_mem>>) src(%arg3 : memref<80x128xf32, #tpu.memory_space<hbm>>) dst(%arg7 : memref<80x128xf32, #tpu.memory_space<vmem>>)
      tpu.yield
    }) : () -> ()
    %mul3A_3 = arith.constant 632 : i32
    %mul3A_4 = arith.muli %arg1, %mul3A_3 : i32
    "tpu.region"() ({
      %run_scoped3A = tpu.sem_alloc : memref<!tpu.dma_semaphore, #tpu.memory_space<semaphore_mem>>
      %dma_start3A = arith.constant 0 : i32
      %dma_start3A_15 = tpu.memref_slice %arg8[%mul3A_4, %dma_start3A] : memref<10112x128xf32, #tpu.memory_space<vmem_shared>> -> memref<632x128xf32, #tpu.memory_space<vmem_shared>>
      tpu.enqueue_dma source(%arg4 : memref<632x128xf32, #tpu.memory_space<hbm>>) target(%dma_start3A_15 : memref<632x128xf32, #tpu.memory_space<vmem_shared>>) target_semaphore(%run_scoped3A : memref<!tpu.dma_semaphore, #tpu.memory_space<semaphore_mem>>)
      %dma_wait3A = arith.constant 0 : i32
      %dma_wait3A_16 = tpu.memref_slice %arg8[%mul3A_4, %dma_wait3A] : memref<10112x128xf32, #tpu.memory_space<vmem_shared>> -> memref<632x128xf32, #tpu.memory_space<vmem_shared>>
      tpu.wait_dma2 semaphore(%run_scoped3A : memref<!tpu.dma_semaphore, #tpu.memory_space<semaphore_mem>>) src(%arg4 : memref<632x128xf32, #tpu.memory_space<hbm>>) dst(%dma_wait3A_16 : memref<632x128xf32, #tpu.memory_space<vmem_shared>>)
      tpu.yield
    }) : () -> ()
    %barrier3A = arith.constant 0 : index
    tpu.barrier barrier_id(%barrier3A)
    %scan3A = arith.constant 0 : i32
    %scan3A_5 = arith.constant 0 : i32
    %scan3A_6 = arith.constant 125 : i32
    %scan3A_7 = arith.addi %scan3A_5, %scan3A_6 : i32
    %scan3A_8 = arith.constant 1 : i32
    scf.for %scan3A_15 = %scan3A_5 to %scan3A_7 step %scan3A_8  : i32 {
      %mul3A_16 = arith.constant 80 : i32
      %mul3A_17 = arith.muli %scan3A_15, %mul3A_16 : i32
      %add3A_18 = arith.addi %mul3A_2, %mul3A_17 : i32
      %run_scoped3A = arith.constant 0 : i32
      "tpu.region"() ({
        %run_scoped3A_31 = tpu.sem_alloc : memref<!tpu.dma_semaphore, #tpu.memory_space<semaphore_mem>>
        %dma_start3A_32 = arith.constant 0 : i32
        %dma_start3A_33 = tpu.memref_slice %arg6[%run_scoped3A, %dma_start3A_32] : memref<1x80xi32, #tpu.memory_space<vmem>> -> memref<1x80xi32, #tpu.memory_space<vmem>>
        %dma_start3A_34 = tpu.memref_squeeze %dma_start3A_33 : memref<1x80xi32, #tpu.memory_space<vmem>> -> memref<80xi32, #tpu.memory_space<vmem>>
        %dma_start3A_35 = tpu.memref_slice %arg2[%add3A_18] : memref<320000xi32, #tpu.memory_space<hbm>> -> memref<80xi32, #tpu.memory_space<hbm>>
        %dma_start3A_36 = arith.constant 0 : i32
        %dma_start3A_37 = tpu.memref_slice %arg6[%run_scoped3A, %dma_start3A_36] : memref<1x80xi32, #tpu.memory_space<vmem>> -> memref<1x80xi32, #tpu.memory_space<vmem>>
        %dma_start3A_38 = tpu.memref_squeeze %dma_start3A_37 : memref<1x80xi32, #tpu.memory_space<vmem>> -> memref<80xi32, #tpu.memory_space<vmem>>
        %dma_start3A_39 = tpu.memref_slice %arg2[%add3A_18] : memref<320000xi32, #tpu.memory_space<hbm>> -> memref<80xi32, #tpu.memory_space<hbm>>
        tpu.enqueue_dma source(%dma_start3A_39 : memref<80xi32, #tpu.memory_space<hbm>>) target(%dma_start3A_38 : memref<80xi32, #tpu.memory_space<vmem>>) target_semaphore(%run_scoped3A_31 : memref<!tpu.dma_semaphore, #tpu.memory_space<semaphore_mem>>)
        %dma_wait3A_40 = arith.constant 0 : i32
        %dma_wait3A_41 = tpu.memref_slice %arg6[%run_scoped3A, %dma_wait3A_40] : memref<1x80xi32, #tpu.memory_space<vmem>> -> memref<1x80xi32, #tpu.memory_space<vmem>>
        %dma_wait3A_42 = tpu.memref_squeeze %dma_wait3A_41 : memref<1x80xi32, #tpu.memory_space<vmem>> -> memref<80xi32, #tpu.memory_space<vmem>>
        %dma_wait3A_43 = tpu.memref_slice %arg2[%add3A_18] : memref<320000xi32, #tpu.memory_space<hbm>> -> memref<80xi32, #tpu.memory_space<hbm>>
        %dma_wait3A_44 = arith.constant 0 : i32
        %dma_wait3A_45 = tpu.memref_slice %arg6[%run_scoped3A, %dma_wait3A_44] : memref<1x80xi32, #tpu.memory_space<vmem>> -> memref<1x80xi32, #tpu.memory_space<vmem>>
        %dma_wait3A_46 = tpu.memref_squeeze %dma_wait3A_45 : memref<1x80xi32, #tpu.memory_space<vmem>> -> memref<80xi32, #tpu.memory_space<vmem>>
        %dma_wait3A_47 = tpu.memref_slice %arg2[%add3A_18] : memref<320000xi32, #tpu.memory_space<hbm>> -> memref<80xi32, #tpu.memory_space<hbm>>
        tpu.wait_dma2 semaphore(%run_scoped3A_31 : memref<!tpu.dma_semaphore, #tpu.memory_space<semaphore_mem>>) src(%dma_wait3A_47 : memref<80xi32, #tpu.memory_space<hbm>>) dst(%dma_wait3A_46 : memref<80xi32, #tpu.memory_space<vmem>>)
        tpu.yield
      }) : () -> ()
      %dma_start3A = arith.constant 0 : i32
      %dma_start3A_19 = arith.constant 0 : i32
      %dma_start3A_20 = tpu.memref_slice %arg6[%dma_start3A, %dma_start3A_19] : memref<1x80xi32, #tpu.memory_space<vmem>> -> memref<1x80xi32, #tpu.memory_space<vmem>>
      %dma_start3A_21 = tpu.memref_squeeze %dma_start3A_20 : memref<1x80xi32, #tpu.memory_space<vmem>> -> memref<80xi32, #tpu.memory_space<vmem>>
      %dma_start3A_22 = arith.constant 0 : i32
      %dma_start3A_23 = arith.constant 0 : i32
      %dma_start3A_24 = tpu.memref_slice %arg8[%dma_start3A_22, %dma_start3A_23] : memref<10112x128xf32, #tpu.memory_space<vmem_shared>> -> memref<10112x128xf32, #tpu.memory_space<vmem_shared>>
      tpu.enqueue_indirect_dma source(%arg7 : memref<80x128xf32, #tpu.memory_space<vmem>>) target(%dma_start3A_24 : memref<10112x128xf32, #tpu.memory_space<vmem_shared>>) offsets(%dma_start3A_21 : memref<80xi32, #tpu.memory_space<vmem>>) semaphore(%arg9 : memref<!tpu.dma_semaphore, #tpu.memory_space<semaphore_mem>>) {add = true}
      %dma_wait3A = arith.constant 0 : i32
      %dma_wait3A_25 = arith.constant 0 : i32
      %dma_wait3A_26 = tpu.memref_slice %arg6[%dma_wait3A, %dma_wait3A_25] : memref<1x80xi32, #tpu.memory_space<vmem>> -> memref<1x80xi32, #tpu.memory_space<vmem>>
      %dma_wait3A_27 = tpu.memref_squeeze %dma_wait3A_26 : memref<1x80xi32, #tpu.memory_space<vmem>> -> memref<80xi32, #tpu.memory_space<vmem>>
      %dma_wait3A_28 = arith.constant 0 : i32
      %dma_wait3A_29 = arith.constant 0 : i32
      %dma_wait3A_30 = tpu.memref_slice %arg8[%dma_wait3A_28, %dma_wait3A_29] : memref<10112x128xf32, #tpu.memory_space<vmem_shared>> -> memref<10112x128xf32, #tpu.memory_space<vmem_shared>>
      tpu.wait_indirect_dma semaphore(%arg9 : memref<!tpu.dma_semaphore, #tpu.memory_space<semaphore_mem>>) src(%arg7 : memref<80x128xf32, #tpu.memory_space<vmem>>) dst(%dma_wait3A_30 : memref<10112x128xf32, #tpu.memory_space<vmem_shared>>)
    }
    %scan3A_9 = arith.constant 125 : i32
    %barrier3A_10 = arith.constant 0 : index
    tpu.barrier barrier_id(%barrier3A_10)
    %mul3A_11 = arith.constant 632 : i32
    %mul3A_12 = arith.muli %arg1, %mul3A_11 : i32
    %mul3A_13 = arith.constant 632 : i32
    %mul3A_14 = arith.muli %arg1, %mul3A_13 : i32
    "tpu.region"() ({
      %run_scoped3A = tpu.sem_alloc : memref<!tpu.dma_semaphore, #tpu.memory_space<semaphore_mem>>
      %dma_start3A = arith.constant 0 : i32
      %dma_start3A_15 = tpu.memref_slice %arg5[%arg0, %mul3A_14, %dma_start3A] : memref<2x10112x128xf32, #tpu.memory_space<hbm>> -> memref<1x632x128xf32, #tpu.memory_space<hbm>>
      %dma_start3A_16 = tpu.memref_squeeze %dma_start3A_15 : memref<1x632x128xf32, #tpu.memory_space<hbm>> -> memref<632x128xf32, #tpu.memory_space<hbm>>
      %dma_start3A_17 = arith.constant 0 : i32
      %dma_start3A_18 = tpu.memref_slice %arg8[%mul3A_12, %dma_start3A_17] : memref<10112x128xf32, #tpu.memory_space<vmem_shared>> -> memref<632x128xf32, #tpu.memory_space<vmem_shared>>
      tpu.enqueue_dma source(%dma_start3A_18 : memref<632x128xf32, #tpu.memory_space<vmem_shared>>) target(%dma_start3A_16 : memref<632x128xf32, #tpu.memory_space<hbm>>) target_semaphore(%run_scoped3A : memref<!tpu.dma_semaphore, #tpu.memory_space<semaphore_mem>>)
      %dma_wait3A = arith.constant 0 : i32
      %dma_wait3A_19 = tpu.memref_slice %arg5[%arg0, %mul3A_14, %dma_wait3A] : memref<2x10112x128xf32, #tpu.memory_space<hbm>> -> memref<1x632x128xf32, #tpu.memory_space<hbm>>
      %dma_wait3A_20 = tpu.memref_squeeze %dma_wait3A_19 : memref<1x632x128xf32, #tpu.memory_space<hbm>> -> memref<632x128xf32, #tpu.memory_space<hbm>>
      %dma_wait3A_21 = arith.constant 0 : i32
      %dma_wait3A_22 = tpu.memref_slice %arg8[%mul3A_12, %dma_wait3A_21] : memref<10112x128xf32, #tpu.memory_space<vmem_shared>> -> memref<632x128xf32, #tpu.memory_space<vmem_shared>>
      tpu.wait_dma2 semaphore(%run_scoped3A : memref<!tpu.dma_semaphore, #tpu.memory_space<semaphore_mem>>) src(%dma_wait3A_22 : memref<632x128xf32, #tpu.memory_space<vmem_shared>>) dst(%dma_wait3A_20 : memref<632x128xf32, #tpu.memory_space<hbm>>)
      tpu.yield
    }) : () -> ()
    return
  }
}

#map = affine_map<(d0, d1) -> (0)>
#map1 = affine_map<(d0, d1) -> (0, 0)>
module attributes {stable_mosaic.version = 14 : i64} {
  func.func @k(%arg0: i32, %arg1: i32, %arg2: memref<320000xi32, #tpu.memory_space<hbm>>, %arg3: memref<320000xi32, #tpu.memory_space<hbm>>, %arg4: memref<10000x128xf32, #tpu.memory_space<hbm>>, %arg5: memref<10000x128xf32, #tpu.memory_space<hbm>>, %arg6: memref<80xf32, #tpu.memory_space<hbm>>, %arg7: memref<320000xf32, #tpu.memory_space<hbm>>, %arg8: memref<10000xi32, #tpu.memory_space<vmem>>, %arg9: memref<10000xi32, #tpu.memory_space<vmem>>, %arg10: memref<10000xf32, #tpu.memory_space<vmem>>, %arg11: memref<80x128xf32, #tpu.memory_space<vmem>>, %arg12: memref<80x128xf32, #tpu.memory_space<vmem>>, %arg13: memref<80x128xf32, #tpu.memory_space<vmem>>, %arg14: memref<80x128xf32, #tpu.memory_space<vmem>>, %arg15: memref<80x17xf32, #tpu.memory_space<vmem>>, %arg16: memref<80xf32, #tpu.memory_space<vmem>>, %arg17: memref<!tpu.dma_semaphore, #tpu.memory_space<semaphore_mem>>, %arg18: memref<!tpu.dma_semaphore, #tpu.memory_space<semaphore_mem>>, %arg19: memref<!tpu.dma_semaphore, #tpu.memory_space<semaphore_mem>>, %arg20: memref<!tpu.dma_semaphore, #tpu.memory_space<semaphore_mem>>) attributes {dimension_semantics = [#tpu.dimension_semantics<core_parallel>, #tpu.dimension_semantics<subcore_parallel>], iteration_bounds = array<i64: 2, 16>, scalar_prefetch = 0 : i64, scratch_operands = 13 : i64, tpu.core_type = #tpu.core_type<sc_vector_subcore>, window_params = [{transform_indices = #map}, {transform_indices = #map}, {transform_indices = #map1}, {transform_indices = #map1}, {transform_indices = #map}, {transform_indices = #map}]} {
    %mul3A = arith.constant 2 : i32
    %mul3A_0 = arith.muli %arg1, %mul3A : i32
    %add3A = arith.addi %mul3A_0, %arg0 : i32
    %mul3A_1 = arith.constant 10000 : i32
    %mul3A_2 = arith.muli %add3A, %mul3A_1 : i32
    "tpu.region"() ({
      %run_scoped3A = tpu.sem_alloc : memref<!tpu.dma_semaphore, #tpu.memory_space<semaphore_mem>>
      tpu.enqueue_dma source(%arg6 : memref<80xf32, #tpu.memory_space<hbm>>) target(%arg16 : memref<80xf32, #tpu.memory_space<vmem>>) target_semaphore(%run_scoped3A : memref<!tpu.dma_semaphore, #tpu.memory_space<semaphore_mem>>)
      tpu.wait_dma2 semaphore(%run_scoped3A : memref<!tpu.dma_semaphore, #tpu.memory_space<semaphore_mem>>) src(%arg6 : memref<80xf32, #tpu.memory_space<hbm>>) dst(%arg16 : memref<80xf32, #tpu.memory_space<vmem>>)
      tpu.yield
    }) : () -> ()
    "tpu.region"() ({
      %run_scoped3A = tpu.sem_alloc : memref<!tpu.dma_semaphore, #tpu.memory_space<semaphore_mem>>
      %dma_start3A_377 = tpu.memref_slice %arg2[%mul3A_2] : memref<320000xi32, #tpu.memory_space<hbm>> -> memref<10000xi32, #tpu.memory_space<hbm>>
      %dma_start3A_378 = tpu.memref_slice %arg2[%mul3A_2] : memref<320000xi32, #tpu.memory_space<hbm>> -> memref<10000xi32, #tpu.memory_space<hbm>>
      tpu.enqueue_dma source(%dma_start3A_378 : memref<10000xi32, #tpu.memory_space<hbm>>) target(%arg8 : memref<10000xi32, #tpu.memory_space<vmem>>) target_semaphore(%run_scoped3A : memref<!tpu.dma_semaphore, #tpu.memory_space<semaphore_mem>>)
      %dma_wait3A_379 = tpu.memref_slice %arg2[%mul3A_2] : memref<320000xi32, #tpu.memory_space<hbm>> -> memref<10000xi32, #tpu.memory_space<hbm>>
      %dma_wait3A_380 = tpu.memref_slice %arg2[%mul3A_2] : memref<320000xi32, #tpu.memory_space<hbm>> -> memref<10000xi32, #tpu.memory_space<hbm>>
      tpu.wait_dma2 semaphore(%run_scoped3A : memref<!tpu.dma_semaphore, #tpu.memory_space<semaphore_mem>>) src(%dma_wait3A_380 : memref<10000xi32, #tpu.memory_space<hbm>>) dst(%arg8 : memref<10000xi32, #tpu.memory_space<vmem>>)
      tpu.yield
    }) : () -> ()
    "tpu.region"() ({
      %run_scoped3A = tpu.sem_alloc : memref<!tpu.dma_semaphore, #tpu.memory_space<semaphore_mem>>
      %dma_start3A_377 = tpu.memref_slice %arg3[%mul3A_2] : memref<320000xi32, #tpu.memory_space<hbm>> -> memref<10000xi32, #tpu.memory_space<hbm>>
      %dma_start3A_378 = tpu.memref_slice %arg3[%mul3A_2] : memref<320000xi32, #tpu.memory_space<hbm>> -> memref<10000xi32, #tpu.memory_space<hbm>>
      tpu.enqueue_dma source(%dma_start3A_378 : memref<10000xi32, #tpu.memory_space<hbm>>) target(%arg9 : memref<10000xi32, #tpu.memory_space<vmem>>) target_semaphore(%run_scoped3A : memref<!tpu.dma_semaphore, #tpu.memory_space<semaphore_mem>>)
      %dma_wait3A_379 = tpu.memref_slice %arg3[%mul3A_2] : memref<320000xi32, #tpu.memory_space<hbm>> -> memref<10000xi32, #tpu.memory_space<hbm>>
      %dma_wait3A_380 = tpu.memref_slice %arg3[%mul3A_2] : memref<320000xi32, #tpu.memory_space<hbm>> -> memref<10000xi32, #tpu.memory_space<hbm>>
      tpu.wait_dma2 semaphore(%run_scoped3A : memref<!tpu.dma_semaphore, #tpu.memory_space<semaphore_mem>>) src(%dma_wait3A_380 : memref<10000xi32, #tpu.memory_space<hbm>>) dst(%arg9 : memref<10000xi32, #tpu.memory_space<vmem>>)
      tpu.yield
    }) : () -> ()
    %iota3A = tpu.iota {dimensions = array<i32: 0>} : vector<16xi32>
    %broadcast_in_dim3A = arith.constant 64 : i32
    %broadcast_in_dim3A_3 = vector.broadcast %broadcast_in_dim3A : i32 to vector<16xi32>
    %gather3A = tpu.vector_load_idx %arg16[%broadcast_in_dim3A_3] : memref<80xf32, #tpu.memory_space<vmem>>[vector<16xi32>], vector<16xf32>,
    %dma_start3A = arith.constant 0 : i32
    %dma_start3A_4 = tpu.memref_slice %arg8[%dma_start3A] : memref<10000xi32, #tpu.memory_space<vmem>> -> memref<80xi32, #tpu.memory_space<vmem>>
    %dma_start3A_5 = arith.constant 0 : i32
    %dma_start3A_6 = arith.constant 0 : i32
    %dma_start3A_7 = tpu.memref_slice %arg4[%dma_start3A_5, %dma_start3A_6] : memref<10000x128xf32, #tpu.memory_space<hbm>> -> memref<10000x128xf32, #tpu.memory_space<hbm>>
    tpu.enqueue_indirect_dma source(%dma_start3A_7 : memref<10000x128xf32, #tpu.memory_space<hbm>>) target(%arg11 : memref<80x128xf32, #tpu.memory_space<vmem>>) offsets(%dma_start3A_4 : memref<80xi32, #tpu.memory_space<vmem>>) semaphore(%arg17 : memref<!tpu.dma_semaphore, #tpu.memory_space<semaphore_mem>>)
    %dma_start3A_8 = arith.constant 0 : i32
    %dma_start3A_9 = tpu.memref_slice %arg9[%dma_start3A_8] : memref<10000xi32, #tpu.memory_space<vmem>> -> memref<80xi32, #tpu.memory_space<vmem>>
    %dma_start3A_10 = arith.constant 0 : i32
    %dma_start3A_11 = arith.constant 0 : i32
    %dma_start3A_12 = tpu.memref_slice %arg5[%dma_start3A_10, %dma_start3A_11] : memref<10000x128xf32, #tpu.memory_space<hbm>> -> memref<10000x128xf32, #tpu.memory_space<hbm>>
    tpu.enqueue_indirect_dma source(%dma_start3A_12 : memref<10000x128xf32, #tpu.memory_space<hbm>>) target(%arg12 : memref<80x128xf32, #tpu.memory_space<vmem>>) offsets(%dma_start3A_9 : memref<80xi32, #tpu.memory_space<vmem>>) semaphore(%arg18 : memref<!tpu.dma_semaphore, #tpu.memory_space<semaphore_mem>>)
    %scan3A = arith.constant 0 : i32
    %scan3A_13 = arith.constant 0 : i32
    %scan3A_14 = arith.constant 62 : i32
    %scan3A_15 = arith.addi %scan3A_13, %scan3A_14 : i32
    %scan3A_16 = arith.constant 1 : i32
    scf.for %scan3A_377 = %scan3A_13 to %scan3A_15 step %scan3A_16  : i32 {
      %mul3A_378 = arith.constant 2 : i32
      %mul3A_379 = arith.muli %mul3A_378, %scan3A_377 : i32
      %add3A_380 = arith.constant 1 : i32
      %add3A_381 = arith.addi %mul3A_379, %add3A_380 : i32
      %mul3A_382 = arith.constant 80 : i32
      %mul3A_383 = arith.muli %add3A_381, %mul3A_382 : i32
      %dma_start3A_384 = tpu.memref_slice %arg8[%mul3A_383] : memref<10000xi32, #tpu.memory_space<vmem>> -> memref<80xi32, #tpu.memory_space<vmem>>
      %dma_start3A_385 = arith.constant 0 : i32
      %dma_start3A_386 = arith.constant 0 : i32
      %dma_start3A_387 = tpu.memref_slice %arg4[%dma_start3A_385, %dma_start3A_386] : memref<10000x128xf32, #tpu.memory_space<hbm>> -> memref<10000x128xf32, #tpu.memory_space<hbm>>
      tpu.enqueue_indirect_dma source(%dma_start3A_387 : memref<10000x128xf32, #tpu.memory_space<hbm>>) target(%arg13 : memref<80x128xf32, #tpu.memory_space<vmem>>) offsets(%dma_start3A_384 : memref<80xi32, #tpu.memory_space<vmem>>) semaphore(%arg19 : memref<!tpu.dma_semaphore, #tpu.memory_space<semaphore_mem>>)
      %dma_start3A_388 = tpu.memref_slice %arg9[%mul3A_383] : memref<10000xi32, #tpu.memory_space<vmem>> -> memref<80xi32, #tpu.memory_space<vmem>>
      %dma_start3A_389 = arith.constant 0 : i32
      %dma_start3A_390 = arith.constant 0 : i32
      %dma_start3A_391 = tpu.memref_slice %arg5[%dma_start3A_389, %dma_start3A_390] : memref<10000x128xf32, #tpu.memory_space<hbm>> -> memref<10000x128xf32, #tpu.memory_space<hbm>>
      tpu.enqueue_indirect_dma source(%dma_start3A_391 : memref<10000x128xf32, #tpu.memory_space<hbm>>) target(%arg14 : memref<80x128xf32, #tpu.memory_space<vmem>>) offsets(%dma_start3A_388 : memref<80xi32, #tpu.memory_space<vmem>>) semaphore(%arg20 : memref<!tpu.dma_semaphore, #tpu.memory_space<semaphore_mem>>)
      %mul3A_392 = arith.constant 80 : i32
      %mul3A_393 = arith.muli %mul3A_379, %mul3A_392 : i32
      %dma_wait3A_394 = tpu.memref_slice %arg8[%mul3A_393] : memref<10000xi32, #tpu.memory_space<vmem>> -> memref<80xi32, #tpu.memory_space<vmem>>
      %dma_wait3A_395 = arith.constant 0 : i32
      %dma_wait3A_396 = arith.constant 0 : i32
      %dma_wait3A_397 = tpu.memref_slice %arg4[%dma_wait3A_395, %dma_wait3A_396] : memref<10000x128xf32, #tpu.memory_space<hbm>> -> memref<10000x128xf32, #tpu.memory_space<hbm>>
      tpu.wait_indirect_dma semaphore(%arg17 : memref<!tpu.dma_semaphore, #tpu.memory_space<semaphore_mem>>) src(%dma_wait3A_397 : memref<10000x128xf32, #tpu.memory_space<hbm>>) dst(%arg11 : memref<80x128xf32, #tpu.memory_space<vmem>>)
      %dma_wait3A_398 = tpu.memref_slice %arg9[%mul3A_393] : memref<10000xi32, #tpu.memory_space<vmem>> -> memref<80xi32, #tpu.memory_space<vmem>>
      %dma_wait3A_399 = arith.constant 0 : i32
      %dma_wait3A_400 = arith.constant 0 : i32
      %dma_wait3A_401 = tpu.memref_slice %arg5[%dma_wait3A_399, %dma_wait3A_400] : memref<10000x128xf32, #tpu.memory_space<hbm>> -> memref<10000x128xf32, #tpu.memory_space<hbm>>
      tpu.wait_indirect_dma semaphore(%arg18 : memref<!tpu.dma_semaphore, #tpu.memory_space<semaphore_mem>>) src(%dma_wait3A_401 : memref<10000x128xf32, #tpu.memory_space<hbm>>) dst(%arg12 : memref<80x128xf32, #tpu.memory_space<vmem>>)
      %scan3A_402 = arith.constant 0 : i32
      %scan3A_403 = arith.constant 0 : i32
      %scan3A_404 = arith.constant 80 : i32
      %scan3A_405 = arith.addi %scan3A_403, %scan3A_404 : i32
      %scan3A_406 = arith.constant 1 : i32
      scf.for %scan3A_1168 = %scan3A_403 to %scan3A_405 step %scan3A_406  : i32 {
        %broadcast_in_dim3A_1169 = arith.constant 0.000000e+00 : f32
        %broadcast_in_dim3A_1170 = vector.broadcast %broadcast_in_dim3A_1169 : f32 to vector<16xf32>
        %get3A = arith.index_cast %scan3A_1168 : i32 to index
        %get3A_1171 = arith.constant 0 : index
        %get3A_1172 = tpu.vector_load %arg11[%get3A, %get3A_1171] {strides = array<i32>} : memref<80x128xf32, #tpu.memory_space<vmem>>, vector<16xf32>,
        %bitcast3A = vector.bitcast %get3A_1172 : vector<16xf32> to vector<32xbf16>
        %unpack3A = tpu.unpack_subelements %bitcast3A, 0 {pack_format = #tpu.pack_format<interleaved>} : vector<32xbf16> -> vector<16xf32>
        %unpack3A_1173 = tpu.unpack_subelements %bitcast3A, 1 {pack_format = #tpu.pack_format<interleaved>} : vector<32xbf16> -> vector<16xf32>
        %get3A_1174 = arith.index_cast %scan3A_1168 : i32 to index
        %get3A_1175 = arith.constant 0 : index
        %get3A_1176 = tpu.vector_load %arg12[%get3A_1174, %get3A_1175] {strides = array<i32>} : memref<80x128xf32, #tpu.memory_space<vmem>>, vector<16xf32>,
        %bitcast3A_1177 = vector.bitcast %get3A_1176 : vector<16xf32> to vector<32xbf16>
        %unpack3A_1178 = tpu.unpack_subelements %bitcast3A_1177, 0 {pack_format = #tpu.pack_format<interleaved>} : vector<32xbf16> -> vector<16xf32>
        %unpack3A_1179 = tpu.unpack_subelements %bitcast3A_1177, 1 {pack_format = #tpu.pack_format<interleaved>} : vector<32xbf16> -> vector<16xf32>
        %get3A_1180 = arith.index_cast %scan3A_1168 : i32 to index
        %get3A_1181 = arith.constant 32 : index
        %get3A_1182 = tpu.vector_load %arg11[%get3A_1180, %get3A_1181] {strides = array<i32>} : memref<80x128xf32, #tpu.memory_space<vmem>>, vector<16xf32>,
        %bitcast3A_1183 = vector.bitcast %get3A_1182 : vector<16xf32> to vector<32xbf16>
        %unpack3A_1184 = tpu.unpack_subelements %bitcast3A_1183, 0 {pack_format = #tpu.pack_format<interleaved>} : vector<32xbf16> -> vector<16xf32>
        %unpack3A_1185 = tpu.unpack_subelements %bitcast3A_1183, 1 {pack_format = #tpu.pack_format<interleaved>} : vector<32xbf16> -> vector<16xf32>
        %get3A_1186 = arith.index_cast %scan3A_1168 : i32 to index
        %get3A_1187 = arith.constant 32 : index
        %get3A_1188 = tpu.vector_load %arg12[%get3A_1186, %get3A_1187] {strides = array<i32>} : memref<80x128xf32, #tpu.memory_space<vmem>>, vector<16xf32>,
        %bitcast3A_1189 = vector.bitcast %get3A_1188 : vector<16xf32> to vector<32xbf16>
        %unpack3A_1190 = tpu.unpack_subelements %bitcast3A_1189, 0 {pack_format = #tpu.pack_format<interleaved>} : vector<32xbf16> -> vector<16xf32>
        %unpack3A_1191 = tpu.unpack_subelements %bitcast3A_1189, 1 {pack_format = #tpu.pack_format<interleaved>} : vector<32xbf16> -> vector<16xf32>
        %get3A_1192 = arith.index_cast %scan3A_1168 : i32 to index
        %get3A_1193 = arith.constant 64 : index
        %get3A_1194 = tpu.vector_load %arg11[%get3A_1192, %get3A_1193] {strides = array<i32>} : memref<80x128xf32, #tpu.memory_space<vmem>>, vector<16xf32>,
        %bitcast3A_1195 = vector.bitcast %get3A_1194 : vector<16xf32> to vector<32xbf16>
        %unpack3A_1196 = tpu.unpack_subelements %bitcast3A_1195, 0 {pack_format = #tpu.pack_format<interleaved>} : vector<32xbf16> -> vector<16xf32>
        %unpack3A_1197 = tpu.unpack_subelements %bitcast3A_1195, 1 {pack_format = #tpu.pack_format<interleaved>} : vector<32xbf16> -> vector<16xf32>
        %get3A_1198 = arith.index_cast %scan3A_1168 : i32 to index
        %get3A_1199 = arith.constant 64 : index
        %get3A_1200 = tpu.vector_load %arg12[%get3A_1198, %get3A_1199] {strides = array<i32>} : memref<80x128xf32, #tpu.memory_space<vmem>>, vector<16xf32>,
        %bitcast3A_1201 = vector.bitcast %get3A_1200 : vector<16xf32> to vector<32xbf16>
        %unpack3A_1202 = tpu.unpack_subelements %bitcast3A_1201, 0 {pack_format = #tpu.pack_format<interleaved>} : vector<32xbf16> -> vector<16xf32>
        %unpack3A_1203 = tpu.unpack_subelements %bitcast3A_1201, 1 {pack_format = #tpu.pack_format<interleaved>} : vector<32xbf16> -> vector<16xf32>
        %add3A_1204 = arith.addf %unpack3A, %unpack3A_1178 : vector<16xf32>
        %add3A_1205 = arith.addf %unpack3A_1184, %unpack3A_1190 : vector<16xf32>
        %add3A_1206 = arith.addf %unpack3A_1196, %unpack3A_1202 : vector<16xf32>
        %add3A_1207 = arith.addf %unpack3A_1173, %unpack3A_1179 : vector<16xf32>
        %add3A_1208 = arith.addf %unpack3A_1185, %unpack3A_1191 : vector<16xf32>
        %add3A_1209 = arith.addf %unpack3A_1197, %unpack3A_1203 : vector<16xf32>
        %get3A_1210 = arith.constant 0 : index
        %get3A_1211 = tpu.vector_load %arg16[%get3A_1210] {strides = array<i32>} : memref<80xf32, #tpu.memory_space<vmem>>, vector<16xf32>,
        %neg3A = arith.constant 0.000000e+00 : f32
        %neg3A_1212 = vector.broadcast %neg3A : f32 to vector<16xf32>
        %neg3A_1213 = arith.subf %neg3A_1212, %add3A_1204 : vector<16xf32>
        %exp3A = math.exp %neg3A_1213 : vector<16xf32>
        %min3A = arith.constant 1.500000e+01 : f32
        %min3A_1214 = vector.broadcast %min3A : f32 to vector<16xf32>
        %min3A_1215 = arith.minimumf %add3A_1205, %min3A_1214 : vector<16xf32>
        %mul3A_1216 = arith.constant 2.000000e+00 : f32
        %mul3A_1217 = vector.broadcast %mul3A_1216 : f32 to vector<16xf32>
        %mul3A_1218 = arith.mulf %mul3A_1217, %min3A_1215 : vector<16xf32>
        %exp3A_1219 = math.exp %mul3A_1218 : vector<16xf32>
        %sub3A = arith.constant 1.000000e+00 : f32
        %sub3A_1220 = vector.broadcast %sub3A : f32 to vector<16xf32>
        %sub3A_1221 = arith.subf %exp3A_1219, %sub3A_1220 : vector<16xf32>
        %add3A_1222 = arith.constant 1.000000e+00 : f32
        %add3A_1223 = vector.broadcast %add3A_1222 : f32 to vector<16xf32>
        %add3A_1224 = arith.addf %add3A_1223, %exp3A : vector<16xf32>
        %add3A_1225 = arith.constant 1.000000e+00 : f32
        %add3A_1226 = vector.broadcast %add3A_1225 : f32 to vector<16xf32>
        %add3A_1227 = arith.addf %exp3A_1219, %add3A_1226 : vector<16xf32>
        %mul3A_1228 = arith.mulf %add3A_1224, %add3A_1227 : vector<16xf32>
        %div3A = arith.divf %sub3A_1221, %mul3A_1228 : vector<16xf32>
        %mul3A_1229 = arith.constant 2.000000e+00 : f32
        %mul3A_1230 = vector.broadcast %mul3A_1229 : f32 to vector<16xf32>
        %mul3A_1231 = arith.mulf %mul3A_1230, %div3A : vector<16xf32>
        %exp3A_1232 = math.exp %mul3A_1231 : vector<16xf32>
        %neg3A_1233 = arith.constant 0.000000e+00 : f32
        %neg3A_1234 = vector.broadcast %neg3A_1233 : f32 to vector<16xf32>
        %neg3A_1235 = arith.subf %neg3A_1234, %add3A_1206 : vector<16xf32>
        %exp3A_1236 = math.exp %neg3A_1235 : vector<16xf32>
        %sub3A_1237 = arith.constant 1.000000e+00 : f32
        %sub3A_1238 = vector.broadcast %sub3A_1237 : f32 to vector<16xf32>
        %sub3A_1239 = arith.subf %exp3A_1232, %sub3A_1238 : vector<16xf32>
        %add3A_1240 = arith.constant 1.000000e+00 : f32
        %add3A_1241 = vector.broadcast %add3A_1240 : f32 to vector<16xf32>
        %add3A_1242 = arith.addf %add3A_1241, %exp3A_1236 : vector<16xf32>
        %add3A_1243 = arith.constant 1.000000e+00 : f32
        %add3A_1244 = vector.broadcast %add3A_1243 : f32 to vector<16xf32>
        %add3A_1245 = arith.addf %exp3A_1232, %add3A_1244 : vector<16xf32>
        %mul3A_1246 = arith.mulf %add3A_1242, %add3A_1245 : vector<16xf32>
        %div3A_1247 = arith.divf %sub3A_1239, %mul3A_1246 : vector<16xf32>
        %mul3A_1248 = arith.mulf %div3A_1247, %get3A_1211 : vector<16xf32>
        %add3A_1249 = arith.addf %broadcast_in_dim3A_1170, %mul3A_1248 : vector<16xf32>
        %get3A_1250 = arith.constant 16 : index
        %get3A_1251 = tpu.vector_load %arg16[%get3A_1250] {strides = array<i32>} : memref<80xf32, #tpu.memory_space<vmem>>, vector<16xf32>,
        %neg3A_1252 = arith.constant 0.000000e+00 : f32
        %neg3A_1253 = vector.broadcast %neg3A_1252 : f32 to vector<16xf32>
        %neg3A_1254 = arith.subf %neg3A_1253, %add3A_1207 : vector<16xf32>
        %exp3A_1255 = math.exp %neg3A_1254 : vector<16xf32>
        %min3A_1256 = arith.constant 1.500000e+01 : f32
        %min3A_1257 = vector.broadcast %min3A_1256 : f32 to vector<16xf32>
        %min3A_1258 = arith.minimumf %add3A_1208, %min3A_1257 : vector<16xf32>
        %mul3A_1259 = arith.constant 2.000000e+00 : f32
        %mul3A_1260 = vector.broadcast %mul3A_1259 : f32 to vector<16xf32>
        %mul3A_1261 = arith.mulf %mul3A_1260, %min3A_1258 : vector<16xf32>
        %exp3A_1262 = math.exp %mul3A_1261 : vector<16xf32>
        %sub3A_1263 = arith.constant 1.000000e+00 : f32
        %sub3A_1264 = vector.broadcast %sub3A_1263 : f32 to vector<16xf32>
        %sub3A_1265 = arith.subf %exp3A_1262, %sub3A_1264 : vector<16xf32>
        %add3A_1266 = arith.constant 1.000000e+00 : f32
        %add3A_1267 = vector.broadcast %add3A_1266 : f32 to vector<16xf32>
        %add3A_1268 = arith.addf %add3A_1267, %exp3A_1255 : vector<16xf32>
        %add3A_1269 = arith.constant 1.000000e+00 : f32
        %add3A_1270 = vector.broadcast %add3A_1269 : f32 to vector<16xf32>
        %add3A_1271 = arith.addf %exp3A_1262, %add3A_1270 : vector<16xf32>
        %mul3A_1272 = arith.mulf %add3A_1268, %add3A_1271 : vector<16xf32>
        %div3A_1273 = arith.divf %sub3A_1265, %mul3A_1272 : vector<16xf32>
        %mul3A_1274 = arith.constant 2.000000e+00 : f32
        %mul3A_1275 = vector.broadcast %mul3A_1274 : f32 to vector<16xf32>
        %mul3A_1276 = arith.mulf %mul3A_1275, %div3A_1273 : vector<16xf32>
        %exp3A_1277 = math.exp %mul3A_1276 : vector<16xf32>
        %neg3A_1278 = arith.constant 0.000000e+00 : f32
        %neg3A_1279 = vector.broadcast %neg3A_1278 : f32 to vector<16xf32>
        %neg3A_1280 = arith.subf %neg3A_1279, %add3A_1209 : vector<16xf32>
        %exp3A_1281 = math.exp %neg3A_1280 : vector<16xf32>
        %sub3A_1282 = arith.constant 1.000000e+00 : f32
        %sub3A_1283 = vector.broadcast %sub3A_1282 : f32 to vector<16xf32>
        %sub3A_1284 = arith.subf %exp3A_1277, %sub3A_1283 : vector<16xf32>
        %add3A_1285 = arith.constant 1.000000e+00 : f32
        %add3A_1286 = vector.broadcast %add3A_1285 : f32 to vector<16xf32>
        %add3A_1287 = arith.addf %add3A_1286, %exp3A_1281 : vector<16xf32>
        %add3A_1288 = arith.constant 1.000000e+00 : f32
        %add3A_1289 = vector.broadcast %add3A_1288 : f32 to vector<16xf32>
        %add3A_1290 = arith.addf %exp3A_1277, %add3A_1289 : vector<16xf32>
        %mul3A_1291 = arith.mulf %add3A_1287, %add3A_1290 : vector<16xf32>
        %div3A_1292 = arith.divf %sub3A_1284, %mul3A_1291 : vector<16xf32>
        %mul3A_1293 = arith.mulf %div3A_1292, %get3A_1251 : vector<16xf32>
        %add3A_1294 = arith.addf %add3A_1249, %mul3A_1293 : vector<16xf32>
        %get3A_1295 = arith.index_cast %scan3A_1168 : i32 to index
        %get3A_1296 = arith.constant 16 : index
        %get3A_1297 = tpu.vector_load %arg11[%get3A_1295, %get3A_1296] {strides = array<i32>} : memref<80x128xf32, #tpu.memory_space<vmem>>, vector<16xf32>,
        %bitcast3A_1298 = vector.bitcast %get3A_1297 : vector<16xf32> to vector<32xbf16>
        %unpack3A_1299 = tpu.unpack_subelements %bitcast3A_1298, 0 {pack_format = #tpu.pack_format<interleaved>} : vector<32xbf16> -> vector<16xf32>
        %unpack3A_1300 = tpu.unpack_subelements %bitcast3A_1298, 1 {pack_format = #tpu.pack_format<interleaved>} : vector<32xbf16> -> vector<16xf32>
        %get3A_1301 = arith.index_cast %scan3A_1168 : i32 to index
        %get3A_1302 = arith.constant 16 : index
        %get3A_1303 = tpu.vector_load %arg12[%get3A_1301, %get3A_1302] {strides = array<i32>} : memref<80x128xf32, #tpu.memory_space<vmem>>, vector<16xf32>,
        %bitcast3A_1304 = vector.bitcast %get3A_1303 : vector<16xf32> to vector<32xbf16>
        %unpack3A_1305 = tpu.unpack_subelements %bitcast3A_1304, 0 {pack_format = #tpu.pack_format<interleaved>} : vector<32xbf16> -> vector<16xf32>
        %unpack3A_1306 = tpu.unpack_subelements %bitcast3A_1304, 1 {pack_format = #tpu.pack_format<interleaved>} : vector<32xbf16> -> vector<16xf32>
        %get3A_1307 = arith.index_cast %scan3A_1168 : i32 to index
        %get3A_1308 = arith.constant 48 : index
        %get3A_1309 = tpu.vector_load %arg11[%get3A_1307, %get3A_1308] {strides = array<i32>} : memref<80x128xf32, #tpu.memory_space<vmem>>, vector<16xf32>,
        %bitcast3A_1310 = vector.bitcast %get3A_1309 : vector<16xf32> to vector<32xbf16>
        %unpack3A_1311 = tpu.unpack_subelements %bitcast3A_1310, 0 {pack_format = #tpu.pack_format<interleaved>} : vector<32xbf16> -> vector<16xf32>
        %unpack3A_1312 = tpu.unpack_subelements %bitcast3A_1310, 1 {pack_format = #tpu.pack_format<interleaved>} : vector<32xbf16> -> vector<16xf32>
        %get3A_1313 = arith.index_cast %scan3A_1168 : i32 to index
        %get3A_1314 = arith.constant 48 : index
        %get3A_1315 = tpu.vector_load %arg12[%get3A_1313, %get3A_1314] {strides = array<i32>} : memref<80x128xf32, #tpu.memory_space<vmem>>, vector<16xf32>,
        %bitcast3A_1316 = vector.bitcast %get3A_1315 : vector<16xf32> to vector<32xbf16>
        %unpack3A_1317 = tpu.unpack_subelements %bitcast3A_1316, 0 {pack_format = #tpu.pack_format<interleaved>} : vector<32xbf16> -> vector<16xf32>
        %unpack3A_1318 = tpu.unpack_subelements %bitcast3A_1316, 1 {pack_format = #tpu.pack_format<interleaved>} : vector<32xbf16> -> vector<16xf32>
        %get3A_1319 = arith.index_cast %scan3A_1168 : i32 to index
        %get3A_1320 = arith.constant 80 : index
        %get3A_1321 = tpu.vector_load %arg11[%get3A_1319, %get3A_1320] {strides = array<i32>} : memref<80x128xf32, #tpu.memory_space<vmem>>, vector<16xf32>,
        %bitcast3A_1322 = vector.bitcast %get3A_1321 : vector<16xf32> to vector<32xbf16>
        %unpack3A_1323 = tpu.unpack_subelements %bitcast3A_1322, 0 {pack_format = #tpu.pack_format<interleaved>} : vector<32xbf16> -> vector<16xf32>
        %unpack3A_1324 = tpu.unpack_subelements %bitcast3A_1322, 1 {pack_format = #tpu.pack_format<interleaved>} : vector<32xbf16> -> vector<16xf32>
        %get3A_1325 = arith.index_cast %scan3A_1168 : i32 to index
        %get3A_1326 = arith.constant 80 : index
        %get3A_1327 = tpu.vector_load %arg12[%get3A_1325, %get3A_1326] {strides = array<i32>} : memref<80x128xf32, #tpu.memory_space<vmem>>, vector<16xf32>,
        %bitcast3A_1328 = vector.bitcast %get3A_1327 : vector<16xf32> to vector<32xbf16>
        %unpack3A_1329 = tpu.unpack_subelements %bitcast3A_1328, 0 {pack_format = #tpu.pack_format<interleaved>} : vector<32xbf16> -> vector<16xf32>
        %unpack3A_1330 = tpu.unpack_subelements %bitcast3A_1328, 1 {pack_format = #tpu.pack_format<interleaved>} : vector<32xbf16> -> vector<16xf32>
        %add3A_1331 = arith.addf %unpack3A_1299, %unpack3A_1305 : vector<16xf32>
        %add3A_1332 = arith.addf %unpack3A_1311, %unpack3A_1317 : vector<16xf32>
        %add3A_1333 = arith.addf %unpack3A_1323, %unpack3A_1329 : vector<16xf32>
        %add3A_1334 = arith.addf %unpack3A_1300, %unpack3A_1306 : vector<16xf32>
        %add3A_1335 = arith.addf %unpack3A_1312, %unpack3A_1318 : vector<16xf32>
        %add3A_1336 = arith.addf %unpack3A_1324, %unpack3A_1330 : vector<16xf32>
        %get3A_1337 = arith.constant 32 : index
        %get3A_1338 = tpu.vector_load %arg16[%get3A_1337] {strides = array<i32>} : memref<80xf32, #tpu.memory_space<vmem>>, vector<16xf32>,
        %neg3A_1339 = arith.constant 0.000000e+00 : f32
        %neg3A_1340 = vector.broadcast %neg3A_1339 : f32 to vector<16xf32>
        %neg3A_1341 = arith.subf %neg3A_1340, %add3A_1331 : vector<16xf32>
        %exp3A_1342 = math.exp %neg3A_1341 : vector<16xf32>
        %min3A_1343 = arith.constant 1.500000e+01 : f32
        %min3A_1344 = vector.broadcast %min3A_1343 : f32 to vector<16xf32>
        %min3A_1345 = arith.minimumf %add3A_1332, %min3A_1344 : vector<16xf32>
        %mul3A_1346 = arith.constant 2.000000e+00 : f32
        %mul3A_1347 = vector.broadcast %mul3A_1346 : f32 to vector<16xf32>
        %mul3A_1348 = arith.mulf %mul3A_1347, %min3A_1345 : vector<16xf32>
        %exp3A_1349 = math.exp %mul3A_1348 : vector<16xf32>
        %sub3A_1350 = arith.constant 1.000000e+00 : f32
        %sub3A_1351 = vector.broadcast %sub3A_1350 : f32 to vector<16xf32>
        %sub3A_1352 = arith.subf %exp3A_1349, %sub3A_1351 : vector<16xf32>
        %add3A_1353 = arith.constant 1.000000e+00 : f32
        %add3A_1354 = vector.broadcast %add3A_1353 : f32 to vector<16xf32>
        %add3A_1355 = arith.addf %add3A_1354, %exp3A_1342 : vector<16xf32>
        %add3A_1356 = arith.constant 1.000000e+00 : f32
        %add3A_1357 = vector.broadcast %add3A_1356 : f32 to vector<16xf32>
        %add3A_1358 = arith.addf %exp3A_1349, %add3A_1357 : vector<16xf32>
        %mul3A_1359 = arith.mulf %add3A_1355, %add3A_1358 : vector<16xf32>
        %div3A_1360 = arith.divf %sub3A_1352, %mul3A_1359 : vector<16xf32>
        %mul3A_1361 = arith.constant 2.000000e+00 : f32
        %mul3A_1362 = vector.broadcast %mul3A_1361 : f32 to vector<16xf32>
        %mul3A_1363 = arith.mulf %mul3A_1362, %div3A_1360 : vector<16xf32>
        %exp3A_1364 = math.exp %mul3A_1363 : vector<16xf32>
        %neg3A_1365 = arith.constant 0.000000e+00 : f32
        %neg3A_1366 = vector.broadcast %neg3A_1365 : f32 to vector<16xf32>
        %neg3A_1367 = arith.subf %neg3A_1366, %add3A_1333 : vector<16xf32>
        %exp3A_1368 = math.exp %neg3A_1367 : vector<16xf32>
        %sub3A_1369 = arith.constant 1.000000e+00 : f32
        %sub3A_1370 = vector.broadcast %sub3A_1369 : f32 to vector<16xf32>
        %sub3A_1371 = arith.subf %exp3A_1364, %sub3A_1370 : vector<16xf32>
        %add3A_1372 = arith.constant 1.000000e+00 : f32
        %add3A_1373 = vector.broadcast %add3A_1372 : f32 to vector<16xf32>
        %add3A_1374 = arith.addf %add3A_1373, %exp3A_1368 : vector<16xf32>
        %add3A_1375 = arith.constant 1.000000e+00 : f32
        %add3A_1376 = vector.broadcast %add3A_1375 : f32 to vector<16xf32>
        %add3A_1377 = arith.addf %exp3A_1364, %add3A_1376 : vector<16xf32>
        %mul3A_1378 = arith.mulf %add3A_1374, %add3A_1377 : vector<16xf32>
        %div3A_1379 = arith.divf %sub3A_1371, %mul3A_1378 : vector<16xf32>
        %mul3A_1380 = arith.mulf %div3A_1379, %get3A_1338 : vector<16xf32>
        %add3A_1381 = arith.addf %add3A_1294, %mul3A_1380 : vector<16xf32>
        %get3A_1382 = arith.constant 48 : index
        %get3A_1383 = tpu.vector_load %arg16[%get3A_1382] {strides = array<i32>} : memref<80xf32, #tpu.memory_space<vmem>>, vector<16xf32>,
        %neg3A_1384 = arith.constant 0.000000e+00 : f32
        %neg3A_1385 = vector.broadcast %neg3A_1384 : f32 to vector<16xf32>
        %neg3A_1386 = arith.subf %neg3A_1385, %add3A_1334 : vector<16xf32>
        %exp3A_1387 = math.exp %neg3A_1386 : vector<16xf32>
        %min3A_1388 = arith.constant 1.500000e+01 : f32
        %min3A_1389 = vector.broadcast %min3A_1388 : f32 to vector<16xf32>
        %min3A_1390 = arith.minimumf %add3A_1335, %min3A_1389 : vector<16xf32>
        %mul3A_1391 = arith.constant 2.000000e+00 : f32
        %mul3A_1392 = vector.broadcast %mul3A_1391 : f32 to vector<16xf32>
        %mul3A_1393 = arith.mulf %mul3A_1392, %min3A_1390 : vector<16xf32>
        %exp3A_1394 = math.exp %mul3A_1393 : vector<16xf32>
        %sub3A_1395 = arith.constant 1.000000e+00 : f32
        %sub3A_1396 = vector.broadcast %sub3A_1395 : f32 to vector<16xf32>
        %sub3A_1397 = arith.subf %exp3A_1394, %sub3A_1396 : vector<16xf32>
        %add3A_1398 = arith.constant 1.000000e+00 : f32
        %add3A_1399 = vector.broadcast %add3A_1398 : f32 to vector<16xf32>
        %add3A_1400 = arith.addf %add3A_1399, %exp3A_1387 : vector<16xf32>
        %add3A_1401 = arith.constant 1.000000e+00 : f32
        %add3A_1402 = vector.broadcast %add3A_1401 : f32 to vector<16xf32>
        %add3A_1403 = arith.addf %exp3A_1394, %add3A_1402 : vector<16xf32>
        %mul3A_1404 = arith.mulf %add3A_1400, %add3A_1403 : vector<16xf32>
        %div3A_1405 = arith.divf %sub3A_1397, %mul3A_1404 : vector<16xf32>
        %mul3A_1406 = arith.constant 2.000000e+00 : f32
        %mul3A_1407 = vector.broadcast %mul3A_1406 : f32 to vector<16xf32>
        %mul3A_1408 = arith.mulf %mul3A_1407, %div3A_1405 : vector<16xf32>
        %exp3A_1409 = math.exp %mul3A_1408 : vector<16xf32>
        %neg3A_1410 = arith.constant 0.000000e+00 : f32
        %neg3A_1411 = vector.broadcast %neg3A_1410 : f32 to vector<16xf32>
        %neg3A_1412 = arith.subf %neg3A_1411, %add3A_1336 : vector<16xf32>
        %exp3A_1413 = math.exp %neg3A_1412 : vector<16xf32>
        %sub3A_1414 = arith.constant 1.000000e+00 : f32
        %sub3A_1415 = vector.broadcast %sub3A_1414 : f32 to vector<16xf32>
        %sub3A_1416 = arith.subf %exp3A_1409, %sub3A_1415 : vector<16xf32>
        %add3A_1417 = arith.constant 1.000000e+00 : f32
        %add3A_1418 = vector.broadcast %add3A_1417 : f32 to vector<16xf32>
        %add3A_1419 = arith.addf %add3A_1418, %exp3A_1413 : vector<16xf32>
        %add3A_1420 = arith.constant 1.000000e+00 : f32
        %add3A_1421 = vector.broadcast %add3A_1420 : f32 to vector<16xf32>
        %add3A_1422 = arith.addf %exp3A_1409, %add3A_1421 : vector<16xf32>
        %mul3A_1423 = arith.mulf %add3A_1419, %add3A_1422 : vector<16xf32>
        %div3A_1424 = arith.divf %sub3A_1416, %mul3A_1423 : vector<16xf32>
        %mul3A_1425 = arith.mulf %div3A_1424, %get3A_1383 : vector<16xf32>
        %add3A_1426 = arith.addf %add3A_1381, %mul3A_1425 : vector<16xf32>
        %swap3A_1427 = arith.index_cast %scan3A_1168 : i32 to index
        %swap3A_1428 = arith.constant 0 : index
        %swap3A_1429 = tpu.vector_load %arg15[%swap3A_1427, %swap3A_1428] {strides = array<i32>} : memref<80x17xf32, #tpu.memory_space<vmem>>, vector<16xf32>,
        tpu.vector_store %arg15[%swap3A_1427, %swap3A_1428], %add3A_1426 {strides = array<i32>} : memref<80x17xf32, #tpu.memory_space<vmem>>, vector<16xf32>,
      }
      %scan3A_407 = arith.constant 80 : i32
      %broadcast_in_dim3A_408 = arith.constant 0 : i32
      %broadcast_in_dim3A_409 = vector.broadcast %broadcast_in_dim3A_408 : i32 to vector<16xi32>
      %add3A_410 = arith.addi %broadcast_in_dim3A_409, %iota3A : vector<16xi32>
      %broadcast_in_dim3A_411 = arith.constant 0 : i32
      %broadcast_in_dim3A_412 = vector.broadcast %broadcast_in_dim3A_411 : i32 to vector<16xi32>
      %gather3A_413 = tpu.vector_load_idx %arg15[%add3A_410, %broadcast_in_dim3A_412] : memref<80x17xf32, #tpu.memory_space<vmem>>[vector<16xi32>, vector<16xi32>], vector<16xf32>,
      %add3A_414 = arith.addf %gather3A, %gather3A_413 : vector<16xf32>
      %broadcast_in_dim3A_415 = arith.constant 1 : i32
      %broadcast_in_dim3A_416 = vector.broadcast %broadcast_in_dim3A_415 : i32 to vector<16xi32>
      %gather3A_417 = tpu.vector_load_idx %arg15[%add3A_410, %broadcast_in_dim3A_416] : memref<80x17xf32, #tpu.memory_space<vmem>>[vector<16xi32>, vector<16xi32>], vector<16xf32>,
      %add3A_418 = arith.addf %add3A_414, %gather3A_417 : vector<16xf32>
      %broadcast_in_dim3A_419 = arith.constant 2 : i32
      %broadcast_in_dim3A_420 = vector.broadcast %broadcast_in_dim3A_419 : i32 to vector<16xi32>
      %gather3A_421 = tpu.vector_load_idx %arg15[%add3A_410, %broadcast_in_dim3A_420] : memref<80x17xf32, #tpu.memory_space<vmem>>[vector<16xi32>, vector<16xi32>], vector<16xf32>,
      %add3A_422 = arith.addf %add3A_418, %gather3A_421 : vector<16xf32>
      %broadcast_in_dim3A_423 = arith.constant 3 : i32
      %broadcast_in_dim3A_424 = vector.broadcast %broadcast_in_dim3A_423 : i32 to vector<16xi32>
      %gather3A_425 = tpu.vector_load_idx %arg15[%add3A_410, %broadcast_in_dim3A_424] : memref<80x17xf32, #tpu.memory_space<vmem>>[vector<16xi32>, vector<16xi32>], vector<16xf32>,
      %add3A_426 = arith.addf %add3A_422, %gather3A_425 : vector<16xf32>
      %broadcast_in_dim3A_427 = arith.constant 4 : i32
      %broadcast_in_dim3A_428 = vector.broadcast %broadcast_in_dim3A_427 : i32 to vector<16xi32>
      %gather3A_429 = tpu.vector_load_idx %arg15[%add3A_410, %broadcast_in_dim3A_428] : memref<80x17xf32, #tpu.memory_space<vmem>>[vector<16xi32>, vector<16xi32>], vector<16xf32>,
      %add3A_430 = arith.addf %add3A_426, %gather3A_429 : vector<16xf32>
      %broadcast_in_dim3A_431 = arith.constant 5 : i32
      %broadcast_in_dim3A_432 = vector.broadcast %broadcast_in_dim3A_431 : i32 to vector<16xi32>
      %gather3A_433 = tpu.vector_load_idx %arg15[%add3A_410, %broadcast_in_dim3A_432] : memref<80x17xf32, #tpu.memory_space<vmem>>[vector<16xi32>, vector<16xi32>], vector<16xf32>,
      %add3A_434 = arith.addf %add3A_430, %gather3A_433 : vector<16xf32>
      %broadcast_in_dim3A_435 = arith.constant 6 : i32
      %broadcast_in_dim3A_436 = vector.broadcast %broadcast_in_dim3A_435 : i32 to vector<16xi32>
      %gather3A_437 = tpu.vector_load_idx %arg15[%add3A_410, %broadcast_in_dim3A_436] : memref<80x17xf32, #tpu.memory_space<vmem>>[vector<16xi32>, vector<16xi32>], vector<16xf32>,
      %add3A_438 = arith.addf %add3A_434, %gather3A_437 : vector<16xf32>
      %broadcast_in_dim3A_439 = arith.constant 7 : i32
      %broadcast_in_dim3A_440 = vector.broadcast %broadcast_in_dim3A_439 : i32 to vector<16xi32>
      %gather3A_441 = tpu.vector_load_idx %arg15[%add3A_410, %broadcast_in_dim3A_440] : memref<80x17xf32, #tpu.memory_space<vmem>>[vector<16xi32>, vector<16xi32>], vector<16xf32>,
      %add3A_442 = arith.addf %add3A_438, %gather3A_441 : vector<16xf32>
      %broadcast_in_dim3A_443 = arith.constant 8 : i32
      %broadcast_in_dim3A_444 = vector.broadcast %broadcast_in_dim3A_443 : i32 to vector<16xi32>
      %gather3A_445 = tpu.vector_load_idx %arg15[%add3A_410, %broadcast_in_dim3A_444] : memref<80x17xf32, #tpu.memory_space<vmem>>[vector<16xi32>, vector<16xi32>], vector<16xf32>,
      %add3A_446 = arith.addf %add3A_442, %gather3A_445 : vector<16xf32>
      %broadcast_in_dim3A_447 = arith.constant 9 : i32
      %broadcast_in_dim3A_448 = vector.broadcast %broadcast_in_dim3A_447 : i32 to vector<16xi32>
      %gather3A_449 = tpu.vector_load_idx %arg15[%add3A_410, %broadcast_in_dim3A_448] : memref<80x17xf32, #tpu.memory_space<vmem>>[vector<16xi32>, vector<16xi32>], vector<16xf32>,
      %add3A_450 = arith.addf %add3A_446, %gather3A_449 : vector<16xf32>
      %broadcast_in_dim3A_451 = arith.constant 10 : i32
      %broadcast_in_dim3A_452 = vector.broadcast %broadcast_in_dim3A_451 : i32 to vector<16xi32>
      %gather3A_453 = tpu.vector_load_idx %arg15[%add3A_410, %broadcast_in_dim3A_452] : memref<80x17xf32, #tpu.memory_space<vmem>>[vector<16xi32>, vector<16xi32>], vector<16xf32>,
      %add3A_454 = arith.addf %add3A_450, %gather3A_453 : vector<16xf32>
      %broadcast_in_dim3A_455 = arith.constant 11 : i32
      %broadcast_in_dim3A_456 = vector.broadcast %broadcast_in_dim3A_455 : i32 to vector<16xi32>
      %gather3A_457 = tpu.vector_load_idx %arg15[%add3A_410, %broadcast_in_dim3A_456] : memref<80x17xf32, #tpu.memory_space<vmem>>[vector<16xi32>, vector<16xi32>], vector<16xf32>,
      %add3A_458 = arith.addf %add3A_454, %gather3A_457 : vector<16xf32>
      %broadcast_in_dim3A_459 = arith.constant 12 : i32
      %broadcast_in_dim3A_460 = vector.broadcast %broadcast_in_dim3A_459 : i32 to vector<16xi32>
      %gather3A_461 = tpu.vector_load_idx %arg15[%add3A_410, %broadcast_in_dim3A_460] : memref<80x17xf32, #tpu.memory_space<vmem>>[vector<16xi32>, vector<16xi32>], vector<16xf32>,
      %add3A_462 = arith.addf %add3A_458, %gather3A_461 : vector<16xf32>
      %broadcast_in_dim3A_463 = arith.constant 13 : i32
      %broadcast_in_dim3A_464 = vector.broadcast %broadcast_in_dim3A_463 : i32 to vector<16xi32>
      %gather3A_465 = tpu.vector_load_idx %arg15[%add3A_410, %broadcast_in_dim3A_464] : memref<80x17xf32, #tpu.memory_space<vmem>>[vector<16xi32>, vector<16xi32>], vector<16xf32>,
      %add3A_466 = arith.addf %add3A_462, %gather3A_465 : vector<16xf32>
      %broadcast_in_dim3A_467 = arith.constant 14 : i32
      %broadcast_in_dim3A_468 = vector.broadcast %broadcast_in_dim3A_467 : i32 to vector<16xi32>
      %gather3A_469 = tpu.vector_load_idx %arg15[%add3A_410, %broadcast_in_dim3A_468] : memref<80x17xf32, #tpu.memory_space<vmem>>[vector<16xi32>, vector<16xi32>], vector<16xf32>,
      %add3A_470 = arith.addf %add3A_466, %gather3A_469 : vector<16xf32>
      %broadcast_in_dim3A_471 = arith.constant 15 : i32
      %broadcast_in_dim3A_472 = vector.broadcast %broadcast_in_dim3A_471 : i32 to vector<16xi32>
      %gather3A_473 = tpu.vector_load_idx %arg15[%add3A_410, %broadcast_in_dim3A_472] : memref<80x17xf32, #tpu.memory_space<vmem>>[vector<16xi32>, vector<16xi32>], vector<16xf32>,
      %add3A_474 = arith.addf %add3A_470, %gather3A_473 : vector<16xf32>
      %mul3A_475 = arith.constant 80 : i32
      %mul3A_476 = arith.muli %mul3A_379, %mul3A_475 : i32
      %add3A_477 = arith.constant 0 : i32
      %add3A_478 = arith.addi %mul3A_476, %add3A_477 : i32
      %swap3A_479 = arith.index_cast %add3A_478 : i32 to index
      %swap3A_480 = tpu.vector_load %arg10[%swap3A_479] {strides = array<i32>} : memref<10000xf32, #tpu.memory_space<vmem>>, vector<16xf32>,
      tpu.vector_store %arg10[%swap3A_479], %add3A_474 {strides = array<i32>} : memref<10000xf32, #tpu.memory_space<vmem>>, vector<16xf32>,
      %broadcast_in_dim3A_481 = arith.constant 16 : i32
      %broadcast_in_dim3A_482 = vector.broadcast %broadcast_in_dim3A_481 : i32 to vector<16xi32>
      %add3A_483 = arith.addi %broadcast_in_dim3A_482, %iota3A : vector<16xi32>
      %broadcast_in_dim3A_484 = arith.constant 0 : i32
      %broadcast_in_dim3A_485 = vector.broadcast %broadcast_in_dim3A_484 : i32 to vector<16xi32>
      %gather3A_486 = tpu.vector_load_idx %arg15[%add3A_483, %broadcast_in_dim3A_485] : memref<80x17xf32, #tpu.memory_space<vmem>>[vector<16xi32>, vector<16xi32>], vector<16xf32>,
      %add3A_487 = arith.addf %gather3A, %gather3A_486 : vector<16xf32>
      %broadcast_in_dim3A_488 = arith.constant 1 : i32
      %broadcast_in_dim3A_489 = vector.broadcast %broadcast_in_dim3A_488 : i32 to vector<16xi32>
      %gather3A_490 = tpu.vector_load_idx %arg15[%add3A_483, %broadcast_in_dim3A_489] : memref<80x17xf32, #tpu.memory_space<vmem>>[vector<16xi32>, vector<16xi32>], vector<16xf32>,
      %add3A_491 = arith.addf %add3A_487, %gather3A_490 : vector<16xf32>
      %broadcast_in_dim3A_492 = arith.constant 2 : i32
      %broadcast_in_dim3A_493 = vector.broadcast %broadcast_in_dim3A_492 : i32 to vector<16xi32>
      %gather3A_494 = tpu.vector_load_idx %arg15[%add3A_483, %broadcast_in_dim3A_493] : memref<80x17xf32, #tpu.memory_space<vmem>>[vector<16xi32>, vector<16xi32>], vector<16xf32>,
      %add3A_495 = arith.addf %add3A_491, %gather3A_494 : vector<16xf32>
      %broadcast_in_dim3A_496 = arith.constant 3 : i32
      %broadcast_in_dim3A_497 = vector.broadcast %broadcast_in_dim3A_496 : i32 to vector<16xi32>
      %gather3A_498 = tpu.vector_load_idx %arg15[%add3A_483, %broadcast_in_dim3A_497] : memref<80x17xf32, #tpu.memory_space<vmem>>[vector<16xi32>, vector<16xi32>], vector<16xf32>,
      %add3A_499 = arith.addf %add3A_495, %gather3A_498 : vector<16xf32>
      %broadcast_in_dim3A_500 = arith.constant 4 : i32
      %broadcast_in_dim3A_501 = vector.broadcast %broadcast_in_dim3A_500 : i32 to vector<16xi32>
      %gather3A_502 = tpu.vector_load_idx %arg15[%add3A_483, %broadcast_in_dim3A_501] : memref<80x17xf32, #tpu.memory_space<vmem>>[vector<16xi32>, vector<16xi32>], vector<16xf32>,
      %add3A_503 = arith.addf %add3A_499, %gather3A_502 : vector<16xf32>
      %broadcast_in_dim3A_504 = arith.constant 5 : i32
      %broadcast_in_dim3A_505 = vector.broadcast %broadcast_in_dim3A_504 : i32 to vector<16xi32>
      %gather3A_506 = tpu.vector_load_idx %arg15[%add3A_483, %broadcast_in_dim3A_505] : memref<80x17xf32, #tpu.memory_space<vmem>>[vector<16xi32>, vector<16xi32>], vector<16xf32>,
      %add3A_507 = arith.addf %add3A_503, %gather3A_506 : vector<16xf32>
      %broadcast_in_dim3A_508 = arith.constant 6 : i32
      %broadcast_in_dim3A_509 = vector.broadcast %broadcast_in_dim3A_508 : i32 to vector<16xi32>
      %gather3A_510 = tpu.vector_load_idx %arg15[%add3A_483, %broadcast_in_dim3A_509] : memref<80x17xf32, #tpu.memory_space<vmem>>[vector<16xi32>, vector<16xi32>], vector<16xf32>,
      %add3A_511 = arith.addf %add3A_507, %gather3A_510 : vector<16xf32>
      %broadcast_in_dim3A_512 = arith.constant 7 : i32
      %broadcast_in_dim3A_513 = vector.broadcast %broadcast_in_dim3A_512 : i32 to vector<16xi32>
      %gather3A_514 = tpu.vector_load_idx %arg15[%add3A_483, %broadcast_in_dim3A_513] : memref<80x17xf32, #tpu.memory_space<vmem>>[vector<16xi32>, vector<16xi32>], vector<16xf32>,
      %add3A_515 = arith.addf %add3A_511, %gather3A_514 : vector<16xf32>
      %broadcast_in_dim3A_516 = arith.constant 8 : i32
      %broadcast_in_dim3A_517 = vector.broadcast %broadcast_in_dim3A_516 : i32 to vector<16xi32>
      %gather3A_518 = tpu.vector_load_idx %arg15[%add3A_483, %broadcast_in_dim3A_517] : memref<80x17xf32, #tpu.memory_space<vmem>>[vector<16xi32>, vector<16xi32>], vector<16xf32>,
      %add3A_519 = arith.addf %add3A_515, %gather3A_518 : vector<16xf32>
      %broadcast_in_dim3A_520 = arith.constant 9 : i32
      %broadcast_in_dim3A_521 = vector.broadcast %broadcast_in_dim3A_520 : i32 to vector<16xi32>
      %gather3A_522 = tpu.vector_load_idx %arg15[%add3A_483, %broadcast_in_dim3A_521] : memref<80x17xf32, #tpu.memory_space<vmem>>[vector<16xi32>, vector<16xi32>], vector<16xf32>,
      %add3A_523 = arith.addf %add3A_519, %gather3A_522 : vector<16xf32>
      %broadcast_in_dim3A_524 = arith.constant 10 : i32
      %broadcast_in_dim3A_525 = vector.broadcast %broadcast_in_dim3A_524 : i32 to vector<16xi32>
      %gather3A_526 = tpu.vector_load_idx %arg15[%add3A_483, %broadcast_in_dim3A_525] : memref<80x17xf32, #tpu.memory_space<vmem>>[vector<16xi32>, vector<16xi32>], vector<16xf32>,
      %add3A_527 = arith.addf %add3A_523, %gather3A_526 : vector<16xf32>
      %broadcast_in_dim3A_528 = arith.constant 11 : i32
      %broadcast_in_dim3A_529 = vector.broadcast %broadcast_in_dim3A_528 : i32 to vector<16xi32>
      %gather3A_530 = tpu.vector_load_idx %arg15[%add3A_483, %broadcast_in_dim3A_529] : memref<80x17xf32, #tpu.memory_space<vmem>>[vector<16xi32>, vector<16xi32>], vector<16xf32>,
      %add3A_531 = arith.addf %add3A_527, %gather3A_530 : vector<16xf32>
      %broadcast_in_dim3A_532 = arith.constant 12 : i32
      %broadcast_in_dim3A_533 = vector.broadcast %broadcast_in_dim3A_532 : i32 to vector<16xi32>
      %gather3A_534 = tpu.vector_load_idx %arg15[%add3A_483, %broadcast_in_dim3A_533] : memref<80x17xf32, #tpu.memory_space<vmem>>[vector<16xi32>, vector<16xi32>], vector<16xf32>,
      %add3A_535 = arith.addf %add3A_531, %gather3A_534 : vector<16xf32>
      %broadcast_in_dim3A_536 = arith.constant 13 : i32
      %broadcast_in_dim3A_537 = vector.broadcast %broadcast_in_dim3A_536 : i32 to vector<16xi32>
      %gather3A_538 = tpu.vector_load_idx %arg15[%add3A_483, %broadcast_in_dim3A_537] : memref<80x17xf32, #tpu.memory_space<vmem>>[vector<16xi32>, vector<16xi32>], vector<16xf32>,
      %add3A_539 = arith.addf %add3A_535, %gather3A_538 : vector<16xf32>
      %broadcast_in_dim3A_540 = arith.constant 14 : i32
      %broadcast_in_dim3A_541 = vector.broadcast %broadcast_in_dim3A_540 : i32 to vector<16xi32>
      %gather3A_542 = tpu.vector_load_idx %arg15[%add3A_483, %broadcast_in_dim3A_541] : memref<80x17xf32, #tpu.memory_space<vmem>>[vector<16xi32>, vector<16xi32>], vector<16xf32>,
      %add3A_543 = arith.addf %add3A_539, %gather3A_542 : vector<16xf32>
      %broadcast_in_dim3A_544 = arith.constant 15 : i32
      %broadcast_in_dim3A_545 = vector.broadcast %broadcast_in_dim3A_544 : i32 to vector<16xi32>
      %gather3A_546 = tpu.vector_load_idx %arg15[%add3A_483, %broadcast_in_dim3A_545] : memref<80x17xf32, #tpu.memory_space<vmem>>[vector<16xi32>, vector<16xi32>], vector<16xf32>,
      %add3A_547 = arith.addf %add3A_543, %gather3A_546 : vector<16xf32>
      %mul3A_548 = arith.constant 80 : i32
      %mul3A_549 = arith.muli %mul3A_379, %mul3A_548 : i32
      %add3A_550 = arith.constant 16 : i32
      %add3A_551 = arith.addi %mul3A_549, %add3A_550 : i32
      %swap3A_552 = arith.index_cast %add3A_551 : i32 to index
      %swap3A_553 = tpu.vector_load %arg10[%swap3A_552] {strides = array<i32>} : memref<10000xf32, #tpu.memory_space<vmem>>, vector<16xf32>,
      tpu.vector_store %arg10[%swap3A_552], %add3A_547 {strides = array<i32>} : memref<10000xf32, #tpu.memory_space<vmem>>, vector<16xf32>,
      %broadcast_in_dim3A_554 = arith.constant 32 : i32
      %broadcast_in_dim3A_555 = vector.broadcast %broadcast_in_dim3A_554 : i32 to vector<16xi32>
      %add3A_556 = arith.addi %broadcast_in_dim3A_555, %iota3A : vector<16xi32>
      %broadcast_in_dim3A_557 = arith.constant 0 : i32
      %broadcast_in_dim3A_558 = vector.broadcast %broadcast_in_dim3A_557 : i32 to vector<16xi32>
      %gather3A_559 = tpu.vector_load_idx %arg15[%add3A_556, %broadcast_in_dim3A_558] : memref<80x17xf32, #tpu.memory_space<vmem>>[vector<16xi32>, vector<16xi32>], vector<16xf32>,
      %add3A_560 = arith.addf %gather3A, %gather3A_559 : vector<16xf32>
      %broadcast_in_dim3A_561 = arith.constant 1 : i32
      %broadcast_in_dim3A_562 = vector.broadcast %broadcast_in_dim3A_561 : i32 to vector<16xi32>
      %gather3A_563 = tpu.vector_load_idx %arg15[%add3A_556, %broadcast_in_dim3A_562] : memref<80x17xf32, #tpu.memory_space<vmem>>[vector<16xi32>, vector<16xi32>], vector<16xf32>,
      %add3A_564 = arith.addf %add3A_560, %gather3A_563 : vector<16xf32>
      %broadcast_in_dim3A_565 = arith.constant 2 : i32
      %broadcast_in_dim3A_566 = vector.broadcast %broadcast_in_dim3A_565 : i32 to vector<16xi32>
      %gather3A_567 = tpu.vector_load_idx %arg15[%add3A_556, %broadcast_in_dim3A_566] : memref<80x17xf32, #tpu.memory_space<vmem>>[vector<16xi32>, vector<16xi32>], vector<16xf32>,
      %add3A_568 = arith.addf %add3A_564, %gather3A_567 : vector<16xf32>
      %broadcast_in_dim3A_569 = arith.constant 3 : i32
      %broadcast_in_dim3A_570 = vector.broadcast %broadcast_in_dim3A_569 : i32 to vector<16xi32>
      %gather3A_571 = tpu.vector_load_idx %arg15[%add3A_556, %broadcast_in_dim3A_570] : memref<80x17xf32, #tpu.memory_space<vmem>>[vector<16xi32>, vector<16xi32>], vector<16xf32>,
      %add3A_572 = arith.addf %add3A_568, %gather3A_571 : vector<16xf32>
      %broadcast_in_dim3A_573 = arith.constant 4 : i32
      %broadcast_in_dim3A_574 = vector.broadcast %broadcast_in_dim3A_573 : i32 to vector<16xi32>
      %gather3A_575 = tpu.vector_load_idx %arg15[%add3A_556, %broadcast_in_dim3A_574] : memref<80x17xf32, #tpu.memory_space<vmem>>[vector<16xi32>, vector<16xi32>], vector<16xf32>,
      %add3A_576 = arith.addf %add3A_572, %gather3A_575 : vector<16xf32>
      %broadcast_in_dim3A_577 = arith.constant 5 : i32
      %broadcast_in_dim3A_578 = vector.broadcast %broadcast_in_dim3A_577 : i32 to vector<16xi32>
      %gather3A_579 = tpu.vector_load_idx %arg15[%add3A_556, %broadcast_in_dim3A_578] : memref<80x17xf32, #tpu.memory_space<vmem>>[vector<16xi32>, vector<16xi32>], vector<16xf32>,
      %add3A_580 = arith.addf %add3A_576, %gather3A_579 : vector<16xf32>
      %broadcast_in_dim3A_581 = arith.constant 6 : i32
      %broadcast_in_dim3A_582 = vector.broadcast %broadcast_in_dim3A_581 : i32 to vector<16xi32>
      %gather3A_583 = tpu.vector_load_idx %arg15[%add3A_556, %broadcast_in_dim3A_582] : memref<80x17xf32, #tpu.memory_space<vmem>>[vector<16xi32>, vector<16xi32>], vector<16xf32>,
      %add3A_584 = arith.addf %add3A_580, %gather3A_583 : vector<16xf32>
      %broadcast_in_dim3A_585 = arith.constant 7 : i32
      %broadcast_in_dim3A_586 = vector.broadcast %broadcast_in_dim3A_585 : i32 to vector<16xi32>
      %gather3A_587 = tpu.vector_load_idx %arg15[%add3A_556, %broadcast_in_dim3A_586] : memref<80x17xf32, #tpu.memory_space<vmem>>[vector<16xi32>, vector<16xi32>], vector<16xf32>,
      %add3A_588 = arith.addf %add3A_584, %gather3A_587 : vector<16xf32>
      %broadcast_in_dim3A_589 = arith.constant 8 : i32
      %broadcast_in_dim3A_590 = vector.broadcast %broadcast_in_dim3A_589 : i32 to vector<16xi32>
      %gather3A_591 = tpu.vector_load_idx %arg15[%add3A_556, %broadcast_in_dim3A_590] : memref<80x17xf32, #tpu.memory_space<vmem>>[vector<16xi32>, vector<16xi32>], vector<16xf32>,
      %add3A_592 = arith.addf %add3A_588, %gather3A_591 : vector<16xf32>
      %broadcast_in_dim3A_593 = arith.constant 9 : i32
      %broadcast_in_dim3A_594 = vector.broadcast %broadcast_in_dim3A_593 : i32 to vector<16xi32>
      %gather3A_595 = tpu.vector_load_idx %arg15[%add3A_556, %broadcast_in_dim3A_594] : memref<80x17xf32, #tpu.memory_space<vmem>>[vector<16xi32>, vector<16xi32>], vector<16xf32>,
      %add3A_596 = arith.addf %add3A_592, %gather3A_595 : vector<16xf32>
      %broadcast_in_dim3A_597 = arith.constant 10 : i32
      %broadcast_in_dim3A_598 = vector.broadcast %broadcast_in_dim3A_597 : i32 to vector<16xi32>
      %gather3A_599 = tpu.vector_load_idx %arg15[%add3A_556, %broadcast_in_dim3A_598] : memref<80x17xf32, #tpu.memory_space<vmem>>[vector<16xi32>, vector<16xi32>], vector<16xf32>,
      %add3A_600 = arith.addf %add3A_596, %gather3A_599 : vector<16xf32>
      %broadcast_in_dim3A_601 = arith.constant 11 : i32
      %broadcast_in_dim3A_602 = vector.broadcast %broadcast_in_dim3A_601 : i32 to vector<16xi32>
      %gather3A_603 = tpu.vector_load_idx %arg15[%add3A_556, %broadcast_in_dim3A_602] : memref<80x17xf32, #tpu.memory_space<vmem>>[vector<16xi32>, vector<16xi32>], vector<16xf32>,
      %add3A_604 = arith.addf %add3A_600, %gather3A_603 : vector<16xf32>
      %broadcast_in_dim3A_605 = arith.constant 12 : i32
      %broadcast_in_dim3A_606 = vector.broadcast %broadcast_in_dim3A_605 : i32 to vector<16xi32>
      %gather3A_607 = tpu.vector_load_idx %arg15[%add3A_556, %broadcast_in_dim3A_606] : memref<80x17xf32, #tpu.memory_space<vmem>>[vector<16xi32>, vector<16xi32>], vector<16xf32>,
      %add3A_608 = arith.addf %add3A_604, %gather3A_607 : vector<16xf32>
      %broadcast_in_dim3A_609 = arith.constant 13 : i32
      %broadcast_in_dim3A_610 = vector.broadcast %broadcast_in_dim3A_609 : i32 to vector<16xi32>
      %gather3A_611 = tpu.vector_load_idx %arg15[%add3A_556, %broadcast_in_dim3A_610] : memref<80x17xf32, #tpu.memory_space<vmem>>[vector<16xi32>, vector<16xi32>], vector<16xf32>,
      %add3A_612 = arith.addf %add3A_608, %gather3A_611 : vector<16xf32>
      %broadcast_in_dim3A_613 = arith.constant 14 : i32
      %broadcast_in_dim3A_614 = vector.broadcast %broadcast_in_dim3A_613 : i32 to vector<16xi32>
      %gather3A_615 = tpu.vector_load_idx %arg15[%add3A_556, %broadcast_in_dim3A_614] : memref<80x17xf32, #tpu.memory_space<vmem>>[vector<16xi32>, vector<16xi32>], vector<16xf32>,
      %add3A_616 = arith.addf %add3A_612, %gather3A_615 : vector<16xf32>
      %broadcast_in_dim3A_617 = arith.constant 15 : i32
      %broadcast_in_dim3A_618 = vector.broadcast %broadcast_in_dim3A_617 : i32 to vector<16xi32>
      %gather3A_619 = tpu.vector_load_idx %arg15[%add3A_556, %broadcast_in_dim3A_618] : memref<80x17xf32, #tpu.memory_space<vmem>>[vector<16xi32>, vector<16xi32>], vector<16xf32>,
      %add3A_620 = arith.addf %add3A_616, %gather3A_619 : vector<16xf32>
      %mul3A_621 = arith.constant 80 : i32
      %mul3A_622 = arith.muli %mul3A_379, %mul3A_621 : i32
      %add3A_623 = arith.constant 32 : i32
      %add3A_624 = arith.addi %mul3A_622, %add3A_623 : i32
      %swap3A_625 = arith.index_cast %add3A_624 : i32 to index
      %swap3A_626 = tpu.vector_load %arg10[%swap3A_625] {strides = array<i32>} : memref<10000xf32, #tpu.memory_space<vmem>>, vector<16xf32>,
      tpu.vector_store %arg10[%swap3A_625], %add3A_620 {strides = array<i32>} : memref<10000xf32, #tpu.memory_space<vmem>>, vector<16xf32>,
      %broadcast_in_dim3A_627 = arith.constant 48 : i32
      %broadcast_in_dim3A_628 = vector.broadcast %broadcast_in_dim3A_627 : i32 to vector<16xi32>
      %add3A_629 = arith.addi %broadcast_in_dim3A_628, %iota3A : vector<16xi32>
      %broadcast_in_dim3A_630 = arith.constant 0 : i32
      %broadcast_in_dim3A_631 = vector.broadcast %broadcast_in_dim3A_630 : i32 to vector<16xi32>
      %gather3A_632 = tpu.vector_load_idx %arg15[%add3A_629, %broadcast_in_dim3A_631] : memref<80x17xf32, #tpu.memory_space<vmem>>[vector<16xi32>, vector<16xi32>], vector<16xf32>,
      %add3A_633 = arith.addf %gather3A, %gather3A_632 : vector<16xf32>
      %broadcast_in_dim3A_634 = arith.constant 1 : i32
      %broadcast_in_dim3A_635 = vector.broadcast %broadcast_in_dim3A_634 : i32 to vector<16xi32>
      %gather3A_636 = tpu.vector_load_idx %arg15[%add3A_629, %broadcast_in_dim3A_635] : memref<80x17xf32, #tpu.memory_space<vmem>>[vector<16xi32>, vector<16xi32>], vector<16xf32>,
      %add3A_637 = arith.addf %add3A_633, %gather3A_636 : vector<16xf32>
      %broadcast_in_dim3A_638 = arith.constant 2 : i32
      %broadcast_in_dim3A_639 = vector.broadcast %broadcast_in_dim3A_638 : i32 to vector<16xi32>
      %gather3A_640 = tpu.vector_load_idx %arg15[%add3A_629, %broadcast_in_dim3A_639] : memref<80x17xf32, #tpu.memory_space<vmem>>[vector<16xi32>, vector<16xi32>], vector<16xf32>,
      %add3A_641 = arith.addf %add3A_637, %gather3A_640 : vector<16xf32>
      %broadcast_in_dim3A_642 = arith.constant 3 : i32
      %broadcast_in_dim3A_643 = vector.broadcast %broadcast_in_dim3A_642 : i32 to vector<16xi32>
      %gather3A_644 = tpu.vector_load_idx %arg15[%add3A_629, %broadcast_in_dim3A_643] : memref<80x17xf32, #tpu.memory_space<vmem>>[vector<16xi32>, vector<16xi32>], vector<16xf32>,
      %add3A_645 = arith.addf %add3A_641, %gather3A_644 : vector<16xf32>
      %broadcast_in_dim3A_646 = arith.constant 4 : i32
      %broadcast_in_dim3A_647 = vector.broadcast %broadcast_in_dim3A_646 : i32 to vector<16xi32>
      %gather3A_648 = tpu.vector_load_idx %arg15[%add3A_629, %broadcast_in_dim3A_647] : memref<80x17xf32, #tpu.memory_space<vmem>>[vector<16xi32>, vector<16xi32>], vector<16xf32>,
      %add3A_649 = arith.addf %add3A_645, %gather3A_648 : vector<16xf32>
      %broadcast_in_dim3A_650 = arith.constant 5 : i32
      %broadcast_in_dim3A_651 = vector.broadcast %broadcast_in_dim3A_650 : i32 to vector<16xi32>
      %gather3A_652 = tpu.vector_load_idx %arg15[%add3A_629, %broadcast_in_dim3A_651] : memref<80x17xf32, #tpu.memory_space<vmem>>[vector<16xi32>, vector<16xi32>], vector<16xf32>,
      %add3A_653 = arith.addf %add3A_649, %gather3A_652 : vector<16xf32>
      %broadcast_in_dim3A_654 = arith.constant 6 : i32
      %broadcast_in_dim3A_655 = vector.broadcast %broadcast_in_dim3A_654 : i32 to vector<16xi32>
      %gather3A_656 = tpu.vector_load_idx %arg15[%add3A_629, %broadcast_in_dim3A_655] : memref<80x17xf32, #tpu.memory_space<vmem>>[vector<16xi32>, vector<16xi32>], vector<16xf32>,
      %add3A_657 = arith.addf %add3A_653, %gather3A_656 : vector<16xf32>
      %broadcast_in_dim3A_658 = arith.constant 7 : i32
      %broadcast_in_dim3A_659 = vector.broadcast %broadcast_in_dim3A_658 : i32 to vector<16xi32>
      %gather3A_660 = tpu.vector_load_idx %arg15[%add3A_629, %broadcast_in_dim3A_659] : memref<80x17xf32, #tpu.memory_space<vmem>>[vector<16xi32>, vector<16xi32>], vector<16xf32>,
      %add3A_661 = arith.addf %add3A_657, %gather3A_660 : vector<16xf32>
      %broadcast_in_dim3A_662 = arith.constant 8 : i32
      %broadcast_in_dim3A_663 = vector.broadcast %broadcast_in_dim3A_662 : i32 to vector<16xi32>
      %gather3A_664 = tpu.vector_load_idx %arg15[%add3A_629, %broadcast_in_dim3A_663] : memref<80x17xf32, #tpu.memory_space<vmem>>[vector<16xi32>, vector<16xi32>], vector<16xf32>,
      %add3A_665 = arith.addf %add3A_661, %gather3A_664 : vector<16xf32>
      %broadcast_in_dim3A_666 = arith.constant 9 : i32
      %broadcast_in_dim3A_667 = vector.broadcast %broadcast_in_dim3A_666 : i32 to vector<16xi32>
      %gather3A_668 = tpu.vector_load_idx %arg15[%add3A_629, %broadcast_in_dim3A_667] : memref<80x17xf32, #tpu.memory_space<vmem>>[vector<16xi32>, vector<16xi32>], vector<16xf32>,
      %add3A_669 = arith.addf %add3A_665, %gather3A_668 : vector<16xf32>
      %broadcast_in_dim3A_670 = arith.constant 10 : i32
      %broadcast_in_dim3A_671 = vector.broadcast %broadcast_in_dim3A_670 : i32 to vector<16xi32>
      %gather3A_672 = tpu.vector_load_idx %arg15[%add3A_629, %broadcast_in_dim3A_671] : memref<80x17xf32, #tpu.memory_space<vmem>>[vector<16xi32>, vector<16xi32>], vector<16xf32>,
      %add3A_673 = arith.addf %add3A_669, %gather3A_672 : vector<16xf32>
      %broadcast_in_dim3A_674 = arith.constant 11 : i32
      %broadcast_in_dim3A_675 = vector.broadcast %broadcast_in_dim3A_674 : i32 to vector<16xi32>
      %gather3A_676 = tpu.vector_load_idx %arg15[%add3A_629, %broadcast_in_dim3A_675] : memref<80x17xf32, #tpu.memory_space<vmem>>[vector<16xi32>, vector<16xi32>], vector<16xf32>,
      %add3A_677 = arith.addf %add3A_673, %gather3A_676 : vector<16xf32>
      %broadcast_in_dim3A_678 = arith.constant 12 : i32
      %broadcast_in_dim3A_679 = vector.broadcast %broadcast_in_dim3A_678 : i32 to vector<16xi32>
      %gather3A_680 = tpu.vector_load_idx %arg15[%add3A_629, %broadcast_in_dim3A_679] : memref<80x17xf32, #tpu.memory_space<vmem>>[vector<16xi32>, vector<16xi32>], vector<16xf32>,
      %add3A_681 = arith.addf %add3A_677, %gather3A_680 : vector<16xf32>
      %broadcast_in_dim3A_682 = arith.constant 13 : i32
      %broadcast_in_dim3A_683 = vector.broadcast %broadcast_in_dim3A_682 : i32 to vector<16xi32>
      %gather3A_684 = tpu.vector_load_idx %arg15[%add3A_629, %broadcast_in_dim3A_683] : memref<80x17xf32, #tpu.memory_space<vmem>>[vector<16xi32>, vector<16xi32>], vector<16xf32>,
      %add3A_685 = arith.addf %add3A_681, %gather3A_684 : vector<16xf32>
      %broadcast_in_dim3A_686 = arith.constant 14 : i32
      %broadcast_in_dim3A_687 = vector.broadcast %broadcast_in_dim3A_686 : i32 to vector<16xi32>
      %gather3A_688 = tpu.vector_load_idx %arg15[%add3A_629, %broadcast_in_dim3A_687] : memref<80x17xf32, #tpu.memory_space<vmem>>[vector<16xi32>, vector<16xi32>], vector<16xf32>,
      %add3A_689 = arith.addf %add3A_685, %gather3A_688 : vector<16xf32>
      %broadcast_in_dim3A_690 = arith.constant 15 : i32
      %broadcast_in_dim3A_691 = vector.broadcast %broadcast_in_dim3A_690 : i32 to vector<16xi32>
      %gather3A_692 = tpu.vector_load_idx %arg15[%add3A_629, %broadcast_in_dim3A_691] : memref<80x17xf32, #tpu.memory_space<vmem>>[vector<16xi32>, vector<16xi32>], vector<16xf32>,
      %add3A_693 = arith.addf %add3A_689, %gather3A_692 : vector<16xf32>
      %mul3A_694 = arith.constant 80 : i32
      %mul3A_695 = arith.muli %mul3A_379, %mul3A_694 : i32
      %add3A_696 = arith.constant 48 : i32
      %add3A_697 = arith.addi %mul3A_695, %add3A_696 : i32
      %swap3A_698 = arith.index_cast %add3A_697 : i32 to index
      %swap3A_699 = tpu.vector_load %arg10[%swap3A_698] {strides = array<i32>} : memref<10000xf32, #tpu.memory_space<vmem>>, vector<16xf32>,
      tpu.vector_store %arg10[%swap3A_698], %add3A_693 {strides = array<i32>} : memref<10000xf32, #tpu.memory_space<vmem>>, vector<16xf32>,
      %broadcast_in_dim3A_700 = arith.constant 64 : i32
      %broadcast_in_dim3A_701 = vector.broadcast %broadcast_in_dim3A_700 : i32 to vector<16xi32>
      %add3A_702 = arith.addi %broadcast_in_dim3A_701, %iota3A : vector<16xi32>
      %broadcast_in_dim3A_703 = arith.constant 0 : i32
      %broadcast_in_dim3A_704 = vector.broadcast %broadcast_in_dim3A_703 : i32 to vector<16xi32>
      %gather3A_705 = tpu.vector_load_idx %arg15[%add3A_702, %broadcast_in_dim3A_704] : memref<80x17xf32, #tpu.memory_space<vmem>>[vector<16xi32>, vector<16xi32>], vector<16xf32>,
      %add3A_706 = arith.addf %gather3A, %gather3A_705 : vector<16xf32>
      %broadcast_in_dim3A_707 = arith.constant 1 : i32
      %broadcast_in_dim3A_708 = vector.broadcast %broadcast_in_dim3A_707 : i32 to vector<16xi32>
      %gather3A_709 = tpu.vector_load_idx %arg15[%add3A_702, %broadcast_in_dim3A_708] : memref<80x17xf32, #tpu.memory_space<vmem>>[vector<16xi32>, vector<16xi32>], vector<16xf32>,
      %add3A_710 = arith.addf %add3A_706, %gather3A_709 : vector<16xf32>
      %broadcast_in_dim3A_711 = arith.constant 2 : i32
      %broadcast_in_dim3A_712 = vector.broadcast %broadcast_in_dim3A_711 : i32 to vector<16xi32>
      %gather3A_713 = tpu.vector_load_idx %arg15[%add3A_702, %broadcast_in_dim3A_712] : memref<80x17xf32, #tpu.memory_space<vmem>>[vector<16xi32>, vector<16xi32>], vector<16xf32>,
      %add3A_714 = arith.addf %add3A_710, %gather3A_713 : vector<16xf32>
      %broadcast_in_dim3A_715 = arith.constant 3 : i32
      %broadcast_in_dim3A_716 = vector.broadcast %broadcast_in_dim3A_715 : i32 to vector<16xi32>
      %gather3A_717 = tpu.vector_load_idx %arg15[%add3A_702, %broadcast_in_dim3A_716] : memref<80x17xf32, #tpu.memory_space<vmem>>[vector<16xi32>, vector<16xi32>], vector<16xf32>,
      %add3A_718 = arith.addf %add3A_714, %gather3A_717 : vector<16xf32>
      %broadcast_in_dim3A_719 = arith.constant 4 : i32
      %broadcast_in_dim3A_720 = vector.broadcast %broadcast_in_dim3A_719 : i32 to vector<16xi32>
      %gather3A_721 = tpu.vector_load_idx %arg15[%add3A_702, %broadcast_in_dim3A_720] : memref<80x17xf32, #tpu.memory_space<vmem>>[vector<16xi32>, vector<16xi32>], vector<16xf32>,
      %add3A_722 = arith.addf %add3A_718, %gather3A_721 : vector<16xf32>
      %broadcast_in_dim3A_723 = arith.constant 5 : i32
      %broadcast_in_dim3A_724 = vector.broadcast %broadcast_in_dim3A_723 : i32 to vector<16xi32>
      %gather3A_725 = tpu.vector_load_idx %arg15[%add3A_702, %broadcast_in_dim3A_724] : memref<80x17xf32, #tpu.memory_space<vmem>>[vector<16xi32>, vector<16xi32>], vector<16xf32>,
      %add3A_726 = arith.addf %add3A_722, %gather3A_725 : vector<16xf32>
      %broadcast_in_dim3A_727 = arith.constant 6 : i32
      %broadcast_in_dim3A_728 = vector.broadcast %broadcast_in_dim3A_727 : i32 to vector<16xi32>
      %gather3A_729 = tpu.vector_load_idx %arg15[%add3A_702, %broadcast_in_dim3A_728] : memref<80x17xf32, #tpu.memory_space<vmem>>[vector<16xi32>, vector<16xi32>], vector<16xf32>,
      %add3A_730 = arith.addf %add3A_726, %gather3A_729 : vector<16xf32>
      %broadcast_in_dim3A_731 = arith.constant 7 : i32
      %broadcast_in_dim3A_732 = vector.broadcast %broadcast_in_dim3A_731 : i32 to vector<16xi32>
      %gather3A_733 = tpu.vector_load_idx %arg15[%add3A_702, %broadcast_in_dim3A_732] : memref<80x17xf32, #tpu.memory_space<vmem>>[vector<16xi32>, vector<16xi32>], vector<16xf32>,
      %add3A_734 = arith.addf %add3A_730, %gather3A_733 : vector<16xf32>
      %broadcast_in_dim3A_735 = arith.constant 8 : i32
      %broadcast_in_dim3A_736 = vector.broadcast %broadcast_in_dim3A_735 : i32 to vector<16xi32>
      %gather3A_737 = tpu.vector_load_idx %arg15[%add3A_702, %broadcast_in_dim3A_736] : memref<80x17xf32, #tpu.memory_space<vmem>>[vector<16xi32>, vector<16xi32>], vector<16xf32>,
      %add3A_738 = arith.addf %add3A_734, %gather3A_737 : vector<16xf32>
      %broadcast_in_dim3A_739 = arith.constant 9 : i32
      %broadcast_in_dim3A_740 = vector.broadcast %broadcast_in_dim3A_739 : i32 to vector<16xi32>
      %gather3A_741 = tpu.vector_load_idx %arg15[%add3A_702, %broadcast_in_dim3A_740] : memref<80x17xf32, #tpu.memory_space<vmem>>[vector<16xi32>, vector<16xi32>], vector<16xf32>,
      %add3A_742 = arith.addf %add3A_738, %gather3A_741 : vector<16xf32>
      %broadcast_in_dim3A_743 = arith.constant 10 : i32
      %broadcast_in_dim3A_744 = vector.broadcast %broadcast_in_dim3A_743 : i32 to vector<16xi32>
      %gather3A_745 = tpu.vector_load_idx %arg15[%add3A_702, %broadcast_in_dim3A_744] : memref<80x17xf32, #tpu.memory_space<vmem>>[vector<16xi32>, vector<16xi32>], vector<16xf32>,
      %add3A_746 = arith.addf %add3A_742, %gather3A_745 : vector<16xf32>
      %broadcast_in_dim3A_747 = arith.constant 11 : i32
      %broadcast_in_dim3A_748 = vector.broadcast %broadcast_in_dim3A_747 : i32 to vector<16xi32>
      %gather3A_749 = tpu.vector_load_idx %arg15[%add3A_702, %broadcast_in_dim3A_748] : memref<80x17xf32, #tpu.memory_space<vmem>>[vector<16xi32>, vector<16xi32>], vector<16xf32>,
      %add3A_750 = arith.addf %add3A_746, %gather3A_749 : vector<16xf32>
      %broadcast_in_dim3A_751 = arith.constant 12 : i32
      %broadcast_in_dim3A_752 = vector.broadcast %broadcast_in_dim3A_751 : i32 to vector<16xi32>
      %gather3A_753 = tpu.vector_load_idx %arg15[%add3A_702, %broadcast_in_dim3A_752] : memref<80x17xf32, #tpu.memory_space<vmem>>[vector<16xi32>, vector<16xi32>], vector<16xf32>,
      %add3A_754 = arith.addf %add3A_750, %gather3A_753 : vector<16xf32>
      %broadcast_in_dim3A_755 = arith.constant 13 : i32
      %broadcast_in_dim3A_756 = vector.broadcast %broadcast_in_dim3A_755 : i32 to vector<16xi32>
      %gather3A_757 = tpu.vector_load_idx %arg15[%add3A_702, %broadcast_in_dim3A_756] : memref<80x17xf32, #tpu.memory_space<vmem>>[vector<16xi32>, vector<16xi32>], vector<16xf32>,
      %add3A_758 = arith.addf %add3A_754, %gather3A_757 : vector<16xf32>
      %broadcast_in_dim3A_759 = arith.constant 14 : i32
      %broadcast_in_dim3A_760 = vector.broadcast %broadcast_in_dim3A_759 : i32 to vector<16xi32>
      %gather3A_761 = tpu.vector_load_idx %arg15[%add3A_702, %broadcast_in_dim3A_760] : memref<80x17xf32, #tpu.memory_space<vmem>>[vector<16xi32>, vector<16xi32>], vector<16xf32>,
      %add3A_762 = arith.addf %add3A_758, %gather3A_761 : vector<16xf32>
      %broadcast_in_dim3A_763 = arith.constant 15 : i32
      %broadcast_in_dim3A_764 = vector.broadcast %broadcast_in_dim3A_763 : i32 to vector<16xi32>
      %gather3A_765 = tpu.vector_load_idx %arg15[%add3A_702, %broadcast_in_dim3A_764] : memref<80x17xf32, #tpu.memory_space<vmem>>[vector<16xi32>, vector<16xi32>], vector<16xf32>,
      %add3A_766 = arith.addf %add3A_762, %gather3A_765 : vector<16xf32>
      %mul3A_767 = arith.constant 80 : i32
      %mul3A_768 = arith.muli %mul3A_379, %mul3A_767 : i32
      %add3A_769 = arith.constant 64 : i32
      %add3A_770 = arith.addi %mul3A_768, %add3A_769 : i32
      %swap3A_771 = arith.index_cast %add3A_770 : i32 to index
      %swap3A_772 = tpu.vector_load %arg10[%swap3A_771] {strides = array<i32>} : memref<10000xf32, #tpu.memory_space<vmem>>, vector<16xf32>,
      tpu.vector_store %arg10[%swap3A_771], %add3A_766 {strides = array<i32>} : memref<10000xf32, #tpu.memory_space<vmem>>, vector<16xf32>,
      %add3A_773 = arith.constant 2 : i32
      %add3A_774 = arith.addi %mul3A_379, %add3A_773 : i32
      %mul3A_775 = arith.constant 80 : i32
      %mul3A_776 = arith.muli %add3A_774, %mul3A_775 : i32
      %dma_start3A_777 = tpu.memref_slice %arg8[%mul3A_776] : memref<10000xi32, #tpu.memory_space<vmem>> -> memref<80xi32, #tpu.memory_space<vmem>>
      %dma_start3A_778 = arith.constant 0 : i32
      %dma_start3A_779 = arith.constant 0 : i32
      %dma_start3A_780 = tpu.memref_slice %arg4[%dma_start3A_778, %dma_start3A_779] : memref<10000x128xf32, #tpu.memory_space<hbm>> -> memref<10000x128xf32, #tpu.memory_space<hbm>>
      tpu.enqueue_indirect_dma source(%dma_start3A_780 : memref<10000x128xf32, #tpu.memory_space<hbm>>) target(%arg11 : memref<80x128xf32, #tpu.memory_space<vmem>>) offsets(%dma_start3A_777 : memref<80xi32, #tpu.memory_space<vmem>>) semaphore(%arg17 : memref<!tpu.dma_semaphore, #tpu.memory_space<semaphore_mem>>)
      %dma_start3A_781 = tpu.memref_slice %arg9[%mul3A_776] : memref<10000xi32, #tpu.memory_space<vmem>> -> memref<80xi32, #tpu.memory_space<vmem>>
      %dma_start3A_782 = arith.constant 0 : i32
      %dma_start3A_783 = arith.constant 0 : i32
      %dma_start3A_784 = tpu.memref_slice %arg5[%dma_start3A_782, %dma_start3A_783] : memref<10000x128xf32, #tpu.memory_space<hbm>> -> memref<10000x128xf32, #tpu.memory_space<hbm>>
      tpu.enqueue_indirect_dma source(%dma_start3A_784 : memref<10000x128xf32, #tpu.memory_space<hbm>>) target(%arg12 : memref<80x128xf32, #tpu.memory_space<vmem>>) offsets(%dma_start3A_781 : memref<80xi32, #tpu.memory_space<vmem>>) semaphore(%arg18 : memref<!tpu.dma_semaphore, #tpu.memory_space<semaphore_mem>>)
      %add3A_785 = arith.constant 1 : i32
      %add3A_786 = arith.addi %mul3A_379, %add3A_785 : i32
      %mul3A_787 = arith.constant 80 : i32
      %mul3A_788 = arith.muli %add3A_786, %mul3A_787 : i32
      %dma_wait3A_789 = tpu.memref_slice %arg8[%mul3A_788] : memref<10000xi32, #tpu.memory_space<vmem>> -> memref<80xi32, #tpu.memory_space<vmem>>
      %dma_wait3A_790 = arith.constant 0 : i32
      %dma_wait3A_791 = arith.constant 0 : i32
      %dma_wait3A_792 = tpu.memref_slice %arg4[%dma_wait3A_790, %dma_wait3A_791] : memref<10000x128xf32, #tpu.memory_space<hbm>> -> memref<10000x128xf32, #tpu.memory_space<hbm>>
      tpu.wait_indirect_dma semaphore(%arg19 : memref<!tpu.dma_semaphore, #tpu.memory_space<semaphore_mem>>) src(%dma_wait3A_792 : memref<10000x128xf32, #tpu.memory_space<hbm>>) dst(%arg13 : memref<80x128xf32, #tpu.memory_space<vmem>>)
      %dma_wait3A_793 = tpu.memref_slice %arg9[%mul3A_788] : memref<10000xi32, #tpu.memory_space<vmem>> -> memref<80xi32, #tpu.memory_space<vmem>>
      %dma_wait3A_794 = arith.constant 0 : i32
      %dma_wait3A_795 = arith.constant 0 : i32
      %dma_wait3A_796 = tpu.memref_slice %arg5[%dma_wait3A_794, %dma_wait3A_795] : memref<10000x128xf32, #tpu.memory_space<hbm>> -> memref<10000x128xf32, #tpu.memory_space<hbm>>
      tpu.wait_indirect_dma semaphore(%arg20 : memref<!tpu.dma_semaphore, #tpu.memory_space<semaphore_mem>>) src(%dma_wait3A_796 : memref<10000x128xf32, #tpu.memory_space<hbm>>) dst(%arg14 : memref<80x128xf32, #tpu.memory_space<vmem>>)
      %scan3A_797 = arith.constant 0 : i32
      %scan3A_798 = arith.constant 0 : i32
      %scan3A_799 = arith.constant 80 : i32
      %scan3A_800 = arith.addi %scan3A_798, %scan3A_799 : i32
      %scan3A_801 = arith.constant 1 : i32
      scf.for %scan3A_1168 = %scan3A_798 to %scan3A_800 step %scan3A_801  : i32 {
        %broadcast_in_dim3A_1169 = arith.constant 0.000000e+00 : f32
        %broadcast_in_dim3A_1170 = vector.broadcast %broadcast_in_dim3A_1169 : f32 to vector<16xf32>
        %get3A = arith.index_cast %scan3A_1168 : i32 to index
        %get3A_1171 = arith.constant 0 : index
        %get3A_1172 = tpu.vector_load %arg13[%get3A, %get3A_1171] {strides = array<i32>} : memref<80x128xf32, #tpu.memory_space<vmem>>, vector<16xf32>,
        %bitcast3A = vector.bitcast %get3A_1172 : vector<16xf32> to vector<32xbf16>
        %unpack3A = tpu.unpack_subelements %bitcast3A, 0 {pack_format = #tpu.pack_format<interleaved>} : vector<32xbf16> -> vector<16xf32>
        %unpack3A_1173 = tpu.unpack_subelements %bitcast3A, 1 {pack_format = #tpu.pack_format<interleaved>} : vector<32xbf16> -> vector<16xf32>
        %get3A_1174 = arith.index_cast %scan3A_1168 : i32 to index
        %get3A_1175 = arith.constant 0 : index
        %get3A_1176 = tpu.vector_load %arg14[%get3A_1174, %get3A_1175] {strides = array<i32>} : memref<80x128xf32, #tpu.memory_space<vmem>>, vector<16xf32>,
        %bitcast3A_1177 = vector.bitcast %get3A_1176 : vector<16xf32> to vector<32xbf16>
        %unpack3A_1178 = tpu.unpack_subelements %bitcast3A_1177, 0 {pack_format = #tpu.pack_format<interleaved>} : vector<32xbf16> -> vector<16xf32>
        %unpack3A_1179 = tpu.unpack_subelements %bitcast3A_1177, 1 {pack_format = #tpu.pack_format<interleaved>} : vector<32xbf16> -> vector<16xf32>
        %get3A_1180 = arith.index_cast %scan3A_1168 : i32 to index
        %get3A_1181 = arith.constant 32 : index
        %get3A_1182 = tpu.vector_load %arg13[%get3A_1180, %get3A_1181] {strides = array<i32>} : memref<80x128xf32, #tpu.memory_space<vmem>>, vector<16xf32>,
        %bitcast3A_1183 = vector.bitcast %get3A_1182 : vector<16xf32> to vector<32xbf16>
        %unpack3A_1184 = tpu.unpack_subelements %bitcast3A_1183, 0 {pack_format = #tpu.pack_format<interleaved>} : vector<32xbf16> -> vector<16xf32>
        %unpack3A_1185 = tpu.unpack_subelements %bitcast3A_1183, 1 {pack_format = #tpu.pack_format<interleaved>} : vector<32xbf16> -> vector<16xf32>
        %get3A_1186 = arith.index_cast %scan3A_1168 : i32 to index
        %get3A_1187 = arith.constant 32 : index
        %get3A_1188 = tpu.vector_load %arg14[%get3A_1186, %get3A_1187] {strides = array<i32>} : memref<80x128xf32, #tpu.memory_space<vmem>>, vector<16xf32>,
        %bitcast3A_1189 = vector.bitcast %get3A_1188 : vector<16xf32> to vector<32xbf16>
        %unpack3A_1190 = tpu.unpack_subelements %bitcast3A_1189, 0 {pack_format = #tpu.pack_format<interleaved>} : vector<32xbf16> -> vector<16xf32>
        %unpack3A_1191 = tpu.unpack_subelements %bitcast3A_1189, 1 {pack_format = #tpu.pack_format<interleaved>} : vector<32xbf16> -> vector<16xf32>
        %get3A_1192 = arith.index_cast %scan3A_1168 : i32 to index
        %get3A_1193 = arith.constant 64 : index
        %get3A_1194 = tpu.vector_load %arg13[%get3A_1192, %get3A_1193] {strides = array<i32>} : memref<80x128xf32, #tpu.memory_space<vmem>>, vector<16xf32>,
        %bitcast3A_1195 = vector.bitcast %get3A_1194 : vector<16xf32> to vector<32xbf16>
        %unpack3A_1196 = tpu.unpack_subelements %bitcast3A_1195, 0 {pack_format = #tpu.pack_format<interleaved>} : vector<32xbf16> -> vector<16xf32>
        %unpack3A_1197 = tpu.unpack_subelements %bitcast3A_1195, 1 {pack_format = #tpu.pack_format<interleaved>} : vector<32xbf16> -> vector<16xf32>
        %get3A_1198 = arith.index_cast %scan3A_1168 : i32 to index
        %get3A_1199 = arith.constant 64 : index
        %get3A_1200 = tpu.vector_load %arg14[%get3A_1198, %get3A_1199] {strides = array<i32>} : memref<80x128xf32, #tpu.memory_space<vmem>>, vector<16xf32>,
        %bitcast3A_1201 = vector.bitcast %get3A_1200 : vector<16xf32> to vector<32xbf16>
        %unpack3A_1202 = tpu.unpack_subelements %bitcast3A_1201, 0 {pack_format = #tpu.pack_format<interleaved>} : vector<32xbf16> -> vector<16xf32>
        %unpack3A_1203 = tpu.unpack_subelements %bitcast3A_1201, 1 {pack_format = #tpu.pack_format<interleaved>} : vector<32xbf16> -> vector<16xf32>
        %add3A_1204 = arith.addf %unpack3A, %unpack3A_1178 : vector<16xf32>
        %add3A_1205 = arith.addf %unpack3A_1184, %unpack3A_1190 : vector<16xf32>
        %add3A_1206 = arith.addf %unpack3A_1196, %unpack3A_1202 : vector<16xf32>
        %add3A_1207 = arith.addf %unpack3A_1173, %unpack3A_1179 : vector<16xf32>
        %add3A_1208 = arith.addf %unpack3A_1185, %unpack3A_1191 : vector<16xf32>
        %add3A_1209 = arith.addf %unpack3A_1197, %unpack3A_1203 : vector<16xf32>
        %get3A_1210 = arith.constant 0 : index
        %get3A_1211 = tpu.vector_load %arg16[%get3A_1210] {strides = array<i32>} : memref<80xf32, #tpu.memory_space<vmem>>, vector<16xf32>,
        %neg3A = arith.constant 0.000000e+00 : f32
        %neg3A_1212 = vector.broadcast %neg3A : f32 to vector<16xf32>
        %neg3A_1213 = arith.subf %neg3A_1212, %add3A_1204 : vector<16xf32>
        %exp3A = math.exp %neg3A_1213 : vector<16xf32>
        %min3A = arith.constant 1.500000e+01 : f32
        %min3A_1214 = vector.broadcast %min3A : f32 to vector<16xf32>
        %min3A_1215 = arith.minimumf %add3A_1205, %min3A_1214 : vector<16xf32>
        %mul3A_1216 = arith.constant 2.000000e+00 : f32
        %mul3A_1217 = vector.broadcast %mul3A_1216 : f32 to vector<16xf32>
        %mul3A_1218 = arith.mulf %mul3A_1217, %min3A_1215 : vector<16xf32>
        %exp3A_1219 = math.exp %mul3A_1218 : vector<16xf32>
        %sub3A = arith.constant 1.000000e+00 : f32
        %sub3A_1220 = vector.broadcast %sub3A : f32 to vector<16xf32>
        %sub3A_1221 = arith.subf %exp3A_1219, %sub3A_1220 : vector<16xf32>
        %add3A_1222 = arith.constant 1.000000e+00 : f32
        %add3A_1223 = vector.broadcast %add3A_1222 : f32 to vector<16xf32>
        %add3A_1224 = arith.addf %add3A_1223, %exp3A : vector<16xf32>
        %add3A_1225 = arith.constant 1.000000e+00 : f32
        %add3A_1226 = vector.broadcast %add3A_1225 : f32 to vector<16xf32>
        %add3A_1227 = arith.addf %exp3A_1219, %add3A_1226 : vector<16xf32>
        %mul3A_1228 = arith.mulf %add3A_1224, %add3A_1227 : vector<16xf32>
        %div3A = arith.divf %sub3A_1221, %mul3A_1228 : vector<16xf32>
        %mul3A_1229 = arith.constant 2.000000e+00 : f32
        %mul3A_1230 = vector.broadcast %mul3A_1229 : f32 to vector<16xf32>
        %mul3A_1231 = arith.mulf %mul3A_1230, %div3A : vector<16xf32>
        %exp3A_1232 = math.exp %mul3A_1231 : vector<16xf32>
        %neg3A_1233 = arith.constant 0.000000e+00 : f32
        %neg3A_1234 = vector.broadcast %neg3A_1233 : f32 to vector<16xf32>
        %neg3A_1235 = arith.subf %neg3A_1234, %add3A_1206 : vector<16xf32>
        %exp3A_1236 = math.exp %neg3A_1235 : vector<16xf32>
        %sub3A_1237 = arith.constant 1.000000e+00 : f32
        %sub3A_1238 = vector.broadcast %sub3A_1237 : f32 to vector<16xf32>
        %sub3A_1239 = arith.subf %exp3A_1232, %sub3A_1238 : vector<16xf32>
        %add3A_1240 = arith.constant 1.000000e+00 : f32
        %add3A_1241 = vector.broadcast %add3A_1240 : f32 to vector<16xf32>
        %add3A_1242 = arith.addf %add3A_1241, %exp3A_1236 : vector<16xf32>
        %add3A_1243 = arith.constant 1.000000e+00 : f32
        %add3A_1244 = vector.broadcast %add3A_1243 : f32 to vector<16xf32>
        %add3A_1245 = arith.addf %exp3A_1232, %add3A_1244 : vector<16xf32>
        %mul3A_1246 = arith.mulf %add3A_1242, %add3A_1245 : vector<16xf32>
        %div3A_1247 = arith.divf %sub3A_1239, %mul3A_1246 : vector<16xf32>
        %mul3A_1248 = arith.mulf %div3A_1247, %get3A_1211 : vector<16xf32>
        %add3A_1249 = arith.addf %broadcast_in_dim3A_1170, %mul3A_1248 : vector<16xf32>
        %get3A_1250 = arith.constant 16 : index
        %get3A_1251 = tpu.vector_load %arg16[%get3A_1250] {strides = array<i32>} : memref<80xf32, #tpu.memory_space<vmem>>, vector<16xf32>,
        %neg3A_1252 = arith.constant 0.000000e+00 : f32
        %neg3A_1253 = vector.broadcast %neg3A_1252 : f32 to vector<16xf32>
        %neg3A_1254 = arith.subf %neg3A_1253, %add3A_1207 : vector<16xf32>
        %exp3A_1255 = math.exp %neg3A_1254 : vector<16xf32>
        %min3A_1256 = arith.constant 1.500000e+01 : f32
        %min3A_1257 = vector.broadcast %min3A_1256 : f32 to vector<16xf32>
        %min3A_1258 = arith.minimumf %add3A_1208, %min3A_1257 : vector<16xf32>
        %mul3A_1259 = arith.constant 2.000000e+00 : f32
        %mul3A_1260 = vector.broadcast %mul3A_1259 : f32 to vector<16xf32>
        %mul3A_1261 = arith.mulf %mul3A_1260, %min3A_1258 : vector<16xf32>
        %exp3A_1262 = math.exp %mul3A_1261 : vector<16xf32>
        %sub3A_1263 = arith.constant 1.000000e+00 : f32
        %sub3A_1264 = vector.broadcast %sub3A_1263 : f32 to vector<16xf32>
        %sub3A_1265 = arith.subf %exp3A_1262, %sub3A_1264 : vector<16xf32>
        %add3A_1266 = arith.constant 1.000000e+00 : f32
        %add3A_1267 = vector.broadcast %add3A_1266 : f32 to vector<16xf32>
        %add3A_1268 = arith.addf %add3A_1267, %exp3A_1255 : vector<16xf32>
        %add3A_1269 = arith.constant 1.000000e+00 : f32
        %add3A_1270 = vector.broadcast %add3A_1269 : f32 to vector<16xf32>
        %add3A_1271 = arith.addf %exp3A_1262, %add3A_1270 : vector<16xf32>
        %mul3A_1272 = arith.mulf %add3A_1268, %add3A_1271 : vector<16xf32>
        %div3A_1273 = arith.divf %sub3A_1265, %mul3A_1272 : vector<16xf32>
        %mul3A_1274 = arith.constant 2.000000e+00 : f32
        %mul3A_1275 = vector.broadcast %mul3A_1274 : f32 to vector<16xf32>
        %mul3A_1276 = arith.mulf %mul3A_1275, %div3A_1273 : vector<16xf32>
        %exp3A_1277 = math.exp %mul3A_1276 : vector<16xf32>
        %neg3A_1278 = arith.constant 0.000000e+00 : f32
        %neg3A_1279 = vector.broadcast %neg3A_1278 : f32 to vector<16xf32>
        %neg3A_1280 = arith.subf %neg3A_1279, %add3A_1209 : vector<16xf32>
        %exp3A_1281 = math.exp %neg3A_1280 : vector<16xf32>
        %sub3A_1282 = arith.constant 1.000000e+00 : f32
        %sub3A_1283 = vector.broadcast %sub3A_1282 : f32 to vector<16xf32>
        %sub3A_1284 = arith.subf %exp3A_1277, %sub3A_1283 : vector<16xf32>
        %add3A_1285 = arith.constant 1.000000e+00 : f32
        %add3A_1286 = vector.broadcast %add3A_1285 : f32 to vector<16xf32>
        %add3A_1287 = arith.addf %add3A_1286, %exp3A_1281 : vector<16xf32>
        %add3A_1288 = arith.constant 1.000000e+00 : f32
        %add3A_1289 = vector.broadcast %add3A_1288 : f32 to vector<16xf32>
        %add3A_1290 = arith.addf %exp3A_1277, %add3A_1289 : vector<16xf32>
        %mul3A_1291 = arith.mulf %add3A_1287, %add3A_1290 : vector<16xf32>
        %div3A_1292 = arith.divf %sub3A_1284, %mul3A_1291 : vector<16xf32>
        %mul3A_1293 = arith.mulf %div3A_1292, %get3A_1251 : vector<16xf32>
        %add3A_1294 = arith.addf %add3A_1249, %mul3A_1293 : vector<16xf32>
        %get3A_1295 = arith.index_cast %scan3A_1168 : i32 to index
        %get3A_1296 = arith.constant 16 : index
        %get3A_1297 = tpu.vector_load %arg13[%get3A_1295, %get3A_1296] {strides = array<i32>} : memref<80x128xf32, #tpu.memory_space<vmem>>, vector<16xf32>,
        %bitcast3A_1298 = vector.bitcast %get3A_1297 : vector<16xf32> to vector<32xbf16>
        %unpack3A_1299 = tpu.unpack_subelements %bitcast3A_1298, 0 {pack_format = #tpu.pack_format<interleaved>} : vector<32xbf16> -> vector<16xf32>
        %unpack3A_1300 = tpu.unpack_subelements %bitcast3A_1298, 1 {pack_format = #tpu.pack_format<interleaved>} : vector<32xbf16> -> vector<16xf32>
        %get3A_1301 = arith.index_cast %scan3A_1168 : i32 to index
        %get3A_1302 = arith.constant 16 : index
        %get3A_1303 = tpu.vector_load %arg14[%get3A_1301, %get3A_1302] {strides = array<i32>} : memref<80x128xf32, #tpu.memory_space<vmem>>, vector<16xf32>,
        %bitcast3A_1304 = vector.bitcast %get3A_1303 : vector<16xf32> to vector<32xbf16>
        %unpack3A_1305 = tpu.unpack_subelements %bitcast3A_1304, 0 {pack_format = #tpu.pack_format<interleaved>} : vector<32xbf16> -> vector<16xf32>
        %unpack3A_1306 = tpu.unpack_subelements %bitcast3A_1304, 1 {pack_format = #tpu.pack_format<interleaved>} : vector<32xbf16> -> vector<16xf32>
        %get3A_1307 = arith.index_cast %scan3A_1168 : i32 to index
        %get3A_1308 = arith.constant 48 : index
        %get3A_1309 = tpu.vector_load %arg13[%get3A_1307, %get3A_1308] {strides = array<i32>} : memref<80x128xf32, #tpu.memory_space<vmem>>, vector<16xf32>,
        %bitcast3A_1310 = vector.bitcast %get3A_1309 : vector<16xf32> to vector<32xbf16>
        %unpack3A_1311 = tpu.unpack_subelements %bitcast3A_1310, 0 {pack_format = #tpu.pack_format<interleaved>} : vector<32xbf16> -> vector<16xf32>
        %unpack3A_1312 = tpu.unpack_subelements %bitcast3A_1310, 1 {pack_format = #tpu.pack_format<interleaved>} : vector<32xbf16> -> vector<16xf32>
        %get3A_1313 = arith.index_cast %scan3A_1168 : i32 to index
        %get3A_1314 = arith.constant 48 : index
        %get3A_1315 = tpu.vector_load %arg14[%get3A_1313, %get3A_1314] {strides = array<i32>} : memref<80x128xf32, #tpu.memory_space<vmem>>, vector<16xf32>,
        %bitcast3A_1316 = vector.bitcast %get3A_1315 : vector<16xf32> to vector<32xbf16>
        %unpack3A_1317 = tpu.unpack_subelements %bitcast3A_1316, 0 {pack_format = #tpu.pack_format<interleaved>} : vector<32xbf16> -> vector<16xf32>
        %unpack3A_1318 = tpu.unpack_subelements %bitcast3A_1316, 1 {pack_format = #tpu.pack_format<interleaved>} : vector<32xbf16> -> vector<16xf32>
        %get3A_1319 = arith.index_cast %scan3A_1168 : i32 to index
        %get3A_1320 = arith.constant 80 : index
        %get3A_1321 = tpu.vector_load %arg13[%get3A_1319, %get3A_1320] {strides = array<i32>} : memref<80x128xf32, #tpu.memory_space<vmem>>, vector<16xf32>,
        %bitcast3A_1322 = vector.bitcast %get3A_1321 : vector<16xf32> to vector<32xbf16>
        %unpack3A_1323 = tpu.unpack_subelements %bitcast3A_1322, 0 {pack_format = #tpu.pack_format<interleaved>} : vector<32xbf16> -> vector<16xf32>
        %unpack3A_1324 = tpu.unpack_subelements %bitcast3A_1322, 1 {pack_format = #tpu.pack_format<interleaved>} : vector<32xbf16> -> vector<16xf32>
        %get3A_1325 = arith.index_cast %scan3A_1168 : i32 to index
        %get3A_1326 = arith.constant 80 : index
        %get3A_1327 = tpu.vector_load %arg14[%get3A_1325, %get3A_1326] {strides = array<i32>} : memref<80x128xf32, #tpu.memory_space<vmem>>, vector<16xf32>,
        %bitcast3A_1328 = vector.bitcast %get3A_1327 : vector<16xf32> to vector<32xbf16>
        %unpack3A_1329 = tpu.unpack_subelements %bitcast3A_1328, 0 {pack_format = #tpu.pack_format<interleaved>} : vector<32xbf16> -> vector<16xf32>
        %unpack3A_1330 = tpu.unpack_subelements %bitcast3A_1328, 1 {pack_format = #tpu.pack_format<interleaved>} : vector<32xbf16> -> vector<16xf32>
        %add3A_1331 = arith.addf %unpack3A_1299, %unpack3A_1305 : vector<16xf32>
        %add3A_1332 = arith.addf %unpack3A_1311, %unpack3A_1317 : vector<16xf32>
        %add3A_1333 = arith.addf %unpack3A_1323, %unpack3A_1329 : vector<16xf32>
        %add3A_1334 = arith.addf %unpack3A_1300, %unpack3A_1306 : vector<16xf32>
        %add3A_1335 = arith.addf %unpack3A_1312, %unpack3A_1318 : vector<16xf32>
        %add3A_1336 = arith.addf %unpack3A_1324, %unpack3A_1330 : vector<16xf32>
        %get3A_1337 = arith.constant 32 : index
        %get3A_1338 = tpu.vector_load %arg16[%get3A_1337] {strides = array<i32>} : memref<80xf32, #tpu.memory_space<vmem>>, vector<16xf32>,
        %neg3A_1339 = arith.constant 0.000000e+00 : f32
        %neg3A_1340 = vector.broadcast %neg3A_1339 : f32 to vector<16xf32>
        %neg3A_1341 = arith.subf %neg3A_1340, %add3A_1331 : vector<16xf32>
        %exp3A_1342 = math.exp %neg3A_1341 : vector<16xf32>
        %min3A_1343 = arith.constant 1.500000e+01 : f32
        %min3A_1344 = vector.broadcast %min3A_1343 : f32 to vector<16xf32>
        %min3A_1345 = arith.minimumf %add3A_1332, %min3A_1344 : vector<16xf32>
        %mul3A_1346 = arith.constant 2.000000e+00 : f32
        %mul3A_1347 = vector.broadcast %mul3A_1346 : f32 to vector<16xf32>
        %mul3A_1348 = arith.mulf %mul3A_1347, %min3A_1345 : vector<16xf32>
        %exp3A_1349 = math.exp %mul3A_1348 : vector<16xf32>
        %sub3A_1350 = arith.constant 1.000000e+00 : f32
        %sub3A_1351 = vector.broadcast %sub3A_1350 : f32 to vector<16xf32>
        %sub3A_1352 = arith.subf %exp3A_1349, %sub3A_1351 : vector<16xf32>
        %add3A_1353 = arith.constant 1.000000e+00 : f32
        %add3A_1354 = vector.broadcast %add3A_1353 : f32 to vector<16xf32>
        %add3A_1355 = arith.addf %add3A_1354, %exp3A_1342 : vector<16xf32>
        %add3A_1356 = arith.constant 1.000000e+00 : f32
        %add3A_1357 = vector.broadcast %add3A_1356 : f32 to vector<16xf32>
        %add3A_1358 = arith.addf %exp3A_1349, %add3A_1357 : vector<16xf32>
        %mul3A_1359 = arith.mulf %add3A_1355, %add3A_1358 : vector<16xf32>
        %div3A_1360 = arith.divf %sub3A_1352, %mul3A_1359 : vector<16xf32>
        %mul3A_1361 = arith.constant 2.000000e+00 : f32
        %mul3A_1362 = vector.broadcast %mul3A_1361 : f32 to vector<16xf32>
        %mul3A_1363 = arith.mulf %mul3A_1362, %div3A_1360 : vector<16xf32>
        %exp3A_1364 = math.exp %mul3A_1363 : vector<16xf32>
        %neg3A_1365 = arith.constant 0.000000e+00 : f32
        %neg3A_1366 = vector.broadcast %neg3A_1365 : f32 to vector<16xf32>
        %neg3A_1367 = arith.subf %neg3A_1366, %add3A_1333 : vector<16xf32>
        %exp3A_1368 = math.exp %neg3A_1367 : vector<16xf32>
        %sub3A_1369 = arith.constant 1.000000e+00 : f32
        %sub3A_1370 = vector.broadcast %sub3A_1369 : f32 to vector<16xf32>
        %sub3A_1371 = arith.subf %exp3A_1364, %sub3A_1370 : vector<16xf32>
        %add3A_1372 = arith.constant 1.000000e+00 : f32
        %add3A_1373 = vector.broadcast %add3A_1372 : f32 to vector<16xf32>
        %add3A_1374 = arith.addf %add3A_1373, %exp3A_1368 : vector<16xf32>
        %add3A_1375 = arith.constant 1.000000e+00 : f32
        %add3A_1376 = vector.broadcast %add3A_1375 : f32 to vector<16xf32>
        %add3A_1377 = arith.addf %exp3A_1364, %add3A_1376 : vector<16xf32>
        %mul3A_1378 = arith.mulf %add3A_1374, %add3A_1377 : vector<16xf32>
        %div3A_1379 = arith.divf %sub3A_1371, %mul3A_1378 : vector<16xf32>
        %mul3A_1380 = arith.mulf %div3A_1379, %get3A_1338 : vector<16xf32>
        %add3A_1381 = arith.addf %add3A_1294, %mul3A_1380 : vector<16xf32>
        %get3A_1382 = arith.constant 48 : index
        %get3A_1383 = tpu.vector_load %arg16[%get3A_1382] {strides = array<i32>} : memref<80xf32, #tpu.memory_space<vmem>>, vector<16xf32>,
        %neg3A_1384 = arith.constant 0.000000e+00 : f32
        %neg3A_1385 = vector.broadcast %neg3A_1384 : f32 to vector<16xf32>
        %neg3A_1386 = arith.subf %neg3A_1385, %add3A_1334 : vector<16xf32>
        %exp3A_1387 = math.exp %neg3A_1386 : vector<16xf32>
        %min3A_1388 = arith.constant 1.500000e+01 : f32
        %min3A_1389 = vector.broadcast %min3A_1388 : f32 to vector<16xf32>
        %min3A_1390 = arith.minimumf %add3A_1335, %min3A_1389 : vector<16xf32>
        %mul3A_1391 = arith.constant 2.000000e+00 : f32
        %mul3A_1392 = vector.broadcast %mul3A_1391 : f32 to vector<16xf32>
        %mul3A_1393 = arith.mulf %mul3A_1392, %min3A_1390 : vector<16xf32>
        %exp3A_1394 = math.exp %mul3A_1393 : vector<16xf32>
        %sub3A_1395 = arith.constant 1.000000e+00 : f32
        %sub3A_1396 = vector.broadcast %sub3A_1395 : f32 to vector<16xf32>
        %sub3A_1397 = arith.subf %exp3A_1394, %sub3A_1396 : vector<16xf32>
        %add3A_1398 = arith.constant 1.000000e+00 : f32
        %add3A_1399 = vector.broadcast %add3A_1398 : f32 to vector<16xf32>
        %add3A_1400 = arith.addf %add3A_1399, %exp3A_1387 : vector<16xf32>
        %add3A_1401 = arith.constant 1.000000e+00 : f32
        %add3A_1402 = vector.broadcast %add3A_1401 : f32 to vector<16xf32>
        %add3A_1403 = arith.addf %exp3A_1394, %add3A_1402 : vector<16xf32>
        %mul3A_1404 = arith.mulf %add3A_1400, %add3A_1403 : vector<16xf32>
        %div3A_1405 = arith.divf %sub3A_1397, %mul3A_1404 : vector<16xf32>
        %mul3A_1406 = arith.constant 2.000000e+00 : f32
        %mul3A_1407 = vector.broadcast %mul3A_1406 : f32 to vector<16xf32>
        %mul3A_1408 = arith.mulf %mul3A_1407, %div3A_1405 : vector<16xf32>
        %exp3A_1409 = math.exp %mul3A_1408 : vector<16xf32>
        %neg3A_1410 = arith.constant 0.000000e+00 : f32
        %neg3A_1411 = vector.broadcast %neg3A_1410 : f32 to vector<16xf32>
        %neg3A_1412 = arith.subf %neg3A_1411, %add3A_1336 : vector<16xf32>
        %exp3A_1413 = math.exp %neg3A_1412 : vector<16xf32>
        %sub3A_1414 = arith.constant 1.000000e+00 : f32
        %sub3A_1415 = vector.broadcast %sub3A_1414 : f32 to vector<16xf32>
        %sub3A_1416 = arith.subf %exp3A_1409, %sub3A_1415 : vector<16xf32>
        %add3A_1417 = arith.constant 1.000000e+00 : f32
        %add3A_1418 = vector.broadcast %add3A_1417 : f32 to vector<16xf32>
        %add3A_1419 = arith.addf %add3A_1418, %exp3A_1413 : vector<16xf32>
        %add3A_1420 = arith.constant 1.000000e+00 : f32
        %add3A_1421 = vector.broadcast %add3A_1420 : f32 to vector<16xf32>
        %add3A_1422 = arith.addf %exp3A_1409, %add3A_1421 : vector<16xf32>
        %mul3A_1423 = arith.mulf %add3A_1419, %add3A_1422 : vector<16xf32>
        %div3A_1424 = arith.divf %sub3A_1416, %mul3A_1423 : vector<16xf32>
        %mul3A_1425 = arith.mulf %div3A_1424, %get3A_1383 : vector<16xf32>
        %add3A_1426 = arith.addf %add3A_1381, %mul3A_1425 : vector<16xf32>
        %swap3A_1427 = arith.index_cast %scan3A_1168 : i32 to index
        %swap3A_1428 = arith.constant 0 : index
        %swap3A_1429 = tpu.vector_load %arg15[%swap3A_1427, %swap3A_1428] {strides = array<i32>} : memref<80x17xf32, #tpu.memory_space<vmem>>, vector<16xf32>,
        tpu.vector_store %arg15[%swap3A_1427, %swap3A_1428], %add3A_1426 {strides = array<i32>} : memref<80x17xf32, #tpu.memory_space<vmem>>, vector<16xf32>,
      }
      %scan3A_802 = arith.constant 80 : i32
      %broadcast_in_dim3A_803 = arith.constant 0 : i32
      %broadcast_in_dim3A_804 = vector.broadcast %broadcast_in_dim3A_803 : i32 to vector<16xi32>
      %add3A_805 = arith.addi %broadcast_in_dim3A_804, %iota3A : vector<16xi32>
      %broadcast_in_dim3A_806 = arith.constant 0 : i32
      %broadcast_in_dim3A_807 = vector.broadcast %broadcast_in_dim3A_806 : i32 to vector<16xi32>
      %gather3A_808 = tpu.vector_load_idx %arg15[%add3A_805, %broadcast_in_dim3A_807] : memref<80x17xf32, #tpu.memory_space<vmem>>[vector<16xi32>, vector<16xi32>], vector<16xf32>,
      %add3A_809 = arith.addf %gather3A, %gather3A_808 : vector<16xf32>
      %broadcast_in_dim3A_810 = arith.constant 1 : i32
      %broadcast_in_dim3A_811 = vector.broadcast %broadcast_in_dim3A_810 : i32 to vector<16xi32>
      %gather3A_812 = tpu.vector_load_idx %arg15[%add3A_805, %broadcast_in_dim3A_811] : memref<80x17xf32, #tpu.memory_space<vmem>>[vector<16xi32>, vector<16xi32>], vector<16xf32>,
      %add3A_813 = arith.addf %add3A_809, %gather3A_812 : vector<16xf32>
      %broadcast_in_dim3A_814 = arith.constant 2 : i32
      %broadcast_in_dim3A_815 = vector.broadcast %broadcast_in_dim3A_814 : i32 to vector<16xi32>
      %gather3A_816 = tpu.vector_load_idx %arg15[%add3A_805, %broadcast_in_dim3A_815] : memref<80x17xf32, #tpu.memory_space<vmem>>[vector<16xi32>, vector<16xi32>], vector<16xf32>,
      %add3A_817 = arith.addf %add3A_813, %gather3A_816 : vector<16xf32>
      %broadcast_in_dim3A_818 = arith.constant 3 : i32
      %broadcast_in_dim3A_819 = vector.broadcast %broadcast_in_dim3A_818 : i32 to vector<16xi32>
      %gather3A_820 = tpu.vector_load_idx %arg15[%add3A_805, %broadcast_in_dim3A_819] : memref<80x17xf32, #tpu.memory_space<vmem>>[vector<16xi32>, vector<16xi32>], vector<16xf32>,
      %add3A_821 = arith.addf %add3A_817, %gather3A_820 : vector<16xf32>
      %broadcast_in_dim3A_822 = arith.constant 4 : i32
      %broadcast_in_dim3A_823 = vector.broadcast %broadcast_in_dim3A_822 : i32 to vector<16xi32>
      %gather3A_824 = tpu.vector_load_idx %arg15[%add3A_805, %broadcast_in_dim3A_823] : memref<80x17xf32, #tpu.memory_space<vmem>>[vector<16xi32>, vector<16xi32>], vector<16xf32>,
      %add3A_825 = arith.addf %add3A_821, %gather3A_824 : vector<16xf32>
      %broadcast_in_dim3A_826 = arith.constant 5 : i32
      %broadcast_in_dim3A_827 = vector.broadcast %broadcast_in_dim3A_826 : i32 to vector<16xi32>
      %gather3A_828 = tpu.vector_load_idx %arg15[%add3A_805, %broadcast_in_dim3A_827] : memref<80x17xf32, #tpu.memory_space<vmem>>[vector<16xi32>, vector<16xi32>], vector<16xf32>,
      %add3A_829 = arith.addf %add3A_825, %gather3A_828 : vector<16xf32>
      %broadcast_in_dim3A_830 = arith.constant 6 : i32
      %broadcast_in_dim3A_831 = vector.broadcast %broadcast_in_dim3A_830 : i32 to vector<16xi32>
      %gather3A_832 = tpu.vector_load_idx %arg15[%add3A_805, %broadcast_in_dim3A_831] : memref<80x17xf32, #tpu.memory_space<vmem>>[vector<16xi32>, vector<16xi32>], vector<16xf32>,
      %add3A_833 = arith.addf %add3A_829, %gather3A_832 : vector<16xf32>
      %broadcast_in_dim3A_834 = arith.constant 7 : i32
      %broadcast_in_dim3A_835 = vector.broadcast %broadcast_in_dim3A_834 : i32 to vector<16xi32>
      %gather3A_836 = tpu.vector_load_idx %arg15[%add3A_805, %broadcast_in_dim3A_835] : memref<80x17xf32, #tpu.memory_space<vmem>>[vector<16xi32>, vector<16xi32>], vector<16xf32>,
      %add3A_837 = arith.addf %add3A_833, %gather3A_836 : vector<16xf32>
      %broadcast_in_dim3A_838 = arith.constant 8 : i32
      %broadcast_in_dim3A_839 = vector.broadcast %broadcast_in_dim3A_838 : i32 to vector<16xi32>
      %gather3A_840 = tpu.vector_load_idx %arg15[%add3A_805, %broadcast_in_dim3A_839] : memref<80x17xf32, #tpu.memory_space<vmem>>[vector<16xi32>, vector<16xi32>], vector<16xf32>,
      %add3A_841 = arith.addf %add3A_837, %gather3A_840 : vector<16xf32>
      %broadcast_in_dim3A_842 = arith.constant 9 : i32
      %broadcast_in_dim3A_843 = vector.broadcast %broadcast_in_dim3A_842 : i32 to vector<16xi32>
      %gather3A_844 = tpu.vector_load_idx %arg15[%add3A_805, %broadcast_in_dim3A_843] : memref<80x17xf32, #tpu.memory_space<vmem>>[vector<16xi32>, vector<16xi32>], vector<16xf32>,
      %add3A_845 = arith.addf %add3A_841, %gather3A_844 : vector<16xf32>
      %broadcast_in_dim3A_846 = arith.constant 10 : i32
      %broadcast_in_dim3A_847 = vector.broadcast %broadcast_in_dim3A_846 : i32 to vector<16xi32>
      %gather3A_848 = tpu.vector_load_idx %arg15[%add3A_805, %broadcast_in_dim3A_847] : memref<80x17xf32, #tpu.memory_space<vmem>>[vector<16xi32>, vector<16xi32>], vector<16xf32>,
      %add3A_849 = arith.addf %add3A_845, %gather3A_848 : vector<16xf32>
      %broadcast_in_dim3A_850 = arith.constant 11 : i32
      %broadcast_in_dim3A_851 = vector.broadcast %broadcast_in_dim3A_850 : i32 to vector<16xi32>
      %gather3A_852 = tpu.vector_load_idx %arg15[%add3A_805, %broadcast_in_dim3A_851] : memref<80x17xf32, #tpu.memory_space<vmem>>[vector<16xi32>, vector<16xi32>], vector<16xf32>,
      %add3A_853 = arith.addf %add3A_849, %gather3A_852 : vector<16xf32>
      %broadcast_in_dim3A_854 = arith.constant 12 : i32
      %broadcast_in_dim3A_855 = vector.broadcast %broadcast_in_dim3A_854 : i32 to vector<16xi32>
      %gather3A_856 = tpu.vector_load_idx %arg15[%add3A_805, %broadcast_in_dim3A_855] : memref<80x17xf32, #tpu.memory_space<vmem>>[vector<16xi32>, vector<16xi32>], vector<16xf32>,
      %add3A_857 = arith.addf %add3A_853, %gather3A_856 : vector<16xf32>
      %broadcast_in_dim3A_858 = arith.constant 13 : i32
      %broadcast_in_dim3A_859 = vector.broadcast %broadcast_in_dim3A_858 : i32 to vector<16xi32>
      %gather3A_860 = tpu.vector_load_idx %arg15[%add3A_805, %broadcast_in_dim3A_859] : memref<80x17xf32, #tpu.memory_space<vmem>>[vector<16xi32>, vector<16xi32>], vector<16xf32>,
      %add3A_861 = arith.addf %add3A_857, %gather3A_860 : vector<16xf32>
      %broadcast_in_dim3A_862 = arith.constant 14 : i32
      %broadcast_in_dim3A_863 = vector.broadcast %broadcast_in_dim3A_862 : i32 to vector<16xi32>
      %gather3A_864 = tpu.vector_load_idx %arg15[%add3A_805, %broadcast_in_dim3A_863] : memref<80x17xf32, #tpu.memory_space<vmem>>[vector<16xi32>, vector<16xi32>], vector<16xf32>,
      %add3A_865 = arith.addf %add3A_861, %gather3A_864 : vector<16xf32>
      %broadcast_in_dim3A_866 = arith.constant 15 : i32
      %broadcast_in_dim3A_867 = vector.broadcast %broadcast_in_dim3A_866 : i32 to vector<16xi32>
      %gather3A_868 = tpu.vector_load_idx %arg15[%add3A_805, %broadcast_in_dim3A_867] : memref<80x17xf32, #tpu.memory_space<vmem>>[vector<16xi32>, vector<16xi32>], vector<16xf32>,
      %add3A_869 = arith.addf %add3A_865, %gather3A_868 : vector<16xf32>
      %mul3A_870 = arith.constant 80 : i32
      %mul3A_871 = arith.muli %add3A_786, %mul3A_870 : i32
      %add3A_872 = arith.constant 0 : i32
      %add3A_873 = arith.addi %mul3A_871, %add3A_872 : i32
      %swap3A_874 = arith.index_cast %add3A_873 : i32 to index
      %swap3A_875 = tpu.vector_load %arg10[%swap3A_874] {strides = array<i32>} : memref<10000xf32, #tpu.memory_space<vmem>>, vector<16xf32>,
      tpu.vector_store %arg10[%swap3A_874], %add3A_869 {strides = array<i32>} : memref<10000xf32, #tpu.memory_space<vmem>>, vector<16xf32>,
      %broadcast_in_dim3A_876 = arith.constant 16 : i32
      %broadcast_in_dim3A_877 = vector.broadcast %broadcast_in_dim3A_876 : i32 to vector<16xi32>
      %add3A_878 = arith.addi %broadcast_in_dim3A_877, %iota3A : vector<16xi32>
      %broadcast_in_dim3A_879 = arith.constant 0 : i32
      %broadcast_in_dim3A_880 = vector.broadcast %broadcast_in_dim3A_879 : i32 to vector<16xi32>
      %gather3A_881 = tpu.vector_load_idx %arg15[%add3A_878, %broadcast_in_dim3A_880] : memref<80x17xf32, #tpu.memory_space<vmem>>[vector<16xi32>, vector<16xi32>], vector<16xf32>,
      %add3A_882 = arith.addf %gather3A, %gather3A_881 : vector<16xf32>
      %broadcast_in_dim3A_883 = arith.constant 1 : i32
      %broadcast_in_dim3A_884 = vector.broadcast %broadcast_in_dim3A_883 : i32 to vector<16xi32>
      %gather3A_885 = tpu.vector_load_idx %arg15[%add3A_878, %broadcast_in_dim3A_884] : memref<80x17xf32, #tpu.memory_space<vmem>>[vector<16xi32>, vector<16xi32>], vector<16xf32>,
      %add3A_886 = arith.addf %add3A_882, %gather3A_885 : vector<16xf32>
      %broadcast_in_dim3A_887 = arith.constant 2 : i32
      %broadcast_in_dim3A_888 = vector.broadcast %broadcast_in_dim3A_887 : i32 to vector<16xi32>
      %gather3A_889 = tpu.vector_load_idx %arg15[%add3A_878, %broadcast_in_dim3A_888] : memref<80x17xf32, #tpu.memory_space<vmem>>[vector<16xi32>, vector<16xi32>], vector<16xf32>,
      %add3A_890 = arith.addf %add3A_886, %gather3A_889 : vector<16xf32>
      %broadcast_in_dim3A_891 = arith.constant 3 : i32
      %broadcast_in_dim3A_892 = vector.broadcast %broadcast_in_dim3A_891 : i32 to vector<16xi32>
      %gather3A_893 = tpu.vector_load_idx %arg15[%add3A_878, %broadcast_in_dim3A_892] : memref<80x17xf32, #tpu.memory_space<vmem>>[vector<16xi32>, vector<16xi32>], vector<16xf32>,
      %add3A_894 = arith.addf %add3A_890, %gather3A_893 : vector<16xf32>
      %broadcast_in_dim3A_895 = arith.constant 4 : i32
      %broadcast_in_dim3A_896 = vector.broadcast %broadcast_in_dim3A_895 : i32 to vector<16xi32>
      %gather3A_897 = tpu.vector_load_idx %arg15[%add3A_878, %broadcast_in_dim3A_896] : memref<80x17xf32, #tpu.memory_space<vmem>>[vector<16xi32>, vector<16xi32>], vector<16xf32>,
      %add3A_898 = arith.addf %add3A_894, %gather3A_897 : vector<16xf32>
      %broadcast_in_dim3A_899 = arith.constant 5 : i32
      %broadcast_in_dim3A_900 = vector.broadcast %broadcast_in_dim3A_899 : i32 to vector<16xi32>
      %gather3A_901 = tpu.vector_load_idx %arg15[%add3A_878, %broadcast_in_dim3A_900] : memref<80x17xf32, #tpu.memory_space<vmem>>[vector<16xi32>, vector<16xi32>], vector<16xf32>,
      %add3A_902 = arith.addf %add3A_898, %gather3A_901 : vector<16xf32>
      %broadcast_in_dim3A_903 = arith.constant 6 : i32
      %broadcast_in_dim3A_904 = vector.broadcast %broadcast_in_dim3A_903 : i32 to vector<16xi32>
      %gather3A_905 = tpu.vector_load_idx %arg15[%add3A_878, %broadcast_in_dim3A_904] : memref<80x17xf32, #tpu.memory_space<vmem>>[vector<16xi32>, vector<16xi32>], vector<16xf32>,
      %add3A_906 = arith.addf %add3A_902, %gather3A_905 : vector<16xf32>
      %broadcast_in_dim3A_907 = arith.constant 7 : i32
      %broadcast_in_dim3A_908 = vector.broadcast %broadcast_in_dim3A_907 : i32 to vector<16xi32>
      %gather3A_909 = tpu.vector_load_idx %arg15[%add3A_878, %broadcast_in_dim3A_908] : memref<80x17xf32, #tpu.memory_space<vmem>>[vector<16xi32>, vector<16xi32>], vector<16xf32>,
      %add3A_910 = arith.addf %add3A_906, %gather3A_909 : vector<16xf32>
      %broadcast_in_dim3A_911 = arith.constant 8 : i32
      %broadcast_in_dim3A_912 = vector.broadcast %broadcast_in_dim3A_911 : i32 to vector<16xi32>
      %gather3A_913 = tpu.vector_load_idx %arg15[%add3A_878, %broadcast_in_dim3A_912] : memref<80x17xf32, #tpu.memory_space<vmem>>[vector<16xi32>, vector<16xi32>], vector<16xf32>,
      %add3A_914 = arith.addf %add3A_910, %gather3A_913 : vector<16xf32>
      %broadcast_in_dim3A_915 = arith.constant 9 : i32
      %broadcast_in_dim3A_916 = vector.broadcast %broadcast_in_dim3A_915 : i32 to vector<16xi32>
      %gather3A_917 = tpu.vector_load_idx %arg15[%add3A_878, %broadcast_in_dim3A_916] : memref<80x17xf32, #tpu.memory_space<vmem>>[vector<16xi32>, vector<16xi32>], vector<16xf32>,
      %add3A_918 = arith.addf %add3A_914, %gather3A_917 : vector<16xf32>
      %broadcast_in_dim3A_919 = arith.constant 10 : i32
      %broadcast_in_dim3A_920 = vector.broadcast %broadcast_in_dim3A_919 : i32 to vector<16xi32>
      %gather3A_921 = tpu.vector_load_idx %arg15[%add3A_878, %broadcast_in_dim3A_920] : memref<80x17xf32, #tpu.memory_space<vmem>>[vector<16xi32>, vector<16xi32>], vector<16xf32>,
      %add3A_922 = arith.addf %add3A_918, %gather3A_921 : vector<16xf32>
      %broadcast_in_dim3A_923 = arith.constant 11 : i32
      %broadcast_in_dim3A_924 = vector.broadcast %broadcast_in_dim3A_923 : i32 to vector<16xi32>
      %gather3A_925 = tpu.vector_load_idx %arg15[%add3A_878, %broadcast_in_dim3A_924] : memref<80x17xf32, #tpu.memory_space<vmem>>[vector<16xi32>, vector<16xi32>], vector<16xf32>,
      %add3A_926 = arith.addf %add3A_922, %gather3A_925 : vector<16xf32>
      %broadcast_in_dim3A_927 = arith.constant 12 : i32
      %broadcast_in_dim3A_928 = vector.broadcast %broadcast_in_dim3A_927 : i32 to vector<16xi32>
      %gather3A_929 = tpu.vector_load_idx %arg15[%add3A_878, %broadcast_in_dim3A_928] : memref<80x17xf32, #tpu.memory_space<vmem>>[vector<16xi32>, vector<16xi32>], vector<16xf32>,
      %add3A_930 = arith.addf %add3A_926, %gather3A_929 : vector<16xf32>
      %broadcast_in_dim3A_931 = arith.constant 13 : i32
      %broadcast_in_dim3A_932 = vector.broadcast %broadcast_in_dim3A_931 : i32 to vector<16xi32>
      %gather3A_933 = tpu.vector_load_idx %arg15[%add3A_878, %broadcast_in_dim3A_932] : memref<80x17xf32, #tpu.memory_space<vmem>>[vector<16xi32>, vector<16xi32>], vector<16xf32>,
      %add3A_934 = arith.addf %add3A_930, %gather3A_933 : vector<16xf32>
      %broadcast_in_dim3A_935 = arith.constant 14 : i32
      %broadcast_in_dim3A_936 = vector.broadcast %broadcast_in_dim3A_935 : i32 to vector<16xi32>
      %gather3A_937 = tpu.vector_load_idx %arg15[%add3A_878, %broadcast_in_dim3A_936] : memref<80x17xf32, #tpu.memory_space<vmem>>[vector<16xi32>, vector<16xi32>], vector<16xf32>,
      %add3A_938 = arith.addf %add3A_934, %gather3A_937 : vector<16xf32>
      %broadcast_in_dim3A_939 = arith.constant 15 : i32
      %broadcast_in_dim3A_940 = vector.broadcast %broadcast_in_dim3A_939 : i32 to vector<16xi32>
      %gather3A_941 = tpu.vector_load_idx %arg15[%add3A_878, %broadcast_in_dim3A_940] : memref<80x17xf32, #tpu.memory_space<vmem>>[vector<16xi32>, vector<16xi32>], vector<16xf32>,
      %add3A_942 = arith.addf %add3A_938, %gather3A_941 : vector<16xf32>
      %mul3A_943 = arith.constant 80 : i32
      %mul3A_944 = arith.muli %add3A_786, %mul3A_943 : i32
      %add3A_945 = arith.constant 16 : i32
      %add3A_946 = arith.addi %mul3A_944, %add3A_945 : i32
      %swap3A_947 = arith.index_cast %add3A_946 : i32 to index
      %swap3A_948 = tpu.vector_load %arg10[%swap3A_947] {strides = array<i32>} : memref<10000xf32, #tpu.memory_space<vmem>>, vector<16xf32>,
      tpu.vector_store %arg10[%swap3A_947], %add3A_942 {strides = array<i32>} : memref<10000xf32, #tpu.memory_space<vmem>>, vector<16xf32>,
      %broadcast_in_dim3A_949 = arith.constant 32 : i32
      %broadcast_in_dim3A_950 = vector.broadcast %broadcast_in_dim3A_949 : i32 to vector<16xi32>
      %add3A_951 = arith.addi %broadcast_in_dim3A_950, %iota3A : vector<16xi32>
      %broadcast_in_dim3A_952 = arith.constant 0 : i32
      %broadcast_in_dim3A_953 = vector.broadcast %broadcast_in_dim3A_952 : i32 to vector<16xi32>
      %gather3A_954 = tpu.vector_load_idx %arg15[%add3A_951, %broadcast_in_dim3A_953] : memref<80x17xf32, #tpu.memory_space<vmem>>[vector<16xi32>, vector<16xi32>], vector<16xf32>,
      %add3A_955 = arith.addf %gather3A, %gather3A_954 : vector<16xf32>
      %broadcast_in_dim3A_956 = arith.constant 1 : i32
      %broadcast_in_dim3A_957 = vector.broadcast %broadcast_in_dim3A_956 : i32 to vector<16xi32>
      %gather3A_958 = tpu.vector_load_idx %arg15[%add3A_951, %broadcast_in_dim3A_957] : memref<80x17xf32, #tpu.memory_space<vmem>>[vector<16xi32>, vector<16xi32>], vector<16xf32>,
      %add3A_959 = arith.addf %add3A_955, %gather3A_958 : vector<16xf32>
      %broadcast_in_dim3A_960 = arith.constant 2 : i32
      %broadcast_in_dim3A_961 = vector.broadcast %broadcast_in_dim3A_960 : i32 to vector<16xi32>
      %gather3A_962 = tpu.vector_load_idx %arg15[%add3A_951, %broadcast_in_dim3A_961] : memref<80x17xf32, #tpu.memory_space<vmem>>[vector<16xi32>, vector<16xi32>], vector<16xf32>,
      %add3A_963 = arith.addf %add3A_959, %gather3A_962 : vector<16xf32>
      %broadcast_in_dim3A_964 = arith.constant 3 : i32
      %broadcast_in_dim3A_965 = vector.broadcast %broadcast_in_dim3A_964 : i32 to vector<16xi32>
      %gather3A_966 = tpu.vector_load_idx %arg15[%add3A_951, %broadcast_in_dim3A_965] : memref<80x17xf32, #tpu.memory_space<vmem>>[vector<16xi32>, vector<16xi32>], vector<16xf32>,
      %add3A_967 = arith.addf %add3A_963, %gather3A_966 : vector<16xf32>
      %broadcast_in_dim3A_968 = arith.constant 4 : i32
      %broadcast_in_dim3A_969 = vector.broadcast %broadcast_in_dim3A_968 : i32 to vector<16xi32>
      %gather3A_970 = tpu.vector_load_idx %arg15[%add3A_951, %broadcast_in_dim3A_969] : memref<80x17xf32, #tpu.memory_space<vmem>>[vector<16xi32>, vector<16xi32>], vector<16xf32>,
      %add3A_971 = arith.addf %add3A_967, %gather3A_970 : vector<16xf32>
      %broadcast_in_dim3A_972 = arith.constant 5 : i32
      %broadcast_in_dim3A_973 = vector.broadcast %broadcast_in_dim3A_972 : i32 to vector<16xi32>
      %gather3A_974 = tpu.vector_load_idx %arg15[%add3A_951, %broadcast_in_dim3A_973] : memref<80x17xf32, #tpu.memory_space<vmem>>[vector<16xi32>, vector<16xi32>], vector<16xf32>,
      %add3A_975 = arith.addf %add3A_971, %gather3A_974 : vector<16xf32>
      %broadcast_in_dim3A_976 = arith.constant 6 : i32
      %broadcast_in_dim3A_977 = vector.broadcast %broadcast_in_dim3A_976 : i32 to vector<16xi32>
      %gather3A_978 = tpu.vector_load_idx %arg15[%add3A_951, %broadcast_in_dim3A_977] : memref<80x17xf32, #tpu.memory_space<vmem>>[vector<16xi32>, vector<16xi32>], vector<16xf32>,
      %add3A_979 = arith.addf %add3A_975, %gather3A_978 : vector<16xf32>
      %broadcast_in_dim3A_980 = arith.constant 7 : i32
      %broadcast_in_dim3A_981 = vector.broadcast %broadcast_in_dim3A_980 : i32 to vector<16xi32>
      %gather3A_982 = tpu.vector_load_idx %arg15[%add3A_951, %broadcast_in_dim3A_981] : memref<80x17xf32, #tpu.memory_space<vmem>>[vector<16xi32>, vector<16xi32>], vector<16xf32>,
      %add3A_983 = arith.addf %add3A_979, %gather3A_982 : vector<16xf32>
      %broadcast_in_dim3A_984 = arith.constant 8 : i32
      %broadcast_in_dim3A_985 = vector.broadcast %broadcast_in_dim3A_984 : i32 to vector<16xi32>
      %gather3A_986 = tpu.vector_load_idx %arg15[%add3A_951, %broadcast_in_dim3A_985] : memref<80x17xf32, #tpu.memory_space<vmem>>[vector<16xi32>, vector<16xi32>], vector<16xf32>,
      %add3A_987 = arith.addf %add3A_983, %gather3A_986 : vector<16xf32>
      %broadcast_in_dim3A_988 = arith.constant 9 : i32
      %broadcast_in_dim3A_989 = vector.broadcast %broadcast_in_dim3A_988 : i32 to vector<16xi32>
      %gather3A_990 = tpu.vector_load_idx %arg15[%add3A_951, %broadcast_in_dim3A_989] : memref<80x17xf32, #tpu.memory_space<vmem>>[vector<16xi32>, vector<16xi32>], vector<16xf32>,
      %add3A_991 = arith.addf %add3A_987, %gather3A_990 : vector<16xf32>
      %broadcast_in_dim3A_992 = arith.constant 10 : i32
      %broadcast_in_dim3A_993 = vector.broadcast %broadcast_in_dim3A_992 : i32 to vector<16xi32>
      %gather3A_994 = tpu.vector_load_idx %arg15[%add3A_951, %broadcast_in_dim3A_993] : memref<80x17xf32, #tpu.memory_space<vmem>>[vector<16xi32>, vector<16xi32>], vector<16xf32>,
      %add3A_995 = arith.addf %add3A_991, %gather3A_994 : vector<16xf32>
      %broadcast_in_dim3A_996 = arith.constant 11 : i32
      %broadcast_in_dim3A_997 = vector.broadcast %broadcast_in_dim3A_996 : i32 to vector<16xi32>
      %gather3A_998 = tpu.vector_load_idx %arg15[%add3A_951, %broadcast_in_dim3A_997] : memref<80x17xf32, #tpu.memory_space<vmem>>[vector<16xi32>, vector<16xi32>], vector<16xf32>,
      %add3A_999 = arith.addf %add3A_995, %gather3A_998 : vector<16xf32>
      %broadcast_in_dim3A_1000 = arith.constant 12 : i32
      %broadcast_in_dim3A_1001 = vector.broadcast %broadcast_in_dim3A_1000 : i32 to vector<16xi32>
      %gather3A_1002 = tpu.vector_load_idx %arg15[%add3A_951, %broadcast_in_dim3A_1001] : memref<80x17xf32, #tpu.memory_space<vmem>>[vector<16xi32>, vector<16xi32>], vector<16xf32>,
      %add3A_1003 = arith.addf %add3A_999, %gather3A_1002 : vector<16xf32>
      %broadcast_in_dim3A_1004 = arith.constant 13 : i32
      %broadcast_in_dim3A_1005 = vector.broadcast %broadcast_in_dim3A_1004 : i32 to vector<16xi32>
      %gather3A_1006 = tpu.vector_load_idx %arg15[%add3A_951, %broadcast_in_dim3A_1005] : memref<80x17xf32, #tpu.memory_space<vmem>>[vector<16xi32>, vector<16xi32>], vector<16xf32>,
      %add3A_1007 = arith.addf %add3A_1003, %gather3A_1006 : vector<16xf32>
      %broadcast_in_dim3A_1008 = arith.constant 14 : i32
      %broadcast_in_dim3A_1009 = vector.broadcast %broadcast_in_dim3A_1008 : i32 to vector<16xi32>
      %gather3A_1010 = tpu.vector_load_idx %arg15[%add3A_951, %broadcast_in_dim3A_1009] : memref<80x17xf32, #tpu.memory_space<vmem>>[vector<16xi32>, vector<16xi32>], vector<16xf32>,
      %add3A_1011 = arith.addf %add3A_1007, %gather3A_1010 : vector<16xf32>
      %broadcast_in_dim3A_1012 = arith.constant 15 : i32
      %broadcast_in_dim3A_1013 = vector.broadcast %broadcast_in_dim3A_1012 : i32 to vector<16xi32>
      %gather3A_1014 = tpu.vector_load_idx %arg15[%add3A_951, %broadcast_in_dim3A_1013] : memref<80x17xf32, #tpu.memory_space<vmem>>[vector<16xi32>, vector<16xi32>], vector<16xf32>,
      %add3A_1015 = arith.addf %add3A_1011, %gather3A_1014 : vector<16xf32>
      %mul3A_1016 = arith.constant 80 : i32
      %mul3A_1017 = arith.muli %add3A_786, %mul3A_1016 : i32
      %add3A_1018 = arith.constant 32 : i32
      %add3A_1019 = arith.addi %mul3A_1017, %add3A_1018 : i32
      %swap3A_1020 = arith.index_cast %add3A_1019 : i32 to index
      %swap3A_1021 = tpu.vector_load %arg10[%swap3A_1020] {strides = array<i32>} : memref<10000xf32, #tpu.memory_space<vmem>>, vector<16xf32>,
      tpu.vector_store %arg10[%swap3A_1020], %add3A_1015 {strides = array<i32>} : memref<10000xf32, #tpu.memory_space<vmem>>, vector<16xf32>,
      %broadcast_in_dim3A_1022 = arith.constant 48 : i32
      %broadcast_in_dim3A_1023 = vector.broadcast %broadcast_in_dim3A_1022 : i32 to vector<16xi32>
      %add3A_1024 = arith.addi %broadcast_in_dim3A_1023, %iota3A : vector<16xi32>
      %broadcast_in_dim3A_1025 = arith.constant 0 : i32
      %broadcast_in_dim3A_1026 = vector.broadcast %broadcast_in_dim3A_1025 : i32 to vector<16xi32>
      %gather3A_1027 = tpu.vector_load_idx %arg15[%add3A_1024, %broadcast_in_dim3A_1026] : memref<80x17xf32, #tpu.memory_space<vmem>>[vector<16xi32>, vector<16xi32>], vector<16xf32>,
      %add3A_1028 = arith.addf %gather3A, %gather3A_1027 : vector<16xf32>
      %broadcast_in_dim3A_1029 = arith.constant 1 : i32
      %broadcast_in_dim3A_1030 = vector.broadcast %broadcast_in_dim3A_1029 : i32 to vector<16xi32>
      %gather3A_1031 = tpu.vector_load_idx %arg15[%add3A_1024, %broadcast_in_dim3A_1030] : memref<80x17xf32, #tpu.memory_space<vmem>>[vector<16xi32>, vector<16xi32>], vector<16xf32>,
      %add3A_1032 = arith.addf %add3A_1028, %gather3A_1031 : vector<16xf32>
      %broadcast_in_dim3A_1033 = arith.constant 2 : i32
      %broadcast_in_dim3A_1034 = vector.broadcast %broadcast_in_dim3A_1033 : i32 to vector<16xi32>
      %gather3A_1035 = tpu.vector_load_idx %arg15[%add3A_1024, %broadcast_in_dim3A_1034] : memref<80x17xf32, #tpu.memory_space<vmem>>[vector<16xi32>, vector<16xi32>], vector<16xf32>,
      %add3A_1036 = arith.addf %add3A_1032, %gather3A_1035 : vector<16xf32>
      %broadcast_in_dim3A_1037 = arith.constant 3 : i32
      %broadcast_in_dim3A_1038 = vector.broadcast %broadcast_in_dim3A_1037 : i32 to vector<16xi32>
      %gather3A_1039 = tpu.vector_load_idx %arg15[%add3A_1024, %broadcast_in_dim3A_1038] : memref<80x17xf32, #tpu.memory_space<vmem>>[vector<16xi32>, vector<16xi32>], vector<16xf32>,
      %add3A_1040 = arith.addf %add3A_1036, %gather3A_1039 : vector<16xf32>
      %broadcast_in_dim3A_1041 = arith.constant 4 : i32
      %broadcast_in_dim3A_1042 = vector.broadcast %broadcast_in_dim3A_1041 : i32 to vector<16xi32>
      %gather3A_1043 = tpu.vector_load_idx %arg15[%add3A_1024, %broadcast_in_dim3A_1042] : memref<80x17xf32, #tpu.memory_space<vmem>>[vector<16xi32>, vector<16xi32>], vector<16xf32>,
      %add3A_1044 = arith.addf %add3A_1040, %gather3A_1043 : vector<16xf32>
      %broadcast_in_dim3A_1045 = arith.constant 5 : i32
      %broadcast_in_dim3A_1046 = vector.broadcast %broadcast_in_dim3A_1045 : i32 to vector<16xi32>
      %gather3A_1047 = tpu.vector_load_idx %arg15[%add3A_1024, %broadcast_in_dim3A_1046] : memref<80x17xf32, #tpu.memory_space<vmem>>[vector<16xi32>, vector<16xi32>], vector<16xf32>,
      %add3A_1048 = arith.addf %add3A_1044, %gather3A_1047 : vector<16xf32>
      %broadcast_in_dim3A_1049 = arith.constant 6 : i32
      %broadcast_in_dim3A_1050 = vector.broadcast %broadcast_in_dim3A_1049 : i32 to vector<16xi32>
      %gather3A_1051 = tpu.vector_load_idx %arg15[%add3A_1024, %broadcast_in_dim3A_1050] : memref<80x17xf32, #tpu.memory_space<vmem>>[vector<16xi32>, vector<16xi32>], vector<16xf32>,
      %add3A_1052 = arith.addf %add3A_1048, %gather3A_1051 : vector<16xf32>
      %broadcast_in_dim3A_1053 = arith.constant 7 : i32
      %broadcast_in_dim3A_1054 = vector.broadcast %broadcast_in_dim3A_1053 : i32 to vector<16xi32>
      %gather3A_1055 = tpu.vector_load_idx %arg15[%add3A_1024, %broadcast_in_dim3A_1054] : memref<80x17xf32, #tpu.memory_space<vmem>>[vector<16xi32>, vector<16xi32>], vector<16xf32>,
      %add3A_1056 = arith.addf %add3A_1052, %gather3A_1055 : vector<16xf32>
      %broadcast_in_dim3A_1057 = arith.constant 8 : i32
      %broadcast_in_dim3A_1058 = vector.broadcast %broadcast_in_dim3A_1057 : i32 to vector<16xi32>
      %gather3A_1059 = tpu.vector_load_idx %arg15[%add3A_1024, %broadcast_in_dim3A_1058] : memref<80x17xf32, #tpu.memory_space<vmem>>[vector<16xi32>, vector<16xi32>], vector<16xf32>,
      %add3A_1060 = arith.addf %add3A_1056, %gather3A_1059 : vector<16xf32>
      %broadcast_in_dim3A_1061 = arith.constant 9 : i32
      %broadcast_in_dim3A_1062 = vector.broadcast %broadcast_in_dim3A_1061 : i32 to vector<16xi32>
      %gather3A_1063 = tpu.vector_load_idx %arg15[%add3A_1024, %broadcast_in_dim3A_1062] : memref<80x17xf32, #tpu.memory_space<vmem>>[vector<16xi32>, vector<16xi32>], vector<16xf32>,
      %add3A_1064 = arith.addf %add3A_1060, %gather3A_1063 : vector<16xf32>
      %broadcast_in_dim3A_1065 = arith.constant 10 : i32
      %broadcast_in_dim3A_1066 = vector.broadcast %broadcast_in_dim3A_1065 : i32 to vector<16xi32>
      %gather3A_1067 = tpu.vector_load_idx %arg15[%add3A_1024, %broadcast_in_dim3A_1066] : memref<80x17xf32, #tpu.memory_space<vmem>>[vector<16xi32>, vector<16xi32>], vector<16xf32>,
      %add3A_1068 = arith.addf %add3A_1064, %gather3A_1067 : vector<16xf32>
      %broadcast_in_dim3A_1069 = arith.constant 11 : i32
      %broadcast_in_dim3A_1070 = vector.broadcast %broadcast_in_dim3A_1069 : i32 to vector<16xi32>
      %gather3A_1071 = tpu.vector_load_idx %arg15[%add3A_1024, %broadcast_in_dim3A_1070] : memref<80x17xf32, #tpu.memory_space<vmem>>[vector<16xi32>, vector<16xi32>], vector<16xf32>,
      %add3A_1072 = arith.addf %add3A_1068, %gather3A_1071 : vector<16xf32>
      %broadcast_in_dim3A_1073 = arith.constant 12 : i32
      %broadcast_in_dim3A_1074 = vector.broadcast %broadcast_in_dim3A_1073 : i32 to vector<16xi32>
      %gather3A_1075 = tpu.vector_load_idx %arg15[%add3A_1024, %broadcast_in_dim3A_1074] : memref<80x17xf32, #tpu.memory_space<vmem>>[vector<16xi32>, vector<16xi32>], vector<16xf32>,
      %add3A_1076 = arith.addf %add3A_1072, %gather3A_1075 : vector<16xf32>
      %broadcast_in_dim3A_1077 = arith.constant 13 : i32
      %broadcast_in_dim3A_1078 = vector.broadcast %broadcast_in_dim3A_1077 : i32 to vector<16xi32>
      %gather3A_1079 = tpu.vector_load_idx %arg15[%add3A_1024, %broadcast_in_dim3A_1078] : memref<80x17xf32, #tpu.memory_space<vmem>>[vector<16xi32>, vector<16xi32>], vector<16xf32>,
      %add3A_1080 = arith.addf %add3A_1076, %gather3A_1079 : vector<16xf32>
      %broadcast_in_dim3A_1081 = arith.constant 14 : i32
      %broadcast_in_dim3A_1082 = vector.broadcast %broadcast_in_dim3A_1081 : i32 to vector<16xi32>
      %gather3A_1083 = tpu.vector_load_idx %arg15[%add3A_1024, %broadcast_in_dim3A_1082] : memref<80x17xf32, #tpu.memory_space<vmem>>[vector<16xi32>, vector<16xi32>], vector<16xf32>,
      %add3A_1084 = arith.addf %add3A_1080, %gather3A_1083 : vector<16xf32>
      %broadcast_in_dim3A_1085 = arith.constant 15 : i32
      %broadcast_in_dim3A_1086 = vector.broadcast %broadcast_in_dim3A_1085 : i32 to vector<16xi32>
      %gather3A_1087 = tpu.vector_load_idx %arg15[%add3A_1024, %broadcast_in_dim3A_1086] : memref<80x17xf32, #tpu.memory_space<vmem>>[vector<16xi32>, vector<16xi32>], vector<16xf32>,
      %add3A_1088 = arith.addf %add3A_1084, %gather3A_1087 : vector<16xf32>
      %mul3A_1089 = arith.constant 80 : i32
      %mul3A_1090 = arith.muli %add3A_786, %mul3A_1089 : i32
      %add3A_1091 = arith.constant 48 : i32
      %add3A_1092 = arith.addi %mul3A_1090, %add3A_1091 : i32
      %swap3A_1093 = arith.index_cast %add3A_1092 : i32 to index
      %swap3A_1094 = tpu.vector_load %arg10[%swap3A_1093] {strides = array<i32>} : memref<10000xf32, #tpu.memory_space<vmem>>, vector<16xf32>,
      tpu.vector_store %arg10[%swap3A_1093], %add3A_1088 {strides = array<i32>} : memref<10000xf32, #tpu.memory_space<vmem>>, vector<16xf32>,
      %broadcast_in_dim3A_1095 = arith.constant 64 : i32
      %broadcast_in_dim3A_1096 = vector.broadcast %broadcast_in_dim3A_1095 : i32 to vector<16xi32>
      %add3A_1097 = arith.addi %broadcast_in_dim3A_1096, %iota3A : vector<16xi32>
      %broadcast_in_dim3A_1098 = arith.constant 0 : i32
      %broadcast_in_dim3A_1099 = vector.broadcast %broadcast_in_dim3A_1098 : i32 to vector<16xi32>
      %gather3A_1100 = tpu.vector_load_idx %arg15[%add3A_1097, %broadcast_in_dim3A_1099] : memref<80x17xf32, #tpu.memory_space<vmem>>[vector<16xi32>, vector<16xi32>], vector<16xf32>,
      %add3A_1101 = arith.addf %gather3A, %gather3A_1100 : vector<16xf32>
      %broadcast_in_dim3A_1102 = arith.constant 1 : i32
      %broadcast_in_dim3A_1103 = vector.broadcast %broadcast_in_dim3A_1102 : i32 to vector<16xi32>
      %gather3A_1104 = tpu.vector_load_idx %arg15[%add3A_1097, %broadcast_in_dim3A_1103] : memref<80x17xf32, #tpu.memory_space<vmem>>[vector<16xi32>, vector<16xi32>], vector<16xf32>,
      %add3A_1105 = arith.addf %add3A_1101, %gather3A_1104 : vector<16xf32>
      %broadcast_in_dim3A_1106 = arith.constant 2 : i32
      %broadcast_in_dim3A_1107 = vector.broadcast %broadcast_in_dim3A_1106 : i32 to vector<16xi32>
      %gather3A_1108 = tpu.vector_load_idx %arg15[%add3A_1097, %broadcast_in_dim3A_1107] : memref<80x17xf32, #tpu.memory_space<vmem>>[vector<16xi32>, vector<16xi32>], vector<16xf32>,
      %add3A_1109 = arith.addf %add3A_1105, %gather3A_1108 : vector<16xf32>
      %broadcast_in_dim3A_1110 = arith.constant 3 : i32
      %broadcast_in_dim3A_1111 = vector.broadcast %broadcast_in_dim3A_1110 : i32 to vector<16xi32>
      %gather3A_1112 = tpu.vector_load_idx %arg15[%add3A_1097, %broadcast_in_dim3A_1111] : memref<80x17xf32, #tpu.memory_space<vmem>>[vector<16xi32>, vector<16xi32>], vector<16xf32>,
      %add3A_1113 = arith.addf %add3A_1109, %gather3A_1112 : vector<16xf32>
      %broadcast_in_dim3A_1114 = arith.constant 4 : i32
      %broadcast_in_dim3A_1115 = vector.broadcast %broadcast_in_dim3A_1114 : i32 to vector<16xi32>
      %gather3A_1116 = tpu.vector_load_idx %arg15[%add3A_1097, %broadcast_in_dim3A_1115] : memref<80x17xf32, #tpu.memory_space<vmem>>[vector<16xi32>, vector<16xi32>], vector<16xf32>,
      %add3A_1117 = arith.addf %add3A_1113, %gather3A_1116 : vector<16xf32>
      %broadcast_in_dim3A_1118 = arith.constant 5 : i32
      %broadcast_in_dim3A_1119 = vector.broadcast %broadcast_in_dim3A_1118 : i32 to vector<16xi32>
      %gather3A_1120 = tpu.vector_load_idx %arg15[%add3A_1097, %broadcast_in_dim3A_1119] : memref<80x17xf32, #tpu.memory_space<vmem>>[vector<16xi32>, vector<16xi32>], vector<16xf32>,
      %add3A_1121 = arith.addf %add3A_1117, %gather3A_1120 : vector<16xf32>
      %broadcast_in_dim3A_1122 = arith.constant 6 : i32
      %broadcast_in_dim3A_1123 = vector.broadcast %broadcast_in_dim3A_1122 : i32 to vector<16xi32>
      %gather3A_1124 = tpu.vector_load_idx %arg15[%add3A_1097, %broadcast_in_dim3A_1123] : memref<80x17xf32, #tpu.memory_space<vmem>>[vector<16xi32>, vector<16xi32>], vector<16xf32>,
      %add3A_1125 = arith.addf %add3A_1121, %gather3A_1124 : vector<16xf32>
      %broadcast_in_dim3A_1126 = arith.constant 7 : i32
      %broadcast_in_dim3A_1127 = vector.broadcast %broadcast_in_dim3A_1126 : i32 to vector<16xi32>
      %gather3A_1128 = tpu.vector_load_idx %arg15[%add3A_1097, %broadcast_in_dim3A_1127] : memref<80x17xf32, #tpu.memory_space<vmem>>[vector<16xi32>, vector<16xi32>], vector<16xf32>,
      %add3A_1129 = arith.addf %add3A_1125, %gather3A_1128 : vector<16xf32>
      %broadcast_in_dim3A_1130 = arith.constant 8 : i32
      %broadcast_in_dim3A_1131 = vector.broadcast %broadcast_in_dim3A_1130 : i32 to vector<16xi32>
      %gather3A_1132 = tpu.vector_load_idx %arg15[%add3A_1097, %broadcast_in_dim3A_1131] : memref<80x17xf32, #tpu.memory_space<vmem>>[vector<16xi32>, vector<16xi32>], vector<16xf32>,
      %add3A_1133 = arith.addf %add3A_1129, %gather3A_1132 : vector<16xf32>
      %broadcast_in_dim3A_1134 = arith.constant 9 : i32
      %broadcast_in_dim3A_1135 = vector.broadcast %broadcast_in_dim3A_1134 : i32 to vector<16xi32>
      %gather3A_1136 = tpu.vector_load_idx %arg15[%add3A_1097, %broadcast_in_dim3A_1135] : memref<80x17xf32, #tpu.memory_space<vmem>>[vector<16xi32>, vector<16xi32>], vector<16xf32>,
      %add3A_1137 = arith.addf %add3A_1133, %gather3A_1136 : vector<16xf32>
      %broadcast_in_dim3A_1138 = arith.constant 10 : i32
      %broadcast_in_dim3A_1139 = vector.broadcast %broadcast_in_dim3A_1138 : i32 to vector<16xi32>
      %gather3A_1140 = tpu.vector_load_idx %arg15[%add3A_1097, %broadcast_in_dim3A_1139] : memref<80x17xf32, #tpu.memory_space<vmem>>[vector<16xi32>, vector<16xi32>], vector<16xf32>,
      %add3A_1141 = arith.addf %add3A_1137, %gather3A_1140 : vector<16xf32>
      %broadcast_in_dim3A_1142 = arith.constant 11 : i32
      %broadcast_in_dim3A_1143 = vector.broadcast %broadcast_in_dim3A_1142 : i32 to vector<16xi32>
      %gather3A_1144 = tpu.vector_load_idx %arg15[%add3A_1097, %broadcast_in_dim3A_1143] : memref<80x17xf32, #tpu.memory_space<vmem>>[vector<16xi32>, vector<16xi32>], vector<16xf32>,
      %add3A_1145 = arith.addf %add3A_1141, %gather3A_1144 : vector<16xf32>
      %broadcast_in_dim3A_1146 = arith.constant 12 : i32
      %broadcast_in_dim3A_1147 = vector.broadcast %broadcast_in_dim3A_1146 : i32 to vector<16xi32>
      %gather3A_1148 = tpu.vector_load_idx %arg15[%add3A_1097, %broadcast_in_dim3A_1147] : memref<80x17xf32, #tpu.memory_space<vmem>>[vector<16xi32>, vector<16xi32>], vector<16xf32>,
      %add3A_1149 = arith.addf %add3A_1145, %gather3A_1148 : vector<16xf32>
      %broadcast_in_dim3A_1150 = arith.constant 13 : i32
      %broadcast_in_dim3A_1151 = vector.broadcast %broadcast_in_dim3A_1150 : i32 to vector<16xi32>
      %gather3A_1152 = tpu.vector_load_idx %arg15[%add3A_1097, %broadcast_in_dim3A_1151] : memref<80x17xf32, #tpu.memory_space<vmem>>[vector<16xi32>, vector<16xi32>], vector<16xf32>,
      %add3A_1153 = arith.addf %add3A_1149, %gather3A_1152 : vector<16xf32>
      %broadcast_in_dim3A_1154 = arith.constant 14 : i32
      %broadcast_in_dim3A_1155 = vector.broadcast %broadcast_in_dim3A_1154 : i32 to vector<16xi32>
      %gather3A_1156 = tpu.vector_load_idx %arg15[%add3A_1097, %broadcast_in_dim3A_1155] : memref<80x17xf32, #tpu.memory_space<vmem>>[vector<16xi32>, vector<16xi32>], vector<16xf32>,
      %add3A_1157 = arith.addf %add3A_1153, %gather3A_1156 : vector<16xf32>
      %broadcast_in_dim3A_1158 = arith.constant 15 : i32
      %broadcast_in_dim3A_1159 = vector.broadcast %broadcast_in_dim3A_1158 : i32 to vector<16xi32>
      %gather3A_1160 = tpu.vector_load_idx %arg15[%add3A_1097, %broadcast_in_dim3A_1159] : memref<80x17xf32, #tpu.memory_space<vmem>>[vector<16xi32>, vector<16xi32>], vector<16xf32>,
      %add3A_1161 = arith.addf %add3A_1157, %gather3A_1160 : vector<16xf32>
      %mul3A_1162 = arith.constant 80 : i32
      %mul3A_1163 = arith.muli %add3A_786, %mul3A_1162 : i32
      %add3A_1164 = arith.constant 64 : i32
      %add3A_1165 = arith.addi %mul3A_1163, %add3A_1164 : i32
      %swap3A_1166 = arith.index_cast %add3A_1165 : i32 to index
      %swap3A_1167 = tpu.vector_load %arg10[%swap3A_1166] {strides = array<i32>} : memref<10000xf32, #tpu.memory_space<vmem>>, vector<16xf32>,
      tpu.vector_store %arg10[%swap3A_1166], %add3A_1161 {strides = array<i32>} : memref<10000xf32, #tpu.memory_space<vmem>>, vector<16xf32>,
    }
    %scan3A_17 = arith.constant 62 : i32
    %dma_wait3A = arith.constant 9920 : i32
    %dma_wait3A_18 = tpu.memref_slice %arg8[%dma_wait3A] : memref<10000xi32, #tpu.memory_space<vmem>> -> memref<80xi32, #tpu.memory_space<vmem>>
    %dma_wait3A_19 = arith.constant 0 : i32
    %dma_wait3A_20 = arith.constant 0 : i32
    %dma_wait3A_21 = tpu.memref_slice %arg4[%dma_wait3A_19, %dma_wait3A_20] : memref<10000x128xf32, #tpu.memory_space<hbm>> -> memref<10000x128xf32, #tpu.memory_space<hbm>>
    tpu.wait_indirect_dma semaphore(%arg17 : memref<!tpu.dma_semaphore, #tpu.memory_space<semaphore_mem>>) src(%dma_wait3A_21 : memref<10000x128xf32, #tpu.memory_space<hbm>>) dst(%arg11 : memref<80x128xf32, #tpu.memory_space<vmem>>)
    %dma_wait3A_22 = arith.constant 9920 : i32
    %dma_wait3A_23 = tpu.memref_slice %arg9[%dma_wait3A_22] : memref<10000xi32, #tpu.memory_space<vmem>> -> memref<80xi32, #tpu.memory_space<vmem>>
    %dma_wait3A_24 = arith.constant 0 : i32
    %dma_wait3A_25 = arith.constant 0 : i32
    %dma_wait3A_26 = tpu.memref_slice %arg5[%dma_wait3A_24, %dma_wait3A_25] : memref<10000x128xf32, #tpu.memory_space<hbm>> -> memref<10000x128xf32, #tpu.memory_space<hbm>>
    tpu.wait_indirect_dma semaphore(%arg18 : memref<!tpu.dma_semaphore, #tpu.memory_space<semaphore_mem>>) src(%dma_wait3A_26 : memref<10000x128xf32, #tpu.memory_space<hbm>>) dst(%arg12 : memref<80x128xf32, #tpu.memory_space<vmem>>)
    %scan3A_27 = arith.constant 0 : i32
    %scan3A_28 = arith.constant 0 : i32
    %scan3A_29 = arith.constant 80 : i32
    %scan3A_30 = arith.addi %scan3A_28, %scan3A_29 : i32
    %scan3A_31 = arith.constant 1 : i32
    scf.for %scan3A_377 = %scan3A_28 to %scan3A_30 step %scan3A_31  : i32 {
      %broadcast_in_dim3A_378 = arith.constant 0.000000e+00 : f32
      %broadcast_in_dim3A_379 = vector.broadcast %broadcast_in_dim3A_378 : f32 to vector<16xf32>
      %get3A = arith.index_cast %scan3A_377 : i32 to index
      %get3A_380 = arith.constant 0 : index
      %get3A_381 = tpu.vector_load %arg11[%get3A, %get3A_380] {strides = array<i32>} : memref<80x128xf32, #tpu.memory_space<vmem>>, vector<16xf32>,
      %bitcast3A = vector.bitcast %get3A_381 : vector<16xf32> to vector<32xbf16>
      %unpack3A = tpu.unpack_subelements %bitcast3A, 0 {pack_format = #tpu.pack_format<interleaved>} : vector<32xbf16> -> vector<16xf32>
      %unpack3A_382 = tpu.unpack_subelements %bitcast3A, 1 {pack_format = #tpu.pack_format<interleaved>} : vector<32xbf16> -> vector<16xf32>
      %get3A_383 = arith.index_cast %scan3A_377 : i32 to index
      %get3A_384 = arith.constant 0 : index
      %get3A_385 = tpu.vector_load %arg12[%get3A_383, %get3A_384] {strides = array<i32>} : memref<80x128xf32, #tpu.memory_space<vmem>>, vector<16xf32>,
      %bitcast3A_386 = vector.bitcast %get3A_385 : vector<16xf32> to vector<32xbf16>
      %unpack3A_387 = tpu.unpack_subelements %bitcast3A_386, 0 {pack_format = #tpu.pack_format<interleaved>} : vector<32xbf16> -> vector<16xf32>
      %unpack3A_388 = tpu.unpack_subelements %bitcast3A_386, 1 {pack_format = #tpu.pack_format<interleaved>} : vector<32xbf16> -> vector<16xf32>
      %get3A_389 = arith.index_cast %scan3A_377 : i32 to index
      %get3A_390 = arith.constant 32 : index
      %get3A_391 = tpu.vector_load %arg11[%get3A_389, %get3A_390] {strides = array<i32>} : memref<80x128xf32, #tpu.memory_space<vmem>>, vector<16xf32>,
      %bitcast3A_392 = vector.bitcast %get3A_391 : vector<16xf32> to vector<32xbf16>
      %unpack3A_393 = tpu.unpack_subelements %bitcast3A_392, 0 {pack_format = #tpu.pack_format<interleaved>} : vector<32xbf16> -> vector<16xf32>
      %unpack3A_394 = tpu.unpack_subelements %bitcast3A_392, 1 {pack_format = #tpu.pack_format<interleaved>} : vector<32xbf16> -> vector<16xf32>
      %get3A_395 = arith.index_cast %scan3A_377 : i32 to index
      %get3A_396 = arith.constant 32 : index
      %get3A_397 = tpu.vector_load %arg12[%get3A_395, %get3A_396] {strides = array<i32>} : memref<80x128xf32, #tpu.memory_space<vmem>>, vector<16xf32>,
      %bitcast3A_398 = vector.bitcast %get3A_397 : vector<16xf32> to vector<32xbf16>
      %unpack3A_399 = tpu.unpack_subelements %bitcast3A_398, 0 {pack_format = #tpu.pack_format<interleaved>} : vector<32xbf16> -> vector<16xf32>
      %unpack3A_400 = tpu.unpack_subelements %bitcast3A_398, 1 {pack_format = #tpu.pack_format<interleaved>} : vector<32xbf16> -> vector<16xf32>
      %get3A_401 = arith.index_cast %scan3A_377 : i32 to index
      %get3A_402 = arith.constant 64 : index
      %get3A_403 = tpu.vector_load %arg11[%get3A_401, %get3A_402] {strides = array<i32>} : memref<80x128xf32, #tpu.memory_space<vmem>>, vector<16xf32>,
      %bitcast3A_404 = vector.bitcast %get3A_403 : vector<16xf32> to vector<32xbf16>
      %unpack3A_405 = tpu.unpack_subelements %bitcast3A_404, 0 {pack_format = #tpu.pack_format<interleaved>} : vector<32xbf16> -> vector<16xf32>
      %unpack3A_406 = tpu.unpack_subelements %bitcast3A_404, 1 {pack_format = #tpu.pack_format<interleaved>} : vector<32xbf16> -> vector<16xf32>
      %get3A_407 = arith.index_cast %scan3A_377 : i32 to index
      %get3A_408 = arith.constant 64 : index
      %get3A_409 = tpu.vector_load %arg12[%get3A_407, %get3A_408] {strides = array<i32>} : memref<80x128xf32, #tpu.memory_space<vmem>>, vector<16xf32>,
      %bitcast3A_410 = vector.bitcast %get3A_409 : vector<16xf32> to vector<32xbf16>
      %unpack3A_411 = tpu.unpack_subelements %bitcast3A_410, 0 {pack_format = #tpu.pack_format<interleaved>} : vector<32xbf16> -> vector<16xf32>
      %unpack3A_412 = tpu.unpack_subelements %bitcast3A_410, 1 {pack_format = #tpu.pack_format<interleaved>} : vector<32xbf16> -> vector<16xf32>
      %add3A_413 = arith.addf %unpack3A, %unpack3A_387 : vector<16xf32>
      %add3A_414 = arith.addf %unpack3A_393, %unpack3A_399 : vector<16xf32>
      %add3A_415 = arith.addf %unpack3A_405, %unpack3A_411 : vector<16xf32>
      %add3A_416 = arith.addf %unpack3A_382, %unpack3A_388 : vector<16xf32>
      %add3A_417 = arith.addf %unpack3A_394, %unpack3A_400 : vector<16xf32>
      %add3A_418 = arith.addf %unpack3A_406, %unpack3A_412 : vector<16xf32>
      %get3A_419 = arith.constant 0 : index
      %get3A_420 = tpu.vector_load %arg16[%get3A_419] {strides = array<i32>} : memref<80xf32, #tpu.memory_space<vmem>>, vector<16xf32>,
      %neg3A = arith.constant 0.000000e+00 : f32
      %neg3A_421 = vector.broadcast %neg3A : f32 to vector<16xf32>
      %neg3A_422 = arith.subf %neg3A_421, %add3A_413 : vector<16xf32>
      %exp3A = math.exp %neg3A_422 : vector<16xf32>
      %min3A = arith.constant 1.500000e+01 : f32
      %min3A_423 = vector.broadcast %min3A : f32 to vector<16xf32>
      %min3A_424 = arith.minimumf %add3A_414, %min3A_423 : vector<16xf32>
      %mul3A_425 = arith.constant 2.000000e+00 : f32
      %mul3A_426 = vector.broadcast %mul3A_425 : f32 to vector<16xf32>
      %mul3A_427 = arith.mulf %mul3A_426, %min3A_424 : vector<16xf32>
      %exp3A_428 = math.exp %mul3A_427 : vector<16xf32>
      %sub3A = arith.constant 1.000000e+00 : f32
      %sub3A_429 = vector.broadcast %sub3A : f32 to vector<16xf32>
      %sub3A_430 = arith.subf %exp3A_428, %sub3A_429 : vector<16xf32>
      %add3A_431 = arith.constant 1.000000e+00 : f32
      %add3A_432 = vector.broadcast %add3A_431 : f32 to vector<16xf32>
      %add3A_433 = arith.addf %add3A_432, %exp3A : vector<16xf32>
      %add3A_434 = arith.constant 1.000000e+00 : f32
      %add3A_435 = vector.broadcast %add3A_434 : f32 to vector<16xf32>
      %add3A_436 = arith.addf %exp3A_428, %add3A_435 : vector<16xf32>
      %mul3A_437 = arith.mulf %add3A_433, %add3A_436 : vector<16xf32>
      %div3A = arith.divf %sub3A_430, %mul3A_437 : vector<16xf32>
      %mul3A_438 = arith.constant 2.000000e+00 : f32
      %mul3A_439 = vector.broadcast %mul3A_438 : f32 to vector<16xf32>
      %mul3A_440 = arith.mulf %mul3A_439, %div3A : vector<16xf32>
      %exp3A_441 = math.exp %mul3A_440 : vector<16xf32>
      %neg3A_442 = arith.constant 0.000000e+00 : f32
      %neg3A_443 = vector.broadcast %neg3A_442 : f32 to vector<16xf32>
      %neg3A_444 = arith.subf %neg3A_443, %add3A_415 : vector<16xf32>
      %exp3A_445 = math.exp %neg3A_444 : vector<16xf32>
      %sub3A_446 = arith.constant 1.000000e+00 : f32
      %sub3A_447 = vector.broadcast %sub3A_446 : f32 to vector<16xf32>
      %sub3A_448 = arith.subf %exp3A_441, %sub3A_447 : vector<16xf32>
      %add3A_449 = arith.constant 1.000000e+00 : f32
      %add3A_450 = vector.broadcast %add3A_449 : f32 to vector<16xf32>
      %add3A_451 = arith.addf %add3A_450, %exp3A_445 : vector<16xf32>
      %add3A_452 = arith.constant 1.000000e+00 : f32
      %add3A_453 = vector.broadcast %add3A_452 : f32 to vector<16xf32>
      %add3A_454 = arith.addf %exp3A_441, %add3A_453 : vector<16xf32>
      %mul3A_455 = arith.mulf %add3A_451, %add3A_454 : vector<16xf32>
      %div3A_456 = arith.divf %sub3A_448, %mul3A_455 : vector<16xf32>
      %mul3A_457 = arith.mulf %div3A_456, %get3A_420 : vector<16xf32>
      %add3A_458 = arith.addf %broadcast_in_dim3A_379, %mul3A_457 : vector<16xf32>
      %get3A_459 = arith.constant 16 : index
      %get3A_460 = tpu.vector_load %arg16[%get3A_459] {strides = array<i32>} : memref<80xf32, #tpu.memory_space<vmem>>, vector<16xf32>,
      %neg3A_461 = arith.constant 0.000000e+00 : f32
      %neg3A_462 = vector.broadcast %neg3A_461 : f32 to vector<16xf32>
      %neg3A_463 = arith.subf %neg3A_462, %add3A_416 : vector<16xf32>
      %exp3A_464 = math.exp %neg3A_463 : vector<16xf32>
      %min3A_465 = arith.constant 1.500000e+01 : f32
      %min3A_466 = vector.broadcast %min3A_465 : f32 to vector<16xf32>
      %min3A_467 = arith.minimumf %add3A_417, %min3A_466 : vector<16xf32>
      %mul3A_468 = arith.constant 2.000000e+00 : f32
      %mul3A_469 = vector.broadcast %mul3A_468 : f32 to vector<16xf32>
      %mul3A_470 = arith.mulf %mul3A_469, %min3A_467 : vector<16xf32>
      %exp3A_471 = math.exp %mul3A_470 : vector<16xf32>
      %sub3A_472 = arith.constant 1.000000e+00 : f32
      %sub3A_473 = vector.broadcast %sub3A_472 : f32 to vector<16xf32>
      %sub3A_474 = arith.subf %exp3A_471, %sub3A_473 : vector<16xf32>
      %add3A_475 = arith.constant 1.000000e+00 : f32
      %add3A_476 = vector.broadcast %add3A_475 : f32 to vector<16xf32>
      %add3A_477 = arith.addf %add3A_476, %exp3A_464 : vector<16xf32>
      %add3A_478 = arith.constant 1.000000e+00 : f32
      %add3A_479 = vector.broadcast %add3A_478 : f32 to vector<16xf32>
      %add3A_480 = arith.addf %exp3A_471, %add3A_479 : vector<16xf32>
      %mul3A_481 = arith.mulf %add3A_477, %add3A_480 : vector<16xf32>
      %div3A_482 = arith.divf %sub3A_474, %mul3A_481 : vector<16xf32>
      %mul3A_483 = arith.constant 2.000000e+00 : f32
      %mul3A_484 = vector.broadcast %mul3A_483 : f32 to vector<16xf32>
      %mul3A_485 = arith.mulf %mul3A_484, %div3A_482 : vector<16xf32>
      %exp3A_486 = math.exp %mul3A_485 : vector<16xf32>
      %neg3A_487 = arith.constant 0.000000e+00 : f32
      %neg3A_488 = vector.broadcast %neg3A_487 : f32 to vector<16xf32>
      %neg3A_489 = arith.subf %neg3A_488, %add3A_418 : vector<16xf32>
      %exp3A_490 = math.exp %neg3A_489 : vector<16xf32>
      %sub3A_491 = arith.constant 1.000000e+00 : f32
      %sub3A_492 = vector.broadcast %sub3A_491 : f32 to vector<16xf32>
      %sub3A_493 = arith.subf %exp3A_486, %sub3A_492 : vector<16xf32>
      %add3A_494 = arith.constant 1.000000e+00 : f32
      %add3A_495 = vector.broadcast %add3A_494 : f32 to vector<16xf32>
      %add3A_496 = arith.addf %add3A_495, %exp3A_490 : vector<16xf32>
      %add3A_497 = arith.constant 1.000000e+00 : f32
      %add3A_498 = vector.broadcast %add3A_497 : f32 to vector<16xf32>
      %add3A_499 = arith.addf %exp3A_486, %add3A_498 : vector<16xf32>
      %mul3A_500 = arith.mulf %add3A_496, %add3A_499 : vector<16xf32>
      %div3A_501 = arith.divf %sub3A_493, %mul3A_500 : vector<16xf32>
      %mul3A_502 = arith.mulf %div3A_501, %get3A_460 : vector<16xf32>
      %add3A_503 = arith.addf %add3A_458, %mul3A_502 : vector<16xf32>
      %get3A_504 = arith.index_cast %scan3A_377 : i32 to index
      %get3A_505 = arith.constant 16 : index
      %get3A_506 = tpu.vector_load %arg11[%get3A_504, %get3A_505] {strides = array<i32>} : memref<80x128xf32, #tpu.memory_space<vmem>>, vector<16xf32>,
      %bitcast3A_507 = vector.bitcast %get3A_506 : vector<16xf32> to vector<32xbf16>
      %unpack3A_508 = tpu.unpack_subelements %bitcast3A_507, 0 {pack_format = #tpu.pack_format<interleaved>} : vector<32xbf16> -> vector<16xf32>
      %unpack3A_509 = tpu.unpack_subelements %bitcast3A_507, 1 {pack_format = #tpu.pack_format<interleaved>} : vector<32xbf16> -> vector<16xf32>
      %get3A_510 = arith.index_cast %scan3A_377 : i32 to index
      %get3A_511 = arith.constant 16 : index
      %get3A_512 = tpu.vector_load %arg12[%get3A_510, %get3A_511] {strides = array<i32>} : memref<80x128xf32, #tpu.memory_space<vmem>>, vector<16xf32>,
      %bitcast3A_513 = vector.bitcast %get3A_512 : vector<16xf32> to vector<32xbf16>
      %unpack3A_514 = tpu.unpack_subelements %bitcast3A_513, 0 {pack_format = #tpu.pack_format<interleaved>} : vector<32xbf16> -> vector<16xf32>
      %unpack3A_515 = tpu.unpack_subelements %bitcast3A_513, 1 {pack_format = #tpu.pack_format<interleaved>} : vector<32xbf16> -> vector<16xf32>
      %get3A_516 = arith.index_cast %scan3A_377 : i32 to index
      %get3A_517 = arith.constant 48 : index
      %get3A_518 = tpu.vector_load %arg11[%get3A_516, %get3A_517] {strides = array<i32>} : memref<80x128xf32, #tpu.memory_space<vmem>>, vector<16xf32>,
      %bitcast3A_519 = vector.bitcast %get3A_518 : vector<16xf32> to vector<32xbf16>
      %unpack3A_520 = tpu.unpack_subelements %bitcast3A_519, 0 {pack_format = #tpu.pack_format<interleaved>} : vector<32xbf16> -> vector<16xf32>
      %unpack3A_521 = tpu.unpack_subelements %bitcast3A_519, 1 {pack_format = #tpu.pack_format<interleaved>} : vector<32xbf16> -> vector<16xf32>
      %get3A_522 = arith.index_cast %scan3A_377 : i32 to index
      %get3A_523 = arith.constant 48 : index
      %get3A_524 = tpu.vector_load %arg12[%get3A_522, %get3A_523] {strides = array<i32>} : memref<80x128xf32, #tpu.memory_space<vmem>>, vector<16xf32>,
      %bitcast3A_525 = vector.bitcast %get3A_524 : vector<16xf32> to vector<32xbf16>
      %unpack3A_526 = tpu.unpack_subelements %bitcast3A_525, 0 {pack_format = #tpu.pack_format<interleaved>} : vector<32xbf16> -> vector<16xf32>
      %unpack3A_527 = tpu.unpack_subelements %bitcast3A_525, 1 {pack_format = #tpu.pack_format<interleaved>} : vector<32xbf16> -> vector<16xf32>
      %get3A_528 = arith.index_cast %scan3A_377 : i32 to index
      %get3A_529 = arith.constant 80 : index
      %get3A_530 = tpu.vector_load %arg11[%get3A_528, %get3A_529] {strides = array<i32>} : memref<80x128xf32, #tpu.memory_space<vmem>>, vector<16xf32>,
      %bitcast3A_531 = vector.bitcast %get3A_530 : vector<16xf32> to vector<32xbf16>
      %unpack3A_532 = tpu.unpack_subelements %bitcast3A_531, 0 {pack_format = #tpu.pack_format<interleaved>} : vector<32xbf16> -> vector<16xf32>
      %unpack3A_533 = tpu.unpack_subelements %bitcast3A_531, 1 {pack_format = #tpu.pack_format<interleaved>} : vector<32xbf16> -> vector<16xf32>
      %get3A_534 = arith.index_cast %scan3A_377 : i32 to index
      %get3A_535 = arith.constant 80 : index
      %get3A_536 = tpu.vector_load %arg12[%get3A_534, %get3A_535] {strides = array<i32>} : memref<80x128xf32, #tpu.memory_space<vmem>>, vector<16xf32>,
      %bitcast3A_537 = vector.bitcast %get3A_536 : vector<16xf32> to vector<32xbf16>
      %unpack3A_538 = tpu.unpack_subelements %bitcast3A_537, 0 {pack_format = #tpu.pack_format<interleaved>} : vector<32xbf16> -> vector<16xf32>
      %unpack3A_539 = tpu.unpack_subelements %bitcast3A_537, 1 {pack_format = #tpu.pack_format<interleaved>} : vector<32xbf16> -> vector<16xf32>
      %add3A_540 = arith.addf %unpack3A_508, %unpack3A_514 : vector<16xf32>
      %add3A_541 = arith.addf %unpack3A_520, %unpack3A_526 : vector<16xf32>
      %add3A_542 = arith.addf %unpack3A_532, %unpack3A_538 : vector<16xf32>
      %add3A_543 = arith.addf %unpack3A_509, %unpack3A_515 : vector<16xf32>
      %add3A_544 = arith.addf %unpack3A_521, %unpack3A_527 : vector<16xf32>
      %add3A_545 = arith.addf %unpack3A_533, %unpack3A_539 : vector<16xf32>
      %get3A_546 = arith.constant 32 : index
      %get3A_547 = tpu.vector_load %arg16[%get3A_546] {strides = array<i32>} : memref<80xf32, #tpu.memory_space<vmem>>, vector<16xf32>,
      %neg3A_548 = arith.constant 0.000000e+00 : f32
      %neg3A_549 = vector.broadcast %neg3A_548 : f32 to vector<16xf32>
      %neg3A_550 = arith.subf %neg3A_549, %add3A_540 : vector<16xf32>
      %exp3A_551 = math.exp %neg3A_550 : vector<16xf32>
      %min3A_552 = arith.constant 1.500000e+01 : f32
      %min3A_553 = vector.broadcast %min3A_552 : f32 to vector<16xf32>
      %min3A_554 = arith.minimumf %add3A_541, %min3A_553 : vector<16xf32>
      %mul3A_555 = arith.constant 2.000000e+00 : f32
      %mul3A_556 = vector.broadcast %mul3A_555 : f32 to vector<16xf32>
      %mul3A_557 = arith.mulf %mul3A_556, %min3A_554 : vector<16xf32>
      %exp3A_558 = math.exp %mul3A_557 : vector<16xf32>
      %sub3A_559 = arith.constant 1.000000e+00 : f32
      %sub3A_560 = vector.broadcast %sub3A_559 : f32 to vector<16xf32>
      %sub3A_561 = arith.subf %exp3A_558, %sub3A_560 : vector<16xf32>
      %add3A_562 = arith.constant 1.000000e+00 : f32
      %add3A_563 = vector.broadcast %add3A_562 : f32 to vector<16xf32>
      %add3A_564 = arith.addf %add3A_563, %exp3A_551 : vector<16xf32>
      %add3A_565 = arith.constant 1.000000e+00 : f32
      %add3A_566 = vector.broadcast %add3A_565 : f32 to vector<16xf32>
      %add3A_567 = arith.addf %exp3A_558, %add3A_566 : vector<16xf32>
      %mul3A_568 = arith.mulf %add3A_564, %add3A_567 : vector<16xf32>
      %div3A_569 = arith.divf %sub3A_561, %mul3A_568 : vector<16xf32>
      %mul3A_570 = arith.constant 2.000000e+00 : f32
      %mul3A_571 = vector.broadcast %mul3A_570 : f32 to vector<16xf32>
      %mul3A_572 = arith.mulf %mul3A_571, %div3A_569 : vector<16xf32>
      %exp3A_573 = math.exp %mul3A_572 : vector<16xf32>
      %neg3A_574 = arith.constant 0.000000e+00 : f32
      %neg3A_575 = vector.broadcast %neg3A_574 : f32 to vector<16xf32>
      %neg3A_576 = arith.subf %neg3A_575, %add3A_542 : vector<16xf32>
      %exp3A_577 = math.exp %neg3A_576 : vector<16xf32>
      %sub3A_578 = arith.constant 1.000000e+00 : f32
      %sub3A_579 = vector.broadcast %sub3A_578 : f32 to vector<16xf32>
      %sub3A_580 = arith.subf %exp3A_573, %sub3A_579 : vector<16xf32>
      %add3A_581 = arith.constant 1.000000e+00 : f32
      %add3A_582 = vector.broadcast %add3A_581 : f32 to vector<16xf32>
      %add3A_583 = arith.addf %add3A_582, %exp3A_577 : vector<16xf32>
      %add3A_584 = arith.constant 1.000000e+00 : f32
      %add3A_585 = vector.broadcast %add3A_584 : f32 to vector<16xf32>
      %add3A_586 = arith.addf %exp3A_573, %add3A_585 : vector<16xf32>
      %mul3A_587 = arith.mulf %add3A_583, %add3A_586 : vector<16xf32>
      %div3A_588 = arith.divf %sub3A_580, %mul3A_587 : vector<16xf32>
      %mul3A_589 = arith.mulf %div3A_588, %get3A_547 : vector<16xf32>
      %add3A_590 = arith.addf %add3A_503, %mul3A_589 : vector<16xf32>
      %get3A_591 = arith.constant 48 : index
      %get3A_592 = tpu.vector_load %arg16[%get3A_591] {strides = array<i32>} : memref<80xf32, #tpu.memory_space<vmem>>, vector<16xf32>,
      %neg3A_593 = arith.constant 0.000000e+00 : f32
      %neg3A_594 = vector.broadcast %neg3A_593 : f32 to vector<16xf32>
      %neg3A_595 = arith.subf %neg3A_594, %add3A_543 : vector<16xf32>
      %exp3A_596 = math.exp %neg3A_595 : vector<16xf32>
      %min3A_597 = arith.constant 1.500000e+01 : f32
      %min3A_598 = vector.broadcast %min3A_597 : f32 to vector<16xf32>
      %min3A_599 = arith.minimumf %add3A_544, %min3A_598 : vector<16xf32>
      %mul3A_600 = arith.constant 2.000000e+00 : f32
      %mul3A_601 = vector.broadcast %mul3A_600 : f32 to vector<16xf32>
      %mul3A_602 = arith.mulf %mul3A_601, %min3A_599 : vector<16xf32>
      %exp3A_603 = math.exp %mul3A_602 : vector<16xf32>
      %sub3A_604 = arith.constant 1.000000e+00 : f32
      %sub3A_605 = vector.broadcast %sub3A_604 : f32 to vector<16xf32>
      %sub3A_606 = arith.subf %exp3A_603, %sub3A_605 : vector<16xf32>
      %add3A_607 = arith.constant 1.000000e+00 : f32
      %add3A_608 = vector.broadcast %add3A_607 : f32 to vector<16xf32>
      %add3A_609 = arith.addf %add3A_608, %exp3A_596 : vector<16xf32>
      %add3A_610 = arith.constant 1.000000e+00 : f32
      %add3A_611 = vector.broadcast %add3A_610 : f32 to vector<16xf32>
      %add3A_612 = arith.addf %exp3A_603, %add3A_611 : vector<16xf32>
      %mul3A_613 = arith.mulf %add3A_609, %add3A_612 : vector<16xf32>
      %div3A_614 = arith.divf %sub3A_606, %mul3A_613 : vector<16xf32>
      %mul3A_615 = arith.constant 2.000000e+00 : f32
      %mul3A_616 = vector.broadcast %mul3A_615 : f32 to vector<16xf32>
      %mul3A_617 = arith.mulf %mul3A_616, %div3A_614 : vector<16xf32>
      %exp3A_618 = math.exp %mul3A_617 : vector<16xf32>
      %neg3A_619 = arith.constant 0.000000e+00 : f32
      %neg3A_620 = vector.broadcast %neg3A_619 : f32 to vector<16xf32>
      %neg3A_621 = arith.subf %neg3A_620, %add3A_545 : vector<16xf32>
      %exp3A_622 = math.exp %neg3A_621 : vector<16xf32>
      %sub3A_623 = arith.constant 1.000000e+00 : f32
      %sub3A_624 = vector.broadcast %sub3A_623 : f32 to vector<16xf32>
      %sub3A_625 = arith.subf %exp3A_618, %sub3A_624 : vector<16xf32>
      %add3A_626 = arith.constant 1.000000e+00 : f32
      %add3A_627 = vector.broadcast %add3A_626 : f32 to vector<16xf32>
      %add3A_628 = arith.addf %add3A_627, %exp3A_622 : vector<16xf32>
      %add3A_629 = arith.constant 1.000000e+00 : f32
      %add3A_630 = vector.broadcast %add3A_629 : f32 to vector<16xf32>
      %add3A_631 = arith.addf %exp3A_618, %add3A_630 : vector<16xf32>
      %mul3A_632 = arith.mulf %add3A_628, %add3A_631 : vector<16xf32>
      %div3A_633 = arith.divf %sub3A_625, %mul3A_632 : vector<16xf32>
      %mul3A_634 = arith.mulf %div3A_633, %get3A_592 : vector<16xf32>
      %add3A_635 = arith.addf %add3A_590, %mul3A_634 : vector<16xf32>
      %swap3A_636 = arith.index_cast %scan3A_377 : i32 to index
      %swap3A_637 = arith.constant 0 : index
      %swap3A_638 = tpu.vector_load %arg15[%swap3A_636, %swap3A_637] {strides = array<i32>} : memref<80x17xf32, #tpu.memory_space<vmem>>, vector<16xf32>,
      tpu.vector_store %arg15[%swap3A_636, %swap3A_637], %add3A_635 {strides = array<i32>} : memref<80x17xf32, #tpu.memory_space<vmem>>, vector<16xf32>,
    }
    %scan3A_32 = arith.constant 80 : i32
    %broadcast_in_dim3A_33 = arith.constant 0 : i32
    %broadcast_in_dim3A_34 = vector.broadcast %broadcast_in_dim3A_33 : i32 to vector<16xi32>
    %add3A_35 = arith.addi %broadcast_in_dim3A_34, %iota3A : vector<16xi32>
    %broadcast_in_dim3A_36 = arith.constant 0 : i32
    %broadcast_in_dim3A_37 = vector.broadcast %broadcast_in_dim3A_36 : i32 to vector<16xi32>
    %gather3A_38 = tpu.vector_load_idx %arg15[%add3A_35, %broadcast_in_dim3A_37] : memref<80x17xf32, #tpu.memory_space<vmem>>[vector<16xi32>, vector<16xi32>], vector<16xf32>,
    %add3A_39 = arith.addf %gather3A, %gather3A_38 : vector<16xf32>
    %broadcast_in_dim3A_40 = arith.constant 1 : i32
    %broadcast_in_dim3A_41 = vector.broadcast %broadcast_in_dim3A_40 : i32 to vector<16xi32>
    %gather3A_42 = tpu.vector_load_idx %arg15[%add3A_35, %broadcast_in_dim3A_41] : memref<80x17xf32, #tpu.memory_space<vmem>>[vector<16xi32>, vector<16xi32>], vector<16xf32>,
    %add3A_43 = arith.addf %add3A_39, %gather3A_42 : vector<16xf32>
    %broadcast_in_dim3A_44 = arith.constant 2 : i32
    %broadcast_in_dim3A_45 = vector.broadcast %broadcast_in_dim3A_44 : i32 to vector<16xi32>
    %gather3A_46 = tpu.vector_load_idx %arg15[%add3A_35, %broadcast_in_dim3A_45] : memref<80x17xf32, #tpu.memory_space<vmem>>[vector<16xi32>, vector<16xi32>], vector<16xf32>,
    %add3A_47 = arith.addf %add3A_43, %gather3A_46 : vector<16xf32>
    %broadcast_in_dim3A_48 = arith.constant 3 : i32
    %broadcast_in_dim3A_49 = vector.broadcast %broadcast_in_dim3A_48 : i32 to vector<16xi32>
    %gather3A_50 = tpu.vector_load_idx %arg15[%add3A_35, %broadcast_in_dim3A_49] : memref<80x17xf32, #tpu.memory_space<vmem>>[vector<16xi32>, vector<16xi32>], vector<16xf32>,
    %add3A_51 = arith.addf %add3A_47, %gather3A_50 : vector<16xf32>
    %broadcast_in_dim3A_52 = arith.constant 4 : i32
    %broadcast_in_dim3A_53 = vector.broadcast %broadcast_in_dim3A_52 : i32 to vector<16xi32>
    %gather3A_54 = tpu.vector_load_idx %arg15[%add3A_35, %broadcast_in_dim3A_53] : memref<80x17xf32, #tpu.memory_space<vmem>>[vector<16xi32>, vector<16xi32>], vector<16xf32>,
    %add3A_55 = arith.addf %add3A_51, %gather3A_54 : vector<16xf32>
    %broadcast_in_dim3A_56 = arith.constant 5 : i32
    %broadcast_in_dim3A_57 = vector.broadcast %broadcast_in_dim3A_56 : i32 to vector<16xi32>
    %gather3A_58 = tpu.vector_load_idx %arg15[%add3A_35, %broadcast_in_dim3A_57] : memref<80x17xf32, #tpu.memory_space<vmem>>[vector<16xi32>, vector<16xi32>], vector<16xf32>,
    %add3A_59 = arith.addf %add3A_55, %gather3A_58 : vector<16xf32>
    %broadcast_in_dim3A_60 = arith.constant 6 : i32
    %broadcast_in_dim3A_61 = vector.broadcast %broadcast_in_dim3A_60 : i32 to vector<16xi32>
    %gather3A_62 = tpu.vector_load_idx %arg15[%add3A_35, %broadcast_in_dim3A_61] : memref<80x17xf32, #tpu.memory_space<vmem>>[vector<16xi32>, vector<16xi32>], vector<16xf32>,
    %add3A_63 = arith.addf %add3A_59, %gather3A_62 : vector<16xf32>
    %broadcast_in_dim3A_64 = arith.constant 7 : i32
    %broadcast_in_dim3A_65 = vector.broadcast %broadcast_in_dim3A_64 : i32 to vector<16xi32>
    %gather3A_66 = tpu.vector_load_idx %arg15[%add3A_35, %broadcast_in_dim3A_65] : memref<80x17xf32, #tpu.memory_space<vmem>>[vector<16xi32>, vector<16xi32>], vector<16xf32>,
    %add3A_67 = arith.addf %add3A_63, %gather3A_66 : vector<16xf32>
    %broadcast_in_dim3A_68 = arith.constant 8 : i32
    %broadcast_in_dim3A_69 = vector.broadcast %broadcast_in_dim3A_68 : i32 to vector<16xi32>
    %gather3A_70 = tpu.vector_load_idx %arg15[%add3A_35, %broadcast_in_dim3A_69] : memref<80x17xf32, #tpu.memory_space<vmem>>[vector<16xi32>, vector<16xi32>], vector<16xf32>,
    %add3A_71 = arith.addf %add3A_67, %gather3A_70 : vector<16xf32>
    %broadcast_in_dim3A_72 = arith.constant 9 : i32
    %broadcast_in_dim3A_73 = vector.broadcast %broadcast_in_dim3A_72 : i32 to vector<16xi32>
    %gather3A_74 = tpu.vector_load_idx %arg15[%add3A_35, %broadcast_in_dim3A_73] : memref<80x17xf32, #tpu.memory_space<vmem>>[vector<16xi32>, vector<16xi32>], vector<16xf32>,
    %add3A_75 = arith.addf %add3A_71, %gather3A_74 : vector<16xf32>
    %broadcast_in_dim3A_76 = arith.constant 10 : i32
    %broadcast_in_dim3A_77 = vector.broadcast %broadcast_in_dim3A_76 : i32 to vector<16xi32>
    %gather3A_78 = tpu.vector_load_idx %arg15[%add3A_35, %broadcast_in_dim3A_77] : memref<80x17xf32, #tpu.memory_space<vmem>>[vector<16xi32>, vector<16xi32>], vector<16xf32>,
    %add3A_79 = arith.addf %add3A_75, %gather3A_78 : vector<16xf32>
    %broadcast_in_dim3A_80 = arith.constant 11 : i32
    %broadcast_in_dim3A_81 = vector.broadcast %broadcast_in_dim3A_80 : i32 to vector<16xi32>
    %gather3A_82 = tpu.vector_load_idx %arg15[%add3A_35, %broadcast_in_dim3A_81] : memref<80x17xf32, #tpu.memory_space<vmem>>[vector<16xi32>, vector<16xi32>], vector<16xf32>,
    %add3A_83 = arith.addf %add3A_79, %gather3A_82 : vector<16xf32>
    %broadcast_in_dim3A_84 = arith.constant 12 : i32
    %broadcast_in_dim3A_85 = vector.broadcast %broadcast_in_dim3A_84 : i32 to vector<16xi32>
    %gather3A_86 = tpu.vector_load_idx %arg15[%add3A_35, %broadcast_in_dim3A_85] : memref<80x17xf32, #tpu.memory_space<vmem>>[vector<16xi32>, vector<16xi32>], vector<16xf32>,
    %add3A_87 = arith.addf %add3A_83, %gather3A_86 : vector<16xf32>
    %broadcast_in_dim3A_88 = arith.constant 13 : i32
    %broadcast_in_dim3A_89 = vector.broadcast %broadcast_in_dim3A_88 : i32 to vector<16xi32>
    %gather3A_90 = tpu.vector_load_idx %arg15[%add3A_35, %broadcast_in_dim3A_89] : memref<80x17xf32, #tpu.memory_space<vmem>>[vector<16xi32>, vector<16xi32>], vector<16xf32>,
    %add3A_91 = arith.addf %add3A_87, %gather3A_90 : vector<16xf32>
    %broadcast_in_dim3A_92 = arith.constant 14 : i32
    %broadcast_in_dim3A_93 = vector.broadcast %broadcast_in_dim3A_92 : i32 to vector<16xi32>
    %gather3A_94 = tpu.vector_load_idx %arg15[%add3A_35, %broadcast_in_dim3A_93] : memref<80x17xf32, #tpu.memory_space<vmem>>[vector<16xi32>, vector<16xi32>], vector<16xf32>,
    %add3A_95 = arith.addf %add3A_91, %gather3A_94 : vector<16xf32>
    %broadcast_in_dim3A_96 = arith.constant 15 : i32
    %broadcast_in_dim3A_97 = vector.broadcast %broadcast_in_dim3A_96 : i32 to vector<16xi32>
    %gather3A_98 = tpu.vector_load_idx %arg15[%add3A_35, %broadcast_in_dim3A_97] : memref<80x17xf32, #tpu.memory_space<vmem>>[vector<16xi32>, vector<16xi32>], vector<16xf32>,
    %add3A_99 = arith.addf %add3A_95, %gather3A_98 : vector<16xf32>
    %swap3A = arith.constant 9920 : index
    %swap3A_100 = tpu.vector_load %arg10[%swap3A] {strides = array<i32>} : memref<10000xf32, #tpu.memory_space<vmem>>, vector<16xf32>,
    tpu.vector_store %arg10[%swap3A], %add3A_99 {strides = array<i32>} : memref<10000xf32, #tpu.memory_space<vmem>>, vector<16xf32>,
    %broadcast_in_dim3A_101 = arith.constant 16 : i32
    %broadcast_in_dim3A_102 = vector.broadcast %broadcast_in_dim3A_101 : i32 to vector<16xi32>
    %add3A_103 = arith.addi %broadcast_in_dim3A_102, %iota3A : vector<16xi32>
    %broadcast_in_dim3A_104 = arith.constant 0 : i32
    %broadcast_in_dim3A_105 = vector.broadcast %broadcast_in_dim3A_104 : i32 to vector<16xi32>
    %gather3A_106 = tpu.vector_load_idx %arg15[%add3A_103, %broadcast_in_dim3A_105] : memref<80x17xf32, #tpu.memory_space<vmem>>[vector<16xi32>, vector<16xi32>], vector<16xf32>,
    %add3A_107 = arith.addf %gather3A, %gather3A_106 : vector<16xf32>
    %broadcast_in_dim3A_108 = arith.constant 1 : i32
    %broadcast_in_dim3A_109 = vector.broadcast %broadcast_in_dim3A_108 : i32 to vector<16xi32>
    %gather3A_110 = tpu.vector_load_idx %arg15[%add3A_103, %broadcast_in_dim3A_109] : memref<80x17xf32, #tpu.memory_space<vmem>>[vector<16xi32>, vector<16xi32>], vector<16xf32>,
    %add3A_111 = arith.addf %add3A_107, %gather3A_110 : vector<16xf32>
    %broadcast_in_dim3A_112 = arith.constant 2 : i32
    %broadcast_in_dim3A_113 = vector.broadcast %broadcast_in_dim3A_112 : i32 to vector<16xi32>
    %gather3A_114 = tpu.vector_load_idx %arg15[%add3A_103, %broadcast_in_dim3A_113] : memref<80x17xf32, #tpu.memory_space<vmem>>[vector<16xi32>, vector<16xi32>], vector<16xf32>,
    %add3A_115 = arith.addf %add3A_111, %gather3A_114 : vector<16xf32>
    %broadcast_in_dim3A_116 = arith.constant 3 : i32
    %broadcast_in_dim3A_117 = vector.broadcast %broadcast_in_dim3A_116 : i32 to vector<16xi32>
    %gather3A_118 = tpu.vector_load_idx %arg15[%add3A_103, %broadcast_in_dim3A_117] : memref<80x17xf32, #tpu.memory_space<vmem>>[vector<16xi32>, vector<16xi32>], vector<16xf32>,
    %add3A_119 = arith.addf %add3A_115, %gather3A_118 : vector<16xf32>
    %broadcast_in_dim3A_120 = arith.constant 4 : i32
    %broadcast_in_dim3A_121 = vector.broadcast %broadcast_in_dim3A_120 : i32 to vector<16xi32>
    %gather3A_122 = tpu.vector_load_idx %arg15[%add3A_103, %broadcast_in_dim3A_121] : memref<80x17xf32, #tpu.memory_space<vmem>>[vector<16xi32>, vector<16xi32>], vector<16xf32>,
    %add3A_123 = arith.addf %add3A_119, %gather3A_122 : vector<16xf32>
    %broadcast_in_dim3A_124 = arith.constant 5 : i32
    %broadcast_in_dim3A_125 = vector.broadcast %broadcast_in_dim3A_124 : i32 to vector<16xi32>
    %gather3A_126 = tpu.vector_load_idx %arg15[%add3A_103, %broadcast_in_dim3A_125] : memref<80x17xf32, #tpu.memory_space<vmem>>[vector<16xi32>, vector<16xi32>], vector<16xf32>,
    %add3A_127 = arith.addf %add3A_123, %gather3A_126 : vector<16xf32>
    %broadcast_in_dim3A_128 = arith.constant 6 : i32
    %broadcast_in_dim3A_129 = vector.broadcast %broadcast_in_dim3A_128 : i32 to vector<16xi32>
    %gather3A_130 = tpu.vector_load_idx %arg15[%add3A_103, %broadcast_in_dim3A_129] : memref<80x17xf32, #tpu.memory_space<vmem>>[vector<16xi32>, vector<16xi32>], vector<16xf32>,
    %add3A_131 = arith.addf %add3A_127, %gather3A_130 : vector<16xf32>
    %broadcast_in_dim3A_132 = arith.constant 7 : i32
    %broadcast_in_dim3A_133 = vector.broadcast %broadcast_in_dim3A_132 : i32 to vector<16xi32>
    %gather3A_134 = tpu.vector_load_idx %arg15[%add3A_103, %broadcast_in_dim3A_133] : memref<80x17xf32, #tpu.memory_space<vmem>>[vector<16xi32>, vector<16xi32>], vector<16xf32>,
    %add3A_135 = arith.addf %add3A_131, %gather3A_134 : vector<16xf32>
    %broadcast_in_dim3A_136 = arith.constant 8 : i32
    %broadcast_in_dim3A_137 = vector.broadcast %broadcast_in_dim3A_136 : i32 to vector<16xi32>
    %gather3A_138 = tpu.vector_load_idx %arg15[%add3A_103, %broadcast_in_dim3A_137] : memref<80x17xf32, #tpu.memory_space<vmem>>[vector<16xi32>, vector<16xi32>], vector<16xf32>,
    %add3A_139 = arith.addf %add3A_135, %gather3A_138 : vector<16xf32>
    %broadcast_in_dim3A_140 = arith.constant 9 : i32
    %broadcast_in_dim3A_141 = vector.broadcast %broadcast_in_dim3A_140 : i32 to vector<16xi32>
    %gather3A_142 = tpu.vector_load_idx %arg15[%add3A_103, %broadcast_in_dim3A_141] : memref<80x17xf32, #tpu.memory_space<vmem>>[vector<16xi32>, vector<16xi32>], vector<16xf32>,
    %add3A_143 = arith.addf %add3A_139, %gather3A_142 : vector<16xf32>
    %broadcast_in_dim3A_144 = arith.constant 10 : i32
    %broadcast_in_dim3A_145 = vector.broadcast %broadcast_in_dim3A_144 : i32 to vector<16xi32>
    %gather3A_146 = tpu.vector_load_idx %arg15[%add3A_103, %broadcast_in_dim3A_145] : memref<80x17xf32, #tpu.memory_space<vmem>>[vector<16xi32>, vector<16xi32>], vector<16xf32>,
    %add3A_147 = arith.addf %add3A_143, %gather3A_146 : vector<16xf32>
    %broadcast_in_dim3A_148 = arith.constant 11 : i32
    %broadcast_in_dim3A_149 = vector.broadcast %broadcast_in_dim3A_148 : i32 to vector<16xi32>
    %gather3A_150 = tpu.vector_load_idx %arg15[%add3A_103, %broadcast_in_dim3A_149] : memref<80x17xf32, #tpu.memory_space<vmem>>[vector<16xi32>, vector<16xi32>], vector<16xf32>,
    %add3A_151 = arith.addf %add3A_147, %gather3A_150 : vector<16xf32>
    %broadcast_in_dim3A_152 = arith.constant 12 : i32
    %broadcast_in_dim3A_153 = vector.broadcast %broadcast_in_dim3A_152 : i32 to vector<16xi32>
    %gather3A_154 = tpu.vector_load_idx %arg15[%add3A_103, %broadcast_in_dim3A_153] : memref<80x17xf32, #tpu.memory_space<vmem>>[vector<16xi32>, vector<16xi32>], vector<16xf32>,
    %add3A_155 = arith.addf %add3A_151, %gather3A_154 : vector<16xf32>
    %broadcast_in_dim3A_156 = arith.constant 13 : i32
    %broadcast_in_dim3A_157 = vector.broadcast %broadcast_in_dim3A_156 : i32 to vector<16xi32>
    %gather3A_158 = tpu.vector_load_idx %arg15[%add3A_103, %broadcast_in_dim3A_157] : memref<80x17xf32, #tpu.memory_space<vmem>>[vector<16xi32>, vector<16xi32>], vector<16xf32>,
    %add3A_159 = arith.addf %add3A_155, %gather3A_158 : vector<16xf32>
    %broadcast_in_dim3A_160 = arith.constant 14 : i32
    %broadcast_in_dim3A_161 = vector.broadcast %broadcast_in_dim3A_160 : i32 to vector<16xi32>
    %gather3A_162 = tpu.vector_load_idx %arg15[%add3A_103, %broadcast_in_dim3A_161] : memref<80x17xf32, #tpu.memory_space<vmem>>[vector<16xi32>, vector<16xi32>], vector<16xf32>,
    %add3A_163 = arith.addf %add3A_159, %gather3A_162 : vector<16xf32>
    %broadcast_in_dim3A_164 = arith.constant 15 : i32
    %broadcast_in_dim3A_165 = vector.broadcast %broadcast_in_dim3A_164 : i32 to vector<16xi32>
    %gather3A_166 = tpu.vector_load_idx %arg15[%add3A_103, %broadcast_in_dim3A_165] : memref<80x17xf32, #tpu.memory_space<vmem>>[vector<16xi32>, vector<16xi32>], vector<16xf32>,
    %add3A_167 = arith.addf %add3A_163, %gather3A_166 : vector<16xf32>
    %swap3A_168 = arith.constant 9936 : index
    %swap3A_169 = tpu.vector_load %arg10[%swap3A_168] {strides = array<i32>} : memref<10000xf32, #tpu.memory_space<vmem>>, vector<16xf32>,
    tpu.vector_store %arg10[%swap3A_168], %add3A_167 {strides = array<i32>} : memref<10000xf32, #tpu.memory_space<vmem>>, vector<16xf32>,
    %broadcast_in_dim3A_170 = arith.constant 32 : i32
    %broadcast_in_dim3A_171 = vector.broadcast %broadcast_in_dim3A_170 : i32 to vector<16xi32>
    %add3A_172 = arith.addi %broadcast_in_dim3A_171, %iota3A : vector<16xi32>
    %broadcast_in_dim3A_173 = arith.constant 0 : i32
    %broadcast_in_dim3A_174 = vector.broadcast %broadcast_in_dim3A_173 : i32 to vector<16xi32>
    %gather3A_175 = tpu.vector_load_idx %arg15[%add3A_172, %broadcast_in_dim3A_174] : memref<80x17xf32, #tpu.memory_space<vmem>>[vector<16xi32>, vector<16xi32>], vector<16xf32>,
    %add3A_176 = arith.addf %gather3A, %gather3A_175 : vector<16xf32>
    %broadcast_in_dim3A_177 = arith.constant 1 : i32
    %broadcast_in_dim3A_178 = vector.broadcast %broadcast_in_dim3A_177 : i32 to vector<16xi32>
    %gather3A_179 = tpu.vector_load_idx %arg15[%add3A_172, %broadcast_in_dim3A_178] : memref<80x17xf32, #tpu.memory_space<vmem>>[vector<16xi32>, vector<16xi32>], vector<16xf32>,
    %add3A_180 = arith.addf %add3A_176, %gather3A_179 : vector<16xf32>
    %broadcast_in_dim3A_181 = arith.constant 2 : i32
    %broadcast_in_dim3A_182 = vector.broadcast %broadcast_in_dim3A_181 : i32 to vector<16xi32>
    %gather3A_183 = tpu.vector_load_idx %arg15[%add3A_172, %broadcast_in_dim3A_182] : memref<80x17xf32, #tpu.memory_space<vmem>>[vector<16xi32>, vector<16xi32>], vector<16xf32>,
    %add3A_184 = arith.addf %add3A_180, %gather3A_183 : vector<16xf32>
    %broadcast_in_dim3A_185 = arith.constant 3 : i32
    %broadcast_in_dim3A_186 = vector.broadcast %broadcast_in_dim3A_185 : i32 to vector<16xi32>
    %gather3A_187 = tpu.vector_load_idx %arg15[%add3A_172, %broadcast_in_dim3A_186] : memref<80x17xf32, #tpu.memory_space<vmem>>[vector<16xi32>, vector<16xi32>], vector<16xf32>,
    %add3A_188 = arith.addf %add3A_184, %gather3A_187 : vector<16xf32>
    %broadcast_in_dim3A_189 = arith.constant 4 : i32
    %broadcast_in_dim3A_190 = vector.broadcast %broadcast_in_dim3A_189 : i32 to vector<16xi32>
    %gather3A_191 = tpu.vector_load_idx %arg15[%add3A_172, %broadcast_in_dim3A_190] : memref<80x17xf32, #tpu.memory_space<vmem>>[vector<16xi32>, vector<16xi32>], vector<16xf32>,
    %add3A_192 = arith.addf %add3A_188, %gather3A_191 : vector<16xf32>
    %broadcast_in_dim3A_193 = arith.constant 5 : i32
    %broadcast_in_dim3A_194 = vector.broadcast %broadcast_in_dim3A_193 : i32 to vector<16xi32>
    %gather3A_195 = tpu.vector_load_idx %arg15[%add3A_172, %broadcast_in_dim3A_194] : memref<80x17xf32, #tpu.memory_space<vmem>>[vector<16xi32>, vector<16xi32>], vector<16xf32>,
    %add3A_196 = arith.addf %add3A_192, %gather3A_195 : vector<16xf32>
    %broadcast_in_dim3A_197 = arith.constant 6 : i32
    %broadcast_in_dim3A_198 = vector.broadcast %broadcast_in_dim3A_197 : i32 to vector<16xi32>
    %gather3A_199 = tpu.vector_load_idx %arg15[%add3A_172, %broadcast_in_dim3A_198] : memref<80x17xf32, #tpu.memory_space<vmem>>[vector<16xi32>, vector<16xi32>], vector<16xf32>,
    %add3A_200 = arith.addf %add3A_196, %gather3A_199 : vector<16xf32>
    %broadcast_in_dim3A_201 = arith.constant 7 : i32
    %broadcast_in_dim3A_202 = vector.broadcast %broadcast_in_dim3A_201 : i32 to vector<16xi32>
    %gather3A_203 = tpu.vector_load_idx %arg15[%add3A_172, %broadcast_in_dim3A_202] : memref<80x17xf32, #tpu.memory_space<vmem>>[vector<16xi32>, vector<16xi32>], vector<16xf32>,
    %add3A_204 = arith.addf %add3A_200, %gather3A_203 : vector<16xf32>
    %broadcast_in_dim3A_205 = arith.constant 8 : i32
    %broadcast_in_dim3A_206 = vector.broadcast %broadcast_in_dim3A_205 : i32 to vector<16xi32>
    %gather3A_207 = tpu.vector_load_idx %arg15[%add3A_172, %broadcast_in_dim3A_206] : memref<80x17xf32, #tpu.memory_space<vmem>>[vector<16xi32>, vector<16xi32>], vector<16xf32>,
    %add3A_208 = arith.addf %add3A_204, %gather3A_207 : vector<16xf32>
    %broadcast_in_dim3A_209 = arith.constant 9 : i32
    %broadcast_in_dim3A_210 = vector.broadcast %broadcast_in_dim3A_209 : i32 to vector<16xi32>
    %gather3A_211 = tpu.vector_load_idx %arg15[%add3A_172, %broadcast_in_dim3A_210] : memref<80x17xf32, #tpu.memory_space<vmem>>[vector<16xi32>, vector<16xi32>], vector<16xf32>,
    %add3A_212 = arith.addf %add3A_208, %gather3A_211 : vector<16xf32>
    %broadcast_in_dim3A_213 = arith.constant 10 : i32
    %broadcast_in_dim3A_214 = vector.broadcast %broadcast_in_dim3A_213 : i32 to vector<16xi32>
    %gather3A_215 = tpu.vector_load_idx %arg15[%add3A_172, %broadcast_in_dim3A_214] : memref<80x17xf32, #tpu.memory_space<vmem>>[vector<16xi32>, vector<16xi32>], vector<16xf32>,
    %add3A_216 = arith.addf %add3A_212, %gather3A_215 : vector<16xf32>
    %broadcast_in_dim3A_217 = arith.constant 11 : i32
    %broadcast_in_dim3A_218 = vector.broadcast %broadcast_in_dim3A_217 : i32 to vector<16xi32>
    %gather3A_219 = tpu.vector_load_idx %arg15[%add3A_172, %broadcast_in_dim3A_218] : memref<80x17xf32, #tpu.memory_space<vmem>>[vector<16xi32>, vector<16xi32>], vector<16xf32>,
    %add3A_220 = arith.addf %add3A_216, %gather3A_219 : vector<16xf32>
    %broadcast_in_dim3A_221 = arith.constant 12 : i32
    %broadcast_in_dim3A_222 = vector.broadcast %broadcast_in_dim3A_221 : i32 to vector<16xi32>
    %gather3A_223 = tpu.vector_load_idx %arg15[%add3A_172, %broadcast_in_dim3A_222] : memref<80x17xf32, #tpu.memory_space<vmem>>[vector<16xi32>, vector<16xi32>], vector<16xf32>,
    %add3A_224 = arith.addf %add3A_220, %gather3A_223 : vector<16xf32>
    %broadcast_in_dim3A_225 = arith.constant 13 : i32
    %broadcast_in_dim3A_226 = vector.broadcast %broadcast_in_dim3A_225 : i32 to vector<16xi32>
    %gather3A_227 = tpu.vector_load_idx %arg15[%add3A_172, %broadcast_in_dim3A_226] : memref<80x17xf32, #tpu.memory_space<vmem>>[vector<16xi32>, vector<16xi32>], vector<16xf32>,
    %add3A_228 = arith.addf %add3A_224, %gather3A_227 : vector<16xf32>
    %broadcast_in_dim3A_229 = arith.constant 14 : i32
    %broadcast_in_dim3A_230 = vector.broadcast %broadcast_in_dim3A_229 : i32 to vector<16xi32>
    %gather3A_231 = tpu.vector_load_idx %arg15[%add3A_172, %broadcast_in_dim3A_230] : memref<80x17xf32, #tpu.memory_space<vmem>>[vector<16xi32>, vector<16xi32>], vector<16xf32>,
    %add3A_232 = arith.addf %add3A_228, %gather3A_231 : vector<16xf32>
    %broadcast_in_dim3A_233 = arith.constant 15 : i32
    %broadcast_in_dim3A_234 = vector.broadcast %broadcast_in_dim3A_233 : i32 to vector<16xi32>
    %gather3A_235 = tpu.vector_load_idx %arg15[%add3A_172, %broadcast_in_dim3A_234] : memref<80x17xf32, #tpu.memory_space<vmem>>[vector<16xi32>, vector<16xi32>], vector<16xf32>,
    %add3A_236 = arith.addf %add3A_232, %gather3A_235 : vector<16xf32>
    %swap3A_237 = arith.constant 9952 : index
    %swap3A_238 = tpu.vector_load %arg10[%swap3A_237] {strides = array<i32>} : memref<10000xf32, #tpu.memory_space<vmem>>, vector<16xf32>,
    tpu.vector_store %arg10[%swap3A_237], %add3A_236 {strides = array<i32>} : memref<10000xf32, #tpu.memory_space<vmem>>, vector<16xf32>,
    %broadcast_in_dim3A_239 = arith.constant 48 : i32
    %broadcast_in_dim3A_240 = vector.broadcast %broadcast_in_dim3A_239 : i32 to vector<16xi32>
    %add3A_241 = arith.addi %broadcast_in_dim3A_240, %iota3A : vector<16xi32>
    %broadcast_in_dim3A_242 = arith.constant 0 : i32
    %broadcast_in_dim3A_243 = vector.broadcast %broadcast_in_dim3A_242 : i32 to vector<16xi32>
    %gather3A_244 = tpu.vector_load_idx %arg15[%add3A_241, %broadcast_in_dim3A_243] : memref<80x17xf32, #tpu.memory_space<vmem>>[vector<16xi32>, vector<16xi32>], vector<16xf32>,
    %add3A_245 = arith.addf %gather3A, %gather3A_244 : vector<16xf32>
    %broadcast_in_dim3A_246 = arith.constant 1 : i32
    %broadcast_in_dim3A_247 = vector.broadcast %broadcast_in_dim3A_246 : i32 to vector<16xi32>
    %gather3A_248 = tpu.vector_load_idx %arg15[%add3A_241, %broadcast_in_dim3A_247] : memref<80x17xf32, #tpu.memory_space<vmem>>[vector<16xi32>, vector<16xi32>], vector<16xf32>,
    %add3A_249 = arith.addf %add3A_245, %gather3A_248 : vector<16xf32>
    %broadcast_in_dim3A_250 = arith.constant 2 : i32
    %broadcast_in_dim3A_251 = vector.broadcast %broadcast_in_dim3A_250 : i32 to vector<16xi32>
    %gather3A_252 = tpu.vector_load_idx %arg15[%add3A_241, %broadcast_in_dim3A_251] : memref<80x17xf32, #tpu.memory_space<vmem>>[vector<16xi32>, vector<16xi32>], vector<16xf32>,
    %add3A_253 = arith.addf %add3A_249, %gather3A_252 : vector<16xf32>
    %broadcast_in_dim3A_254 = arith.constant 3 : i32
    %broadcast_in_dim3A_255 = vector.broadcast %broadcast_in_dim3A_254 : i32 to vector<16xi32>
    %gather3A_256 = tpu.vector_load_idx %arg15[%add3A_241, %broadcast_in_dim3A_255] : memref<80x17xf32, #tpu.memory_space<vmem>>[vector<16xi32>, vector<16xi32>], vector<16xf32>,
    %add3A_257 = arith.addf %add3A_253, %gather3A_256 : vector<16xf32>
    %broadcast_in_dim3A_258 = arith.constant 4 : i32
    %broadcast_in_dim3A_259 = vector.broadcast %broadcast_in_dim3A_258 : i32 to vector<16xi32>
    %gather3A_260 = tpu.vector_load_idx %arg15[%add3A_241, %broadcast_in_dim3A_259] : memref<80x17xf32, #tpu.memory_space<vmem>>[vector<16xi32>, vector<16xi32>], vector<16xf32>,
    %add3A_261 = arith.addf %add3A_257, %gather3A_260 : vector<16xf32>
    %broadcast_in_dim3A_262 = arith.constant 5 : i32
    %broadcast_in_dim3A_263 = vector.broadcast %broadcast_in_dim3A_262 : i32 to vector<16xi32>
    %gather3A_264 = tpu.vector_load_idx %arg15[%add3A_241, %broadcast_in_dim3A_263] : memref<80x17xf32, #tpu.memory_space<vmem>>[vector<16xi32>, vector<16xi32>], vector<16xf32>,
    %add3A_265 = arith.addf %add3A_261, %gather3A_264 : vector<16xf32>
    %broadcast_in_dim3A_266 = arith.constant 6 : i32
    %broadcast_in_dim3A_267 = vector.broadcast %broadcast_in_dim3A_266 : i32 to vector<16xi32>
    %gather3A_268 = tpu.vector_load_idx %arg15[%add3A_241, %broadcast_in_dim3A_267] : memref<80x17xf32, #tpu.memory_space<vmem>>[vector<16xi32>, vector<16xi32>], vector<16xf32>,
    %add3A_269 = arith.addf %add3A_265, %gather3A_268 : vector<16xf32>
    %broadcast_in_dim3A_270 = arith.constant 7 : i32
    %broadcast_in_dim3A_271 = vector.broadcast %broadcast_in_dim3A_270 : i32 to vector<16xi32>
    %gather3A_272 = tpu.vector_load_idx %arg15[%add3A_241, %broadcast_in_dim3A_271] : memref<80x17xf32, #tpu.memory_space<vmem>>[vector<16xi32>, vector<16xi32>], vector<16xf32>,
    %add3A_273 = arith.addf %add3A_269, %gather3A_272 : vector<16xf32>
    %broadcast_in_dim3A_274 = arith.constant 8 : i32
    %broadcast_in_dim3A_275 = vector.broadcast %broadcast_in_dim3A_274 : i32 to vector<16xi32>
    %gather3A_276 = tpu.vector_load_idx %arg15[%add3A_241, %broadcast_in_dim3A_275] : memref<80x17xf32, #tpu.memory_space<vmem>>[vector<16xi32>, vector<16xi32>], vector<16xf32>,
    %add3A_277 = arith.addf %add3A_273, %gather3A_276 : vector<16xf32>
    %broadcast_in_dim3A_278 = arith.constant 9 : i32
    %broadcast_in_dim3A_279 = vector.broadcast %broadcast_in_dim3A_278 : i32 to vector<16xi32>
    %gather3A_280 = tpu.vector_load_idx %arg15[%add3A_241, %broadcast_in_dim3A_279] : memref<80x17xf32, #tpu.memory_space<vmem>>[vector<16xi32>, vector<16xi32>], vector<16xf32>,
    %add3A_281 = arith.addf %add3A_277, %gather3A_280 : vector<16xf32>
    %broadcast_in_dim3A_282 = arith.constant 10 : i32
    %broadcast_in_dim3A_283 = vector.broadcast %broadcast_in_dim3A_282 : i32 to vector<16xi32>
    %gather3A_284 = tpu.vector_load_idx %arg15[%add3A_241, %broadcast_in_dim3A_283] : memref<80x17xf32, #tpu.memory_space<vmem>>[vector<16xi32>, vector<16xi32>], vector<16xf32>,
    %add3A_285 = arith.addf %add3A_281, %gather3A_284 : vector<16xf32>
    %broadcast_in_dim3A_286 = arith.constant 11 : i32
    %broadcast_in_dim3A_287 = vector.broadcast %broadcast_in_dim3A_286 : i32 to vector<16xi32>
    %gather3A_288 = tpu.vector_load_idx %arg15[%add3A_241, %broadcast_in_dim3A_287] : memref<80x17xf32, #tpu.memory_space<vmem>>[vector<16xi32>, vector<16xi32>], vector<16xf32>,
    %add3A_289 = arith.addf %add3A_285, %gather3A_288 : vector<16xf32>
    %broadcast_in_dim3A_290 = arith.constant 12 : i32
    %broadcast_in_dim3A_291 = vector.broadcast %broadcast_in_dim3A_290 : i32 to vector<16xi32>
    %gather3A_292 = tpu.vector_load_idx %arg15[%add3A_241, %broadcast_in_dim3A_291] : memref<80x17xf32, #tpu.memory_space<vmem>>[vector<16xi32>, vector<16xi32>], vector<16xf32>,
    %add3A_293 = arith.addf %add3A_289, %gather3A_292 : vector<16xf32>
    %broadcast_in_dim3A_294 = arith.constant 13 : i32
    %broadcast_in_dim3A_295 = vector.broadcast %broadcast_in_dim3A_294 : i32 to vector<16xi32>
    %gather3A_296 = tpu.vector_load_idx %arg15[%add3A_241, %broadcast_in_dim3A_295] : memref<80x17xf32, #tpu.memory_space<vmem>>[vector<16xi32>, vector<16xi32>], vector<16xf32>,
    %add3A_297 = arith.addf %add3A_293, %gather3A_296 : vector<16xf32>
    %broadcast_in_dim3A_298 = arith.constant 14 : i32
    %broadcast_in_dim3A_299 = vector.broadcast %broadcast_in_dim3A_298 : i32 to vector<16xi32>
    %gather3A_300 = tpu.vector_load_idx %arg15[%add3A_241, %broadcast_in_dim3A_299] : memref<80x17xf32, #tpu.memory_space<vmem>>[vector<16xi32>, vector<16xi32>], vector<16xf32>,
    %add3A_301 = arith.addf %add3A_297, %gather3A_300 : vector<16xf32>
    %broadcast_in_dim3A_302 = arith.constant 15 : i32
    %broadcast_in_dim3A_303 = vector.broadcast %broadcast_in_dim3A_302 : i32 to vector<16xi32>
    %gather3A_304 = tpu.vector_load_idx %arg15[%add3A_241, %broadcast_in_dim3A_303] : memref<80x17xf32, #tpu.memory_space<vmem>>[vector<16xi32>, vector<16xi32>], vector<16xf32>,
    %add3A_305 = arith.addf %add3A_301, %gather3A_304 : vector<16xf32>
    %swap3A_306 = arith.constant 9968 : index
    %swap3A_307 = tpu.vector_load %arg10[%swap3A_306] {strides = array<i32>} : memref<10000xf32, #tpu.memory_space<vmem>>, vector<16xf32>,
    tpu.vector_store %arg10[%swap3A_306], %add3A_305 {strides = array<i32>} : memref<10000xf32, #tpu.memory_space<vmem>>, vector<16xf32>,
    %broadcast_in_dim3A_308 = arith.constant 64 : i32
    %broadcast_in_dim3A_309 = vector.broadcast %broadcast_in_dim3A_308 : i32 to vector<16xi32>
    %add3A_310 = arith.addi %broadcast_in_dim3A_309, %iota3A : vector<16xi32>
    %broadcast_in_dim3A_311 = arith.constant 0 : i32
    %broadcast_in_dim3A_312 = vector.broadcast %broadcast_in_dim3A_311 : i32 to vector<16xi32>
    %gather3A_313 = tpu.vector_load_idx %arg15[%add3A_310, %broadcast_in_dim3A_312] : memref<80x17xf32, #tpu.memory_space<vmem>>[vector<16xi32>, vector<16xi32>], vector<16xf32>,
    %add3A_314 = arith.addf %gather3A, %gather3A_313 : vector<16xf32>
    %broadcast_in_dim3A_315 = arith.constant 1 : i32
    %broadcast_in_dim3A_316 = vector.broadcast %broadcast_in_dim3A_315 : i32 to vector<16xi32>
    %gather3A_317 = tpu.vector_load_idx %arg15[%add3A_310, %broadcast_in_dim3A_316] : memref<80x17xf32, #tpu.memory_space<vmem>>[vector<16xi32>, vector<16xi32>], vector<16xf32>,
    %add3A_318 = arith.addf %add3A_314, %gather3A_317 : vector<16xf32>
    %broadcast_in_dim3A_319 = arith.constant 2 : i32
    %broadcast_in_dim3A_320 = vector.broadcast %broadcast_in_dim3A_319 : i32 to vector<16xi32>
    %gather3A_321 = tpu.vector_load_idx %arg15[%add3A_310, %broadcast_in_dim3A_320] : memref<80x17xf32, #tpu.memory_space<vmem>>[vector<16xi32>, vector<16xi32>], vector<16xf32>,
    %add3A_322 = arith.addf %add3A_318, %gather3A_321 : vector<16xf32>
    %broadcast_in_dim3A_323 = arith.constant 3 : i32
    %broadcast_in_dim3A_324 = vector.broadcast %broadcast_in_dim3A_323 : i32 to vector<16xi32>
    %gather3A_325 = tpu.vector_load_idx %arg15[%add3A_310, %broadcast_in_dim3A_324] : memref<80x17xf32, #tpu.memory_space<vmem>>[vector<16xi32>, vector<16xi32>], vector<16xf32>,
    %add3A_326 = arith.addf %add3A_322, %gather3A_325 : vector<16xf32>
    %broadcast_in_dim3A_327 = arith.constant 4 : i32
    %broadcast_in_dim3A_328 = vector.broadcast %broadcast_in_dim3A_327 : i32 to vector<16xi32>
    %gather3A_329 = tpu.vector_load_idx %arg15[%add3A_310, %broadcast_in_dim3A_328] : memref<80x17xf32, #tpu.memory_space<vmem>>[vector<16xi32>, vector<16xi32>], vector<16xf32>,
    %add3A_330 = arith.addf %add3A_326, %gather3A_329 : vector<16xf32>
    %broadcast_in_dim3A_331 = arith.constant 5 : i32
    %broadcast_in_dim3A_332 = vector.broadcast %broadcast_in_dim3A_331 : i32 to vector<16xi32>
    %gather3A_333 = tpu.vector_load_idx %arg15[%add3A_310, %broadcast_in_dim3A_332] : memref<80x17xf32, #tpu.memory_space<vmem>>[vector<16xi32>, vector<16xi32>], vector<16xf32>,
    %add3A_334 = arith.addf %add3A_330, %gather3A_333 : vector<16xf32>
    %broadcast_in_dim3A_335 = arith.constant 6 : i32
    %broadcast_in_dim3A_336 = vector.broadcast %broadcast_in_dim3A_335 : i32 to vector<16xi32>
    %gather3A_337 = tpu.vector_load_idx %arg15[%add3A_310, %broadcast_in_dim3A_336] : memref<80x17xf32, #tpu.memory_space<vmem>>[vector<16xi32>, vector<16xi32>], vector<16xf32>,
    %add3A_338 = arith.addf %add3A_334, %gather3A_337 : vector<16xf32>
    %broadcast_in_dim3A_339 = arith.constant 7 : i32
    %broadcast_in_dim3A_340 = vector.broadcast %broadcast_in_dim3A_339 : i32 to vector<16xi32>
    %gather3A_341 = tpu.vector_load_idx %arg15[%add3A_310, %broadcast_in_dim3A_340] : memref<80x17xf32, #tpu.memory_space<vmem>>[vector<16xi32>, vector<16xi32>], vector<16xf32>,
    %add3A_342 = arith.addf %add3A_338, %gather3A_341 : vector<16xf32>
    %broadcast_in_dim3A_343 = arith.constant 8 : i32
    %broadcast_in_dim3A_344 = vector.broadcast %broadcast_in_dim3A_343 : i32 to vector<16xi32>
    %gather3A_345 = tpu.vector_load_idx %arg15[%add3A_310, %broadcast_in_dim3A_344] : memref<80x17xf32, #tpu.memory_space<vmem>>[vector<16xi32>, vector<16xi32>], vector<16xf32>,
    %add3A_346 = arith.addf %add3A_342, %gather3A_345 : vector<16xf32>
    %broadcast_in_dim3A_347 = arith.constant 9 : i32
    %broadcast_in_dim3A_348 = vector.broadcast %broadcast_in_dim3A_347 : i32 to vector<16xi32>
    %gather3A_349 = tpu.vector_load_idx %arg15[%add3A_310, %broadcast_in_dim3A_348] : memref<80x17xf32, #tpu.memory_space<vmem>>[vector<16xi32>, vector<16xi32>], vector<16xf32>,
    %add3A_350 = arith.addf %add3A_346, %gather3A_349 : vector<16xf32>
    %broadcast_in_dim3A_351 = arith.constant 10 : i32
    %broadcast_in_dim3A_352 = vector.broadcast %broadcast_in_dim3A_351 : i32 to vector<16xi32>
    %gather3A_353 = tpu.vector_load_idx %arg15[%add3A_310, %broadcast_in_dim3A_352] : memref<80x17xf32, #tpu.memory_space<vmem>>[vector<16xi32>, vector<16xi32>], vector<16xf32>,
    %add3A_354 = arith.addf %add3A_350, %gather3A_353 : vector<16xf32>
    %broadcast_in_dim3A_355 = arith.constant 11 : i32
    %broadcast_in_dim3A_356 = vector.broadcast %broadcast_in_dim3A_355 : i32 to vector<16xi32>
    %gather3A_357 = tpu.vector_load_idx %arg15[%add3A_310, %broadcast_in_dim3A_356] : memref<80x17xf32, #tpu.memory_space<vmem>>[vector<16xi32>, vector<16xi32>], vector<16xf32>,
    %add3A_358 = arith.addf %add3A_354, %gather3A_357 : vector<16xf32>
    %broadcast_in_dim3A_359 = arith.constant 12 : i32
    %broadcast_in_dim3A_360 = vector.broadcast %broadcast_in_dim3A_359 : i32 to vector<16xi32>
    %gather3A_361 = tpu.vector_load_idx %arg15[%add3A_310, %broadcast_in_dim3A_360] : memref<80x17xf32, #tpu.memory_space<vmem>>[vector<16xi32>, vector<16xi32>], vector<16xf32>,
    %add3A_362 = arith.addf %add3A_358, %gather3A_361 : vector<16xf32>
    %broadcast_in_dim3A_363 = arith.constant 13 : i32
    %broadcast_in_dim3A_364 = vector.broadcast %broadcast_in_dim3A_363 : i32 to vector<16xi32>
    %gather3A_365 = tpu.vector_load_idx %arg15[%add3A_310, %broadcast_in_dim3A_364] : memref<80x17xf32, #tpu.memory_space<vmem>>[vector<16xi32>, vector<16xi32>], vector<16xf32>,
    %add3A_366 = arith.addf %add3A_362, %gather3A_365 : vector<16xf32>
    %broadcast_in_dim3A_367 = arith.constant 14 : i32
    %broadcast_in_dim3A_368 = vector.broadcast %broadcast_in_dim3A_367 : i32 to vector<16xi32>
    %gather3A_369 = tpu.vector_load_idx %arg15[%add3A_310, %broadcast_in_dim3A_368] : memref<80x17xf32, #tpu.memory_space<vmem>>[vector<16xi32>, vector<16xi32>], vector<16xf32>,
    %add3A_370 = arith.addf %add3A_366, %gather3A_369 : vector<16xf32>
    %broadcast_in_dim3A_371 = arith.constant 15 : i32
    %broadcast_in_dim3A_372 = vector.broadcast %broadcast_in_dim3A_371 : i32 to vector<16xi32>
    %gather3A_373 = tpu.vector_load_idx %arg15[%add3A_310, %broadcast_in_dim3A_372] : memref<80x17xf32, #tpu.memory_space<vmem>>[vector<16xi32>, vector<16xi32>], vector<16xf32>,
    %add3A_374 = arith.addf %add3A_370, %gather3A_373 : vector<16xf32>
    %swap3A_375 = arith.constant 9984 : index
    %swap3A_376 = tpu.vector_load %arg10[%swap3A_375] {strides = array<i32>} : memref<10000xf32, #tpu.memory_space<vmem>>, vector<16xf32>,
    tpu.vector_store %arg10[%swap3A_375], %add3A_374 {strides = array<i32>} : memref<10000xf32, #tpu.memory_space<vmem>>, vector<16xf32>,
    "tpu.region"() ({
      %run_scoped3A = tpu.sem_alloc : memref<!tpu.dma_semaphore, #tpu.memory_space<semaphore_mem>>
      %dma_start3A_377 = tpu.memref_slice %arg7[%mul3A_2] : memref<320000xf32, #tpu.memory_space<hbm>> -> memref<10000xf32, #tpu.memory_space<hbm>>
      %dma_start3A_378 = tpu.memref_slice %arg7[%mul3A_2] : memref<320000xf32, #tpu.memory_space<hbm>> -> memref<10000xf32, #tpu.memory_space<hbm>>
      tpu.enqueue_dma source(%arg10 : memref<10000xf32, #tpu.memory_space<vmem>>) target(%dma_start3A_378 : memref<10000xf32, #tpu.memory_space<hbm>>) target_semaphore(%run_scoped3A : memref<!tpu.dma_semaphore, #tpu.memory_space<semaphore_mem>>)
      %dma_wait3A_379 = tpu.memref_slice %arg7[%mul3A_2] : memref<320000xf32, #tpu.memory_space<hbm>> -> memref<10000xf32, #tpu.memory_space<hbm>>
      %dma_wait3A_380 = tpu.memref_slice %arg7[%mul3A_2] : memref<320000xf32, #tpu.memory_space<hbm>> -> memref<10000xf32, #tpu.memory_space<hbm>>
      tpu.wait_dma2 semaphore(%run_scoped3A : memref<!tpu.dma_semaphore, #tpu.memory_space<semaphore_mem>>) src(%arg10 : memref<10000xf32, #tpu.memory_space<vmem>>) dst(%dma_wait3A_380 : memref<10000xf32, #tpu.memory_space<hbm>>)
      tpu.yield
    }) : () -> ()
    return
  }
}

#map = affine_map<(d0, d1) -> (0)>
#map1 = affine_map<(d0, d1) -> (0, 0)>
#map2 = affine_map<(d0, d1) -> (0, 0, 0)>
module attributes {stable_mosaic.version = 14 : i64} {
  func.func @k(%arg0: i32, %arg1: i32, %arg2: memref<320000xi32, #tpu.memory_space<hbm>>, %arg3: memref<320000xi32, #tpu.memory_space<hbm>>, %arg4: memref<10000x128xf32, #tpu.memory_space<hbm>>, %arg5: memref<632x128xf32, #tpu.memory_space<hbm>>, %arg6: memref<2x10112x128xf32, #tpu.memory_space<hbm>>, %arg7: memref<10000xi32, #tpu.memory_space<vmem>>, %arg8: memref<1x80xi32, #tpu.memory_space<vmem>>, %arg9: memref<1x80xi32, #tpu.memory_space<vmem>>, %arg10: memref<80x128xf32, #tpu.memory_space<vmem>>, %arg11: memref<80x128xf32, #tpu.memory_space<vmem>>, %arg12: memref<10112x128xf32, #tpu.memory_space<vmem_shared>>, %arg13: memref<!tpu.dma_semaphore, #tpu.memory_space<semaphore_mem>>, %arg14: memref<!tpu.dma_semaphore, #tpu.memory_space<semaphore_mem>>) attributes {dimension_semantics = [#tpu.dimension_semantics<core_parallel>, #tpu.dimension_semantics<subcore_parallel>], iteration_bounds = array<i64: 2, 16>, scalar_prefetch = 0 : i64, scratch_operands = 8 : i64, tpu.core_type = #tpu.core_type<sc_vector_subcore>, window_params = [{transform_indices = #map}, {transform_indices = #map}, {transform_indices = #map1}, {transform_indices = #map1}, {transform_indices = #map2}]} {
    %mul3A = arith.constant 2 : i32
    %mul3A_0 = arith.muli %arg1, %mul3A : i32
    %add3A = arith.addi %mul3A_0, %arg0 : i32
    %mul3A_1 = arith.constant 10000 : i32
    %mul3A_2 = arith.muli %add3A, %mul3A_1 : i32
    %mul3A_3 = arith.constant 632 : i32
    %mul3A_4 = arith.muli %arg1, %mul3A_3 : i32
    "tpu.region"() ({
      %run_scoped3A_26 = tpu.sem_alloc : memref<!tpu.dma_semaphore, #tpu.memory_space<semaphore_mem>>
      %dma_start3A_27 = arith.constant 0 : i32
      %dma_start3A_28 = tpu.memref_slice %arg12[%mul3A_4, %dma_start3A_27] : memref<10112x128xf32, #tpu.memory_space<vmem_shared>> -> memref<632x128xf32, #tpu.memory_space<vmem_shared>>
      tpu.enqueue_dma source(%arg5 : memref<632x128xf32, #tpu.memory_space<hbm>>) target(%dma_start3A_28 : memref<632x128xf32, #tpu.memory_space<vmem_shared>>) target_semaphore(%run_scoped3A_26 : memref<!tpu.dma_semaphore, #tpu.memory_space<semaphore_mem>>)
      %dma_wait3A_29 = arith.constant 0 : i32
      %dma_wait3A_30 = tpu.memref_slice %arg12[%mul3A_4, %dma_wait3A_29] : memref<10112x128xf32, #tpu.memory_space<vmem_shared>> -> memref<632x128xf32, #tpu.memory_space<vmem_shared>>
      tpu.wait_dma2 semaphore(%run_scoped3A_26 : memref<!tpu.dma_semaphore, #tpu.memory_space<semaphore_mem>>) src(%arg5 : memref<632x128xf32, #tpu.memory_space<hbm>>) dst(%dma_wait3A_30 : memref<632x128xf32, #tpu.memory_space<vmem_shared>>)
      tpu.yield
    }) : () -> ()
    "tpu.region"() ({
      %run_scoped3A_26 = tpu.sem_alloc : memref<!tpu.dma_semaphore, #tpu.memory_space<semaphore_mem>>
      %dma_start3A_27 = tpu.memref_slice %arg2[%mul3A_2] : memref<320000xi32, #tpu.memory_space<hbm>> -> memref<10000xi32, #tpu.memory_space<hbm>>
      %dma_start3A_28 = tpu.memref_slice %arg2[%mul3A_2] : memref<320000xi32, #tpu.memory_space<hbm>> -> memref<10000xi32, #tpu.memory_space<hbm>>
      tpu.enqueue_dma source(%dma_start3A_28 : memref<10000xi32, #tpu.memory_space<hbm>>) target(%arg7 : memref<10000xi32, #tpu.memory_space<vmem>>) target_semaphore(%run_scoped3A_26 : memref<!tpu.dma_semaphore, #tpu.memory_space<semaphore_mem>>)
      %dma_wait3A_29 = tpu.memref_slice %arg2[%mul3A_2] : memref<320000xi32, #tpu.memory_space<hbm>> -> memref<10000xi32, #tpu.memory_space<hbm>>
      %dma_wait3A_30 = tpu.memref_slice %arg2[%mul3A_2] : memref<320000xi32, #tpu.memory_space<hbm>> -> memref<10000xi32, #tpu.memory_space<hbm>>
      tpu.wait_dma2 semaphore(%run_scoped3A_26 : memref<!tpu.dma_semaphore, #tpu.memory_space<semaphore_mem>>) src(%dma_wait3A_30 : memref<10000xi32, #tpu.memory_space<hbm>>) dst(%arg7 : memref<10000xi32, #tpu.memory_space<vmem>>)
      tpu.yield
    }) : () -> ()
    %barrier3A = arith.constant 0 : index
    tpu.barrier barrier_id(%barrier3A)
    %dma_start3A = arith.constant 0 : i32
    %dma_start3A_5 = tpu.memref_slice %arg7[%dma_start3A] : memref<10000xi32, #tpu.memory_space<vmem>> -> memref<80xi32, #tpu.memory_space<vmem>>
    %dma_start3A_6 = arith.constant 0 : i32
    %dma_start3A_7 = arith.constant 0 : i32
    %dma_start3A_8 = tpu.memref_slice %arg4[%dma_start3A_6, %dma_start3A_7] : memref<10000x128xf32, #tpu.memory_space<hbm>> -> memref<10000x128xf32, #tpu.memory_space<hbm>>
    tpu.enqueue_indirect_dma source(%dma_start3A_8 : memref<10000x128xf32, #tpu.memory_space<hbm>>) target(%arg10 : memref<80x128xf32, #tpu.memory_space<vmem>>) offsets(%dma_start3A_5 : memref<80xi32, #tpu.memory_space<vmem>>) semaphore(%arg13 : memref<!tpu.dma_semaphore, #tpu.memory_space<semaphore_mem>>)
    %scan3A = arith.constant 0 : i32
    %scan3A_9 = arith.constant 0 : i32
    %scan3A_10 = arith.constant 62 : i32
    %scan3A_11 = arith.addi %scan3A_9, %scan3A_10 : i32
    %scan3A_12 = arith.constant 1 : i32
    scf.for %scan3A_26 = %scan3A_9 to %scan3A_11 step %scan3A_12  : i32 {
      %mul3A_27 = arith.constant 2 : i32
      %mul3A_28 = arith.muli %mul3A_27, %scan3A_26 : i32
      %add3A_29 = arith.constant 1 : i32
      %add3A_30 = arith.addi %mul3A_28, %add3A_29 : i32
      %mul3A_31 = arith.constant 80 : i32
      %mul3A_32 = arith.muli %add3A_30, %mul3A_31 : i32
      %dma_start3A_33 = tpu.memref_slice %arg7[%mul3A_32] : memref<10000xi32, #tpu.memory_space<vmem>> -> memref<80xi32, #tpu.memory_space<vmem>>
      %dma_start3A_34 = arith.constant 0 : i32
      %dma_start3A_35 = arith.constant 0 : i32
      %dma_start3A_36 = tpu.memref_slice %arg4[%dma_start3A_34, %dma_start3A_35] : memref<10000x128xf32, #tpu.memory_space<hbm>> -> memref<10000x128xf32, #tpu.memory_space<hbm>>
      tpu.enqueue_indirect_dma source(%dma_start3A_36 : memref<10000x128xf32, #tpu.memory_space<hbm>>) target(%arg11 : memref<80x128xf32, #tpu.memory_space<vmem>>) offsets(%dma_start3A_33 : memref<80xi32, #tpu.memory_space<vmem>>) semaphore(%arg14 : memref<!tpu.dma_semaphore, #tpu.memory_space<semaphore_mem>>)
      %mul3A_37 = arith.constant 80 : i32
      %mul3A_38 = arith.muli %mul3A_28, %mul3A_37 : i32
      %dma_wait3A_39 = tpu.memref_slice %arg7[%mul3A_38] : memref<10000xi32, #tpu.memory_space<vmem>> -> memref<80xi32, #tpu.memory_space<vmem>>
      %dma_wait3A_40 = arith.constant 0 : i32
      %dma_wait3A_41 = arith.constant 0 : i32
      %dma_wait3A_42 = tpu.memref_slice %arg4[%dma_wait3A_40, %dma_wait3A_41] : memref<10000x128xf32, #tpu.memory_space<hbm>> -> memref<10000x128xf32, #tpu.memory_space<hbm>>
      tpu.wait_indirect_dma semaphore(%arg13 : memref<!tpu.dma_semaphore, #tpu.memory_space<semaphore_mem>>) src(%dma_wait3A_42 : memref<10000x128xf32, #tpu.memory_space<hbm>>) dst(%arg10 : memref<80x128xf32, #tpu.memory_space<vmem>>)
      %mul3A_43 = arith.constant 80 : i32
      %mul3A_44 = arith.muli %mul3A_28, %mul3A_43 : i32
      %add3A_45 = arith.addi %mul3A_2, %mul3A_44 : i32
      %run_scoped3A_46 = arith.constant 0 : i32
      "tpu.region"() ({
        %run_scoped3A_69 = tpu.sem_alloc : memref<!tpu.dma_semaphore, #tpu.memory_space<semaphore_mem>>
        %dma_start3A_70 = arith.constant 0 : i32
        %dma_start3A_71 = tpu.memref_slice %arg8[%run_scoped3A_46, %dma_start3A_70] : memref<1x80xi32, #tpu.memory_space<vmem>> -> memref<1x80xi32, #tpu.memory_space<vmem>>
        %dma_start3A_72 = tpu.memref_squeeze %dma_start3A_71 : memref<1x80xi32, #tpu.memory_space<vmem>> -> memref<80xi32, #tpu.memory_space<vmem>>
        %dma_start3A_73 = tpu.memref_slice %arg3[%add3A_45] : memref<320000xi32, #tpu.memory_space<hbm>> -> memref<80xi32, #tpu.memory_space<hbm>>
        %dma_start3A_74 = arith.constant 0 : i32
        %dma_start3A_75 = tpu.memref_slice %arg8[%run_scoped3A_46, %dma_start3A_74] : memref<1x80xi32, #tpu.memory_space<vmem>> -> memref<1x80xi32, #tpu.memory_space<vmem>>
        %dma_start3A_76 = tpu.memref_squeeze %dma_start3A_75 : memref<1x80xi32, #tpu.memory_space<vmem>> -> memref<80xi32, #tpu.memory_space<vmem>>
        %dma_start3A_77 = tpu.memref_slice %arg3[%add3A_45] : memref<320000xi32, #tpu.memory_space<hbm>> -> memref<80xi32, #tpu.memory_space<hbm>>
        tpu.enqueue_dma source(%dma_start3A_77 : memref<80xi32, #tpu.memory_space<hbm>>) target(%dma_start3A_76 : memref<80xi32, #tpu.memory_space<vmem>>) target_semaphore(%run_scoped3A_69 : memref<!tpu.dma_semaphore, #tpu.memory_space<semaphore_mem>>)
        %dma_wait3A_78 = arith.constant 0 : i32
        %dma_wait3A_79 = tpu.memref_slice %arg8[%run_scoped3A_46, %dma_wait3A_78] : memref<1x80xi32, #tpu.memory_space<vmem>> -> memref<1x80xi32, #tpu.memory_space<vmem>>
        %dma_wait3A_80 = tpu.memref_squeeze %dma_wait3A_79 : memref<1x80xi32, #tpu.memory_space<vmem>> -> memref<80xi32, #tpu.memory_space<vmem>>
        %dma_wait3A_81 = tpu.memref_slice %arg3[%add3A_45] : memref<320000xi32, #tpu.memory_space<hbm>> -> memref<80xi32, #tpu.memory_space<hbm>>
        %dma_wait3A_82 = arith.constant 0 : i32
        %dma_wait3A_83 = tpu.memref_slice %arg8[%run_scoped3A_46, %dma_wait3A_82] : memref<1x80xi32, #tpu.memory_space<vmem>> -> memref<1x80xi32, #tpu.memory_space<vmem>>
        %dma_wait3A_84 = tpu.memref_squeeze %dma_wait3A_83 : memref<1x80xi32, #tpu.memory_space<vmem>> -> memref<80xi32, #tpu.memory_space<vmem>>
        %dma_wait3A_85 = tpu.memref_slice %arg3[%add3A_45] : memref<320000xi32, #tpu.memory_space<hbm>> -> memref<80xi32, #tpu.memory_space<hbm>>
        tpu.wait_dma2 semaphore(%run_scoped3A_69 : memref<!tpu.dma_semaphore, #tpu.memory_space<semaphore_mem>>) src(%dma_wait3A_85 : memref<80xi32, #tpu.memory_space<hbm>>) dst(%dma_wait3A_84 : memref<80xi32, #tpu.memory_space<vmem>>)
        tpu.yield
      }) : () -> ()
      %run_scoped3A_47 = arith.constant 0 : i32
      "tpu.region"() ({
        %run_scoped3A_69 = tpu.sem_alloc : memref<!tpu.dma_semaphore, #tpu.memory_space<semaphore_mem>>
        %dma_start3A_70 = arith.constant 0 : i32
        %dma_start3A_71 = tpu.memref_slice %arg8[%run_scoped3A_47, %dma_start3A_70] : memref<1x80xi32, #tpu.memory_space<vmem>> -> memref<1x80xi32, #tpu.memory_space<vmem>>
        %dma_start3A_72 = tpu.memref_squeeze %dma_start3A_71 : memref<1x80xi32, #tpu.memory_space<vmem>> -> memref<80xi32, #tpu.memory_space<vmem>>
        %dma_start3A_73 = arith.constant 0 : i32
        %dma_start3A_74 = arith.constant 0 : i32
        %dma_start3A_75 = tpu.memref_slice %arg12[%dma_start3A_73, %dma_start3A_74] : memref<10112x128xf32, #tpu.memory_space<vmem_shared>> -> memref<10112x128xf32, #tpu.memory_space<vmem_shared>>
        tpu.enqueue_indirect_dma source(%arg10 : memref<80x128xf32, #tpu.memory_space<vmem>>) target(%dma_start3A_75 : memref<10112x128xf32, #tpu.memory_space<vmem_shared>>) offsets(%dma_start3A_72 : memref<80xi32, #tpu.memory_space<vmem>>) semaphore(%run_scoped3A_69 : memref<!tpu.dma_semaphore, #tpu.memory_space<semaphore_mem>>) {add = true}
        %dma_wait3A_76 = arith.constant 0 : i32
        %dma_wait3A_77 = tpu.memref_slice %arg8[%run_scoped3A_47, %dma_wait3A_76] : memref<1x80xi32, #tpu.memory_space<vmem>> -> memref<1x80xi32, #tpu.memory_space<vmem>>
        %dma_wait3A_78 = tpu.memref_squeeze %dma_wait3A_77 : memref<1x80xi32, #tpu.memory_space<vmem>> -> memref<80xi32, #tpu.memory_space<vmem>>
        %dma_wait3A_79 = arith.constant 0 : i32
        %dma_wait3A_80 = arith.constant 0 : i32
        %dma_wait3A_81 = tpu.memref_slice %arg12[%dma_wait3A_79, %dma_wait3A_80] : memref<10112x128xf32, #tpu.memory_space<vmem_shared>> -> memref<10112x128xf32, #tpu.memory_space<vmem_shared>>
        tpu.wait_indirect_dma semaphore(%run_scoped3A_69 : memref<!tpu.dma_semaphore, #tpu.memory_space<semaphore_mem>>) src(%arg10 : memref<80x128xf32, #tpu.memory_space<vmem>>) dst(%dma_wait3A_81 : memref<10112x128xf32, #tpu.memory_space<vmem_shared>>)
        tpu.yield
      }) : () -> ()
      %add3A_48 = arith.constant 2 : i32
      %add3A_49 = arith.addi %mul3A_28, %add3A_48 : i32
      %mul3A_50 = arith.constant 80 : i32
      %mul3A_51 = arith.muli %add3A_49, %mul3A_50 : i32
      %dma_start3A_52 = tpu.memref_slice %arg7[%mul3A_51] : memref<10000xi32, #tpu.memory_space<vmem>> -> memref<80xi32, #tpu.memory_space<vmem>>
      %dma_start3A_53 = arith.constant 0 : i32
      %dma_start3A_54 = arith.constant 0 : i32
      %dma_start3A_55 = tpu.memref_slice %arg4[%dma_start3A_53, %dma_start3A_54] : memref<10000x128xf32, #tpu.memory_space<hbm>> -> memref<10000x128xf32, #tpu.memory_space<hbm>>
      tpu.enqueue_indirect_dma source(%dma_start3A_55 : memref<10000x128xf32, #tpu.memory_space<hbm>>) target(%arg10 : memref<80x128xf32, #tpu.memory_space<vmem>>) offsets(%dma_start3A_52 : memref<80xi32, #tpu.memory_space<vmem>>) semaphore(%arg13 : memref<!tpu.dma_semaphore, #tpu.memory_space<semaphore_mem>>)
      %add3A_56 = arith.constant 1 : i32
      %add3A_57 = arith.addi %mul3A_28, %add3A_56 : i32
      %mul3A_58 = arith.constant 80 : i32
      %mul3A_59 = arith.muli %add3A_57, %mul3A_58 : i32
      %dma_wait3A_60 = tpu.memref_slice %arg7[%mul3A_59] : memref<10000xi32, #tpu.memory_space<vmem>> -> memref<80xi32, #tpu.memory_space<vmem>>
      %dma_wait3A_61 = arith.constant 0 : i32
      %dma_wait3A_62 = arith.constant 0 : i32
      %dma_wait3A_63 = tpu.memref_slice %arg4[%dma_wait3A_61, %dma_wait3A_62] : memref<10000x128xf32, #tpu.memory_space<hbm>> -> memref<10000x128xf32, #tpu.memory_space<hbm>>
      tpu.wait_indirect_dma semaphore(%arg14 : memref<!tpu.dma_semaphore, #tpu.memory_space<semaphore_mem>>) src(%dma_wait3A_63 : memref<10000x128xf32, #tpu.memory_space<hbm>>) dst(%arg11 : memref<80x128xf32, #tpu.memory_space<vmem>>)
      %mul3A_64 = arith.constant 80 : i32
      %mul3A_65 = arith.muli %add3A_57, %mul3A_64 : i32
      %add3A_66 = arith.addi %mul3A_2, %mul3A_65 : i32
      %run_scoped3A_67 = arith.constant 0 : i32
      "tpu.region"() ({
        %run_scoped3A_69 = tpu.sem_alloc : memref<!tpu.dma_semaphore, #tpu.memory_space<semaphore_mem>>
        %dma_start3A_70 = arith.constant 0 : i32
        %dma_start3A_71 = tpu.memref_slice %arg9[%run_scoped3A_67, %dma_start3A_70] : memref<1x80xi32, #tpu.memory_space<vmem>> -> memref<1x80xi32, #tpu.memory_space<vmem>>
        %dma_start3A_72 = tpu.memref_squeeze %dma_start3A_71 : memref<1x80xi32, #tpu.memory_space<vmem>> -> memref<80xi32, #tpu.memory_space<vmem>>
        %dma_start3A_73 = tpu.memref_slice %arg3[%add3A_66] : memref<320000xi32, #tpu.memory_space<hbm>> -> memref<80xi32, #tpu.memory_space<hbm>>
        %dma_start3A_74 = arith.constant 0 : i32
        %dma_start3A_75 = tpu.memref_slice %arg9[%run_scoped3A_67, %dma_start3A_74] : memref<1x80xi32, #tpu.memory_space<vmem>> -> memref<1x80xi32, #tpu.memory_space<vmem>>
        %dma_start3A_76 = tpu.memref_squeeze %dma_start3A_75 : memref<1x80xi32, #tpu.memory_space<vmem>> -> memref<80xi32, #tpu.memory_space<vmem>>
        %dma_start3A_77 = tpu.memref_slice %arg3[%add3A_66] : memref<320000xi32, #tpu.memory_space<hbm>> -> memref<80xi32, #tpu.memory_space<hbm>>
        tpu.enqueue_dma source(%dma_start3A_77 : memref<80xi32, #tpu.memory_space<hbm>>) target(%dma_start3A_76 : memref<80xi32, #tpu.memory_space<vmem>>) target_semaphore(%run_scoped3A_69 : memref<!tpu.dma_semaphore, #tpu.memory_space<semaphore_mem>>)
        %dma_wait3A_78 = arith.constant 0 : i32
        %dma_wait3A_79 = tpu.memref_slice %arg9[%run_scoped3A_67, %dma_wait3A_78] : memref<1x80xi32, #tpu.memory_space<vmem>> -> memref<1x80xi32, #tpu.memory_space<vmem>>
        %dma_wait3A_80 = tpu.memref_squeeze %dma_wait3A_79 : memref<1x80xi32, #tpu.memory_space<vmem>> -> memref<80xi32, #tpu.memory_space<vmem>>
        %dma_wait3A_81 = tpu.memref_slice %arg3[%add3A_66] : memref<320000xi32, #tpu.memory_space<hbm>> -> memref<80xi32, #tpu.memory_space<hbm>>
        %dma_wait3A_82 = arith.constant 0 : i32
        %dma_wait3A_83 = tpu.memref_slice %arg9[%run_scoped3A_67, %dma_wait3A_82] : memref<1x80xi32, #tpu.memory_space<vmem>> -> memref<1x80xi32, #tpu.memory_space<vmem>>
        %dma_wait3A_84 = tpu.memref_squeeze %dma_wait3A_83 : memref<1x80xi32, #tpu.memory_space<vmem>> -> memref<80xi32, #tpu.memory_space<vmem>>
        %dma_wait3A_85 = tpu.memref_slice %arg3[%add3A_66] : memref<320000xi32, #tpu.memory_space<hbm>> -> memref<80xi32, #tpu.memory_space<hbm>>
        tpu.wait_dma2 semaphore(%run_scoped3A_69 : memref<!tpu.dma_semaphore, #tpu.memory_space<semaphore_mem>>) src(%dma_wait3A_85 : memref<80xi32, #tpu.memory_space<hbm>>) dst(%dma_wait3A_84 : memref<80xi32, #tpu.memory_space<vmem>>)
        tpu.yield
      }) : () -> ()
      %run_scoped3A_68 = arith.constant 0 : i32
      "tpu.region"() ({
        %run_scoped3A_69 = tpu.sem_alloc : memref<!tpu.dma_semaphore, #tpu.memory_space<semaphore_mem>>
        %dma_start3A_70 = arith.constant 0 : i32
        %dma_start3A_71 = tpu.memref_slice %arg9[%run_scoped3A_68, %dma_start3A_70] : memref<1x80xi32, #tpu.memory_space<vmem>> -> memref<1x80xi32, #tpu.memory_space<vmem>>
        %dma_start3A_72 = tpu.memref_squeeze %dma_start3A_71 : memref<1x80xi32, #tpu.memory_space<vmem>> -> memref<80xi32, #tpu.memory_space<vmem>>
        %dma_start3A_73 = arith.constant 0 : i32
        %dma_start3A_74 = arith.constant 0 : i32
        %dma_start3A_75 = tpu.memref_slice %arg12[%dma_start3A_73, %dma_start3A_74] : memref<10112x128xf32, #tpu.memory_space<vmem_shared>> -> memref<10112x128xf32, #tpu.memory_space<vmem_shared>>
        tpu.enqueue_indirect_dma source(%arg11 : memref<80x128xf32, #tpu.memory_space<vmem>>) target(%dma_start3A_75 : memref<10112x128xf32, #tpu.memory_space<vmem_shared>>) offsets(%dma_start3A_72 : memref<80xi32, #tpu.memory_space<vmem>>) semaphore(%run_scoped3A_69 : memref<!tpu.dma_semaphore, #tpu.memory_space<semaphore_mem>>) {add = true}
        %dma_wait3A_76 = arith.constant 0 : i32
        %dma_wait3A_77 = tpu.memref_slice %arg9[%run_scoped3A_68, %dma_wait3A_76] : memref<1x80xi32, #tpu.memory_space<vmem>> -> memref<1x80xi32, #tpu.memory_space<vmem>>
        %dma_wait3A_78 = tpu.memref_squeeze %dma_wait3A_77 : memref<1x80xi32, #tpu.memory_space<vmem>> -> memref<80xi32, #tpu.memory_space<vmem>>
        %dma_wait3A_79 = arith.constant 0 : i32
        %dma_wait3A_80 = arith.constant 0 : i32
        %dma_wait3A_81 = tpu.memref_slice %arg12[%dma_wait3A_79, %dma_wait3A_80] : memref<10112x128xf32, #tpu.memory_space<vmem_shared>> -> memref<10112x128xf32, #tpu.memory_space<vmem_shared>>
        tpu.wait_indirect_dma semaphore(%run_scoped3A_69 : memref<!tpu.dma_semaphore, #tpu.memory_space<semaphore_mem>>) src(%arg11 : memref<80x128xf32, #tpu.memory_space<vmem>>) dst(%dma_wait3A_81 : memref<10112x128xf32, #tpu.memory_space<vmem_shared>>)
        tpu.yield
      }) : () -> ()
    }
    %scan3A_13 = arith.constant 62 : i32
    %dma_wait3A = arith.constant 9920 : i32
    %dma_wait3A_14 = tpu.memref_slice %arg7[%dma_wait3A] : memref<10000xi32, #tpu.memory_space<vmem>> -> memref<80xi32, #tpu.memory_space<vmem>>
    %dma_wait3A_15 = arith.constant 0 : i32
    %dma_wait3A_16 = arith.constant 0 : i32
    %dma_wait3A_17 = tpu.memref_slice %arg4[%dma_wait3A_15, %dma_wait3A_16] : memref<10000x128xf32, #tpu.memory_space<hbm>> -> memref<10000x128xf32, #tpu.memory_space<hbm>>
    tpu.wait_indirect_dma semaphore(%arg13 : memref<!tpu.dma_semaphore, #tpu.memory_space<semaphore_mem>>) src(%dma_wait3A_17 : memref<10000x128xf32, #tpu.memory_space<hbm>>) dst(%arg10 : memref<80x128xf32, #tpu.memory_space<vmem>>)
    %add3A_18 = arith.constant 9920 : i32
    %add3A_19 = arith.addi %mul3A_2, %add3A_18 : i32
    %run_scoped3A = arith.constant 0 : i32
    "tpu.region"() ({
      %run_scoped3A_26 = tpu.sem_alloc : memref<!tpu.dma_semaphore, #tpu.memory_space<semaphore_mem>>
      %dma_start3A_27 = arith.constant 0 : i32
      %dma_start3A_28 = tpu.memref_slice %arg8[%run_scoped3A, %dma_start3A_27] : memref<1x80xi32, #tpu.memory_space<vmem>> -> memref<1x80xi32, #tpu.memory_space<vmem>>
      %dma_start3A_29 = tpu.memref_squeeze %dma_start3A_28 : memref<1x80xi32, #tpu.memory_space<vmem>> -> memref<80xi32, #tpu.memory_space<vmem>>
      %dma_start3A_30 = tpu.memref_slice %arg3[%add3A_19] : memref<320000xi32, #tpu.memory_space<hbm>> -> memref<80xi32, #tpu.memory_space<hbm>>
      %dma_start3A_31 = arith.constant 0 : i32
      %dma_start3A_32 = tpu.memref_slice %arg8[%run_scoped3A, %dma_start3A_31] : memref<1x80xi32, #tpu.memory_space<vmem>> -> memref<1x80xi32, #tpu.memory_space<vmem>>
      %dma_start3A_33 = tpu.memref_squeeze %dma_start3A_32 : memref<1x80xi32, #tpu.memory_space<vmem>> -> memref<80xi32, #tpu.memory_space<vmem>>
      %dma_start3A_34 = tpu.memref_slice %arg3[%add3A_19] : memref<320000xi32, #tpu.memory_space<hbm>> -> memref<80xi32, #tpu.memory_space<hbm>>
      tpu.enqueue_dma source(%dma_start3A_34 : memref<80xi32, #tpu.memory_space<hbm>>) target(%dma_start3A_33 : memref<80xi32, #tpu.memory_space<vmem>>) target_semaphore(%run_scoped3A_26 : memref<!tpu.dma_semaphore, #tpu.memory_space<semaphore_mem>>)
      %dma_wait3A_35 = arith.constant 0 : i32
      %dma_wait3A_36 = tpu.memref_slice %arg8[%run_scoped3A, %dma_wait3A_35] : memref<1x80xi32, #tpu.memory_space<vmem>> -> memref<1x80xi32, #tpu.memory_space<vmem>>
      %dma_wait3A_37 = tpu.memref_squeeze %dma_wait3A_36 : memref<1x80xi32, #tpu.memory_space<vmem>> -> memref<80xi32, #tpu.memory_space<vmem>>
      %dma_wait3A_38 = tpu.memref_slice %arg3[%add3A_19] : memref<320000xi32, #tpu.memory_space<hbm>> -> memref<80xi32, #tpu.memory_space<hbm>>
      %dma_wait3A_39 = arith.constant 0 : i32
      %dma_wait3A_40 = tpu.memref_slice %arg8[%run_scoped3A, %dma_wait3A_39] : memref<1x80xi32, #tpu.memory_space<vmem>> -> memref<1x80xi32, #tpu.memory_space<vmem>>
      %dma_wait3A_41 = tpu.memref_squeeze %dma_wait3A_40 : memref<1x80xi32, #tpu.memory_space<vmem>> -> memref<80xi32, #tpu.memory_space<vmem>>
      %dma_wait3A_42 = tpu.memref_slice %arg3[%add3A_19] : memref<320000xi32, #tpu.memory_space<hbm>> -> memref<80xi32, #tpu.memory_space<hbm>>
      tpu.wait_dma2 semaphore(%run_scoped3A_26 : memref<!tpu.dma_semaphore, #tpu.memory_space<semaphore_mem>>) src(%dma_wait3A_42 : memref<80xi32, #tpu.memory_space<hbm>>) dst(%dma_wait3A_41 : memref<80xi32, #tpu.memory_space<vmem>>)
      tpu.yield
    }) : () -> ()
    %run_scoped3A_20 = arith.constant 0 : i32
    "tpu.region"() ({
      %run_scoped3A_26 = tpu.sem_alloc : memref<!tpu.dma_semaphore, #tpu.memory_space<semaphore_mem>>
      %dma_start3A_27 = arith.constant 0 : i32
      %dma_start3A_28 = tpu.memref_slice %arg8[%run_scoped3A_20, %dma_start3A_27] : memref<1x80xi32, #tpu.memory_space<vmem>> -> memref<1x80xi32, #tpu.memory_space<vmem>>
      %dma_start3A_29 = tpu.memref_squeeze %dma_start3A_28 : memref<1x80xi32, #tpu.memory_space<vmem>> -> memref<80xi32, #tpu.memory_space<vmem>>
      %dma_start3A_30 = arith.constant 0 : i32
      %dma_start3A_31 = arith.constant 0 : i32
      %dma_start3A_32 = tpu.memref_slice %arg12[%dma_start3A_30, %dma_start3A_31] : memref<10112x128xf32, #tpu.memory_space<vmem_shared>> -> memref<10112x128xf32, #tpu.memory_space<vmem_shared>>
      tpu.enqueue_indirect_dma source(%arg10 : memref<80x128xf32, #tpu.memory_space<vmem>>) target(%dma_start3A_32 : memref<10112x128xf32, #tpu.memory_space<vmem_shared>>) offsets(%dma_start3A_29 : memref<80xi32, #tpu.memory_space<vmem>>) semaphore(%run_scoped3A_26 : memref<!tpu.dma_semaphore, #tpu.memory_space<semaphore_mem>>) {add = true}
      %dma_wait3A_33 = arith.constant 0 : i32
      %dma_wait3A_34 = tpu.memref_slice %arg8[%run_scoped3A_20, %dma_wait3A_33] : memref<1x80xi32, #tpu.memory_space<vmem>> -> memref<1x80xi32, #tpu.memory_space<vmem>>
      %dma_wait3A_35 = tpu.memref_squeeze %dma_wait3A_34 : memref<1x80xi32, #tpu.memory_space<vmem>> -> memref<80xi32, #tpu.memory_space<vmem>>
      %dma_wait3A_36 = arith.constant 0 : i32
      %dma_wait3A_37 = arith.constant 0 : i32
      %dma_wait3A_38 = tpu.memref_slice %arg12[%dma_wait3A_36, %dma_wait3A_37] : memref<10112x128xf32, #tpu.memory_space<vmem_shared>> -> memref<10112x128xf32, #tpu.memory_space<vmem_shared>>
      tpu.wait_indirect_dma semaphore(%run_scoped3A_26 : memref<!tpu.dma_semaphore, #tpu.memory_space<semaphore_mem>>) src(%arg10 : memref<80x128xf32, #tpu.memory_space<vmem>>) dst(%dma_wait3A_38 : memref<10112x128xf32, #tpu.memory_space<vmem_shared>>)
      tpu.yield
    }) : () -> ()
    %barrier3A_21 = arith.constant 0 : index
    tpu.barrier barrier_id(%barrier3A_21)
    %mul3A_22 = arith.constant 632 : i32
    %mul3A_23 = arith.muli %arg1, %mul3A_22 : i32
    %mul3A_24 = arith.constant 632 : i32
    %mul3A_25 = arith.muli %arg1, %mul3A_24 : i32
    "tpu.region"() ({
      %run_scoped3A_26 = tpu.sem_alloc : memref<!tpu.dma_semaphore, #tpu.memory_space<semaphore_mem>>
      %dma_start3A_27 = arith.constant 0 : i32
      %dma_start3A_28 = tpu.memref_slice %arg6[%arg0, %mul3A_25, %dma_start3A_27] : memref<2x10112x128xf32, #tpu.memory_space<hbm>> -> memref<1x632x128xf32, #tpu.memory_space<hbm>>
      %dma_start3A_29 = tpu.memref_squeeze %dma_start3A_28 : memref<1x632x128xf32, #tpu.memory_space<hbm>> -> memref<632x128xf32, #tpu.memory_space<hbm>>
      %dma_start3A_30 = arith.constant 0 : i32
      %dma_start3A_31 = tpu.memref_slice %arg12[%mul3A_23, %dma_start3A_30] : memref<10112x128xf32, #tpu.memory_space<vmem_shared>> -> memref<632x128xf32, #tpu.memory_space<vmem_shared>>
      tpu.enqueue_dma source(%dma_start3A_31 : memref<632x128xf32, #tpu.memory_space<vmem_shared>>) target(%dma_start3A_29 : memref<632x128xf32, #tpu.memory_space<hbm>>) target_semaphore(%run_scoped3A_26 : memref<!tpu.dma_semaphore, #tpu.memory_space<semaphore_mem>>)
      %dma_wait3A_32 = arith.constant 0 : i32
      %dma_wait3A_33 = tpu.memref_slice %arg6[%arg0, %mul3A_25, %dma_wait3A_32] : memref<2x10112x128xf32, #tpu.memory_space<hbm>> -> memref<1x632x128xf32, #tpu.memory_space<hbm>>
      %dma_wait3A_34 = tpu.memref_squeeze %dma_wait3A_33 : memref<1x632x128xf32, #tpu.memory_space<hbm>> -> memref<632x128xf32, #tpu.memory_space<hbm>>
      %dma_wait3A_35 = arith.constant 0 : i32
      %dma_wait3A_36 = tpu.memref_slice %arg12[%mul3A_23, %dma_wait3A_35] : memref<10112x128xf32, #tpu.memory_space<vmem_shared>> -> memref<632x128xf32, #tpu.memory_space<vmem_shared>>
      tpu.wait_dma2 semaphore(%run_scoped3A_26 : memref<!tpu.dma_semaphore, #tpu.memory_space<semaphore_mem>>) src(%dma_wait3A_36 : memref<632x128xf32, #tpu.memory_space<vmem_shared>>) dst(%dma_wait3A_34 : memref<632x128xf32, #tpu.memory_space<hbm>>)
      tpu.yield
    }) : () -> ()
    return
  }
}

module attributes {stable_mosaic.version = 14 : i64} {
  func.func @body(%arg0: i32, %arg1: memref<1000x128xf32, #tpu.memory_space<vmem>>, %arg2: memref<128x64xf32, #tpu.memory_space<vmem>>, %arg3: memref<2x1000x128xf32, #tpu.memory_space<vmem>>, %arg4: memref<1000x128xf32, #tpu.memory_space<vmem>>) attributes {dimension_semantics = [#tpu.dimension_semantics<arbitrary>], iteration_bounds = array<i64: 10>, scalar_prefetch = 0 : i64, scratch_operands = 0 : i64, tpu.core_type = #tpu.core_type<tc>, window_params = [{transform_indices = @transform_0, window_bounds = array<i64: 1000, 128>}, {pipeline_mode = #tpu.pipeline_mode<synchronous>, transform_indices = @transform_1, window_bounds = array<i64: 128, 64>}, {transform_indices = @transform_2, window_bounds = array<i64: 2, 1000, 128>}, {transform_indices = @transform_3, window_bounds = array<i64: 1000, 128>}]} {
    %get3A = arith.constant 0 : index
    %get3A_0 = arith.constant 0 : index
    %get3A_1 = arith.constant 0 : index
    %get3A_2 = vector.load %arg3[%get3A, %get3A_0, %get3A_1] : memref<2x1000x128xf32, #tpu.memory_space<vmem>>, vector<1x1000x128xf32>
    %get3A_3 = vector.shape_cast %get3A_2 : vector<1x1000x128xf32> to vector<1000x128xf32>
    %slice3A = vector.extract_strided_slice %get3A_3 {offsets = [0, 0], sizes = [1000, 1], strides = [1, 1]} : vector<1000x128xf32> to vector<1000x1xf32>
    %get3A_4 = arith.constant 1 : index
    %get3A_5 = arith.constant 0 : index
    %get3A_6 = arith.constant 0 : index
    %get3A_7 = vector.load %arg3[%get3A_4, %get3A_5, %get3A_6] : memref<2x1000x128xf32, #tpu.memory_space<vmem>>, vector<1x1000x128xf32>
    %get3A_8 = vector.shape_cast %get3A_7 : vector<1x1000x128xf32> to vector<1000x128xf32>
    %slice3A_9 = vector.extract_strided_slice %get3A_8 {offsets = [0, 0], sizes = [1000, 1], strides = [1, 1]} : vector<1000x128xf32> to vector<1000x1xf32>
    %add3A = arith.addf %slice3A, %slice3A_9 : vector<1000x1xf32>
    %add3A_10 = arith.constant 1.000000e+00 : f32
    %add3A_11 = vector.broadcast %add3A_10 : f32 to vector<1000x1xf32>
    %add3A_12 = arith.addf %add3A, %add3A_11 : vector<1000x1xf32>
    %rsqrt3A = math.rsqrt %add3A_12 : vector<1000x1xf32>
    %get3A_13 = arith.constant 0 : index
    %get3A_14 = arith.constant 0 : index
    %get3A_15 = vector.load %arg1[%get3A_13, %get3A_14] : memref<1000x128xf32, #tpu.memory_space<vmem>>, vector<1000x128xf32>
    %get3A_16 = arith.constant 0 : index
    %get3A_17 = arith.constant 0 : index
    %get3A_18 = vector.load %arg2[%get3A_16, %get3A_17] : memref<128x64xf32, #tpu.memory_space<vmem>>, vector<128x64xf32>
    %dot_general3A = arith.constant dense<0.000000e+00> : vector<1000x64xf32>
    %dot_general3A_19 = tpu.matmul %get3A_15, %get3A_18, %dot_general3A {dimension_numbers = #tpu.dot_dimension_numbers<[1], [0], [0], [1], [0, 0, 1, 1], [], []>, transpose_lhs_hint = false} : vector<1000x128xf32>, vector<128x64xf32>, vector<1000x64xf32> -> vector<1000x64xf32>
    %mul3A = vector.broadcast %rsqrt3A : vector<1000x1xf32> to vector<1000x64xf32>
    %mul3A_20 = arith.mulf %dot_general3A_19, %mul3A : vector<1000x64xf32>
    %broadcast_in_dim3A = arith.constant 0.000000e+00 : f32
    %broadcast_in_dim3A_21 = vector.broadcast %broadcast_in_dim3A : f32 to vector<1000x64xf32>
    %concatenate3A = tpu.concatenate %mul3A_20, %broadcast_in_dim3A_21 in 1 : vector<1000x64xf32>, vector<1000x64xf32> -> vector<1000x128xf32>
    %swap3A = arith.constant 0 : index
    %swap3A_22 = arith.constant 0 : index
    %swap3A_23 = vector.load %arg4[%swap3A, %swap3A_22] : memref<1000x128xf32, #tpu.memory_space<vmem>>, vector<1000x128xf32>
    tpu.vector_store %arg4[%swap3A, %swap3A_22], %concatenate3A {strides = array<i32>} : memref<1000x128xf32, #tpu.memory_space<vmem>>, vector<1000x128xf32>,
    return
  }
  func.func @transform_0(%arg0: i32) -> (i32, i32) {
    %c0_i32 = arith.constant 0 : i32
    %c0_i32_0 = arith.constant 0 : i32
    return %arg0, %c0_i32 : i32, i32
  }
  func.func @transform_1(%arg0: i32) -> (i32, i32) {
    %c0_i32 = arith.constant 0 : i32
    %c0_i32_0 = arith.constant 0 : i32
    %c0_i32_1 = arith.constant 0 : i32
    return %c0_i32, %c0_i32_0 : i32, i32
  }
  func.func @transform_2(%arg0: i32) -> (i32, i32, i32) {
    %c0_i32 = arith.constant 0 : i32
    %c0_i32_0 = arith.constant 0 : i32
    %c0_i32_1 = arith.constant 0 : i32
    return %c0_i32, %arg0, %c0_i32_0 : i32, i32, i32
  }
  func.func @transform_3(%arg0: i32) -> (i32, i32) {
    %c0_i32 = arith.constant 0 : i32
    %c0_i32_0 = arith.constant 0 : i32
    return %arg0, %c0_i32 : i32, i32
  }
}

module attributes {stable_mosaic.version = 14 : i64} {
  func.func @body(%arg0: i32, %arg1: memref<2x1000x128xf32, #tpu.memory_space<vmem>>, %arg2: memref<1000x128xf32, #tpu.memory_space<vmem>>, %arg3: memref<2x1000x128xf32, #tpu.memory_space<vmem>>, %arg4: memref<1x64xf32, #tpu.memory_space<vmem>>, %arg5: memref<64x192xf32, #tpu.memory_space<vmem>>, %arg6: memref<64x192xf32, #tpu.memory_space<vmem>>, %arg7: memref<1x192xf32, #tpu.memory_space<vmem>>, %arg8: memref<1000x256xbf16, #tpu.memory_space<vmem>>, %arg9: memref<1000x256xbf16, #tpu.memory_space<vmem>>) attributes {dimension_semantics = [#tpu.dimension_semantics<arbitrary>], iteration_bounds = array<i64: 10>, scalar_prefetch = 0 : i64, scratch_operands = 0 : i64, tpu.core_type = #tpu.core_type<tc>, window_params = [{transform_indices = @transform_0, window_bounds = array<i64: 2, 1000, 128>}, {transform_indices = @transform_1, window_bounds = array<i64: 1000, 128>}, {transform_indices = @transform_2, window_bounds = array<i64: 2, 1000, 128>}, {pipeline_mode = #tpu.pipeline_mode<synchronous>, transform_indices = @transform_3, window_bounds = array<i64: 1, 64>}, {pipeline_mode = #tpu.pipeline_mode<synchronous>, transform_indices = @transform_4, window_bounds = array<i64: 64, 192>}, {pipeline_mode = #tpu.pipeline_mode<synchronous>, transform_indices = @transform_5, window_bounds = array<i64: 64, 192>}, {pipeline_mode = #tpu.pipeline_mode<synchronous>, transform_indices = @transform_6, window_bounds = array<i64: 1, 192>}, {transform_indices = @transform_7, window_bounds = array<i64: 1000, 256>}, {transform_indices = @transform_8, window_bounds = array<i64: 1000, 256>}]} {
    %get3A = arith.constant 0 : index
    %get3A_0 = arith.constant 0 : index
    %get3A_1 = arith.constant 0 : index
    %get3A_2 = vector.load %arg3[%get3A, %get3A_0, %get3A_1] : memref<2x1000x128xf32, #tpu.memory_space<vmem>>, vector<1x1000x128xf32>
    %get3A_3 = vector.shape_cast %get3A_2 : vector<1x1000x128xf32> to vector<1000x128xf32>
    %slice3A = vector.extract_strided_slice %get3A_3 {offsets = [0, 0], sizes = [1000, 1], strides = [1, 1]} : vector<1000x128xf32> to vector<1000x1xf32>
    %get3A_4 = arith.constant 1 : index
    %get3A_5 = arith.constant 0 : index
    %get3A_6 = arith.constant 0 : index
    %get3A_7 = vector.load %arg3[%get3A_4, %get3A_5, %get3A_6] : memref<2x1000x128xf32, #tpu.memory_space<vmem>>, vector<1x1000x128xf32>
    %get3A_8 = vector.shape_cast %get3A_7 : vector<1x1000x128xf32> to vector<1000x128xf32>
    %slice3A_9 = vector.extract_strided_slice %get3A_8 {offsets = [0, 0], sizes = [1000, 1], strides = [1, 1]} : vector<1000x128xf32> to vector<1000x1xf32>
    %add3A = arith.addf %slice3A, %slice3A_9 : vector<1000x1xf32>
    %add3A_10 = arith.constant 1.000000e+00 : f32
    %add3A_11 = vector.broadcast %add3A_10 : f32 to vector<1000x1xf32>
    %add3A_12 = arith.addf %add3A, %add3A_11 : vector<1000x1xf32>
    %rsqrt3A = math.rsqrt %add3A_12 : vector<1000x1xf32>
    %get3A_13 = arith.constant 0 : index
    %get3A_14 = arith.constant 0 : index
    %get3A_15 = arith.constant 0 : index
    %get3A_16 = vector.load %arg1[%get3A_13, %get3A_14, %get3A_15] : memref<2x1000x128xf32, #tpu.memory_space<vmem>>, vector<1x1000x128xf32>
    %get3A_17 = vector.shape_cast %get3A_16 : vector<1x1000x128xf32> to vector<1000x128xf32>
    %slice3A_18 = vector.extract_strided_slice %get3A_17 {offsets = [0, 0], sizes = [1000, 64], strides = [1, 1]} : vector<1000x128xf32> to vector<1000x64xf32>
    %get3A_19 = arith.constant 1 : index
    %get3A_20 = arith.constant 0 : index
    %get3A_21 = arith.constant 0 : index
    %get3A_22 = vector.load %arg1[%get3A_19, %get3A_20, %get3A_21] : memref<2x1000x128xf32, #tpu.memory_space<vmem>>, vector<1x1000x128xf32>
    %get3A_23 = vector.shape_cast %get3A_22 : vector<1x1000x128xf32> to vector<1000x128xf32>
    %slice3A_24 = vector.extract_strided_slice %get3A_23 {offsets = [0, 0], sizes = [1000, 64], strides = [1, 1]} : vector<1000x128xf32> to vector<1000x64xf32>
    %add3A_25 = arith.addf %slice3A_18, %slice3A_24 : vector<1000x64xf32>
    %get3A_26 = arith.constant 0 : index
    %get3A_27 = arith.constant 0 : index
    %get3A_28 = vector.load %arg2[%get3A_26, %get3A_27] : memref<1000x128xf32, #tpu.memory_space<vmem>>, vector<1000x64xf32>
    %add3A_29 = arith.addf %add3A_25, %get3A_28 : vector<1000x64xf32>
    %mul3A = vector.broadcast %rsqrt3A : vector<1000x1xf32> to vector<1000x64xf32>
    %mul3A_30 = arith.mulf %add3A_29, %mul3A : vector<1000x64xf32>
    %get3A_31 = arith.constant 0 : index
    %get3A_32 = arith.constant 0 : index
    %get3A_33 = vector.load %arg4[%get3A_31, %get3A_32] : memref<1x64xf32, #tpu.memory_space<vmem>>, vector<1x64xf32>
    %add3A_34 = vector.broadcast %get3A_33 : vector<1x64xf32> to vector<1000x64xf32>
    %add3A_35 = arith.addf %mul3A_30, %add3A_34 : vector<1000x64xf32>
    %max3A = arith.constant 0.000000e+00 : f32
    %max3A_36 = vector.broadcast %max3A : f32 to vector<1000x64xf32>
    %max3A_37 = arith.maximumf %add3A_35, %max3A_36 : vector<1000x64xf32>
    %broadcast_in_dim3A = arith.constant 0.000000e+00 : f32
    %broadcast_in_dim3A_38 = vector.broadcast %broadcast_in_dim3A : f32 to vector<1000x64xf32>
    %get3A_39 = arith.constant 0 : index
    %get3A_40 = arith.constant 0 : index
    %get3A_41 = vector.load %arg5[%get3A_39, %get3A_40] : memref<64x192xf32, #tpu.memory_space<vmem>>, vector<64x192xf32>
    %dot_general3A = arith.constant dense<0.000000e+00> : vector<1000x192xf32>
    %dot_general3A_42 = tpu.matmul %max3A_37, %get3A_41, %dot_general3A {dimension_numbers = #tpu.dot_dimension_numbers<[1], [0], [0], [1], [0, 0, 1, 1], [], []>, transpose_lhs_hint = false} : vector<1000x64xf32>, vector<64x192xf32>, vector<1000x192xf32> -> vector<1000x192xf32>
    %get3A_43 = arith.constant 0 : index
    %get3A_44 = arith.constant 0 : index
    %get3A_45 = vector.load %arg7[%get3A_43, %get3A_44] : memref<1x192xf32, #tpu.memory_space<vmem>>, vector<1x192xf32>
    %add3A_46 = vector.broadcast %get3A_45 : vector<1x192xf32> to vector<1000x192xf32>
    %add3A_47 = arith.addf %dot_general3A_42, %add3A_46 : vector<1000x192xf32>
    %get3A_48 = arith.constant 0 : index
    %get3A_49 = arith.constant 0 : index
    %get3A_50 = vector.load %arg6[%get3A_48, %get3A_49] : memref<64x192xf32, #tpu.memory_space<vmem>>, vector<64x192xf32>
    %dot_general3A_51 = arith.constant dense<0.000000e+00> : vector<1000x192xf32>
    %dot_general3A_52 = tpu.matmul %max3A_37, %get3A_50, %dot_general3A_51 {dimension_numbers = #tpu.dot_dimension_numbers<[1], [0], [0], [1], [0, 0, 1, 1], [], []>, transpose_lhs_hint = false} : vector<1000x64xf32>, vector<64x192xf32>, vector<1000x192xf32> -> vector<1000x192xf32>
    %concatenate3A = tpu.concatenate %add3A_47, %broadcast_in_dim3A_38 in 1 : vector<1000x192xf32>, vector<1000x64xf32> -> vector<1000x256xf32>
    %convert_element_type3A = arith.truncf %concatenate3A : vector<1000x256xf32> to vector<1000x256xbf16>
    %swap3A = arith.constant 0 : index
    %swap3A_53 = arith.constant 0 : index
    %swap3A_54 = vector.load %arg8[%swap3A, %swap3A_53] : memref<1000x256xbf16, #tpu.memory_space<vmem>>, vector<1000x256xbf16>
    tpu.vector_store %arg8[%swap3A, %swap3A_53], %convert_element_type3A {strides = array<i32>} : memref<1000x256xbf16, #tpu.memory_space<vmem>>, vector<1000x256xbf16>,
    %concatenate3A_55 = tpu.concatenate %dot_general3A_52, %broadcast_in_dim3A_38 in 1 : vector<1000x192xf32>, vector<1000x64xf32> -> vector<1000x256xf32>
    %convert_element_type3A_56 = arith.truncf %concatenate3A_55 : vector<1000x256xf32> to vector<1000x256xbf16>
    %swap3A_57 = arith.constant 0 : index
    %swap3A_58 = arith.constant 0 : index
    %swap3A_59 = vector.load %arg9[%swap3A_57, %swap3A_58] : memref<1000x256xbf16, #tpu.memory_space<vmem>>, vector<1000x256xbf16>
    tpu.vector_store %arg9[%swap3A_57, %swap3A_58], %convert_element_type3A_56 {strides = array<i32>} : memref<1000x256xbf16, #tpu.memory_space<vmem>>, vector<1000x256xbf16>,
    return
  }
  func.func @transform_0(%arg0: i32) -> (i32, i32, i32) {
    %c0_i32 = arith.constant 0 : i32
    %c0_i32_0 = arith.constant 0 : i32
    %c0_i32_1 = arith.constant 0 : i32
    return %c0_i32, %arg0, %c0_i32_0 : i32, i32, i32
  }
  func.func @transform_1(%arg0: i32) -> (i32, i32) {
    %c0_i32 = arith.constant 0 : i32
    %c0_i32_0 = arith.constant 0 : i32
    return %arg0, %c0_i32 : i32, i32
  }
  func.func @transform_2(%arg0: i32) -> (i32, i32, i32) {
    %c0_i32 = arith.constant 0 : i32
    %c0_i32_0 = arith.constant 0 : i32
    %c0_i32_1 = arith.constant 0 : i32
    return %c0_i32, %arg0, %c0_i32_0 : i32, i32, i32
  }
  func.func @transform_3(%arg0: i32) -> (i32, i32) {
    %c0_i32 = arith.constant 0 : i32
    %c0_i32_0 = arith.constant 0 : i32
    %c0_i32_1 = arith.constant 0 : i32
    return %c0_i32, %c0_i32_0 : i32, i32
  }
  func.func @transform_4(%arg0: i32) -> (i32, i32) {
    %c0_i32 = arith.constant 0 : i32
    %c0_i32_0 = arith.constant 0 : i32
    %c0_i32_1 = arith.constant 0 : i32
    return %c0_i32, %c0_i32_0 : i32, i32
  }
  func.func @transform_5(%arg0: i32) -> (i32, i32) {
    %c0_i32 = arith.constant 0 : i32
    %c0_i32_0 = arith.constant 0 : i32
    %c0_i32_1 = arith.constant 0 : i32
    return %c0_i32, %c0_i32_0 : i32, i32
  }
  func.func @transform_6(%arg0: i32) -> (i32, i32) {
    %c0_i32 = arith.constant 0 : i32
    %c0_i32_0 = arith.constant 0 : i32
    %c0_i32_1 = arith.constant 0 : i32
    return %c0_i32, %c0_i32_0 : i32, i32
  }
  func.func @transform_7(%arg0: i32) -> (i32, i32) {
    %c0_i32 = arith.constant 0 : i32
    %c0_i32_0 = arith.constant 0 : i32
    return %arg0, %c0_i32 : i32, i32
  }
  func.func @transform_8(%arg0: i32) -> (i32, i32) {
    %c0_i32 = arith.constant 0 : i32
    %c0_i32_0 = arith.constant 0 : i32
    return %arg0, %c0_i32 : i32, i32
  }
}

</mosaic_0001>

<sc_bundles>
// kernel: kernel.10.cloned.1.call-start
scs
__scs_entry_jumppad:
0x0: {  	(pc) =	sbr.rel $0x88, $3  }
0x1: {  	(tag) =	ssettag $0x0;
	lr =	simm.s32 $0x1  }
0x2: {  	[smem:$0x3F98] =	sst lr;
	_ =	strace $0xD0000000  }
0x3: {  	_ = 	snop  }
0x4: {  	_ = 	snop  }
0x5: {  	_ = 	snop  }
0x6: {  	_ = 	snop  }
0x7: {  	_ = 	snop  }
__scs_overlays_trampoline_lowered:
0x8: {  	[smem:$0x3FA7] =	sst s0  }
0x9: {  	[smem:$0x3FA8] =	sst s1  }
0xa: {  	[smem:$0x3FA9] =	sst s2  }
0xb: {  	[smem:$0x3FAA] =	sst s3  }
0xc: {  	[smem:$0x3FAB] =	sst s4  }
0xd: {  	[smem:$0x3FAC] =	sst s5  }
0xe: {  	[smem:$0x3FAD] =	sst s6  }
0xf: {  	[smem:$0x3FAE] =	sst s7  }
0x10: {  	[smem:$0x3FAF] =	sst s8  }
0x11: {  	[smem:$0x3FB0] =	sst s9;
	s0 =	simm.s32 @!p0 $0x0  }
0x12: {  	s1 =	sld [smem:$0x3F96];
	s0 =	simm.s32 @p0 $0x1  }
0x13: {  	[smem:$0x3FB1] =	sst s0;
	s0 =	simm.s32 @!p1 $0x0  }
0x14: {  	s2 =	sld [smem:$0x3F95];
	s0 =	simm.s32 @p1 $0x1  }
0x15: {  	[smem:$0x3FB2] =	sst s0;
	s0 =	simm.s32 @!p2 $0x0  }
0x16: {  	s3 =	sld [smem:$0x3FDB];
	s0 =	simm.s32 @p2 $0x1  }
0x17: {  	s4 =	simm.s32 $0x1BF5;
	[smem:$0x3FB4] =	sst s0  }
0x18: {  	s0 =	sld [smem:$0x3F97];
	_ =	swait.ge [sflag:s4], $0x0  }
0x19: {  	s7 =	sld [smem:$0x3F98]  }
0x1a: {  	s8 =	sadd.s32 $0xFFFFE003, lr  }
0x1b: {  	s9 =	sadd.s32 $0xFFFFFEF7, lr;
	s5 =	simm.s32 $0xFFFFFFFF;
	p2 =	slt.u32 s8, $0xFFFFF086  }
0x1c: {  	p1 =	slt.u32 s9, $0xF7A;
	s5 =	simm.s32 @!p2 $0x0  }
0x1d: {  	s5 =	simm.s32 @p1 $0x1;
	p0 =	seq.s32 s7, s2  }
0x1e: {  	s7 =	smul.u32 @!p0 $0xF7A, s2;
	p2 =	seq.s32 @!p0 s5, $0x0  }
0x1f: {  	s9 =	smul.u32 $0xF7A, s1;
	s8 =	simm.s32 @!p0 $0x1BF5;
	p2 =	por !p2, p0  }
0x20: {  	[sflag:s8] =	ssyncset.s32 @!p0 $0xFFFFF086;
	s6 =	sadd.s32 @!p0 s3, s7;
	s7 =	simm.s32 @!p0 $0x108  }
0x21: {  	s3 =	sadd.s32 s3, s9;
	s6 =	sadd.s32 @!p0 $0x88, s6;
	s7 =	simm.s32 @p2 $0x1082  }
0x22: {  	[simem:s7], [sflag:s8] =	dma.local @!p0 [hbm:s6], $0xF7A  }
0x23: {  	s9 =	sor.u32 $0xD0000000, s2;
	s6 =	simm.s32 $0x108;
	_ =	swait.ge @!p0 [sflag:s8], $0x0  }
0x24: {  	s3 =	sadd.s32 $0x88, s3;
	s6 =	simm.s32 @!p1 $0x1082;
	[sflag:s4] =	ssyncset.s32 $0xFFFFF086  }
0x25: {  	[simem:s6], [sflag:s4] =	dma.local [hbm:s3], $0xF7A  }
0x26: {  	[smem:$0x3F98] =	sst s1;
	(tag) =	ssettag s2;
	_ =	strace s9  }
0x27: {  	s1 =	sld [smem:$0x3FA8]  }
0x28: {  	s2 =	sld [smem:$0x3FA9]  }
0x29: {  	s4 =	sld [smem:$0x3FAB]  }
0x2a: {  	p0 =	seq.s32 s5, $0x0;
	s5 =	sld [smem:$0x3FAC]  }
0x2b: {  	s6 =	sld [smem:$0x3FAD]  }
0x2c: {  	s7 =	sld [smem:$0x3FAE]  }
0x2d: {  	s3 =	simm.s32 $0x108;
	s8 =	sld [smem:$0x3FAF]  }
0x2e: {  	s3 =	simm.s32 @!p0 $0x1082;
	s9 =	sld [smem:$0x3FB0]  }
0x2f: {  	lr =	sadd.s32 s0, s3;
	s0 =	sld [smem:$0x3FA7]  }
0x30: {  	s3 =	sld [smem:$0x3FAA]  }
0x31: {  	[smem:$0x3FB3] =	sst s10  }
0x32: {  	s10 =	sld [smem:$0x3FB1];
	_ =	sdelay $0x3  }
0x33: {  	p0 =	seq.s32 s10, $0x1;
	s10 =	sld [smem:$0x3FB3];
	_ =	sdelay $0x3  }
0x34: {  	[smem:$0x3FB3] =	sst s10  }
0x35: {  	s10 =	sld [smem:$0x3FB2];
	_ =	sdelay $0x3  }
0x36: {  	p1 =	seq.s32 s10, $0x1;
	s10 =	sld [smem:$0x3FB3];
	_ =	sdelay $0x3  }
0x37: {  	[smem:$0x3FB3] =	sst s10  }
0x38: {  	s10 =	sld [smem:$0x3FB4]  }
0x39: {  	_ = 	snop;
	(pc) =	sbr.ind lr, $3  }
0x3a: {  	_ = 	snop  }
0x3b: {  	_ = 	snop  }
0x3c: {  	p2 =	seq.s32 s10, $0x1;
	s10 =	sld [smem:$0x3FB3]  }
0x3d: {  	_ =	shalt  }
0x3e: {  	_ =	shalt  }
0x3f: {  	_ =	shalt  }
0x40: {  	_ =	shalt  }
0x41: {  	_ =	shalt  }
0x42: {  	_ =	shalt  }
0x43: {  	_ =	shalt  }
0x44: {  	_ =	shalt  }
0x45: {  	_ =	shalt  }
0x46: {  	_ =	shalt  }
0x47: {  	_ =	shalt  }
0x48: {  	_ =	shalt  }
0x49: {  	_ =	shalt  }
0x4a: {  	_ =	shalt  }
0x4b: {  	_ =	shalt  }
0x4c: {  	_ =	shalt  }
0x4d: {  	_ =	shalt  }
0x4e: {  	_ =	shalt  }
0x4f: {  	_ =	shalt  }
0x50: {  	_ =	shalt  }
0x51: {  	_ =	shalt  }
0x52: {  	_ =	shalt  }
0x53: {  	_ =	shalt  }
0x54: {  	_ =	shalt  }
0x55: {  	_ =	shalt  }
0x56: {  	_ =	shalt  }
0x57: {  	_ =	shalt  }
0x58: {  	_ =	shalt  }
0x59: {  	_ =	shalt  }
0x5a: {  	_ =	shalt  }
0x5b: {  	_ =	shalt  }
0x5c: {  	_ =	shalt  }
0x5d: {  	_ =	shalt  }
0x5e: {  	_ =	shalt  }
0x5f: {  	_ =	shalt  }
0x60: {  	_ =	shalt  }
0x61: {  	_ =	shalt  }
0x62: {  	_ =	shalt  }
0x63: {  	_ =	shalt  }
0x64: {  	_ =	shalt  }
0x65: {  	_ =	shalt  }
0x66: {  	_ =	shalt  }
0x67: {  	_ =	shalt  }
0x68: {  	_ =	shalt  }
0x69: {  	_ =	shalt  }
0x6a: {  	_ =	shalt  }
0x6b: {  	_ =	shalt  }
0x6c: {  	_ =	shalt  }
0x6d: {  	_ =	shalt  }
0x6e: {  	_ =	shalt  }
0x6f: {  	_ =	shalt  }
0x70: {  	_ =	shalt  }
0x71: {  	_ =	shalt  }
0x72: {  	_ =	shalt  }
0x73: {  	_ =	shalt  }
0x74: {  	_ =	shalt  }
0x75: {  	_ =	shalt  }
0x76: {  	_ =	shalt  }
0x77: {  	_ =	shalt  }
0x78: {  	_ =	shalt  }
0x79: {  	_ =	shalt  }
0x7a: {  	_ =	shalt  }
0x7b: {  	_ =	shalt  }
0x7c: {  	_ =	shalt  }
0x7d: {  	_ =	shalt  }
0x7e: {  	_ =	shalt  }
0x7f: {  	_ =	shalt  }
0x80: {  	_ =	shalt  }
0x81: {  	_ =	shalt  }
0x82: {  	_ =	shalt  }
0x83: {  	_ =	shalt  }
0x84: {  	_ =	shalt  }
0x85: {  	_ =	shalt  }
0x86: {  	_ =	shalt  }
0x87: {  	_ =	shalt  }
.Lfunc_end0:
.L_simem_size_0:
called_computation.1_lowered:
.L_overlay_start_0:
0x88: {  	s2 =	sld [smem:$0x3FD9]  }
0x89: {  	s3 =	sld [smem:$0x3FFE];
	_ =	sdelay $0x1  }
0x8a: {  	s1 =	srdreg.scid  }
0x8b: {  	s0 =	sand.u32 $0x1, s1  }
0x8c: {  	s17 =	sshll.u32 s0, $0xA;
	s2 =	sadd.s32 s3, s2  }
0x8d: {  	s2 =	sadd.s32 s2, s17  }
0x8e: {  	[smem:$0x3FBF] =	sst s2  }
0x8f: {  	_ = 	snop  }
0x90: {  	s2 =	sld [smem:$0x3FD0];
	(tm) =	ssettm $0x1  }
0x91: {  	s18 =	sld [smem:$0x3FFB];
	_ =	sdelay $0x3  }
0x92: {  	_ =	strace s18  }
0x93: {  	s3 =	sld [smem:$0x3FFC];
	_ =	sdelay $0x3  }
0x94: {  	_ =	strace s3  }
0x95: {  	s3 =	sld [smem:$0x3FFD];
	_ =	sdelay $0x3  }
0x96: {  	_ =	strace s3  }
0x97: {  	_ =	strace $0x8FFFFFFF  }
0x98: {  	s19 =	sld [smem:$0x3FDB];
	_ =	sdelay $0x1  }
0x99: {  	s4 =	simm.s32 $_scs_section_size  }
0x9a: {  	s5 =	simm.s32 $_size__tile_overlayer_lowered;
	s6 =	simm.s32 $_tile_overlayer_lowered  }
0x9b: {  	s22 =	simm.s32 $0x1BFF;
	s21 =	sshll.u32 s6, $0x1;
	s3 =	sadd.s32 s4, s19  }
0x9c: {  	s7 =	simm.s32 $0x0;
	s20 =	sshll.u32 s5, $0x1;
	s5 =	sadd.s32 s21, s3  }
0x9d: {  	[timem:s7], [sflag:s22] =	dma.local [hbm:s5], s20  }
0x9e: {  	_ =	swait.ge [sflag:s22], s20  }
0x9f: {  	s4 =	ssub.s32 $0x0, s20;
	[sflag:s22] =	ssyncset.done $0x0  }
0xa0: {  	[sflag:s22] =	ssyncadd.s32 s4;
	_ =	sdelay $0x1  }
0xa1: {  	s23 =	simm.s32 $0x1B8B  }
0xa2: {  	_ =	swait.ge [sflag:s23], $0x1  }
0xa3: {  	[sflag:s23] =	ssyncset.done $0x0  }
0xa4: {  	s25 =	simm.s32 $0x1B8E;
	s24 =	sld [smem:$0x3FFE];
	[sflag:s23] =	ssyncadd.s32 $0xFFFFFFFF  }
0xa5: {  	s26 =	simm.s32 $execute0_lowered;
	[smem:$0x3FD2] =	sst s25  }
0xa6: {  	s5 =	sshll.u32 s26, $0x1;
	_ =	strace $0x80000049;
	[dreg:$0x1] =	wrdreg $0xFFFFFFFF  }
0xa7: {  	s28 =	simm.s32 $_size_execute0_lowered;
	s3 =	sadd.s32 s3, s5;
	[dreg:$0x0] =	wrdreg $0x0  }
0xa8: {  	s5 =	sshll.u32 s28, $0x1;
	[dreg:$0x2] =	wrdreg s3  }
0xa9: {  	[dreg:$0x3] =	wrdreg s5  }
0xaa: {  	[dreg:$0x4] =	wrdreg $0xC0  }
0xab: {  	_ =	task [dreg:s7], $0x5FFFF  }
0xac: {  	[dreg:$0x1] =	wrdreg $0xFFFFFFFF  }
0xad: {  	[dreg:$0x0] =	wrdreg $0x60  }
0xae: {  	[dreg:$0x2] =	wrdreg s24  }
0xaf: {  	[dreg:$0x3] =	wrdreg s2  }
0xb0: {  	[dreg:$0x4] =	wrdreg $0x78800  }
0xb1: {  	[dreg:$0x5] =	wrdreg $0x9  }
0xb2: {  	_ =	task.clear_ibuf [dreg:s7], $0x6FFFF;
	_ =	strace $0x90000049  }
0xb3: {  	s29 =	simm.s32 $0x9;
	_ =	strace $0x8000004B  }
0xb4: {  	_ =	swait.ge [sflag:s29], $0x1  }
0xb5: {  	[sflag:s29] =	ssyncadd.s32 $0xFFFFFFFF  }
0xb6: {  	_ =	strace $0x9000004B  }
0xb7: {  	_ =	sfence  }
0xb8: {  	s30 =	sld [smem:$0x0];
	_ =	sdelay $0x2  }
0xb9: {  	s31 =	sshll.u32 s1, $0xD;
	s1 =	sshrl.u32 s1, $0x2  }
0xba: {  	s3 =	sand.u32 $0x4000, s31;
	s1 =	sadd.s32 s1, s30  }
0xbb: {  	s0 =	sor.u32 s3, s0;
	s1 =	sshll.u32 s1, $0x11  }
0xbc: {  	s0 =	sor.u32 s1, s0  }
0xbd: {  	s0 =	sadd.s32 $0x8F2B, s0  }
0xbe: {  	[sflag:s0] =	ssyncadd.remote.s32 $0x1  }
0xbf: {  	_ =	sfence.sel $0xFFFF  }
0xc0: {  	[dreg:$0x0] =	wrdreg $0xFFFFFFFF;
	(pc) =	sbr.abs _section_cstart, $3  }
0xc1: {  	[dreg:$0x1] =	wrdreg $0xFFFFFFFF  }
0xc2: {  	_ =	task.clear_ibuf [dreg:s7], $0x2FFFF;
	_ =	strace $0x9FFFFFFF  }
0xc3: {  	(tm) =	ssettm $0x7FFFFFFF  }
tec
execute0_lowered:
.L_overlay_start_1:
0x0: {  	(tag) =	ssettag $0x1  }
0x1: {  	s6 =	rddreg [dreg:$0x0]  }
0x2: {  	s1 =	srdreg.scid;
	s2 =	rddreg [dreg:$0x1]  }
0x3: {  	s0 =	stileid.u32;
	s3 =	rddreg [dreg:$0x2]  }
0x4: {  	s4 =	simm.s32 $0x0;
	s17 =	simm.s32 $0x5080;
	s18 =	simm.s32 $0x1  }
0x5: {  	s19 =	simm.s32 $0x2780;
	s20 =	simm.s32 $0x2;
	s10 =	smul.u32 $0x13C00, s0  }
0x6: {  	s21 =	simm.s32 $0x2800;
	s22 =	simm.s32 $0x0;
	s13 =	smul.u32 $0x4F000, s0  }
0x7: {  	s7 =	sand.u32 $0x1, s1;
	s25 =	sshll.u32 s0, $0x1;
	s29 =	smul.u32 $0x4E20, s0  }
0x8: {  	[smem:$0x7FF] =	sst s4;
	s12 =	sadd.s32 $0x1E00, s6;
	s8 =	smul.u32 $0x13C000, s7  }
0x9: {  	s15 =	sshll.u32 s0, $0x6;
	s1 =	sor.u32 s7, s25;
	s16 =	smul.u32 $0x2710, s7  }
0xa: {  	s26 =	ssub.s32 $0x2, s7;
	s5 =	smul.u32 $0x2710, s1;
	s1 =	rddreg [dreg:$0x3]  }
0xb: {  	_ =	strace $0x8000004A;
	s28 =	sshrl.u32 s26, $0x1;
	s13 =	sshrl.u32 s13, $0x2  }
0xc: {  	s8 =	sadd.s32 s10, s8;
	s10 =	ssub.s32 s26, s28;
	s13 =	sadd.s32 s13, s3  }
0xd: {  	s30 =	sadd.s32 s16, s29;
	s16 =	simm.s32 $0x2880;
	s9 =	sshrl.u32 s5, $0x3  }
0xe: {  	s5 =	sadd.s32 $0x65000, s6;
	s8 =	sshrl.u32 s8, $0x3;
	s31 =	sadd.s32 $0x50, s30  }
0xf: {  	s10 =	smax.u32 s10, $0x1;
	s13 =	sshrl.u32 s13, $0x3;
	s11 =	sadd.s32 s9, s6  }
0x10: {  	s14 =	sadd.s32 s8, s6;
	s6 =	sor.u32 $0x1C03, s15;
	s9 =	sadd.s32 s12, s9  }
0x11: {  	s15 =	simm.s32 $0x50;
	s7 =	sadd.s32 $0xBC00, s11;
	s8 =	sadd.s32 $0x4D8, s9  }
0x12: {  	s9 =	sadd.s32 $0x8C200, s14;
	s11 =	sshrl.u32 s30, $0x3;
	s14 =	sshrl.u32 s31, $0x3  }
0x13: {  	s11 =	sadd.s32 s11, s12;
	s12 =	sadd.s32 s14, s12;
	s14 =	simm.s32 $0x3  }
.LBB2_1:
0x14: {  	[spmem:s13], [sflag:s6] =	dma.local [hbm:s2], $0x2780  }
0x15: {  	_ =	swait.ge [sflag:s14], $0x2780  }
0x16: {  	[sflag:s14] =	ssyncset.done $0x0  }
0x17: {  	[sflag:s14] =	ssyncadd.s32 $0xFFFFD880  }
0x18: {  	[tilespmem:s4], [sflag:$0x3] =	stream.linear.gather [hbm4b:s7+s4], $0x2710, $0x38;
	[tilespmem:$0x1B480] =	vst v63  }
0x19: {  	_ =	swait.ge [sflag:s14], $0x2710  }
0x1a: {  	[sflag:s14] =	ssyncset.done $0x0  }
0x1b: {  	[sflag:s14] =	ssyncadd.s32 $0xFFFFD8F0  }
0x1c: {  	[bflag:$0x0] =	sbarrier.arrive $0xFFFF  }
0x1d: {  	[tilespmem:s16], [sflag:$0x1] =	stream.indirect.gather [hbm4b:s5+s15], $0x80, s4, s15, $0xb8;
	[tilespmem:$0x1B480] =	vst v63  }
0x1e: {  	s23 =	simm.s32 $0x50  }
0x1f: {  	[tilespmem:s17], [sflag:$0x2] =	stream.indirect.gather [hbm4b:s5+s15], $0x80, s23, s15, $0xb8;
	[tilespmem:$0x1B480] =	vst v63  }
0x20: {  	_ =	swait.ge [sflag:s18], $0x2800  }
0x21: {  	[sflag:s18] =	ssyncset.done $0x0  }
0x22: {  	s29 =	sadd.s32 $0x0, s11;
	[sflag:s18] =	ssyncadd.s32 $0xFFFFD800  }
0x23: {  	[tilespmem:s19], [sflag:$0x3] =	stream.linear.gather [hbm4b:s29+s4], $0x50, $0x38;
	[tilespmem:$0x1B480] =	vst v63  }
0x24: {  	_ =	swait.ge [sflag:s14], $0x50  }
0x25: {  	[sflag:s14] =	ssyncset.done $0x0  }
0x26: {  	[sflag:s14] =	ssyncadd.s32 $0xFFFFFFB0  }
0x27: {  	[spmem:s3] =	stream.indirect.scatter.add.f32 [tilespmem:s16], [sflag:$0x3], $0x80, s19, s15, $0xb8;
	[tilespmem:$0x1B480] =	vst v63  }
0x28: {  	_ =	swait.ge [sflag:s14], $0x2800  }
0x29: {  	[sflag:s14] =	ssyncset.done $0x0  }
0x2a: {  	s30 =	simm.s32 $0xA0;
	[sflag:s14] =	ssyncadd.s32 $0xFFFFD800  }
0x2b: {  	[tilespmem:s16], [sflag:$0x1] =	stream.indirect.gather [hbm4b:s5+s15], $0x80, s30, s15, $0xb8;
	[tilespmem:$0x1B480] =	vst v63  }
0x2c: {  	_ =	swait.ge [sflag:s20], $0x2800  }
0x2d: {  	[sflag:s20] =	ssyncset.done $0x0  }
0x2e: {  	s31 =	sadd.s32 $0x0, s12;
	[sflag:s20] =	ssyncadd.s32 $0xFFFFD800  }
0x2f: {  	[tilespmem:s21], [sflag:$0x3] =	stream.linear.gather [hbm4b:s31+s4], $0x50, $0x38;
	[tilespmem:$0x1B480] =	vst v63  }
0x30: {  	_ =	swait.ge [sflag:s14], $0x50  }
0x31: {  	[sflag:s14] =	ssyncset.done $0x0  }
0x32: {  	[sflag:s14] =	ssyncadd.s32 $0xFFFFFFB0  }
0x33: {  	[spmem:s3] =	stream.indirect.scatter.add.f32 [tilespmem:s17], [sflag:$0x3], $0x80, s21, s15, $0xb8;
	[tilespmem:$0x1B480] =	vst v63  }
0x34: {  	s25 =	simm.s32 $0x28;
	_ =	swait.ge [sflag:s14], $0x2800  }
0x35: {  	s24 =	simm.s32 $0x140;
	s23 =	simm.s32 $0x14;
	[sflag:s14] =	ssyncset.done $0x0  }
.LBB2_2:
0x36: {  	p0 =	sne.s32 s25, $0x4C4;
	s26 =	sadd.s32 $0xFFFFFFB0, s24;
	[sflag:s14] =	ssyncadd.s32 $0xFFFFD800  }
0x37: {  	[tilespmem:s17], [sflag:$0x2] =	stream.indirect.gather [hbm4b:s5+s15], $0x80, s26, s15, $0xb8;
	[tilespmem:$0x1B480] =	vst v63  }
0x38: {  	s26 =	smov.u32 s25;
	s25 =	sadd.s32 $0x14, s25;
	_ =	swait.ge [sflag:s18], $0x2800  }
0x39: {  	[sflag:s18] =	ssyncset.done $0x0  }
0x3a: {  	s28 =	sadd.s32 s23, s11;
	[sflag:s18] =	ssyncadd.s32 $0xFFFFD800  }
0x3b: {  	[tilespmem:s19], [sflag:$0x3] =	stream.linear.gather [hbm4b:s28+s4], $0x50, $0x38;
	[tilespmem:$0x1B480] =	vst v63  }
0x3c: {  	_ =	swait.ge [sflag:s14], $0x50  }
0x3d: {  	[sflag:s14] =	ssyncset.done $0x0  }
0x3e: {  	[sflag:s14] =	ssyncadd.s32 $0xFFFFFFB0  }
0x3f: {  	[spmem:s3] =	stream.indirect.scatter.add.f32 [tilespmem:s16], [sflag:$0x3], $0x80, s19, s15, $0xb8;
	[tilespmem:$0x1B480] =	vst v63  }
0x40: {  	_ =	swait.ge [sflag:s14], $0x2800  }
0x41: {  	[sflag:s14] =	ssyncset.done $0x0  }
0x42: {  	[sflag:s14] =	ssyncadd.s32 $0xFFFFD800  }
0x43: {  	[tilespmem:s16], [sflag:$0x1] =	stream.indirect.gather [hbm4b:s5+s15], $0x80, s24, s15, $0xb8;
	[tilespmem:$0x1B480] =	vst v63  }
0x44: {  	_ =	swait.ge [sflag:s20], $0x2800  }
0x45: {  	[sflag:s20] =	ssyncset.done $0x0  }
0x46: {  	s28 =	sadd.s32 s23, s12;
	s23 =	smov.u32 s26;
	[sflag:s20] =	ssyncadd.s32 $0xFFFFD800  }
0x47: {  	[tilespmem:s21], [sflag:$0x3] =	stream.linear.gather [hbm4b:s28+s4], $0x50, $0x38;
	[tilespmem:$0x1B480] =	vst v63  }
0x48: {  	_ =	swait.ge [sflag:s14], $0x50  }
.Ltmp0:
0x49: {  	[sflag:s14] =	ssyncset.done $0x0;
	(pc) =	sbr.rel @p0 .LBB2_2-.Ltmp0, $4  }
0x4a: {  	[sflag:s14] =	ssyncadd.s32 $0xFFFFFFB0  }
0x4b: {  	[spmem:s3] =	stream.indirect.scatter.add.f32 [tilespmem:s17], [sflag:$0x3], $0x80, s21, s15, $0xb8;
	[tilespmem:$0x1B480] =	vst v63  }
0x4c: {  	_ =	swait.ge [sflag:s14], $0x2800  }
0x4d: {  	s24 =	sadd.s32 $0xA0, s24;
	[sflag:s14] =	ssyncset.done $0x0  }
0x4e: {  	s25 =	sadd.s32 $0xFFFFFFB0, s24;
	[sflag:s14] =	ssyncadd.s32 $0xFFFFD800  }
0x4f: {  	[tilespmem:s17], [sflag:$0x2] =	stream.indirect.gather [hbm4b:s5+s15], $0x80, s25, s15, $0xb8;
	[tilespmem:$0x1B480] =	vst v63  }
0x50: {  	_ =	swait.ge [sflag:s18], $0x2800  }
0x51: {  	[sflag:s18] =	ssyncset.done $0x0  }
0x52: {  	s30 =	sadd.s32 s23, s11;
	[sflag:s18] =	ssyncadd.s32 $0xFFFFD800  }
0x53: {  	[tilespmem:s19], [sflag:$0x3] =	stream.linear.gather [hbm4b:s30+s4], $0x50, $0x38;
	[tilespmem:$0x1B480] =	vst v63  }
0x54: {  	_ =	swait.ge [sflag:s14], $0x50  }
0x55: {  	[sflag:s14] =	ssyncset.done $0x0  }
0x56: {  	[sflag:s14] =	ssyncadd.s32 $0xFFFFFFB0  }
0x57: {  	[spmem:s3] =	stream.indirect.scatter.add.f32 [tilespmem:s16], [sflag:$0x3], $0x80, s19, s15, $0xb8;
	[tilespmem:$0x1B480] =	vst v63  }
0x58: {  	_ =	swait.ge [sflag:s14], $0x2800  }
0x59: {  	[sflag:s14] =	ssyncset.done $0x0  }
0x5a: {  	[sflag:s14] =	ssyncadd.s32 $0xFFFFD800  }
0x5b: {  	[tilespmem:s16], [sflag:$0x1] =	stream.indirect.gather [hbm4b:s5+s15], $0x80, s24, s15, $0xb8;
	[tilespmem:$0x1B480] =	vst v63  }
0x5c: {  	_ =	swait.ge [sflag:s20], $0x2800  }
0x5d: {  	[sflag:s20] =	ssyncset.done $0x0  }
0x5e: {  	s31 =	sadd.s32 s23, s12;
	[sflag:s20] =	ssyncadd.s32 $0xFFFFD800  }
0x5f: {  	[tilespmem:s21], [sflag:$0x3] =	stream.linear.gather [hbm4b:s31+s4], $0x50, $0x38;
	[tilespmem:$0x1B480] =	vst v63  }
0x60: {  	_ =	swait.ge [sflag:s14], $0x50  }
0x61: {  	[sflag:s14] =	ssyncset.done $0x0  }
0x62: {  	[sflag:s14] =	ssyncadd.s32 $0xFFFFFFB0  }
0x63: {  	[spmem:s3] =	stream.indirect.scatter.add.f32 [tilespmem:s17], [sflag:$0x3], $0x80, s21, s15, $0xb8;
	[tilespmem:$0x1B480] =	vst v63  }
0x64: {  	_ =	swait.ge [sflag:s14], $0x2800  }
0x65: {  	[sflag:s14] =	ssyncset.done $0x0  }
0x66: {  	[sflag:s14] =	ssyncadd.s32 $0xFFFFD800  }
0x67: {  	_ =	swait.ge [sflag:s18], $0x2800  }
0x68: {  	[sflag:s18] =	ssyncset.done $0x0  }
0x69: {  	[sflag:s18] =	ssyncadd.s32 $0xFFFFD800  }
0x6a: {  	[tilespmem:s19], [sflag:$0x3] =	stream.linear.gather [hbm4b:s8+s4], $0x50, $0x38;
	[tilespmem:$0x1B480] =	vst v63  }
0x6b: {  	_ =	swait.ge [sflag:s14], $0x50  }
0x6c: {  	[sflag:s14] =	ssyncset.done $0x0  }
0x6d: {  	[sflag:s14] =	ssyncadd.s32 $0xFFFFFFB0  }
0x6e: {  	[spmem:s3] =	stream.indirect.scatter.add.f32 [tilespmem:s16], [sflag:$0x3], $0x80, s19, s15, $0xb8;
	[tilespmem:$0x1B480] =	vst v63  }
0x6f: {  	_ =	swait.ge [sflag:s14], $0x2800  }
0x70: {  	s22 =	sadd.s32 $0x1, s22;
	[sflag:s14] =	ssyncset.done $0x0  }
0x71: {  	p0 =	sne.s32 s22, s10;
	[sflag:s14] =	ssyncadd.s32 $0xFFFFD800  }
.Ltmp1:
0x72: {  	[bflag:$0x0] =	sbarrier.arrive $0xFFFF;
	(pc) =	sbr.rel @p0 .LBB2_1-.Ltmp1, $4  }
0x73: {  	[hbm:s9], [sflag:s6] =	dma.local [spmem:s13], $0x2780  }
0x74: {  	_ =	swait.ge [sflag:s14], $0x2780  }
0x75: {  	[sflag:s14] =	ssyncset.done $0x0  }
0x76: {  	[sflag:s14] =	ssyncadd.s32 $0xFFFFD880  }
0x77: {  	_ =	sfence.sel $0x180000  }
0x78: {  	[bflag:$0x0] =	sbarrier.arrive $0xFFFF  }
0x79: {  	p0 =	sne.s32 s0, $0x0;
	_ =	strace $0x9000004A  }
0x7a: {  	s0 =	sadd.s32 @!p0 $0x100000, s1;
	[bflag:$0x2] =	sbarrier.arrive $0xFFFF  }
0x7b: {  	[sflag:s0] =	ssyncadd.tile.s32 @!p0 $0x1;
	_ =	shalt  }
.Lfunc_end2:
_tile_overlayer_lowered:
.L_overlay_start_2:
0x7c: {  	(tag) =	ssettag $0x2  }
0x7d: {  	s0 =	rddreg [dreg:$0x0];
	s2 =	stileid.u32  }
0x7e: {  	s1 =	rddreg [dreg:$0x1];
	p0 =	sne.s32 s2, $0x0  }
0x7f: {  	s3 =	rddreg [dreg:$0x2];
	[bflag:$0x3] =	sbarrier.arrive $0xFFFF;
	s2 =	simm.s32 @!p0 $0x1C03  }
0x80: {  	[timem:s3], [sflag:s2] =	dma.local @!p0 [hbm:s0], s1  }
0x81: {  	s0 =	simm.s32 @!p0 $0x3  }
0x82: {  	_ =	swait.ge @!p0 [sflag:s0], s1  }
0x83: {  	s1 =	ssub.s32 @!p0 $0x0, s1;
	[sflag:s0] =	ssyncset.done @!p0 $0x0  }
0x84: {  	[sflag:s0] =	ssyncadd.s32 @!p0 s1  }
0x85: {  	[bflag:$0x3] =	sbarrier.arrive $0xFFFF  }
0x86: {  	_ =	shalt  }

// kernel: kernel.13.cloned.1.call-start
scs
__scs_entry_jumppad:
0x0: {  	(pc) =	sbr.rel $0x88, $3  }
0x1: {  	(tag) =	ssettag $0x0;
	lr =	simm.s32 $0x1  }
0x2: {  	[smem:$0x3F98] =	sst lr;
	_ =	strace $0xD0000000  }
0x3: {  	_ = 	snop  }
0x4: {  	_ = 	snop  }
0x5: {  	_ = 	snop  }
0x6: {  	_ = 	snop  }
0x7: {  	_ = 	snop  }
__scs_overlays_trampoline_lowered:
0x8: {  	[smem:$0x3FA7] =	sst s0  }
0x9: {  	[smem:$0x3FA8] =	sst s1  }
0xa: {  	[smem:$0x3FA9] =	sst s2  }
0xb: {  	[smem:$0x3FAA] =	sst s3  }
0xc: {  	[smem:$0x3FAB] =	sst s4  }
0xd: {  	[smem:$0x3FAC] =	sst s5  }
0xe: {  	[smem:$0x3FAD] =	sst s6  }
0xf: {  	[smem:$0x3FAE] =	sst s7  }
0x10: {  	[smem:$0x3FAF] =	sst s8  }
0x11: {  	[smem:$0x3FB0] =	sst s9;
	s0 =	simm.s32 @!p0 $0x0  }
0x12: {  	s1 =	sld [smem:$0x3F96];
	s0 =	simm.s32 @p0 $0x1  }
0x13: {  	[smem:$0x3FB1] =	sst s0;
	s0 =	simm.s32 @!p1 $0x0  }
0x14: {  	s2 =	sld [smem:$0x3F95];
	s0 =	simm.s32 @p1 $0x1  }
0x15: {  	[smem:$0x3FB2] =	sst s0;
	s0 =	simm.s32 @!p2 $0x0  }
0x16: {  	s3 =	sld [smem:$0x3FDB];
	s0 =	simm.s32 @p2 $0x1  }
0x17: {  	s4 =	simm.s32 $0x1BF5;
	[smem:$0x3FB4] =	sst s0  }
0x18: {  	s0 =	sld [smem:$0x3F97];
	_ =	swait.ge [sflag:s4], $0x0  }
0x19: {  	s7 =	sld [smem:$0x3F98]  }
0x1a: {  	s8 =	sadd.s32 $0xFFFFE003, lr  }
0x1b: {  	s9 =	sadd.s32 $0xFFFFFEF7, lr;
	s5 =	simm.s32 $0xFFFFFFFF;
	p2 =	slt.u32 s8, $0xFFFFF086  }
0x1c: {  	p1 =	slt.u32 s9, $0xF7A;
	s5 =	simm.s32 @!p2 $0x0  }
0x1d: {  	s5 =	simm.s32 @p1 $0x1;
	p0 =	seq.s32 s7, s2  }
0x1e: {  	s7 =	smul.u32 @!p0 $0xF7A, s2;
	p2 =	seq.s32 @!p0 s5, $0x0  }
0x1f: {  	s9 =	smul.u32 $0xF7A, s1;
	s8 =	simm.s32 @!p0 $0x1BF5;
	p2 =	por !p2, p0  }
0x20: {  	[sflag:s8] =	ssyncset.s32 @!p0 $0xFFFFF086;
	s6 =	sadd.s32 @!p0 s3, s7;
	s7 =	simm.s32 @!p0 $0x108  }
0x21: {  	s3 =	sadd.s32 s3, s9;
	s6 =	sadd.s32 @!p0 $0x88, s6;
	s7 =	simm.s32 @p2 $0x1082  }
0x22: {  	[simem:s7], [sflag:s8] =	dma.local @!p0 [hbm:s6], $0xF7A  }
0x23: {  	s9 =	sor.u32 $0xD0000000, s2;
	s6 =	simm.s32 $0x108;
	_ =	swait.ge @!p0 [sflag:s8], $0x0  }
0x24: {  	s3 =	sadd.s32 $0x88, s3;
	s6 =	simm.s32 @!p1 $0x1082;
	[sflag:s4] =	ssyncset.s32 $0xFFFFF086  }
0x25: {  	[simem:s6], [sflag:s4] =	dma.local [hbm:s3], $0xF7A  }
0x26: {  	[smem:$0x3F98] =	sst s1;
	(tag) =	ssettag s2;
	_ =	strace s9  }
0x27: {  	s1 =	sld [smem:$0x3FA8]  }
0x28: {  	s2 =	sld [smem:$0x3FA9]  }
0x29: {  	s4 =	sld [smem:$0x3FAB]  }
0x2a: {  	p0 =	seq.s32 s5, $0x0;
	s5 =	sld [smem:$0x3FAC]  }
0x2b: {  	s6 =	sld [smem:$0x3FAD]  }
0x2c: {  	s7 =	sld [smem:$0x3FAE]  }
0x2d: {  	s3 =	simm.s32 $0x108;
	s8 =	sld [smem:$0x3FAF]  }
0x2e: {  	s3 =	simm.s32 @!p0 $0x1082;
	s9 =	sld [smem:$0x3FB0]  }
0x2f: {  	lr =	sadd.s32 s0, s3;
	s0 =	sld [smem:$0x3FA7]  }
0x30: {  	s3 =	sld [smem:$0x3FAA]  }
0x31: {  	[smem:$0x3FB3] =	sst s10  }
0x32: {  	s10 =	sld [smem:$0x3FB1];
	_ =	sdelay $0x3  }
0x33: {  	p0 =	seq.s32 s10, $0x1;
	s10 =	sld [smem:$0x3FB3];
	_ =	sdelay $0x3  }
0x34: {  	[smem:$0x3FB3] =	sst s10  }
0x35: {  	s10 =	sld [smem:$0x3FB2];
	_ =	sdelay $0x3  }
0x36: {  	p1 =	seq.s32 s10, $0x1;
	s10 =	sld [smem:$0x3FB3];
	_ =	sdelay $0x3  }
0x37: {  	[smem:$0x3FB3] =	sst s10  }
0x38: {  	s10 =	sld [smem:$0x3FB4]  }
0x39: {  	_ = 	snop;
	(pc) =	sbr.ind lr, $3  }
0x3a: {  	_ = 	snop  }
0x3b: {  	_ = 	snop  }
0x3c: {  	p2 =	seq.s32 s10, $0x1;
	s10 =	sld [smem:$0x3FB3]  }
0x3d: {  	_ =	shalt  }
0x3e: {  	_ =	shalt  }
0x3f: {  	_ =	shalt  }
0x40: {  	_ =	shalt  }
0x41: {  	_ =	shalt  }
0x42: {  	_ =	shalt  }
0x43: {  	_ =	shalt  }
0x44: {  	_ =	shalt  }
0x45: {  	_ =	shalt  }
0x46: {  	_ =	shalt  }
0x47: {  	_ =	shalt  }
0x48: {  	_ =	shalt  }
0x49: {  	_ =	shalt  }
0x4a: {  	_ =	shalt  }
0x4b: {  	_ =	shalt  }
0x4c: {  	_ =	shalt  }
0x4d: {  	_ =	shalt  }
0x4e: {  	_ =	shalt  }
0x4f: {  	_ =	shalt  }
0x50: {  	_ =	shalt  }
0x51: {  	_ =	shalt  }
0x52: {  	_ =	shalt  }
0x53: {  	_ =	shalt  }
0x54: {  	_ =	shalt  }
0x55: {  	_ =	shalt  }
0x56: {  	_ =	shalt  }
0x57: {  	_ =	shalt  }
0x58: {  	_ =	shalt  }
0x59: {  	_ =	shalt  }
0x5a: {  	_ =	shalt  }
0x5b: {  	_ =	shalt  }
0x5c: {  	_ =	shalt  }
0x5d: {  	_ =	shalt  }
0x5e: {  	_ =	shalt  }
0x5f: {  	_ =	shalt  }
0x60: {  	_ =	shalt  }
0x61: {  	_ =	shalt  }
0x62: {  	_ =	shalt  }
0x63: {  	_ =	shalt  }
0x64: {  	_ =	shalt  }
0x65: {  	_ =	shalt  }
0x66: {  	_ =	shalt  }
0x67: {  	_ =	shalt  }
0x68: {  	_ =	shalt  }
0x69: {  	_ =	shalt  }
0x6a: {  	_ =	shalt  }
0x6b: {  	_ =	shalt  }
0x6c: {  	_ =	shalt  }
0x6d: {  	_ =	shalt  }
0x6e: {  	_ =	shalt  }
0x6f: {  	_ =	shalt  }
0x70: {  	_ =	shalt  }
0x71: {  	_ =	shalt  }
0x72: {  	_ =	shalt  }
0x73: {  	_ =	shalt  }
0x74: {  	_ =	shalt  }
0x75: {  	_ =	shalt  }
0x76: {  	_ =	shalt  }
0x77: {  	_ =	shalt  }
0x78: {  	_ =	shalt  }
0x79: {  	_ =	shalt  }
0x7a: {  	_ =	shalt  }
0x7b: {  	_ =	shalt  }
0x7c: {  	_ =	shalt  }
0x7d: {  	_ =	shalt  }
0x7e: {  	_ =	shalt  }
0x7f: {  	_ =	shalt  }
0x80: {  	_ =	shalt  }
0x81: {  	_ =	shalt  }
0x82: {  	_ =	shalt  }
0x83: {  	_ =	shalt  }
0x84: {  	_ =	shalt  }
0x85: {  	_ =	shalt  }
0x86: {  	_ =	shalt  }
0x87: {  	_ =	shalt  }
.Lfunc_end0:
.L_simem_size_0:
called_computation.2_lowered:
.L_overlay_start_0:
0x88: {  	s2 =	sld [smem:$0x3FD9]  }
0x89: {  	s3 =	sld [smem:$0x3FFE];
	_ =	sdelay $0x1  }
0x8a: {  	s1 =	srdreg.scid  }
0x8b: {  	s0 =	sand.u32 $0x1, s1  }
0x8c: {  	s16 =	sshll.u32 s0, $0xA;
	s2 =	sadd.s32 s3, s2  }
0x8d: {  	s2 =	sadd.s32 s2, s16  }
0x8e: {  	[smem:$0x3FBF] =	sst s2  }
0x8f: {  	_ = 	snop  }
0x90: {  	(tm) =	ssettm $0x1  }
0x91: {  	s17 =	sld [smem:$0x3FFB];
	_ =	sdelay $0x3  }
0x92: {  	_ =	strace s17  }
0x93: {  	s2 =	sld [smem:$0x3FFC];
	_ =	sdelay $0x3  }
0x94: {  	_ =	strace s2  }
0x95: {  	s2 =	sld [smem:$0x3FFD];
	_ =	sdelay $0x3  }
0x96: {  	_ =	strace s2  }
0x97: {  	_ =	strace $0x8FFFFFFF  }
0x98: {  	s18 =	sld [smem:$0x3FDB];
	_ =	sdelay $0x1  }
0x99: {  	s19 =	simm.s32 $_scs_section_size  }
0x9a: {  	s4 =	simm.s32 $_size__tile_overlayer_lowered;
	s5 =	simm.s32 $_tile_overlayer_lowered  }
0x9b: {  	s22 =	simm.s32 $0x1BFF;
	s21 =	sshll.u32 s5, $0x1;
	s2 =	sadd.s32 s19, s18  }
0x9c: {  	s6 =	simm.s32 $0x0;
	s20 =	sshll.u32 s4, $0x1;
	s4 =	sadd.s32 s21, s2  }
0x9d: {  	[timem:s6], [sflag:s22] =	dma.local [hbm:s4], s20  }
0x9e: {  	_ =	swait.ge [sflag:s22], s20  }
0x9f: {  	s3 =	ssub.s32 $0x0, s20;
	[sflag:s22] =	ssyncset.done $0x0  }
0xa0: {  	[sflag:s22] =	ssyncadd.s32 s3;
	_ =	sdelay $0x1  }
0xa1: {  	s23 =	simm.s32 $0x1B8B  }
0xa2: {  	_ =	swait.ge [sflag:s23], $0x1  }
0xa3: {  	[sflag:s23] =	ssyncset.done $0x0  }
0xa4: {  	s25 =	simm.s32 $0x1B8E;
	s24 =	sld [smem:$0x3FFE];
	[sflag:s23] =	ssyncadd.s32 $0xFFFFFFFF  }
0xa5: {  	s26 =	simm.s32 $execute0_lowered;
	[smem:$0x3FD2] =	sst s25  }
0xa6: {  	s4 =	sshll.u32 s26, $0x1;
	_ =	strace $0x8000004C;
	[dreg:$0x1] =	wrdreg $0xFFFFFFFF  }
0xa7: {  	s28 =	simm.s32 $_size_execute0_lowered;
	s2 =	sadd.s32 s2, s4;
	[dreg:$0x0] =	wrdreg $0x0  }
0xa8: {  	s4 =	sshll.u32 s28, $0x1;
	[dreg:$0x2] =	wrdreg s2  }
0xa9: {  	[dreg:$0x3] =	wrdreg s4  }
0xaa: {  	[dreg:$0x4] =	wrdreg $0xC0  }
0xab: {  	_ =	task [dreg:s6], $0x5FFFF  }
0xac: {  	[dreg:$0x1] =	wrdreg $0xFFFFFFFF  }
0xad: {  	[dreg:$0x0] =	wrdreg $0x60  }
0xae: {  	[dreg:$0x2] =	wrdreg s24  }
0xaf: {  	[dreg:$0x3] =	wrdreg $0x9  }
0xb0: {  	_ =	task.clear_ibuf [dreg:s6], $0x4FFFF;
	_ =	strace $0x9000004C  }
0xb1: {  	s29 =	simm.s32 $0x9;
	_ =	strace $0x8000004E  }
0xb2: {  	_ =	swait.ge [sflag:s29], $0x1  }
0xb3: {  	[sflag:s29] =	ssyncadd.s32 $0xFFFFFFFF  }
0xb4: {  	_ =	strace $0x9000004E  }
0xb5: {  	_ =	sfence  }
0xb6: {  	s30 =	sld [smem:$0x0];
	_ =	sdelay $0x2  }
0xb7: {  	s31 =	sshll.u32 s1, $0xD;
	s1 =	sshrl.u32 s1, $0x2  }
0xb8: {  	s3 =	sand.u32 $0x4000, s31;
	s1 =	sadd.s32 s1, s30  }
0xb9: {  	s0 =	sor.u32 s3, s0;
	s1 =	sshll.u32 s1, $0x11  }
0xba: {  	s0 =	sor.u32 s1, s0  }
0xbb: {  	s0 =	sadd.s32 $0x8F2B, s0  }
0xbc: {  	[sflag:s0] =	ssyncadd.remote.s32 $0x1  }
0xbd: {  	_ =	sfence.sel $0xFFFF  }
0xbe: {  	[dreg:$0x0] =	wrdreg $0xFFFFFFFF;
	(pc) =	sbr.abs _section_cstart, $3  }
0xbf: {  	[dreg:$0x1] =	wrdreg $0xFFFFFFFF  }
0xc0: {  	_ =	task.clear_ibuf [dreg:s6], $0x2FFFF;
	_ =	strace $0x9FFFFFFF  }
0xc1: {  	(tm) =	ssettm $0x7FFFFFFF  }
tec
execute0_lowered:
.L_overlay_start_1:
0x0: {  	(tag) =	ssettag $0x1  }
0x1: {  	v0 =	vlaneseq.u32  }
0x2: {  	v0 =	vmul.u32 $0x80, v0;
	_ =	sdelay $0x1  }
0x3: {  	v1 =	vor.u32 $0x1, v0  }
0x4: {  	[tilespmem:$0x1FDE0] =	vst v1;
	v1 =	vor.u32 $0x2, v0  }
0x5: {  	[tilespmem:$0x1FDF0] =	vst v1;
	v1 =	vor.u32 $0x3, v0  }
0x6: {  	[tilespmem:$0x1FE00] =	vst v1;
	v1 =	vor.u32 $0x4, v0  }
0x7: {  	[tilespmem:$0x1FE10] =	vst v1;
	v1 =	vor.u32 $0x5, v0  }
0x8: {  	[tilespmem:$0x1FE20] =	vst v1;
	v1 =	vor.u32 $0x6, v0  }
0x9: {  	s2 =	simm.s32 $0x0;
	[tilespmem:$0x1FE30] =	vst v1;
	v1 =	vor.u32 $0x7, v0  }
0xa: {  	[smem:$0x7FF] =	sst s2;
	[tilespmem:$0x1FE40] =	vst v1;
	v1 =	vor.u32 $0x8, v0  }
0xb: {  	s5 =	rddreg [dreg:$0x0];
	_ =	strace $0x8000004D;
	[tilespmem:$0x1FE50] =	vst v1;
	v1 =	vor.u32 $0x9, v0  }
0xc: {  	[tilespmem:$0x1FE60] =	vst v1;
	v1 =	vor.u32 $0xA, v0  }
0xd: {  	[tilespmem:$0x1FE70] =	vst v1;
	v1 =	vor.u32 $0xB, v0  }
0xe: {  	[tilespmem:$0x1FE80] =	vst v1;
	v1 =	vor.u32 $0xC, v0  }
0xf: {  	[tilespmem:$0x1FE90] =	vst v1;
	v1 =	vor.u32 $0xD, v0  }
0x10: {  	[tilespmem:$0x1FEA0] =	vst v1;
	v1 =	vor.u32 $0xE, v0  }
0x11: {  	[tilespmem:$0x1FEB0] =	vst v1;
	v1 =	vor.u32 $0xF, v0  }
0x12: {  	[tilespmem:$0x1FEC0] =	vst v1;
	v1 =	vor.u32 $0x800, v0  }
0x13: {  	[tilespmem:$0x1FED0] =	vst v1;
	v1 =	vor.u32 $0x801, v0  }
0x14: {  	[tilespmem:$0x1FEE0] =	vst v1;
	v1 =	vor.u32 $0x802, v0  }
0x15: {  	[tilespmem:$0x1FEF0] =	vst v1;
	v1 =	vor.u32 $0x803, v0  }
0x16: {  	[tilespmem:$0x1FF00] =	vst v1;
	v1 =	vor.u32 $0x804, v0  }
0x17: {  	[tilespmem:$0x1FF10] =	vst v1;
	v1 =	vor.u32 $0x805, v0  }
0x18: {  	[tilespmem:$0x1FF20] =	vst v1;
	v1 =	vor.u32 $0x806, v0  }
0x19: {  	[tilespmem:$0x1FF30] =	vst v1;
	v1 =	vor.u32 $0x807, v0  }
0x1a: {  	[tilespmem:$0x1FF40] =	vst v1;
	v1 =	vor.u32 $0x808, v0  }
0x1b: {  	s1 =	srdreg.scid;
	s0 =	stileid.u32;
	[tilespmem:$0x1FF50] =	vst v1;
	v1 =	vor.u32 $0x809, v0  }
0x1c: {  	s10 =	simm.s32 $0x13E80;
	s11 =	simm.s32 $0x5;
	s12 =	simm.s32 $0x2780;
	[tilespmem:$0x1FF60] =	vst v1;
	v1 =	vor.u32 $0x80A, v0  }
0x1d: {  	s13 =	simm.s32 $0x50;
	s14 =	simm.s32 $0x7680;
	s15 =	simm.s32 $0x9E80;
	[tilespmem:$0x1FF70] =	vst v1;
	v1 =	vor.u32 $0x80B, v0  }
0x1e: {  	s16 =	simm.s32 $0xC680;
	s17 =	simm.s32 $0xEE80;
	s18 =	simm.s32 $0x1;
	[tilespmem:$0x1FF80] =	vst v1;
	v1 =	vor.u32 $0x80C, v0  }
0x1f: {  	s19 =	simm.s32 $0x2;
	s20 =	simm.s32 $0x11680;
	s21 =	simm.s32 $0x3;
	[tilespmem:$0x1FF90] =	vst v1;
	v1 =	vor.u32 $0x80D, v0  }
0x20: {  	s22 =	simm.s32 $0x4;
	s1 =	sand.u32 $0x1, s1;
	s3 =	sshll.u32 s0, $0x1;
	[tilespmem:$0x1FFA0] =	vst v1;
	v1 =	vor.u32 $0x80E, v0  }
0x21: {  	s23 =	simm.s32 $0x4F00;
	s3 =	sor.u32 s1, s3;
	s1 =	ssub.s32 $0x2, s1;
	[tilespmem:$0x1FFB0] =	vst v1;
	v1 =	vor.u32 $0x80F, v0  }
0x22: {  	s24 =	simm.s32 $0x0;
	s6 =	smul.u32 $0x4E2, s3;
	s31 =	sshrl.u32 s1, $0x1;
	[tilespmem:$0x1FFC0] =	vst v1;
	v1 =	vor.u32 $0x1000, v0  }
0x23: {  	s4 =	sadd.s32 $0x3CE00, s5;
	s3 =	sadd.s32 $0x15C00, s5;
	s1 =	ssub.s32 s1, s31;
	[tilespmem:$0x1FFD0] =	vst v1;
	v1 =	vor.u32 $0x1001, v0  }
0x24: {  	s8 =	sadd.s32 s6, s5;
	s5 =	sadd.s32 $0x15A00, s5;
	s9 =	smax.u32 s1, $0x1;
	[tilespmem:$0x1FFE0] =	vst v1;
	v1 =	vor.u32 $0x1002, v0  }
0x25: {  	s6 =	sadd.s32 $0xBC00, s8;
	s7 =	sadd.s32 $0x1E00, s8;
	s8 =	sadd.s32 $0x64000, s8;
	[tilespmem:$0x1FFF0] =	vst v1  }
.LBB2_1:
0x26: {  	[tilespmem:s10], [sflag:$0x5] =	stream.linear.gather [hbm4b:s5+s2], $0x80, $0x38;
	[tilespmem:$0x13F00] =	vst v63  }
0x27: {  	_ =	swait.ge [sflag:s11], $0x80  }
0x28: {  	[sflag:s11] =	ssyncset.done $0x0  }
0x29: {  	[sflag:s11] =	ssyncadd.s32 $0xFFFFFF80  }
0x2a: {  	[tilespmem:s2], [sflag:$0x5] =	stream.linear.gather [hbm4b:s6+s2], $0x2710, $0x38;
	[tilespmem:$0x13F00] =	vst v63  }
0x2b: {  	_ =	swait.ge [sflag:s11], $0x2710  }
0x2c: {  	[sflag:s11] =	ssyncset.done $0x0  }
0x2d: {  	v1 =	vimm.s32 $0x40;
	[sflag:s11] =	ssyncadd.s32 $0xFFFFD8F0  }
0x2e: {  	[tilespmem:s12], [sflag:$0x5] =	stream.linear.gather [hbm4b:s7+s2], $0x2710, $0x38;
	[tilespmem:$0x13F00] =	vst v63  }
0x2f: {  	_ =	swait.ge [sflag:s11], $0x2710  }
0x30: {  	[sflag:s11] =	ssyncset.done $0x0  }
0x31: {  	[sflag:s11] =	ssyncadd.s32 $0xFFFFD8F0  }
0x32: {  	v36 =	vld.idx.msk [tilespmem:v1+s10+$0x0], $0xffff;
	[tilespmem:s14], [sflag:$0x1] =	stream.indirect.gather [hbm4b:s3+s13], $0x80, s2, s13, $0xb8  }
0x33: {  	s25 =	simm.s32 $0x0  }
0x34: {  	[tilespmem:s15], [sflag:$0x2] =	stream.indirect.gather [hbm4b:s4+s13], $0x80, s12, s13, $0xb8;
	[tilespmem:$0x13F00] =	vst v63  }
.LBB2_2:
0x35: {  	s26 =	smul.u32 $0xA0, s25;
	_ =	sdelay $0x1  }
0x36: {  	s28 =	sadd.s32 $0x50, s26  }
0x37: {  	[tilespmem:s16], [sflag:$0x3] =	stream.indirect.gather [hbm4b:s3+s13], $0x80, s28, s13, $0xb8;
	[tilespmem:$0x13F00] =	vst v63  }
0x38: {  	s1 =	sadd.s32 $0x27D0, s26  }
0x39: {  	[tilespmem:s17], [sflag:$0x4] =	stream.indirect.gather [hbm4b:s4+s13], $0x80, s1, s13, $0xb8;
	[tilespmem:$0x13F00] =	vst v63  }
0x3a: {  	_ =	swait.ge [sflag:s18], $0x2800  }
0x3b: {  	[sflag:s18] =	ssyncset.done $0x0  }
0x3c: {  	[sflag:s18] =	ssyncadd.s32 $0xFFFFD800  }
0x3d: {  	_ =	swait.ge [sflag:s19], $0x2800  }
0x3e: {  	[sflag:s19] =	ssyncset.done $0x0  }
0x3f: {  	s29 =	simm.s32 $0x0;
	[sflag:s19] =	ssyncadd.s32 $0xFFFFD800  }
0x40: {  	v1 =	vld [tilespmem:s29+$0x7690]  }
0x41: {  	v2 =	vld [tilespmem:s29+$0x9E90]  }
0x42: {  	v3 =	vld [tilespmem:s29+$0x76B0]  }
0x43: {  	v4 =	vld [tilespmem:s29+$0x9EB0]  }
0x44: {  	v5 =	vld [tilespmem:s29+$0x7680]  }
0x45: {  	v6 =	vld [tilespmem:s29+$0x9E80]  }
0x46: {  	v7 =	vld [tilespmem:s29+$0x76A0];
	_ =	sdelay $0x1  }
0x47: {  	v8 =	vunpack.i.u.bf16.f32 v1;
	v9 =	vunpack.i.u.bf16.f32 v2  }
0x48: {  	v11 =	vld [tilespmem:s29+$0x9EA0];
	v10 =	vunpack.i.u.bf16.f32 v3;
	v1 =	vunpack.i.l.bf16.f32 v1;
	v12 =	vunpack.i.u.bf16.f32 v4  }
0x49: {  	v2 =	vunpack.i.l.bf16.f32 v2;
	v3 =	vunpack.i.l.bf16.f32 v3;
	v13 =	vunpack.i.u.bf16.f32 v5  }
0x4a: {  	v4 =	vunpack.i.l.bf16.f32 v4;
	v14 =	vunpack.i.u.bf16.f32 v6;
	v15 =	vunpack.i.u.bf16.f32 v7  }
0x4b: {  	v5 =	vunpack.i.l.bf16.f32 v5;
	v6 =	vunpack.i.l.bf16.f32 v6;
	v8 =	vadd.f32 v9, v8  }
0x4c: {  	v7 =	vunpack.i.l.bf16.f32 v7;
	v1 =	vadd.f32 v2, v1;
	v2 =	vadd.f32 v4, v3  }
0x4d: {  	v3 =	vunpack.i.l.bf16.f32 v11;
	v4 =	vadd.f32 v14, v13;
	v5 =	vadd.f32 v6, v5  }
0x4e: {  	v6 =	vunpack.i.u.bf16.f32 v11;
	v3 =	vadd.f32 v3, v7;
	v1 =	vsub.f32 $0.0e+00, v1  }
0x4f: {  	v6 =	vadd.f32 v6, v15;
	v4 =	vsub.f32 $0.0e+00, v4  }
0x50: {  	v5 =	vsub.f32 $0.0e+00, v5;
	v3 =	vmin.f32 v3, $1.500000000e+01;
	v1 =	vmul.f32 $1.442695020e+00, v1  }
0x51: {  	v2 =	vmin.f32 v2, $1.500000000e+01;
	v3 =	vadd.f32 v3, v3;
	v4 =	vmul.f32 $1.442695020e+00, v4  }
0x52: {  	v6 =	vmin.f32 v6, $1.500000000e+01;
	(erf) = vpow2.f32 v1;
	v1 =	vmul.f32 $1.442695020e+00, v5  }
0x53: {  	v6 =	vadd.f32 v6, v6;
	v3 =	vmul.f32 $1.442695020e+00, v3;
	(erf) = vpow2.f32 v4  }
0x54: {  	v9 =	vadd.f32 v12, v10;
	v2 =	vadd.f32 v2, v2;
	(erf) = vpow2.f32 v1  }
0x55: {  	v4 =	vsub.f32 $0.0e+00, v8;
	v1 =	vmul.f32 $1.442695020e+00, v6;
	(erf) = vpow2.f32 v3  }
0x56: {  	v2 =	vmul.f32 $1.442695020e+00, v2;
	v3 =	vmin.f32 v9, $1.500000000e+01  }
0x57: {  	v3 =	vadd.f32 v3, v3;
	(erf) = vpow2.f32 v1;
	v1 =	vmul.f32 $1.442695020e+00, v4;
	_ =	sdelay $0x1  }
0x58: {  	s30 =	simm.s32 $0x80;
	(erf) = vpow2.f32 v2;
	v3 =	vmul.f32 $1.442695020e+00, v3  }
0x59: {  	v17 =	vld [tilespmem:s30+$0x9EB0];
	(erf) = vpow2.f32 v1  }
0x5a: {  	(erf) = vpow2.f32 v3;
	v3 =	vld [tilespmem:s29+$0x76C0];
	v1 =	vpop (erf)  }
0x5b: {  	v14 =	vld [tilespmem:s30+$0x76B0];
	v5 =	vpop (erf)  }
0x5c: {  	v6 =	vld [tilespmem:s29+$0x9EC0];
	v8 =	vpop (erf)  }
0x5d: {  	v4 =	vld [tilespmem:s29+$0x76D0];
	v12 =	vpop (erf)  }
0x5e: {  	v30 =	vunpack.i.u.bf16.f32 v17;
	v8 =	vadd.f32 $1.000000000e+00, v8;
	v13 =	vadd.f32 $1.000000000e+00, v12  }
0x5f: {  	v17 =	vunpack.i.l.bf16.f32 v17;
	v5 =	vadd.f32 $1.000000000e+00, v5;
	v15 =	vpop (erf);
	v16 =	vunpack.i.u.bf16.f32 v3  }
0x60: {  	v2 =	vld [tilespmem:s29+$0x9ED0];
	v20 =	vunpack.i.l.bf16.f32 v3;
	v18 =	vadd.f32 $1.000000000e+00, v15;
	v3 =	vmul.f32 v13, v8  }
0x61: {  	v28 =	vunpack.i.u.bf16.f32 v14;
	v19 =	vunpack.i.u.bf16.f32 v6;
	v23 =	vunpack.i.l.bf16.f32 v6;
	v21 =	vpop (erf)  }
0x62: {  	v7 =	vld [tilespmem:s30+$0x7690];
	v9 =	vunpack.i.u.bf16.f32 v4;
	v6 =	vpop (erf);
	v5 =	vmul.f32 v18, v5;
	(erf) = vrcp.f32 v3  }
0x63: {  	v11 =	vunpack.i.l.bf16.f32 v4;
	v1 =	vadd.f32 $1.000000000e+00, v1;
	v8 =	vadd.f32 $1.000000000e+00, v21;
	v25 =	vpop (erf)  }
0x64: {  	v4 =	vld [tilespmem:s30+$0x9E90];
	v3 =	vadd.f32 $1.000000000e+00, v6;
	v6 =	vadd.f32 $1.000000000e+00, v25;
	(erf) = vrcp.f32 v5  }
0x65: {  	v10 =	vunpack.i.u.bf16.f32 v2;
	v2 =	vunpack.i.l.bf16.f32 v2;
	v1 =	vmul.f32 v8, v1  }
0x66: {  	v24 =	vld [tilespmem:s30+$0x9E80];
	v32 =	vunpack.i.l.bf16.f32 v14;
	v2 =	vadd.f32 v2, v11;
	v3 =	vmul.f32 v6, v3  }
0x67: {  	v27 =	vld [tilespmem:s30+$0x9EA0];
	v22 =	vunpack.i.u.bf16.f32 v7;
	v29 =	vunpack.i.l.bf16.f32 v7;
	(erf) = vrcp.f32 v1  }
0x68: {  	v11 =	vadd.f32 $-1.000000000e+00, v12;
	v2 =	vsub.f32 $0.0e+00, v2;
	(erf) = vrcp.f32 v3  }
0x69: {  	v58 =	vld [tilespmem:s30+$0x76A0];
	v26 =	vunpack.i.u.bf16.f32 v4;
	v14 =	vadd.f32 v19, v16;
	v12 =	vadd.f32 v23, v20  }
0x6a: {  	v31 =	vunpack.i.l.bf16.f32 v4;
	v15 =	vadd.f32 $-1.000000000e+00, v15;
	v13 =	vld [tilespmem:s30+$0x7680];
	v60 =	vadd.f32 $-1.000000000e+00, v21  }
0x6b: {  	v2 =	vmul.f32 $1.442695020e+00, v2;
	v12 =	vsub.f32 $0.0e+00, v12;
	v14 =	vsub.f32 $0.0e+00, v14;
	v16 =	vpop (erf)  }
0x6c: {  	v8 =	vunpack.i.u.bf16.f32 v27;
	v5 =	vunpack.i.u.bf16.f32 v24;
	v16 =	vmul.f32 v16, v11  }
0x6d: {  	v12 =	vmul.f32 $1.442695020e+00, v12;
	v14 =	vmul.f32 $1.442695020e+00, v14;
	v61 =	vadd.f32 $-1.000000000e+00, v25;
	v59 =	vpop (erf)  }
0x6e: {  	v1 =	vadd.f32 v30, v28;
	v15 =	vmul.f32 v59, v15;
	v16 =	vadd.f32 v16, v16  }
0x6f: {  	v4 =	vunpack.i.u.bf16.f32 v13;
	v6 =	vunpack.i.u.bf16.f32 v58;
	v7 =	vunpack.i.l.bf16.f32 v13  }
0x70: {  	v13 =	vadd.f32 v10, v9;
	v62 =	vpop (erf);
	v15 =	vadd.f32 v15, v15;
	v16 =	vmul.f32 $1.442695020e+00, v16  }
0x71: {  	v10 =	vunpack.i.l.bf16.f32 v58;
	v18 =	vmul.f32 v62, v60;
	v63 =	vpop (erf);
	(erf) = vpow2.f32 v12  }
0x72: {  	v9 =	vadd.f32 v26, v22;
	v12 =	vmul.f32 $1.442695020e+00, v15;
	(erf) = vpow2.f32 v16  }
0x73: {  	v19 =	vmul.f32 v63, v61;
	v15 =	vadd.f32 v18, v18;
	(erf) = vpow2.f32 v14  }
0x74: {  	v3 =	vunpack.i.l.bf16.f32 v24;
	v16 =	vsub.f32 $0.0e+00, v13;
	(erf) = vpow2.f32 v12  }
0x75: {  	v18 =	vmul.f32 $1.442695020e+00, v15;
	v15 =	vadd.f32 v19, v19;
	(erf) = vpow2.f32 v2;
	v2 =	vld [tilespmem:s30+$0x76D0]  }
0x76: {  	v11 =	vunpack.i.l.bf16.f32 v27;
	v13 =	vadd.f32 v31, v29;
	v14 =	vmul.f32 $1.442695020e+00, v16  }
0x77: {  	s31 =	simm.s32 $0x400;
	v12 =	vadd.f32 v17, v32;
	v15 =	vmul.f32 $1.442695020e+00, v15;
	(erf) = vpow2.f32 v18  }
.LBB2_3:
0x78: {  	p0 =	sne.s32 s31, $0x9E00;
	v4 =	vadd.f32 v5, v4;
	v5 =	vadd.f32 v8, v6;
	(erf) = vpow2.f32 v14  }
0x79: {  	v6 =	vadd.f32 v3, v7;
	v7 =	vadd.f32 v11, v10;
	(erf) = vpow2.f32 v15  }
0x7a: {  	v8 =	vsub.f32 $0.0e+00, v13;
	v9 =	vsub.f32 $0.0e+00, v9;
	v3 =	vunpack.i.u.bf16.f32 v2  }
0x7b: {  	v10 =	vmin.f32 v12, $1.500000000e+01;
	v4 =	vsub.f32 $0.0e+00, v4;
	v5 =	vmin.f32 v5, $1.500000000e+01;
	v11 =	vpop (erf)  }
0x7c: {  	v6 =	vsub.f32 $0.0e+00, v6;
	v17 =	vmul.f32 $1.442695020e+00, v8;
	v5 =	vadd.f32 v5, v5;
	v12 =	vpop (erf)  }
0x7d: {  	v7 =	vmin.f32 v7, $1.500000000e+01;
	v11 =	vadd.f32 $1.000000000e+00, v11;
	v13 =	vadd.f32 $1.000000000e+00, v12;
	v14 =	vpop (erf)  }
0x7e: {  	v7 =	vadd.f32 v7, v7;
	v4 =	vmul.f32 $1.442695020e+00, v4;
	(erf) = vpow2.f32 v17;
	v8 =	vpop (erf)  }
0x7f: {  	v16 =	vmul.f32 v13, v11;
	v13 =	vadd.f32 $1.000000000e+00, v14;
	v14 =	vadd.f32 $1.000000000e+00, v8;
	v15 =	vpop (erf)  }
0x80: {  	v6 =	vmul.f32 $1.442695020e+00, v6;
	(erf) = vpow2.f32 v4;
	v4 =	vadd.f32 $1.000000000e+00, v15;
	v15 =	vpop (erf)  }
0x81: {  	v13 =	vmul.f32 v14, v13;
	v14 =	vadd.f32 $1.000000000e+00, v15;
	(erf) = vrcp.f32 v16;
	v11 =	vpop (erf)  }
0x82: {  	v7 =	vmul.f32 $1.442695020e+00, v7;
	v16 =	vld [tilespmem:s30+$0x9ED0];
	(erf) = vpow2.f32 v6;
	v6 =	vadd.f32 $1.000000000e+00, v11;
	v11 =	vpop (erf)  }
0x83: {  	v4 =	vmul.f32 v14, v4;
	v14 =	vadd.f32 $1.000000000e+00, v11;
	(erf) = vrcp.f32 v13  }
0x84: {  	v10 =	vadd.f32 v10, v10;
	v5 =	vmul.f32 $1.442695020e+00, v5;
	v13 =	vld [tilespmem:s30+$0x76C0];
	(erf) = vpow2.f32 v7  }
0x85: {  	v1 =	vmin.f32 v1, $1.500000000e+01;
	v7 =	vld [tilespmem:s30+$0x9EC0];
	v6 =	vmul.f32 v14, v6;
	(erf) = vrcp.f32 v4  }
0x86: {  	s1 =	sshra.s32 s31, $0x2;
	v1 =	vadd.f32 v1, v1;
	v4 =	vmul.f32 $1.442695020e+00, v10;
	(erf) = vpow2.f32 v5  }
0x87: {  	v9 =	vmul.f32 $1.442695020e+00, v9;
	v5 =	vld [tilespmem:s1+$0x7690];
	v10 =	vunpack.i.u.bf16.f32 v16;
	v14 =	vpop (erf);
	(erf) = vrcp.f32 v6  }
0x88: {  	v2 =	vunpack.i.l.bf16.f32 v2;
	v1 =	vmul.f32 $1.442695020e+00, v1;
	(erf) = vpow2.f32 v4;
	v4 =	vld [tilespmem:$0x13E80]  }
0x89: {  	v16 =	vunpack.i.l.bf16.f32 v16;
	v6 =	vld [tilespmem:s1+$0x9E90];
	v17 =	vpop (erf);
	(erf) = vpow2.f32 v9;
	v9 =	vadd.f32 $-1.000000000e+00, v12  }
0x8a: {  	v12 =	vunpack.i.u.bf16.f32 v13;
	v18 =	vunpack.i.u.bf16.f32 v7;
	(erf) = vpow2.f32 v1;
	v1 =	vld [tilespmem:$0x13E90];
	v19 =	vpop (erf)  }
0x8b: {  	v8 =	vadd.f32 $-1.000000000e+00, v8;
	v13 =	vunpack.i.l.bf16.f32 v13;
	v20 =	vpop (erf);
	v9 =	vmul.f32 v19, v9  }
0x8c: {  	v21 =	vunpack.i.l.bf16.f32 v7;
	v19 =	vunpack.i.u.bf16.f32 v5;
	v7 =	vadd.f32 $1.000000000e+00, v20;
	v20 =	vld [tilespmem:$0x13EA0];
	v22 =	vpop (erf)  }
0x8d: {  	v23 =	vpop (erf);
	v4 =	vmul.f32 v9, v4;
	v8 =	vmul.f32 v22, v8;
	v9 =	vadd.f32 $-1.000000000e+00, v15  }
0x8e: {  	v11 =	vadd.f32 $-1.000000000e+00, v11;
	v15 =	vunpack.i.u.bf16.f32 v6;
	v22 =	vadd.f32 $1.000000000e+00, v23;
	v24 =	vld [tilespmem:$0x13EB0];
	v25 =	vpop (erf)  }
0x8f: {  	v26 =	vld [tilespmem:s1+$0x76B0];
	v27 =	vpop (erf);
	v4 =	vadd.f32 $0.0e+00, v4;
	v1 =	vmul.f32 v8, v1;
	v8 =	vmul.f32 v25, v9  }
0x90: {  	v17 =	vadd.f32 $1.000000000e+00, v17;
	v9 =	vld [tilespmem:s1+$0x9EB0];
	v7 =	vmul.f32 v22, v7;
	v31 =	vadd.f32 $1.000000000e+00, v27;
	v25 =	vpop (erf)  }
0x91: {  	v28 =	vld [tilespmem:s1+$0x7680];
	v29 =	vpop (erf);
	v1 =	vadd.f32 v4, v1;
	v4 =	vmul.f32 v8, v20;
	v8 =	vmul.f32 v25, v11  }
0x92: {  	v14 =	vadd.f32 $1.000000000e+00, v14;
	v11 =	vld [tilespmem:s1+$0x9E80];
	v17 =	vmul.f32 v31, v17;
	v20 =	vadd.f32 $1.000000000e+00, v29;
	v22 =	vpop (erf)  }
0x93: {  	v25 =	vld [tilespmem:s1+$0x76A0];
	(erf) = vrcp.f32 v7;
	v30 =	vpop (erf);
	v1 =	vadd.f32 v4, v1;
	v4 =	vmul.f32 v8, v24  }
0x94: {  	v7 =	vadd.f32 $1.000000000e+00, v22;
	v24 =	vld [tilespmem:s1+$0x9EA0];
	v31 =	vunpack.i.u.bf16.f32 v26;
	v8 =	vadd.f32 $1.000000000e+00, v30  }
0x95: {  	v14 =	vmul.f32 v20, v14;
	(erf) = vrcp.f32 v17;
	v1 =	vadd.f32 v1, v4  }
0x96: {  	v17 =	vunpack.i.l.bf16.f32 v5;
	v20 =	vunpack.i.u.bf16.f32 v9;
	v5 =	vmul.f32 v8, v7  }
0x97: {  	v22 =	vunpack.i.l.bf16.f32 v6;
	v26 =	vunpack.i.l.bf16.f32 v26;
	(erf) = vrcp.f32 v14;
	[tilespmem:s29+$0x11680] =	vst v1;
	s29 =	smov.u32 s30;
	s30 =	smov.u32 s1  }
0x98: {  	v32 =	vunpack.i.l.bf16.f32 v9;
	v4 =	vunpack.i.u.bf16.f32 v28;
	(erf) = vrcp.f32 v5  }
0x99: {  	v5 =	vunpack.i.u.bf16.f32 v11;
	v6 =	vunpack.i.u.bf16.f32 v25;
	v8 =	vunpack.i.u.bf16.f32 v24  }
0x9a: {  	v2 =	vadd.f32 v16, v2;
	v7 =	vunpack.i.l.bf16.f32 v28;
	v14 =	vadd.f32 v10, v3  }
0x9b: {  	v12 =	vadd.f32 v18, v12;
	v3 =	vunpack.i.l.bf16.f32 v11;
	v11 =	vadd.f32 $-1.000000000e+00, v23  }
0x9c: {  	v13 =	vadd.f32 v21, v13;
	v9 =	vadd.f32 v15, v19;
	v10 =	vunpack.i.l.bf16.f32 v25;
	v15 =	vpop (erf)  }
0x9d: {  	v16 =	vadd.f32 $-1.000000000e+00, v27;
	v1 =	vadd.f32 v20, v31;
	v15 =	vmul.f32 v15, v11  }
0x9e: {  	v13 =	vsub.f32 $0.0e+00, v13;
	v12 =	vsub.f32 $0.0e+00, v12;
	v11 =	vunpack.i.l.bf16.f32 v24;
	v18 =	vpop (erf)  }
0x9f: {  	v15 =	vadd.f32 v15, v15;
	v16 =	vmul.f32 v18, v16;
	v18 =	vadd.f32 $-1.000000000e+00, v29  }
0xa0: {  	v13 =	vmul.f32 $1.442695020e+00, v13;
	v12 =	vmul.f32 $1.442695020e+00, v12;
	v19 =	vadd.f32 $-1.000000000e+00, v30;
	v20 =	vpop (erf)  }
0xa1: {  	v15 =	vmul.f32 $1.442695020e+00, v15;
	v16 =	vadd.f32 v16, v16;
	v18 =	vmul.f32 v20, v18;
	v20 =	vpop (erf)  }
0xa2: {  	v2 =	vsub.f32 $0.0e+00, v2;
	v19 =	vmul.f32 v20, v19;
	(erf) = vpow2.f32 v13  }
.Ltmp0:
0xa3: {  	v13 =	vmul.f32 $1.442695020e+00, v16;
	v16 =	vadd.f32 v18, v18;
	(erf) = vpow2.f32 v15;
	(pc) =	sbr.rel @p0 .LBB2_3-.Ltmp0, $4  }
0xa4: {  	v14 =	vsub.f32 $0.0e+00, v14;
	v15 =	vmul.f32 $1.442695020e+00, v2;
	(erf) = vpow2.f32 v12  }
0xa5: {  	v18 =	vadd.f32 v19, v19;
	v2 =	vld [tilespmem:s30+$0x76D0];
	v16 =	vmul.f32 $1.442695020e+00, v16;
	(erf) = vpow2.f32 v13  }
0xa6: {  	v14 =	vmul.f32 $1.442695020e+00, v14;
	v13 =	vadd.f32 v22, v17;
	(erf) = vpow2.f32 v15  }
0xa7: {  	s31 =	sadd.s32 $0x200, s31;
	v12 =	vadd.f32 v32, v26;
	v15 =	vmul.f32 $1.442695020e+00, v18;
	(erf) = vpow2.f32 v16  }
0xa8: {  	_ = 	snop  }
0xa9: {  	v4 =	vadd.f32 v5, v4  }
0xaa: {  	(erf) = vpow2.f32 v14;
	v3 =	vadd.f32 v3, v7;
	v7 =	vsub.f32 $0.0e+00, v13  }
0xab: {  	v5 =	vadd.f32 v8, v6;
	v6 =	vadd.f32 v11, v10;
	(erf) = vpow2.f32 v15;
	v10 =	vpop (erf)  }
0xac: {  	v8 =	vsub.f32 $0.0e+00, v9;
	v7 =	vmul.f32 $1.442695020e+00, v7;
	v11 =	vpop (erf)  }
0xad: {  	v9 =	vmin.f32 v12, $1.500000000e+01;
	v10 =	vadd.f32 $1.000000000e+00, v10;
	v12 =	vadd.f32 $1.000000000e+00, v11  }
0xae: {  	v1 =	vmin.f32 v1, $1.500000000e+01;
	v4 =	vsub.f32 $0.0e+00, v4  }
0xaf: {  	v3 =	vsub.f32 $0.0e+00, v3;
	v6 =	vmin.f32 v6, $1.500000000e+01;
	v13 =	vpop (erf);
	v10 =	vmul.f32 v12, v10  }
0xb0: {  	v6 =	vadd.f32 v6, v6;
	v4 =	vmul.f32 $1.442695020e+00, v4;
	(erf) = vpow2.f32 v7;
	v7 =	vpop (erf)  }
0xb1: {  	v5 =	vmin.f32 v5, $1.500000000e+01;
	v12 =	vadd.f32 $1.000000000e+00, v13;
	v13 =	vadd.f32 $1.000000000e+00, v7;
	v14 =	vpop (erf)  }
0xb2: {  	v3 =	vmul.f32 $1.442695020e+00, v3;
	(erf) = vpow2.f32 v4;
	v4 =	vadd.f32 $1.000000000e+00, v14;
	v14 =	vpop (erf)  }
0xb3: {  	v12 =	vmul.f32 v13, v12;
	v13 =	vadd.f32 $1.000000000e+00, v14;
	(erf) = vrcp.f32 v10;
	v10 =	vpop (erf)  }
0xb4: {  	v5 =	vadd.f32 v5, v5;
	(erf) = vpow2.f32 v3;
	v3 =	vadd.f32 $1.000000000e+00, v10;
	v10 =	vpop (erf)  }
0xb5: {  	v6 =	vmul.f32 $1.442695020e+00, v6;
	v4 =	vmul.f32 v13, v4;
	v13 =	vadd.f32 $1.000000000e+00, v10  }
0xb6: {  	v9 =	vadd.f32 v9, v9;
	v5 =	vmul.f32 $1.442695020e+00, v5;
	(erf) = vrcp.f32 v12  }
0xb7: {  	v1 =	vadd.f32 v1, v1;
	(erf) = vpow2.f32 v6;
	v3 =	vmul.f32 v13, v3  }
0xb8: {  	(erf) = vrcp.f32 v4;
	v4 =	vmul.f32 $1.442695020e+00, v9  }
0xb9: {  	v1 =	vmul.f32 $1.442695020e+00, v1;
	(erf) = vpow2.f32 v5  }
0xba: {  	v5 =	vmul.f32 $1.442695020e+00, v8;
	(erf) = vrcp.f32 v3  }
0xbb: {  	v3 =	vpop (erf);
	(erf) = vpow2.f32 v4  }
0xbc: {  	v4 =	vpop (erf);
	(erf) = vpow2.f32 v5  }
0xbd: {  	(erf) = vpow2.f32 v1;
	v1 =	vpop (erf)  }
0xbe: {  	v5 =	vpop (erf)  }
0xbf: {  	v6 =	vpop (erf)  }
0xc0: {  	v8 =	vpop (erf)  }
0xc1: {  	v9 =	vpop (erf)  }
0xc2: {  	v5 =	vadd.f32 $1.000000000e+00, v5;
	v12 =	vadd.f32 $1.000000000e+00, v8;
	v13 =	vpop (erf)  }
0xc3: {  	v15 =	vadd.f32 $1.000000000e+00, v13  }
0xc4: {  	v5 =	vmul.f32 v12, v5  }
0xc5: {  	v4 =	vadd.f32 $1.000000000e+00, v4;
	v16 =	vpop (erf)  }
0xc6: {  	v21 =	vld [tilespmem:s30+$0x9EC0];
	v12 =	vpop (erf)  }
0xc7: {  	v17 =	vld [tilespmem:s30+$0x9ED0];
	v4 =	vmul.f32 v15, v4;
	(erf) = vrcp.f32 v5;
	v15 =	vpop (erf)  }
0xc8: {  	v19 =	vld [tilespmem:s30+$0x76C0];
	v3 =	vadd.f32 $1.000000000e+00, v3;
	v18 =	vadd.f32 $1.000000000e+00, v12;
	v5 =	vpop (erf)  }
0xc9: {  	v15 =	vadd.f32 $1.000000000e+00, v15;
	v20 =	vadd.f32 $1.000000000e+00, v5  }
0xca: {  	(erf) = vrcp.f32 v4;
	v3 =	vmul.f32 v18, v3  }
0xcb: {  	v18 =	vunpack.i.u.bf16.f32 v21;
	v4 =	vmul.f32 v20, v15  }
0xcc: {  	(erf) = vrcp.f32 v3;
	v3 =	vunpack.i.u.bf16.f32 v2;
	v2 =	vunpack.i.l.bf16.f32 v2  }
0xcd: {  	v15 =	vunpack.i.u.bf16.f32 v19;
	(erf) = vrcp.f32 v4;
	v4 =	vunpack.i.l.bf16.f32 v17  }
0xce: {  	v19 =	vunpack.i.l.bf16.f32 v19;
	v20 =	vunpack.i.l.bf16.f32 v21;
	v2 =	vadd.f32 v4, v2  }
0xcf: {  	v4 =	vadd.f32 $-1.000000000e+00, v8;
	v8 =	vunpack.i.u.bf16.f32 v17;
	v17 =	vadd.f32 v20, v19  }
0xd0: {  	v15 =	vadd.f32 v18, v15;
	v18 =	vpop (erf)  }
0xd1: {  	v3 =	vadd.f32 v8, v3;
	v4 =	vmul.f32 v18, v4  }
0xd2: {  	v8 =	vadd.f32 $-1.000000000e+00, v13;
	v13 =	vsub.f32 $0.0e+00, v17  }
0xd3: {  	v17 =	vpop (erf);
	v4 =	vadd.f32 v4, v4  }
0xd4: {  	v12 =	vadd.f32 $-1.000000000e+00, v12;
	v13 =	vmul.f32 $1.442695020e+00, v13;
	v8 =	vmul.f32 v17, v8  }
0xd5: {  	v5 =	vadd.f32 $-1.000000000e+00, v5;
	v15 =	vsub.f32 $0.0e+00, v15;
	v17 =	vpop (erf);
	v4 =	vmul.f32 $1.442695020e+00, v4  }
0xd6: {  	v12 =	vmul.f32 v17, v12;
	(erf) = vpow2.f32 v13;
	v8 =	vadd.f32 v8, v8  }
0xd7: {  	v15 =	vmul.f32 $1.442695020e+00, v15;
	v2 =	vsub.f32 $0.0e+00, v2;
	v17 =	vpop (erf);
	(erf) = vpow2.f32 v4  }
0xd8: {  	v12 =	vadd.f32 v12, v12;
	v5 =	vmul.f32 v17, v5;
	v8 =	vmul.f32 $1.442695020e+00, v8  }
0xd9: {  	v3 =	vsub.f32 $0.0e+00, v3;
	v2 =	vmul.f32 $1.442695020e+00, v2;
	(erf) = vpow2.f32 v15  }
0xda: {  	v12 =	vmul.f32 $1.442695020e+00, v12;
	v5 =	vadd.f32 v5, v5;
	(erf) = vpow2.f32 v8  }
0xdb: {  	v7 =	vadd.f32 $-1.000000000e+00, v7;
	v3 =	vmul.f32 $1.442695020e+00, v3;
	v4 =	vld [tilespmem:$0x13E80];
	(erf) = vpow2.f32 v2  }
0xdc: {  	v8 =	vadd.f32 $-1.000000000e+00, v11;
	v2 =	vld [tilespmem:$0x13E90];
	v5 =	vmul.f32 $1.442695020e+00, v5;
	(erf) = vpow2.f32 v12  }
0xdd: {  	(erf) = vpow2.f32 v3;
	v3 =	vmul.f32 v6, v7  }
0xde: {  	v1 =	vmul.f32 v1, v8;
	_ =	sdelay $0x1  }
0xdf: {  	(erf) = vpow2.f32 v5;
	v1 =	vmul.f32 v1, v4;
	v4 =	vld [tilespmem:$0x13EA0];
	v5 =	vpop (erf)  }
0xe0: {  	v6 =	vadd.f32 $-1.000000000e+00, v14;
	v2 =	vmul.f32 v3, v2;
	v3 =	vpop (erf)  }
0xe1: {  	v5 =	vadd.f32 $1.000000000e+00, v5;
	v8 =	vadd.f32 $1.000000000e+00, v3  }
0xe2: {  	v10 =	vadd.f32 $-1.000000000e+00, v10;
	v6 =	vmul.f32 v9, v6;
	v1 =	vadd.f32 $0.0e+00, v1  }
0xe3: {  	v7 =	vld [tilespmem:$0x13EB0];
	v11 =	vpop (erf);
	v5 =	vmul.f32 v8, v5  }
0xe4: {  	v1 =	vadd.f32 v1, v2;
	v4 =	vmul.f32 v6, v4;
	v6 =	vmul.f32 v16, v10;
	v2 =	vpop (erf)  }
0xe5: {  	v8 =	vadd.f32 $1.000000000e+00, v11;
	v9 =	vadd.f32 $1.000000000e+00, v2;
	v11 =	vpop (erf)  }
0xe6: {  	v10 =	vadd.f32 $1.000000000e+00, v11;
	v11 =	vpop (erf)  }
0xe7: {  	(erf) = vrcp.f32 v5;
	v8 =	vmul.f32 v9, v8;
	v9 =	vadd.f32 $1.000000000e+00, v11;
	v5 =	vpop (erf)  }
0xe8: {  	v1 =	vadd.f32 v4, v1;
	v4 =	vmul.f32 v6, v7;
	v5 =	vadd.f32 $1.000000000e+00, v5;
	v6 =	vpop (erf)  }
0xe9: {  	v7 =	vmul.f32 v9, v10;
	(erf) = vrcp.f32 v8;
	v9 =	vadd.f32 $1.000000000e+00, v6;
	_ =	sdelay $0x1  }
0xea: {  	v1 =	vadd.f32 v1, v4;
	(erf) = vrcp.f32 v7;
	v4 =	vmul.f32 v9, v5;
	_ =	sdelay $0x1  }
0xeb: {  	[tilespmem:s29+$0x11680] =	vst v1;
	(erf) = vrcp.f32 v4  }
0xec: {  	v1 =	vld [tilespmem:$0x13E80]  }
0xed: {  	v3 =	vadd.f32 $-1.000000000e+00, v3  }
0xee: {  	v4 =	vld [tilespmem:$0x13E90];
	v5 =	vpop (erf)  }
0xef: {  	v2 =	vadd.f32 $-1.000000000e+00, v2;
	v3 =	vmul.f32 v5, v3  }
0xf0: {  	v5 =	vld [tilespmem:$0x13EA0];
	v7 =	vpop (erf)  }
0xf1: {  	v1 =	vmul.f32 v3, v1;
	v3 =	vadd.f32 $-1.000000000e+00, v11;
	v2 =	vmul.f32 v7, v2  }
0xf2: {  	v6 =	vadd.f32 $-1.000000000e+00, v6;
	v7 =	vld [tilespmem:$0x13EB0];
	v8 =	vpop (erf)  }
0xf3: {  	v1 =	vadd.f32 $0.0e+00, v1;
	v2 =	vmul.f32 v2, v4;
	v3 =	vmul.f32 v8, v3  }
0xf4: {  	v4 =	vpop (erf)  }
0xf5: {  	v1 =	vadd.f32 v1, v2;
	v2 =	vmul.f32 v3, v5;
	v3 =	vmul.f32 v4, v6;
	_ =	sdelay $0x1  }
0xf6: {  	v1 =	vadd.f32 v2, v1;
	v2 =	vmul.f32 v3, v7;
	_ =	sdelay $0x1  }
0xf7: {  	v1 =	vadd.f32 v1, v2;
	v2 =	vld [tilespmem:$0x1FDE0];
	_ =	sdelay $0x1  }
0xf8: {  	v3 =	vld [tilespmem:$0x1FDF0];
	_ =	sdelay $0x1  }
0xf9: {  	v4 =	vld [tilespmem:$0x1FE00]  }
0xfa: {  	[tilespmem:s30+$0x11680] =	vst v1  }
0xfb: {  	v1 =	vld.idx.msk [tilespmem:v0+s20+$0x0], $0xffff;
	_ =	sdelay $0x1  }
0xfc: {  	v2 =	vld.idx.msk [tilespmem:v2+s20+$0x0], $0xffff;
	_ =	sdelay $0x1  }
0xfd: {  	v3 =	vld.idx.msk [tilespmem:v3+s20+$0x0], $0xffff  }
0xfe: {  	v1 =	vadd.f32 v1, v36  }
0xff: {  	v4 =	vld.idx.msk [tilespmem:v4+s20+$0x0], $0xffff  }
0x100: {  	v1 =	vadd.f32 v2, v1;
	v2 =	vld [tilespmem:$0x1FE10];
	_ =	sdelay $0x1  }
0x101: {  	v1 =	vadd.f32 v3, v1;
	v3 =	vld [tilespmem:$0x1FE20];
	_ =	sdelay $0x1  }
0x102: {  	v1 =	vadd.f32 v4, v1;
	v4 =	vld [tilespmem:$0x1FE30];
	_ =	sdelay $0x3  }
0x103: {  	v2 =	vld.idx.msk [tilespmem:v2+s20+$0x0], $0xffff;
	_ =	sdelay $0x1  }
0x104: {  	v3 =	vld.idx.msk [tilespmem:v3+s20+$0x0], $0xffff;
	_ =	sdelay $0x1  }
0x105: {  	v4 =	vld.idx.msk [tilespmem:v4+s20+$0x0], $0xffff  }
0x106: {  	v1 =	vadd.f32 v2, v1;
	v2 =	vld [tilespmem:$0x1FE40];
	_ =	sdelay $0x1  }
0x107: {  	v1 =	vadd.f32 v3, v1;
	v3 =	vld [tilespmem:$0x1FE50];
	_ =	sdelay $0x1  }
0x108: {  	v1 =	vadd.f32 v4, v1;
	v4 =	vld [tilespmem:$0x1FE60];
	_ =	sdelay $0x3  }
0x109: {  	v2 =	vld.idx.msk [tilespmem:v2+s20+$0x0], $0xffff;
	_ =	sdelay $0x1  }
0x10a: {  	v3 =	vld.idx.msk [tilespmem:v3+s20+$0x0], $0xffff;
	_ =	sdelay $0x1  }
0x10b: {  	v4 =	vld.idx.msk [tilespmem:v4+s20+$0x0], $0xffff  }
0x10c: {  	v1 =	vadd.f32 v2, v1;
	v2 =	vld [tilespmem:$0x1FE70];
	_ =	sdelay $0x1  }
0x10d: {  	v1 =	vadd.f32 v3, v1;
	v3 =	vld [tilespmem:$0x1FE80];
	_ =	sdelay $0x1  }
0x10e: {  	v1 =	vadd.f32 v4, v1;
	v4 =	vld [tilespmem:$0x1FE90];
	_ =	sdelay $0x3  }
0x10f: {  	v2 =	vld.idx.msk [tilespmem:v2+s20+$0x0], $0xffff;
	_ =	sdelay $0x1  }
0x110: {  	v3 =	vld.idx.msk [tilespmem:v3+s20+$0x0], $0xffff;
	_ =	sdelay $0x1  }
0x111: {  	v4 =	vld.idx.msk [tilespmem:v4+s20+$0x0], $0xffff  }
0x112: {  	v1 =	vadd.f32 v2, v1;
	v2 =	vld [tilespmem:$0x1FEA0];
	_ =	sdelay $0x1  }
0x113: {  	v1 =	vadd.f32 v3, v1;
	v3 =	vld [tilespmem:$0x1FEB0];
	_ =	sdelay $0x1  }
0x114: {  	v1 =	vadd.f32 v4, v1;
	v4 =	vld [tilespmem:$0x1FEC0];
	_ =	sdelay $0x3  }
0x115: {  	v2 =	vld.idx.msk [tilespmem:v2+s20+$0x0], $0xffff;
	_ =	sdelay $0x1  }
0x116: {  	v3 =	vld.idx.msk [tilespmem:v3+s20+$0x0], $0xffff;
	_ =	sdelay $0x1  }
0x117: {  	v4 =	vld.idx.msk [tilespmem:v4+s20+$0x0], $0xffff  }
0x118: {  	v1 =	vadd.f32 v2, v1;
	_ =	sdelay $0x1  }
0x119: {  	v1 =	vadd.f32 v3, v1;
	_ =	sdelay $0x1  }
0x11a: {  	v1 =	vadd.f32 v4, v1;
	_ =	sdelay $0x1  }
0x11b: {  	[tilespmem:s26+$0x4F00] =	vst v1;
	v1 =	vld [tilespmem:$0x1FED0];
	_ =	sdelay $0x1  }
0x11c: {  	v2 =	vld [tilespmem:$0x1FEE0];
	_ =	sdelay $0x1  }
0x11d: {  	v3 =	vld [tilespmem:$0x1FEF0];
	_ =	sdelay $0x1  }
0x11e: {  	v4 =	vld [tilespmem:$0x1FF00];
	_ =	sdelay $0x1  }
0x11f: {  	v1 =	vld.idx.msk [tilespmem:v1+s20+$0x0], $0xffff;
	_ =	sdelay $0x1  }
0x120: {  	v2 =	vld.idx.msk [tilespmem:v2+s20+$0x0], $0xffff;
	_ =	sdelay $0x1  }
0x121: {  	v3 =	vld.idx.msk [tilespmem:v3+s20+$0x0], $0xffff  }
0x122: {  	v1 =	vadd.f32 v1, v36  }
0x123: {  	v4 =	vld.idx.msk [tilespmem:v4+s20+$0x0], $0xffff  }
0x124: {  	v1 =	vadd.f32 v2, v1;
	v2 =	vld [tilespmem:$0x1FF10];
	_ =	sdelay $0x1  }
0x125: {  	v1 =	vadd.f32 v3, v1;
	v3 =	vld [tilespmem:$0x1FF20];
	_ =	sdelay $0x1  }
0x126: {  	v1 =	vadd.f32 v4, v1;
	v4 =	vld [tilespmem:$0x1FF30];
	_ =	sdelay $0x3  }
0x127: {  	v2 =	vld.idx.msk [tilespmem:v2+s20+$0x0], $0xffff;
	_ =	sdelay $0x1  }
0x128: {  	v3 =	vld.idx.msk [tilespmem:v3+s20+$0x0], $0xffff;
	_ =	sdelay $0x1  }
0x129: {  	v4 =	vld.idx.msk [tilespmem:v4+s20+$0x0], $0xffff  }
0x12a: {  	v1 =	vadd.f32 v2, v1;
	v2 =	vld [tilespmem:$0x1FF40];
	_ =	sdelay $0x1  }
0x12b: {  	v1 =	vadd.f32 v3, v1;
	v3 =	vld [tilespmem:$0x1FF50];
	_ =	sdelay $0x1  }
0x12c: {  	v1 =	vadd.f32 v4, v1;
	v4 =	vld [tilespmem:$0x1FF60];
	_ =	sdelay $0x3  }
0x12d: {  	v2 =	vld.idx.msk [tilespmem:v2+s20+$0x0], $0xffff;
	_ =	sdelay $0x1  }
0x12e: {  	v3 =	vld.idx.msk [tilespmem:v3+s20+$0x0], $0xffff;
	_ =	sdelay $0x1  }
0x12f: {  	v4 =	vld.idx.msk [tilespmem:v4+s20+$0x0], $0xffff  }
0x130: {  	v1 =	vadd.f32 v2, v1;
	v2 =	vld [tilespmem:$0x1FF70];
	_ =	sdelay $0x1  }
0x131: {  	v1 =	vadd.f32 v3, v1;
	v3 =	vld [tilespmem:$0x1FF80];
	_ =	sdelay $0x1  }
0x132: {  	v1 =	vadd.f32 v4, v1;
	v4 =	vld [tilespmem:$0x1FF90];
	_ =	sdelay $0x3  }
0x133: {  	v2 =	vld.idx.msk [tilespmem:v2+s20+$0x0], $0xffff;
	_ =	sdelay $0x1  }
0x134: {  	v3 =	vld.idx.msk [tilespmem:v3+s20+$0x0], $0xffff;
	_ =	sdelay $0x1  }
0x135: {  	v4 =	vld.idx.msk [tilespmem:v4+s20+$0x0], $0xffff  }
0x136: {  	v1 =	vadd.f32 v2, v1;
	v2 =	vld [tilespmem:$0x1FFA0];
	_ =	sdelay $0x1  }
0x137: {  	v1 =	vadd.f32 v3, v1;
	v3 =	vld [tilespmem:$0x1FFB0];
	_ =	sdelay $0x1  }
0x138: {  	v1 =	vadd.f32 v4, v1;
	v4 =	vld [tilespmem:$0x1FFC0];
	_ =	sdelay $0x3  }
0x139: {  	v2 =	vld.idx.msk [tilespmem:v2+s20+$0x0], $0xffff;
	_ =	sdelay $0x1  }
0x13a: {  	v3 =	vld.idx.msk [tilespmem:v3+s20+$0x0], $0xffff;
	_ =	sdelay $0x1  }
0x13b: {  	v4 =	vld.idx.msk [tilespmem:v4+s20+$0x0], $0xffff  }
0x13c: {  	v1 =	vadd.f32 v2, v1;
	_ =	sdelay $0x1  }
0x13d: {  	v1 =	vadd.f32 v3, v1;
	_ =	sdelay $0x1  }
0x13e: {  	v1 =	vadd.f32 v4, v1;
	_ =	sdelay $0x1  }
0x13f: {  	[tilespmem:s26+$0x4F10] =	vst v1;
	v1 =	vld [tilespmem:$0x1FFD0];
	_ =	sdelay $0x1  }
0x140: {  	v2 =	vld [tilespmem:$0x1FFE0];
	_ =	sdelay $0x1  }
0x141: {  	v3 =	vld [tilespmem:$0x1FFF0];
	_ =	sdelay $0x3  }
0x142: {  	v1 =	vld.idx.msk [tilespmem:v1+s20+$0x0], $0xffff  }
0x143: {  	v4 =	vor.u32 $0x1003, v0  }
0x144: {  	v2 =	vld.idx.msk [tilespmem:v2+s20+$0x0], $0xffff  }
0x145: {  	v5 =	vor.u32 $0x1004, v0  }
0x146: {  	v3 =	vld.idx.msk [tilespmem:v3+s20+$0x0], $0xffff  }
0x147: {  	v6 =	vor.u32 $0x1005, v0;
	v1 =	vadd.f32 v1, v36  }
0x148: {  	[tilespmem:$0x1FCF0] =	vst v4;
	v4 =	vld.idx.msk [tilespmem:v4+s20+$0x0], $0xffff  }
0x149: {  	v7 =	vor.u32 $0x1006, v0;
	v1 =	vadd.f32 v2, v1  }
0x14a: {  	v2 =	vld.idx.msk [tilespmem:v5+s20+$0x0], $0xffff  }
0x14b: {  	[tilespmem:$0x1FD00] =	vst v5;
	v5 =	vor.u32 $0x1007, v0;
	v1 =	vadd.f32 v3, v1  }
0x14c: {  	v3 =	vld.idx.msk [tilespmem:v6+s20+$0x0], $0xffff  }
0x14d: {  	[tilespmem:$0x1FD10] =	vst v6;
	v6 =	vor.u32 $0x1008, v0;
	v1 =	vadd.f32 v4, v1  }
0x14e: {  	v4 =	vld.idx.msk [tilespmem:v7+s20+$0x0], $0xffff  }
0x14f: {  	[tilespmem:$0x1FD20] =	vst v7;
	v7 =	vor.u32 $0x1009, v0;
	v1 =	vadd.f32 v2, v1  }
0x150: {  	v2 =	vld.idx.msk [tilespmem:v5+s20+$0x0], $0xffff  }
0x151: {  	[tilespmem:$0x1FD30] =	vst v5;
	v5 =	vor.u32 $0x100A, v0;
	v1 =	vadd.f32 v3, v1  }
0x152: {  	v3 =	vld.idx.msk [tilespmem:v6+s20+$0x0], $0xffff  }
0x153: {  	[tilespmem:$0x1FD40] =	vst v6;
	v6 =	vor.u32 $0x100B, v0;
	v1 =	vadd.f32 v4, v1  }
0x154: {  	v4 =	vld.idx.msk [tilespmem:v7+s20+$0x0], $0xffff  }
0x155: {  	[tilespmem:$0x1FD50] =	vst v7;
	v7 =	vor.u32 $0x100C, v0;
	v1 =	vadd.f32 v2, v1  }
0x156: {  	v2 =	vld.idx.msk [tilespmem:v5+s20+$0x0], $0xffff  }
0x157: {  	[tilespmem:$0x1FD60] =	vst v5;
	v5 =	vor.u32 $0x100D, v0;
	v1 =	vadd.f32 v3, v1  }
0x158: {  	v3 =	vld.idx.msk [tilespmem:v6+s20+$0x0], $0xffff  }
0x159: {  	[tilespmem:$0x1FD70] =	vst v6;
	v6 =	vor.u32 $0x100E, v0;
	v1 =	vadd.f32 v4, v1  }
0x15a: {  	v4 =	vld.idx.msk [tilespmem:v7+s20+$0x0], $0xffff  }
0x15b: {  	[tilespmem:$0x1FD80] =	vst v7;
	v7 =	vor.u32 $0x100F, v0;
	v1 =	vadd.f32 v2, v1  }
0x15c: {  	v2 =	vld.idx.msk [tilespmem:v5+s20+$0x0], $0xffff  }
0x15d: {  	v1 =	vadd.f32 v3, v1  }
0x15e: {  	v3 =	vld.idx.msk [tilespmem:v6+s20+$0x0], $0xffff  }
0x15f: {  	v1 =	vadd.f32 v4, v1  }
0x160: {  	v4 =	vld.idx.msk [tilespmem:v7+s20+$0x0], $0xffff  }
0x161: {  	v1 =	vadd.f32 v2, v1;
	_ =	sdelay $0x1  }
0x162: {  	v2 =	vor.u32 $0x1800, v0;
	v1 =	vadd.f32 v3, v1;
	_ =	sdelay $0x1  }
0x163: {  	v3 =	vor.u32 $0x1801, v0;
	v1 =	vadd.f32 v4, v1;
	_ =	sdelay $0x1  }
0x164: {  	v52 =	vor.u32 $0x1802, v0;
	[tilespmem:s26+$0x4F20] =	vst v1  }
0x165: {  	v1 =	vld.idx.msk [tilespmem:v2+s20+$0x0], $0xffff  }
0x166: {  	v53 =	vor.u32 $0x1803, v0  }
0x167: {  	[tilespmem:$0x1FDC0] =	vst v2;
	v2 =	vld.idx.msk [tilespmem:v3+s20+$0x0], $0xffff  }
0x168: {  	v54 =	vor.u32 $0x1804, v0  }
0x169: {  	[tilespmem:$0x1FDD0] =	vst v3;
	v3 =	vld.idx.msk [tilespmem:v52+s20+$0x0], $0xffff  }
0x16a: {  	v55 =	vor.u32 $0x1805, v0;
	v1 =	vadd.f32 v1, v36  }
0x16b: {  	v4 =	vld.idx.msk [tilespmem:v53+s20+$0x0], $0xffff  }
0x16c: {  	v56 =	vor.u32 $0x1806, v0;
	v1 =	vadd.f32 v2, v1  }
0x16d: {  	v2 =	vld.idx.msk [tilespmem:v54+s20+$0x0], $0xffff  }
0x16e: {  	v57 =	vor.u32 $0x1807, v0;
	v1 =	vadd.f32 v3, v1  }
0x16f: {  	v3 =	vld.idx.msk [tilespmem:v55+s20+$0x0], $0xffff  }
0x170: {  	v58 =	vor.u32 $0x1808, v0;
	v1 =	vadd.f32 v4, v1  }
0x171: {  	v4 =	vld.idx.msk [tilespmem:v56+s20+$0x0], $0xffff  }
0x172: {  	v59 =	vor.u32 $0x1809, v0;
	v1 =	vadd.f32 v2, v1  }
0x173: {  	v2 =	vld.idx.msk [tilespmem:v57+s20+$0x0], $0xffff  }
0x174: {  	v60 =	vor.u32 $0x180A, v0;
	v1 =	vadd.f32 v3, v1  }
0x175: {  	v3 =	vld.idx.msk [tilespmem:v58+s20+$0x0], $0xffff  }
0x176: {  	v61 =	vor.u32 $0x180B, v0;
	v1 =	vadd.f32 v4, v1  }
0x177: {  	v4 =	vld.idx.msk [tilespmem:v59+s20+$0x0], $0xffff  }
0x178: {  	v62 =	vor.u32 $0x180C, v0;
	v1 =	vadd.f32 v2, v1  }
0x179: {  	v2 =	vld.idx.msk [tilespmem:v60+s20+$0x0], $0xffff  }
0x17a: {  	v63 =	vor.u32 $0x180D, v0;
	v1 =	vadd.f32 v3, v1  }
0x17b: {  	v3 =	vld.idx.msk [tilespmem:v61+s20+$0x0], $0xffff  }
0x17c: {  	v4 =	vadd.f32 v4, v1;
	v1 =	vor.u32 $0x180E, v0  }
0x17d: {  	[tilespmem:$0x1FD90] =	vst v5;
	v5 =	vld.idx.msk [tilespmem:v62+s20+$0x0], $0xffff  }
0x17e: {  	v4 =	vadd.f32 v2, v4;
	v2 =	vor.u32 $0x180F, v0  }
0x17f: {  	[tilespmem:$0x1FDA0] =	vst v6;
	v6 =	vld.idx.msk [tilespmem:v63+s20+$0x0], $0xffff  }
0x180: {  	v3 =	vadd.f32 v3, v4  }
0x181: {  	v4 =	vld.idx.msk [tilespmem:v1+s20+$0x0], $0xffff  }
0x182: {  	v3 =	vadd.f32 v5, v3  }
0x183: {  	v5 =	vld.idx.msk [tilespmem:v2+s20+$0x0], $0xffff  }
0x184: {  	v3 =	vadd.f32 v6, v3;
	_ =	sdelay $0x1  }
0x185: {  	v4 =	vadd.f32 v4, v3;
	v3 =	vor.u32 $0x2000, v0;
	_ =	sdelay $0x1  }
0x186: {  	v5 =	vadd.f32 v5, v4;
	v4 =	vor.u32 $0x2001, v0;
	_ =	sdelay $0x1  }
0x187: {  	[tilespmem:s26+$0x4F30] =	vst v5;
	v5 =	vor.u32 $0x2002, v0  }
0x188: {  	v8 =	vld.idx.msk [tilespmem:v3+s20+$0x0], $0xffff  }
0x189: {  	v6 =	vor.u32 $0x2003, v0  }
0x18a: {  	v9 =	vld.idx.msk [tilespmem:v4+s20+$0x0], $0xffff  }
0x18b: {  	[tilespmem:$0x1FDB0] =	vst v7;
	v7 =	vor.u32 $0x2004, v0  }
0x18c: {  	v10 =	vld.idx.msk [tilespmem:v5+s20+$0x0], $0xffff  }
0x18d: {  	v11 =	vadd.f32 v8, v36;
	v8 =	vor.u32 $0x2005, v0  }
0x18e: {  	v12 =	vld.idx.msk [tilespmem:v6+s20+$0x0], $0xffff  }
0x18f: {  	v11 =	vadd.f32 v9, v11;
	v9 =	vor.u32 $0x2006, v0  }
0x190: {  	v13 =	vld.idx.msk [tilespmem:v7+s20+$0x0], $0xffff  }
0x191: {  	v11 =	vadd.f32 v10, v11;
	v10 =	vor.u32 $0x2007, v0  }
0x192: {  	v14 =	vld.idx.msk [tilespmem:v8+s20+$0x0], $0xffff  }
0x193: {  	v12 =	vadd.f32 v12, v11;
	v11 =	vor.u32 $0x2008, v0  }
0x194: {  	v15 =	vld.idx.msk [tilespmem:v9+s20+$0x0], $0xffff  }
0x195: {  	v13 =	vadd.f32 v13, v12;
	v12 =	vor.u32 $0x2009, v0  }
0x196: {  	v16 =	vld.idx.msk [tilespmem:v10+s20+$0x0], $0xffff  }
0x197: {  	v14 =	vadd.f32 v14, v13;
	v13 =	vor.u32 $0x200A, v0  }
0x198: {  	v17 =	vld.idx.msk [tilespmem:v11+s20+$0x0], $0xffff  }
0x199: {  	v15 =	vadd.f32 v15, v14;
	v14 =	vor.u32 $0x200B, v0  }
0x19a: {  	v18 =	vld.idx.msk [tilespmem:v12+s20+$0x0], $0xffff  }
0x19b: {  	v16 =	vadd.f32 v16, v15;
	v15 =	vor.u32 $0x200C, v0  }
0x19c: {  	v19 =	vld.idx.msk [tilespmem:v13+s20+$0x0], $0xffff  }
0x19d: {  	v17 =	vadd.f32 v17, v16;
	v16 =	vor.u32 $0x200D, v0  }
0x19e: {  	v20 =	vld.idx.msk [tilespmem:v14+s20+$0x0], $0xffff  }
0x19f: {  	v18 =	vadd.f32 v18, v17;
	v17 =	vor.u32 $0x200E, v0  }
0x1a0: {  	v21 =	vld.idx.msk [tilespmem:v15+s20+$0x0], $0xffff  }
0x1a1: {  	v19 =	vadd.f32 v19, v18;
	v18 =	vor.u32 $0x200F, v0  }
0x1a2: {  	v22 =	vld.idx.msk [tilespmem:v16+s20+$0x0], $0xffff  }
0x1a3: {  	v19 =	vadd.f32 v20, v19  }
0x1a4: {  	v20 =	vld.idx.msk [tilespmem:v17+s20+$0x0], $0xffff  }
0x1a5: {  	v19 =	vadd.f32 v21, v19  }
0x1a6: {  	v21 =	vld.idx.msk [tilespmem:v18+s20+$0x0], $0xffff  }
0x1a7: {  	v19 =	vadd.f32 v22, v19;
	_ =	sdelay $0x1  }
0x1a8: {  	v19 =	vadd.f32 v20, v19;
	_ =	sdelay $0x1  }
0x1a9: {  	v19 =	vadd.f32 v21, v19;
	_ =	sdelay $0x1  }
0x1aa: {  	s1 =	sadd.s32 $0xA0, s26;
	[tilespmem:s26+$0x4F40] =	vst v19  }
0x1ab: {  	[tilespmem:s14], [sflag:$0x1] =	stream.indirect.gather [hbm4b:s3+s13], $0x80, s1, s13, $0xb8;
	[tilespmem:$0x13F00] =	vst v63  }
0x1ac: {  	s1 =	sadd.s32 $0x2820, s26  }
0x1ad: {  	[tilespmem:s15], [sflag:$0x2] =	stream.indirect.gather [hbm4b:s4+s13], $0x80, s1, s13, $0xb8;
	[tilespmem:$0x13F00] =	vst v63  }
0x1ae: {  	_ =	swait.ge [sflag:s21], $0x2800  }
0x1af: {  	[sflag:s21] =	ssyncset.done $0x0  }
0x1b0: {  	[sflag:s21] =	ssyncadd.s32 $0xFFFFD800  }
0x1b1: {  	_ =	swait.ge [sflag:s22], $0x2800  }
0x1b2: {  	[sflag:s22] =	ssyncset.done $0x0  }
0x1b3: {  	s29 =	simm.s32 $0x0;
	[sflag:s22] =	ssyncadd.s32 $0xFFFFD800  }
0x1b4: {  	v19 =	vld [tilespmem:s29+$0xC690]  }
0x1b5: {  	v20 =	vld [tilespmem:s29+$0xEE90]  }
0x1b6: {  	v21 =	vld [tilespmem:s29+$0xC6B0]  }
0x1b7: {  	v22 =	vld [tilespmem:s29+$0xEEB0]  }
0x1b8: {  	v23 =	vld [tilespmem:s29+$0xC680]  }
0x1b9: {  	v24 =	vld [tilespmem:s29+$0xEE80]  }
0x1ba: {  	v25 =	vld [tilespmem:s29+$0xC6A0]  }
0x1bb: {  	v28 =	vld [tilespmem:s29+$0xEEA0];
	v26 =	vunpack.i.u.bf16.f32 v19  }
0x1bc: {  	v27 =	vunpack.i.u.bf16.f32 v20;
	v29 =	vunpack.i.u.bf16.f32 v21;
	v19 =	vunpack.i.l.bf16.f32 v19  }
0x1bd: {  	v30 =	vunpack.i.u.bf16.f32 v22;
	v20 =	vunpack.i.l.bf16.f32 v20;
	v21 =	vunpack.i.l.bf16.f32 v21  }
0x1be: {  	v31 =	vunpack.i.u.bf16.f32 v23;
	v22 =	vunpack.i.l.bf16.f32 v22;
	v32 =	vunpack.i.u.bf16.f32 v24  }
0x1bf: {  	v23 =	vunpack.i.l.bf16.f32 v23;
	v24 =	vunpack.i.l.bf16.f32 v24;
	v33 =	vunpack.i.l.bf16.f32 v25  }
0x1c0: {  	v26 =	vadd.f32 v27, v26;
	v19 =	vadd.f32 v20, v19;
	v20 =	vunpack.i.l.bf16.f32 v28  }
0x1c1: {  	v27 =	vadd.f32 v32, v31;
	v23 =	vadd.f32 v24, v23;
	v24 =	vunpack.i.u.bf16.f32 v25  }
0x1c2: {  	v25 =	vunpack.i.u.bf16.f32 v28;
	v28 =	vadd.f32 v30, v29;
	v21 =	vadd.f32 v22, v21  }
0x1c3: {  	v20 =	vadd.f32 v20, v33;
	v19 =	vsub.f32 $0.0e+00, v19  }
0x1c4: {  	v24 =	vadd.f32 v25, v24;
	v27 =	vsub.f32 $0.0e+00, v27  }
0x1c5: {  	v23 =	vsub.f32 $0.0e+00, v23;
	v20 =	vmin.f32 v20, $1.500000000e+01;
	v19 =	vmul.f32 $1.442695020e+00, v19  }
0x1c6: {  	v22 =	vmin.f32 v24, $1.500000000e+01;
	v20 =	vadd.f32 v20, v20;
	v25 =	vmul.f32 $1.442695020e+00, v27  }
0x1c7: {  	v22 =	vadd.f32 v22, v22;
	(erf) = vpow2.f32 v19;
	v19 =	vmul.f32 $1.442695020e+00, v23  }
0x1c8: {  	v21 =	vmin.f32 v21, $1.500000000e+01;
	v20 =	vmul.f32 $1.442695020e+00, v20;
	(erf) = vpow2.f32 v25  }
0x1c9: {  	(erf) = vpow2.f32 v19;
	v19 =	vadd.f32 v21, v21;
	v21 =	vmul.f32 $1.442695020e+00, v22  }
0x1ca: {  	(erf) = vpow2.f32 v20  }
0x1cb: {  	v22 =	vmin.f32 v28, $1.500000000e+01;
	v20 =	vsub.f32 $0.0e+00, v26;
	(erf) = vpow2.f32 v21  }
0x1cc: {  	v22 =	vadd.f32 v22, v22;
	v19 =	vmul.f32 $1.442695020e+00, v19  }
0x1cd: {  	v20 =	vmul.f32 $1.442695020e+00, v20  }
0x1ce: {  	v21 =	vmul.f32 $1.442695020e+00, v22;
	(erf) = vpow2.f32 v19  }
0x1cf: {  	(erf) = vpow2.f32 v20  }
0x1d0: {  	v19 =	vpop (erf);
	(erf) = vpow2.f32 v21  }
0x1d1: {  	s30 =	simm.s32 $0x80;
	v20 =	vpop (erf)  }
0x1d2: {  	v35 =	vld [tilespmem:s30+$0xEEB0];
	v21 =	vpop (erf)  }
0x1d3: {  	v28 =	vld [tilespmem:s29+$0xC6C0];
	v22 =	vpop (erf)  }
0x1d4: {  	v21 =	vadd.f32 $1.000000000e+00, v21;
	v23 =	vadd.f32 $1.000000000e+00, v22;
	v25 =	vpop (erf)  }
0x1d5: {  	v26 =	vadd.f32 $1.000000000e+00, v25  }
0x1d6: {  	v21 =	vmul.f32 v23, v21  }
0x1d7: {  	v49 =	vunpack.i.l.bf16.f32 v35;
	v24 =	vld [tilespmem:s29+$0xC6D0];
	v20 =	vadd.f32 $1.000000000e+00, v20;
	v27 =	vpop (erf)  }
0x1d8: {  	v42 =	vunpack.i.u.bf16.f32 v28;
	v19 =	vadd.f32 $1.000000000e+00, v19;
	v23 =	vld [tilespmem:s29+$0xEED0];
	v30 =	vpop (erf);
	(erf) = vrcp.f32 v21  }
0x1d9: {  	v22 =	vadd.f32 $-1.000000000e+00, v22;
	v29 =	vadd.f32 $1.000000000e+00, v27;
	v20 =	vmul.f32 v26, v20;
	v21 =	vld [tilespmem:s29+$0xEEC0];
	v26 =	vpop (erf)  }
0x1da: {  	v28 =	vunpack.i.l.bf16.f32 v28;
	v30 =	vadd.f32 $1.000000000e+00, v30;
	v41 =	vadd.f32 $1.000000000e+00, v26  }
0x1db: {  	v31 =	vld [tilespmem:s30+$0xC690];
	v25 =	vadd.f32 $-1.000000000e+00, v25;
	v19 =	vmul.f32 v29, v19;
	(erf) = vrcp.f32 v20  }
0x1dc: {  	v27 =	vadd.f32 $-1.000000000e+00, v27;
	v29 =	vld [tilespmem:s30+$0xEE90];
	v26 =	vadd.f32 $-1.000000000e+00, v26;
	v20 =	vmul.f32 v41, v30  }
0x1dd: {  	(erf) = vrcp.f32 v19;
	v19 =	vunpack.i.u.bf16.f32 v24;
	v30 =	vunpack.i.u.bf16.f32 v23  }
0x1de: {  	v43 =	vld [tilespmem:s30+$0xC6B0];
	(erf) = vrcp.f32 v20;
	v20 =	vunpack.i.u.bf16.f32 v21;
	v21 =	vunpack.i.l.bf16.f32 v21  }
0x1df: {  	v24 =	vunpack.i.l.bf16.f32 v24;
	v23 =	vunpack.i.l.bf16.f32 v23;
	v28 =	vadd.f32 v21, v28  }
0x1e0: {  	v34 =	vunpack.i.u.bf16.f32 v31;
	v23 =	vadd.f32 v23, v24;
	v19 =	vadd.f32 v30, v19  }
0x1e1: {  	v24 =	vunpack.i.u.bf16.f32 v29;
	v20 =	vadd.f32 v20, v42;
	v30 =	vpop (erf);
	v28 =	vsub.f32 $0.0e+00, v28  }
0x1e2: {  	v21 =	vadd.f32 v24, v34;
	v50 =	vsub.f32 $0.0e+00, v19;
	v22 =	vmul.f32 v30, v22  }
0x1e3: {  	v24 =	vunpack.i.u.bf16.f32 v43;
	v20 =	vsub.f32 $0.0e+00, v20;
	v28 =	vmul.f32 $1.442695020e+00, v28  }
0x1e4: {  	v32 =	vmul.f32 $1.442695020e+00, v50;
	v30 =	vunpack.i.u.bf16.f32 v35;
	v44 =	vpop (erf);
	v22 =	vadd.f32 v22, v22  }
0x1e5: {  	v48 =	vld [tilespmem:s30+$0xEEA0];
	v25 =	vmul.f32 v44, v25;
	v37 =	vmul.f32 $1.442695020e+00, v20;
	v20 =	vadd.f32 v30, v24  }
0x1e6: {  	v47 =	vld [tilespmem:s30+$0xEE80];
	v24 =	vunpack.i.l.bf16.f32 v31;
	v31 =	vunpack.i.l.bf16.f32 v43;
	v45 =	vpop (erf);
	v22 =	vmul.f32 $1.442695020e+00, v22  }
0x1e7: {  	v38 =	vld [tilespmem:s30+$0xC6A0];
	v27 =	vmul.f32 v45, v27;
	v25 =	vadd.f32 v25, v25;
	(erf) = vpow2.f32 v28;
	v28 =	vpop (erf)  }
0x1e8: {  	v46 =	vld [tilespmem:s30+$0xC680];
	v31 =	vadd.f32 v49, v31;
	v28 =	vmul.f32 v28, v26;
	(erf) = vpow2.f32 v22  }
0x1e9: {  	v22 =	vsub.f32 $0.0e+00, v23;
	v23 =	vmul.f32 $1.442695020e+00, v25;
	v25 =	vunpack.i.l.bf16.f32 v29  }
0x1ea: {  	v26 =	vadd.f32 v27, v27;
	v27 =	vunpack.i.u.bf16.f32 v48;
	v29 =	vunpack.i.l.bf16.f32 v48  }
0x1eb: {  	(erf) = vpow2.f32 v37;
	v30 =	vadd.f32 v25, v24;
	v24 =	vunpack.i.u.bf16.f32 v47  }
0x1ec: {  	v25 =	vunpack.i.u.bf16.f32 v38;
	v22 =	vmul.f32 $1.442695020e+00, v22;
	(erf) = vpow2.f32 v23  }
0x1ed: {  	v19 =	vld [tilespmem:s30+$0xC6D0];
	v23 =	vunpack.i.u.bf16.f32 v46;
	v26 =	vmul.f32 $1.442695020e+00, v26;
	v51 =	vadd.f32 v28, v28  }
0x1ee: {  	v28 =	vunpack.i.l.bf16.f32 v38;
	(erf) = vpow2.f32 v22;
	v22 =	vunpack.i.l.bf16.f32 v47  }
0x1ef: {  	s31 =	simm.s32 $0x400;
	v33 =	vmul.f32 $1.442695020e+00, v51;
	(erf) = vpow2.f32 v26;
	v26 =	vunpack.i.l.bf16.f32 v46  }
.LBB2_5:
0x1f0: {  	p0 =	sne.s32 s31, $0x9E00;
	v23 =	vadd.f32 v24, v23;
	v24 =	vadd.f32 v27, v25;
	(erf) = vpow2.f32 v32  }
0x1f1: {  	v25 =	vadd.f32 v22, v26;
	v26 =	vadd.f32 v29, v28;
	(erf) = vpow2.f32 v33  }
0x1f2: {  	v27 =	vsub.f32 $0.0e+00, v30;
	v21 =	vsub.f32 $0.0e+00, v21;
	v22 =	vunpack.i.u.bf16.f32 v19  }
0x1f3: {  	v28 =	vmin.f32 v31, $1.500000000e+01;
	v23 =	vsub.f32 $0.0e+00, v23;
	v24 =	vmin.f32 v24, $1.500000000e+01;
	v29 =	vpop (erf)  }
0x1f4: {  	v25 =	vsub.f32 $0.0e+00, v25;
	v35 =	vmul.f32 $1.442695020e+00, v27;
	v24 =	vadd.f32 v24, v24;
	v30 =	vpop (erf)  }
0x1f5: {  	v26 =	vmin.f32 v26, $1.500000000e+01;
	v29 =	vadd.f32 $1.000000000e+00, v29;
	v31 =	vadd.f32 $1.000000000e+00, v30;
	v32 =	vpop (erf)  }
0x1f6: {  	v26 =	vadd.f32 v26, v26;
	v23 =	vmul.f32 $1.442695020e+00, v23;
	(erf) = vpow2.f32 v35;
	v27 =	vpop (erf)  }
0x1f7: {  	v34 =	vmul.f32 v31, v29;
	v31 =	vadd.f32 $1.000000000e+00, v32;
	v32 =	vadd.f32 $1.000000000e+00, v27;
	v33 =	vpop (erf)  }
0x1f8: {  	v25 =	vmul.f32 $1.442695020e+00, v25;
	(erf) = vpow2.f32 v23;
	v23 =	vadd.f32 $1.000000000e+00, v33;
	v33 =	vpop (erf)  }
0x1f9: {  	v31 =	vmul.f32 v32, v31;
	v32 =	vadd.f32 $1.000000000e+00, v33;
	(erf) = vrcp.f32 v34;
	v29 =	vpop (erf)  }
0x1fa: {  	v26 =	vmul.f32 $1.442695020e+00, v26;
	v34 =	vld [tilespmem:s30+$0xEED0];
	(erf) = vpow2.f32 v25;
	v25 =	vadd.f32 $1.000000000e+00, v29;
	v29 =	vpop (erf)  }
0x1fb: {  	v23 =	vmul.f32 v32, v23;
	v32 =	vadd.f32 $1.000000000e+00, v29;
	(erf) = vrcp.f32 v31  }
0x1fc: {  	v28 =	vadd.f32 v28, v28;
	v24 =	vmul.f32 $1.442695020e+00, v24;
	v31 =	vld [tilespmem:s30+$0xC6C0];
	(erf) = vpow2.f32 v26  }
0x1fd: {  	v20 =	vmin.f32 v20, $1.500000000e+01;
	v26 =	vld [tilespmem:s30+$0xEEC0];
	v25 =	vmul.f32 v32, v25;
	(erf) = vrcp.f32 v23  }
0x1fe: {  	s1 =	sshra.s32 s31, $0x2;
	v20 =	vadd.f32 v20, v20;
	v23 =	vmul.f32 $1.442695020e+00, v28;
	(erf) = vpow2.f32 v24  }
0x1ff: {  	v21 =	vmul.f32 $1.442695020e+00, v21;
	v24 =	vld [tilespmem:s1+$0xC690];
	v28 =	vunpack.i.u.bf16.f32 v34;
	v32 =	vpop (erf);
	(erf) = vrcp.f32 v25  }
0x200: {  	v19 =	vunpack.i.l.bf16.f32 v19;
	v20 =	vmul.f32 $1.442695020e+00, v20;
	(erf) = vpow2.f32 v23;
	v23 =	vld [tilespmem:$0x13E80]  }
0x201: {  	v34 =	vunpack.i.l.bf16.f32 v34;
	v25 =	vld [tilespmem:s1+$0xEE90];
	v35 =	vpop (erf);
	(erf) = vpow2.f32 v21;
	v21 =	vadd.f32 $-1.000000000e+00, v30  }
0x202: {  	v30 =	vunpack.i.u.bf16.f32 v31;
	v37 =	vunpack.i.u.bf16.f32 v26;
	(erf) = vpow2.f32 v20;
	v20 =	vld [tilespmem:$0x13E90];
	v38 =	vpop (erf)  }
0x203: {  	v27 =	vadd.f32 $-1.000000000e+00, v27;
	v31 =	vunpack.i.l.bf16.f32 v31;
	v39 =	vpop (erf);
	v21 =	vmul.f32 v38, v21  }
0x204: {  	v40 =	vunpack.i.l.bf16.f32 v26;
	v38 =	vunpack.i.u.bf16.f32 v24;
	v26 =	vadd.f32 $1.000000000e+00, v39;
	v39 =	vld [tilespmem:$0x13EA0];
	v41 =	vpop (erf)  }
0x205: {  	v42 =	vpop (erf);
	v21 =	vmul.f32 v21, v23;
	v23 =	vmul.f32 v41, v27;
	v27 =	vadd.f32 $-1.000000000e+00, v33  }
0x206: {  	v29 =	vadd.f32 $-1.000000000e+00, v29;
	v33 =	vunpack.i.u.bf16.f32 v25;
	v41 =	vadd.f32 $1.000000000e+00, v42;
	v43 =	vld [tilespmem:$0x13EB0];
	v44 =	vpop (erf)  }
0x207: {  	v45 =	vld [tilespmem:s1+$0xC6B0];
	v46 =	vpop (erf);
	v21 =	vadd.f32 $0.0e+00, v21;
	v20 =	vmul.f32 v23, v20;
	v23 =	vmul.f32 v44, v27  }
0x208: {  	v35 =	vadd.f32 $1.000000000e+00, v35;
	v27 =	vld [tilespmem:s1+$0xEEB0];
	v26 =	vmul.f32 v41, v26;
	v50 =	vadd.f32 $1.000000000e+00, v46;
	v44 =	vpop (erf)  }
0x209: {  	v47 =	vld [tilespmem:s1+$0xC680];
	v48 =	vpop (erf);
	v20 =	vadd.f32 v21, v20;
	v21 =	vmul.f32 v23, v39;
	v23 =	vmul.f32 v44, v29  }
0x20a: {  	v32 =	vadd.f32 $1.000000000e+00, v32;
	v29 =	vld [tilespmem:s1+$0xEE80];
	v35 =	vmul.f32 v50, v35;
	v39 =	vadd.f32 $1.000000000e+00, v48;
	v41 =	vpop (erf)  }
0x20b: {  	v44 =	vld [tilespmem:s1+$0xC6A0];
	(erf) = vrcp.f32 v26;
	v49 =	vpop (erf);
	v20 =	vadd.f32 v21, v20;
	v21 =	vmul.f32 v23, v43  }
0x20c: {  	v23 =	vadd.f32 $1.000000000e+00, v41;
	v43 =	vld [tilespmem:s1+$0xEEA0];
	v50 =	vunpack.i.u.bf16.f32 v45;
	v26 =	vadd.f32 $1.000000000e+00, v49  }
0x20d: {  	v32 =	vmul.f32 v39, v32;
	(erf) = vrcp.f32 v35;
	v20 =	vadd.f32 v20, v21  }
0x20e: {  	v35 =	vunpack.i.l.bf16.f32 v24;
	v39 =	vunpack.i.u.bf16.f32 v27;
	v21 =	vmul.f32 v26, v23  }
0x20f: {  	v41 =	vunpack.i.l.bf16.f32 v25;
	v45 =	vunpack.i.l.bf16.f32 v45;
	(erf) = vrcp.f32 v32;
	[tilespmem:s29+$0x11680] =	vst v20;
	s29 =	smov.u32 s30;
	s30 =	smov.u32 s1  }
0x210: {  	v51 =	vunpack.i.l.bf16.f32 v27;
	v23 =	vunpack.i.u.bf16.f32 v47;
	(erf) = vrcp.f32 v21  }
0x211: {  	v24 =	vunpack.i.u.bf16.f32 v29;
	v25 =	vunpack.i.u.bf16.f32 v44;
	v27 =	vunpack.i.u.bf16.f32 v43  }
0x212: {  	v19 =	vadd.f32 v34, v19;
	v26 =	vunpack.i.l.bf16.f32 v47;
	v32 =	vadd.f32 v28, v22  }
0x213: {  	v30 =	vadd.f32 v37, v30;
	v22 =	vunpack.i.l.bf16.f32 v29;
	v29 =	vadd.f32 $-1.000000000e+00, v42  }
0x214: {  	v31 =	vadd.f32 v40, v31;
	v28 =	vunpack.i.l.bf16.f32 v44;
	v21 =	vadd.f32 v33, v38;
	v33 =	vpop (erf)  }
0x215: {  	v34 =	vadd.f32 $-1.000000000e+00, v46;
	v20 =	vadd.f32 v39, v50;
	v33 =	vmul.f32 v33, v29  }
0x216: {  	v31 =	vsub.f32 $0.0e+00, v31;
	v30 =	vsub.f32 $0.0e+00, v30;
	v29 =	vunpack.i.l.bf16.f32 v43;
	v37 =	vpop (erf)  }
0x217: {  	v33 =	vadd.f32 v33, v33;
	v34 =	vmul.f32 v37, v34;
	v37 =	vadd.f32 $-1.000000000e+00, v48  }
0x218: {  	v31 =	vmul.f32 $1.442695020e+00, v31;
	v30 =	vmul.f32 $1.442695020e+00, v30;
	v38 =	vadd.f32 $-1.000000000e+00, v49;
	v39 =	vpop (erf)  }
0x219: {  	v33 =	vmul.f32 $1.442695020e+00, v33;
	v34 =	vadd.f32 v34, v34;
	v37 =	vmul.f32 v39, v37;
	v39 =	vpop (erf)  }
0x21a: {  	v19 =	vsub.f32 $0.0e+00, v19;
	v38 =	vmul.f32 v39, v38;
	(erf) = vpow2.f32 v31  }
.Ltmp1:
0x21b: {  	v31 =	vmul.f32 $1.442695020e+00, v34;
	v34 =	vadd.f32 v37, v37;
	(erf) = vpow2.f32 v33;
	(pc) =	sbr.rel @p0 .LBB2_5-.Ltmp1, $4  }
0x21c: {  	v32 =	vsub.f32 $0.0e+00, v32;
	v33 =	vmul.f32 $1.442695020e+00, v19;
	(erf) = vpow2.f32 v30  }
0x21d: {  	v37 =	vadd.f32 v38, v38;
	v19 =	vld [tilespmem:s30+$0xC6D0];
	v34 =	vmul.f32 $1.442695020e+00, v34;
	(erf) = vpow2.f32 v31  }
0x21e: {  	v32 =	vmul.f32 $1.442695020e+00, v32;
	v30 =	vadd.f32 v41, v35;
	(erf) = vpow2.f32 v33  }
0x21f: {  	s31 =	sadd.s32 $0x200, s31;
	v31 =	vadd.f32 v51, v45;
	v33 =	vmul.f32 $1.442695020e+00, v37;
	(erf) = vpow2.f32 v34  }
0x220: {  	v23 =	vadd.f32 v24, v23;
	v42 =	vsub.f32 $0.0e+00, v30  }
0x221: {  	v41 =	vadd.f32 v27, v25;
	(erf) = vpow2.f32 v32;
	v43 =	vadd.f32 v29, v28  }
0x222: {  	v22 =	vadd.f32 v22, v26;
	(erf) = vpow2.f32 v33;
	v25 =	vmul.f32 $1.442695020e+00, v42  }
0x223: {  	v23 =	vsub.f32 $0.0e+00, v23;
	v26 =	vmin.f32 v43, $1.500000000e+01;
	v44 =	vpop (erf)  }
0x224: {  	v24 =	vmin.f32 v41, $1.500000000e+01;
	v22 =	vsub.f32 $0.0e+00, v22;
	v26 =	vadd.f32 v26, v26;
	v29 =	vpop (erf)  }
0x225: {  	v27 =	vadd.f32 $1.000000000e+00, v44;
	v23 =	vmul.f32 $1.442695020e+00, v23;
	v46 =	vadd.f32 $1.000000000e+00, v29;
	v47 =	vpop (erf)  }
0x226: {  	v24 =	vadd.f32 v24, v24;
	(erf) = vpow2.f32 v25;
	v22 =	vmul.f32 $1.442695020e+00, v22;
	v25 =	vpop (erf)  }
0x227: {  	v48 =	vadd.f32 $1.000000000e+00, v47;
	v27 =	vmul.f32 v46, v27;
	v49 =	vadd.f32 $1.000000000e+00, v25;
	v50 =	vpop (erf)  }
0x228: {  	v26 =	vmul.f32 $1.442695020e+00, v26;
	(erf) = vpow2.f32 v23;
	v51 =	vadd.f32 $1.000000000e+00, v50;
	v32 =	vpop (erf)  }
0x229: {  	v30 =	vmul.f32 v49, v48;
	v34 =	vadd.f32 $1.000000000e+00, v32;
	(erf) = vrcp.f32 v27  }
0x22a: {  	v24 =	vmul.f32 $1.442695020e+00, v24;
	v35 =	vpop (erf);
	(erf) = vpow2.f32 v22  }
0x22b: {  	v45 =	vmin.f32 v31, $1.500000000e+01;
	v27 =	vpop (erf);
	v23 =	vmul.f32 v34, v51;
	(erf) = vrcp.f32 v30  }
0x22c: {  	v37 =	vadd.f32 $1.000000000e+00, v35;
	v38 =	vadd.f32 $1.000000000e+00, v27;
	(erf) = vpow2.f32 v26  }
0x22d: {  	v20 =	vmin.f32 v20, $1.500000000e+01;
	v39 =	vadd.f32 v45, v45;
	(erf) = vrcp.f32 v23  }
0x22e: {  	v20 =	vadd.f32 v20, v20;
	v22 =	vmul.f32 v38, v37;
	(erf) = vpow2.f32 v24  }
0x22f: {  	v21 =	vsub.f32 $0.0e+00, v21;
	v40 =	vmul.f32 $1.442695020e+00, v39  }
0x230: {  	v20 =	vmul.f32 $1.442695020e+00, v20;
	v41 =	vpop (erf);
	(erf) = vrcp.f32 v22  }
0x231: {  	v21 =	vmul.f32 $1.442695020e+00, v21;
	v42 =	vpop (erf);
	(erf) = vpow2.f32 v40  }
0x232: {  	v23 =	vpop (erf)  }
0x233: {  	(erf) = vpow2.f32 v21;
	v43 =	vpop (erf)  }
0x234: {  	(erf) = vpow2.f32 v20;
	v20 =	vpop (erf)  }
0x235: {  	v26 =	vpop (erf)  }
0x236: {  	v21 =	vadd.f32 $1.000000000e+00, v43;
	v28 =	vpop (erf);
	v44 =	vadd.f32 $1.000000000e+00, v26  }
0x237: {  	v31 =	vpop (erf)  }
0x238: {  	v22 =	vadd.f32 $1.000000000e+00, v42;
	v45 =	vadd.f32 $1.000000000e+00, v31;
	v21 =	vmul.f32 v44, v21  }
0x239: {  	v30 =	vpop (erf)  }
0x23a: {  	v34 =	vpop (erf);
	v22 =	vmul.f32 v45, v22;
	(erf) = vrcp.f32 v21  }
0x23b: {  	v24 =	vadd.f32 $1.000000000e+00, v41;
	v46 =	vadd.f32 $1.000000000e+00, v34  }
0x23c: {  	v48 =	vld [tilespmem:s30+$0xC6C0];
	(erf) = vrcp.f32 v22  }
0x23d: {  	v49 =	vld [tilespmem:s30+$0xEEC0];
	v35 =	vpop (erf);
	v24 =	vmul.f32 v46, v24  }
0x23e: {  	v37 =	vpop (erf)  }
0x23f: {  	v35 =	vadd.f32 $1.000000000e+00, v35;
	v38 =	vadd.f32 $1.000000000e+00, v37;
	(erf) = vrcp.f32 v24  }
0x240: {  	v47 =	vld [tilespmem:s30+$0xEED0];
	v51 =	vunpack.i.l.bf16.f32 v19  }
0x241: {  	v19 =	vunpack.i.u.bf16.f32 v19;
	v39 =	vunpack.i.u.bf16.f32 v48;
	v50 =	vmul.f32 v38, v35  }
0x242: {  	v43 =	vunpack.i.l.bf16.f32 v49;
	v26 =	vadd.f32 $-1.000000000e+00, v26;
	v22 =	vunpack.i.l.bf16.f32 v48  }
0x243: {  	v33 =	vunpack.i.u.bf16.f32 v49;
	v22 =	vadd.f32 v43, v22;
	(erf) = vrcp.f32 v50;
	v44 =	vpop (erf)  }
0x244: {  	v33 =	vadd.f32 v33, v39;
	v31 =	vadd.f32 $-1.000000000e+00, v31;
	v24 =	vmul.f32 v44, v26  }
0x245: {  	v42 =	vunpack.i.l.bf16.f32 v47;
	v21 =	vunpack.i.u.bf16.f32 v47;
	v22 =	vsub.f32 $0.0e+00, v22;
	v45 =	vpop (erf)  }
0x246: {  	v47 =	vsub.f32 $0.0e+00, v33;
	v26 =	vmul.f32 v45, v31;
	v24 =	vadd.f32 v24, v24  }
0x247: {  	v19 =	vadd.f32 v21, v19;
	v46 =	vadd.f32 $-1.000000000e+00, v34;
	v22 =	vmul.f32 $1.442695020e+00, v22  }
0x248: {  	v21 =	vmul.f32 $1.442695020e+00, v47;
	v48 =	vpop (erf);
	v24 =	vmul.f32 $1.442695020e+00, v24;
	v26 =	vadd.f32 v26, v26  }
0x249: {  	v35 =	vadd.f32 v42, v51;
	(erf) = vpow2.f32 v22;
	v31 =	vmul.f32 v48, v46  }
0x24a: {  	(erf) = vpow2.f32 v24;
	v26 =	vmul.f32 $1.442695020e+00, v26  }
0x24b: {  	v49 =	vadd.f32 $-1.000000000e+00, v37;
	v51 =	vsub.f32 $0.0e+00, v35;
	(erf) = vpow2.f32 v21  }
0x24c: {  	v50 =	vpop (erf);
	v37 =	vadd.f32 v31, v31;
	(erf) = vpow2.f32 v26  }
0x24d: {  	v19 =	vsub.f32 $0.0e+00, v19;
	v38 =	vmul.f32 $1.442695020e+00, v51;
	v22 =	vmul.f32 v50, v49  }
0x24e: {  	v21 =	vmul.f32 $1.442695020e+00, v37  }
0x24f: {  	v19 =	vmul.f32 $1.442695020e+00, v19;
	v22 =	vadd.f32 v22, v22;
	(erf) = vpow2.f32 v38  }
0x250: {  	v39 =	vld [tilespmem:$0x13E80];
	(erf) = vpow2.f32 v21  }
0x251: {  	v29 =	vadd.f32 $-1.000000000e+00, v29;
	v22 =	vmul.f32 $1.442695020e+00, v22;
	(erf) = vpow2.f32 v19;
	v19 =	vld [tilespmem:$0x13E90]  }
0x252: {  	v41 =	vadd.f32 $-1.000000000e+00, v25;
	v43 =	vpop (erf)  }
0x253: {  	v40 =	vmul.f32 v23, v29;
	(erf) = vpow2.f32 v22;
	v45 =	vpop (erf)  }
0x254: {  	v20 =	vmul.f32 v20, v41;
	v47 =	vpop (erf)  }
0x255: {  	v42 =	vld [tilespmem:$0x13EA0];
	v44 =	vadd.f32 $-1.000000000e+00, v32;
	v21 =	vmul.f32 v40, v39;
	v50 =	vpop (erf)  }
0x256: {  	v19 =	vmul.f32 v20, v19;
	v20 =	vadd.f32 $1.000000000e+00, v47;
	v51 =	vadd.f32 $1.000000000e+00, v50  }
0x257: {  	v25 =	vmul.f32 v28, v44;
	v48 =	vld [tilespmem:$0x13EB0];
	v24 =	vadd.f32 $1.000000000e+00, v43;
	v49 =	vadd.f32 $1.000000000e+00, v45  }
0x258: {  	v46 =	vadd.f32 $-1.000000000e+00, v27;
	v21 =	vadd.f32 $0.0e+00, v21;
	v20 =	vmul.f32 v51, v20  }
0x259: {  	v24 =	vmul.f32 v49, v24;
	v32 =	vpop (erf)  }
0x25a: {  	v23 =	vmul.f32 v25, v42;
	v33 =	vmul.f32 v30, v46;
	v19 =	vadd.f32 v21, v19;
	v34 =	vpop (erf)  }
0x25b: {  	v25 =	vadd.f32 $1.000000000e+00, v32;
	(erf) = vrcp.f32 v24;
	v35 =	vadd.f32 $1.000000000e+00, v34;
	v37 =	vpop (erf)  }
0x25c: {  	v21 =	vmul.f32 v33, v48;
	v19 =	vadd.f32 v23, v19;
	(erf) = vrcp.f32 v20;
	v20 =	vpop (erf)  }
0x25d: {  	v38 =	vadd.f32 $1.000000000e+00, v37;
	v39 =	vmul.f32 v35, v25;
	v40 =	vadd.f32 $1.000000000e+00, v20;
	_ =	sdelay $0x1  }
0x25e: {  	v19 =	vadd.f32 v19, v21;
	(erf) = vrcp.f32 v39;
	v41 =	vmul.f32 v40, v38;
	_ =	sdelay $0x1  }
0x25f: {  	[tilespmem:s29+$0x11680] =	vst v19;
	(erf) = vrcp.f32 v41  }
0x260: {  	v19 =	vld [tilespmem:$0x13E80]  }
0x261: {  	v42 =	vadd.f32 $-1.000000000e+00, v45  }
0x262: {  	v43 =	vld [tilespmem:$0x13E90];
	v44 =	vpop (erf)  }
0x263: {  	v45 =	vadd.f32 $-1.000000000e+00, v50;
	v21 =	vmul.f32 v44, v42  }
0x264: {  	v47 =	vld [tilespmem:$0x13EA0];
	v46 =	vpop (erf)  }
0x265: {  	v48 =	vadd.f32 $-1.000000000e+00, v34;
	v24 =	vmul.f32 v46, v45;
	v19 =	vmul.f32 v21, v19  }
0x266: {  	v20 =	vadd.f32 $-1.000000000e+00, v20;
	v49 =	vld [tilespmem:$0x13EB0];
	v50 =	vpop (erf)  }
0x267: {  	v23 =	vmul.f32 v24, v43;
	v19 =	vadd.f32 $0.0e+00, v19;
	v21 =	vmul.f32 v50, v48  }
0x268: {  	v51 =	vpop (erf)  }
0x269: {  	v19 =	vadd.f32 v19, v23;
	v21 =	vmul.f32 v21, v47;
	v20 =	vmul.f32 v51, v20;
	_ =	sdelay $0x1  }
0x26a: {  	v19 =	vadd.f32 v21, v19;
	v20 =	vmul.f32 v20, v49;
	_ =	sdelay $0x1  }
0x26b: {  	v19 =	vadd.f32 v19, v20;
	v20 =	vld [tilespmem:$0x1FDE0];
	_ =	sdelay $0x4  }
0x26c: {  	[tilespmem:s30+$0x11680] =	vst v19  }
0x26d: {  	v19 =	vld.idx.msk [tilespmem:v0+s20+$0x0], $0xffff;
	_ =	sdelay $0x1  }
0x26e: {  	v20 =	vld.idx.msk [tilespmem:v20+s20+$0x0], $0xffff  }
0x26f: {  	v28 =	vld [tilespmem:$0x1FDF0];
	_ =	sdelay $0x1  }
0x270: {  	v29 =	vld [tilespmem:$0x1FE00];
	v19 =	vadd.f32 v19, v36;
	_ =	sdelay $0x1  }
0x271: {  	v19 =	vadd.f32 v20, v19;
	v20 =	vld [tilespmem:$0x1FE10];
	_ =	sdelay $0x3  }
0x272: {  	v21 =	vld.idx.msk [tilespmem:v28+s20+$0x0], $0xffff;
	_ =	sdelay $0x1  }
0x273: {  	v22 =	vld.idx.msk [tilespmem:v29+s20+$0x0], $0xffff;
	_ =	sdelay $0x1  }
0x274: {  	v20 =	vld.idx.msk [tilespmem:v20+s20+$0x0], $0xffff  }
0x275: {  	v30 =	vld [tilespmem:$0x1FE20];
	v19 =	vadd.f32 v21, v19;
	_ =	sdelay $0x1  }
0x276: {  	v31 =	vld [tilespmem:$0x1FE30];
	v19 =	vadd.f32 v22, v19;
	_ =	sdelay $0x1  }
0x277: {  	v19 =	vadd.f32 v20, v19;
	v20 =	vld [tilespmem:$0x1FE40];
	_ =	sdelay $0x3  }
0x278: {  	v21 =	vld.idx.msk [tilespmem:v30+s20+$0x0], $0xffff;
	_ =	sdelay $0x1  }
0x279: {  	v22 =	vld.idx.msk [tilespmem:v31+s20+$0x0], $0xffff;
	_ =	sdelay $0x1  }
0x27a: {  	v20 =	vld.idx.msk [tilespmem:v20+s20+$0x0], $0xffff  }
0x27b: {  	v32 =	vld [tilespmem:$0x1FE50];
	v19 =	vadd.f32 v21, v19;
	_ =	sdelay $0x1  }
0x27c: {  	v33 =	vld [tilespmem:$0x1FE60];
	v19 =	vadd.f32 v22, v19;
	_ =	sdelay $0x1  }
0x27d: {  	v19 =	vadd.f32 v20, v19;
	v20 =	vld [tilespmem:$0x1FE70];
	_ =	sdelay $0x3  }
0x27e: {  	v21 =	vld.idx.msk [tilespmem:v32+s20+$0x0], $0xffff;
	_ =	sdelay $0x1  }
0x27f: {  	v22 =	vld.idx.msk [tilespmem:v33+s20+$0x0], $0xffff;
	_ =	sdelay $0x1  }
0x280: {  	v20 =	vld.idx.msk [tilespmem:v20+s20+$0x0], $0xffff  }
0x281: {  	v34 =	vld [tilespmem:$0x1FE80];
	v19 =	vadd.f32 v21, v19;
	_ =	sdelay $0x1  }
0x282: {  	v35 =	vld [tilespmem:$0x1FE90];
	v19 =	vadd.f32 v22, v19;
	_ =	sdelay $0x1  }
0x283: {  	v19 =	vadd.f32 v20, v19;
	v20 =	vld [tilespmem:$0x1FEA0];
	_ =	sdelay $0x1  }
0x284: {  	v37 =	vld [tilespmem:$0x1FEB0]  }
0x285: {  	v38 =	vld [tilespmem:$0x1FEC0]  }
0x286: {  	v21 =	vld.idx.msk [tilespmem:v34+s20+$0x0], $0xffff;
	_ =	sdelay $0x1  }
0x287: {  	v22 =	vld.idx.msk [tilespmem:v35+s20+$0x0], $0xffff;
	_ =	sdelay $0x1  }
0x288: {  	v20 =	vld.idx.msk [tilespmem:v20+s20+$0x0], $0xffff  }
0x289: {  	v19 =	vadd.f32 v21, v19  }
0x28a: {  	v21 =	vld.idx.msk [tilespmem:v37+s20+$0x0], $0xffff  }
0x28b: {  	v19 =	vadd.f32 v22, v19  }
0x28c: {  	v22 =	vld.idx.msk [tilespmem:v38+s20+$0x0], $0xffff  }
0x28d: {  	v19 =	vadd.f32 v20, v19;
	_ =	sdelay $0x1  }
0x28e: {  	v19 =	vadd.f32 v21, v19;
	_ =	sdelay $0x1  }
0x28f: {  	v19 =	vadd.f32 v22, v19;
	_ =	sdelay $0x1  }
0x290: {  	[tilespmem:s28+$0x4F00] =	vst v19;
	v19 =	vld [tilespmem:$0x1FED0];
	_ =	sdelay $0x1  }
0x291: {  	v20 =	vld [tilespmem:$0x1FEE0];
	_ =	sdelay $0x5  }
0x292: {  	v19 =	vld.idx.msk [tilespmem:v19+s20+$0x0], $0xffff;
	_ =	sdelay $0x1  }
0x293: {  	v20 =	vld.idx.msk [tilespmem:v20+s20+$0x0], $0xffff  }
0x294: {  	v39 =	vld [tilespmem:$0x1FEF0];
	_ =	sdelay $0x1  }
0x295: {  	v40 =	vld [tilespmem:$0x1FF00];
	v19 =	vadd.f32 v19, v36;
	_ =	sdelay $0x1  }
0x296: {  	v19 =	vadd.f32 v20, v19;
	v20 =	vld [tilespmem:$0x1FF10];
	_ =	sdelay $0x3  }
0x297: {  	v21 =	vld.idx.msk [tilespmem:v39+s20+$0x0], $0xffff;
	_ =	sdelay $0x1  }
0x298: {  	v22 =	vld.idx.msk [tilespmem:v40+s20+$0x0], $0xffff;
	_ =	sdelay $0x1  }
0x299: {  	v20 =	vld.idx.msk [tilespmem:v20+s20+$0x0], $0xffff  }
0x29a: {  	v41 =	vld [tilespmem:$0x1FF20];
	v19 =	vadd.f32 v21, v19;
	_ =	sdelay $0x1  }
0x29b: {  	v42 =	vld [tilespmem:$0x1FF30];
	v19 =	vadd.f32 v22, v19;
	_ =	sdelay $0x1  }
0x29c: {  	v19 =	vadd.f32 v20, v19;
	v20 =	vld [tilespmem:$0x1FF40];
	_ =	sdelay $0x3  }
0x29d: {  	v21 =	vld.idx.msk [tilespmem:v41+s20+$0x0], $0xffff;
	_ =	sdelay $0x1  }
0x29e: {  	v22 =	vld.idx.msk [tilespmem:v42+s20+$0x0], $0xffff;
	_ =	sdelay $0x1  }
0x29f: {  	v20 =	vld.idx.msk [tilespmem:v20+s20+$0x0], $0xffff  }
0x2a0: {  	v43 =	vld [tilespmem:$0x1FF50];
	v19 =	vadd.f32 v21, v19;
	_ =	sdelay $0x1  }
0x2a1: {  	v44 =	vld [tilespmem:$0x1FF60];
	v19 =	vadd.f32 v22, v19;
	_ =	sdelay $0x1  }
0x2a2: {  	v19 =	vadd.f32 v20, v19;
	v20 =	vld [tilespmem:$0x1FF70];
	_ =	sdelay $0x3  }
0x2a3: {  	v21 =	vld.idx.msk [tilespmem:v43+s20+$0x0], $0xffff;
	_ =	sdelay $0x1  }
0x2a4: {  	v22 =	vld.idx.msk [tilespmem:v44+s20+$0x0], $0xffff;
	_ =	sdelay $0x1  }
0x2a5: {  	v20 =	vld.idx.msk [tilespmem:v20+s20+$0x0], $0xffff  }
0x2a6: {  	v45 =	vld [tilespmem:$0x1FF80];
	v19 =	vadd.f32 v21, v19;
	_ =	sdelay $0x1  }
0x2a7: {  	v46 =	vld [tilespmem:$0x1FF90];
	v19 =	vadd.f32 v22, v19;
	_ =	sdelay $0x1  }
0x2a8: {  	v19 =	vadd.f32 v20, v19;
	v20 =	vld [tilespmem:$0x1FFA0];
	_ =	sdelay $0x1  }
0x2a9: {  	v47 =	vld [tilespmem:$0x1FFB0]  }
0x2aa: {  	v48 =	vld [tilespmem:$0x1FFC0]  }
0x2ab: {  	v21 =	vld.idx.msk [tilespmem:v45+s20+$0x0], $0xffff;
	_ =	sdelay $0x1  }
0x2ac: {  	v22 =	vld.idx.msk [tilespmem:v46+s20+$0x0], $0xffff;
	_ =	sdelay $0x1  }
0x2ad: {  	v20 =	vld.idx.msk [tilespmem:v20+s20+$0x0], $0xffff  }
0x2ae: {  	v19 =	vadd.f32 v21, v19  }
0x2af: {  	v21 =	vld.idx.msk [tilespmem:v47+s20+$0x0], $0xffff  }
0x2b0: {  	v19 =	vadd.f32 v22, v19  }
0x2b1: {  	v22 =	vld.idx.msk [tilespmem:v48+s20+$0x0], $0xffff  }
0x2b2: {  	v19 =	vadd.f32 v20, v19;
	_ =	sdelay $0x1  }
0x2b3: {  	v19 =	vadd.f32 v21, v19;
	_ =	sdelay $0x1  }
0x2b4: {  	v19 =	vadd.f32 v22, v19;
	_ =	sdelay $0x1  }
0x2b5: {  	[tilespmem:s26+$0x4F60] =	vst v19;
	v19 =	vld [tilespmem:$0x1FFD0];
	_ =	sdelay $0x1  }
0x2b6: {  	v20 =	vld [tilespmem:$0x1FFE0];
	_ =	sdelay $0x5  }
0x2b7: {  	v19 =	vld.idx.msk [tilespmem:v19+s20+$0x0], $0xffff;
	_ =	sdelay $0x1  }
0x2b8: {  	v20 =	vld.idx.msk [tilespmem:v20+s20+$0x0], $0xffff  }
0x2b9: {  	v49 =	vld [tilespmem:$0x1FFF0];
	_ =	sdelay $0x1  }
0x2ba: {  	v50 =	vld [tilespmem:$0x1FCF0];
	v19 =	vadd.f32 v19, v36;
	_ =	sdelay $0x1  }
0x2bb: {  	v19 =	vadd.f32 v20, v19;
	v20 =	vld [tilespmem:$0x1FD00];
	_ =	sdelay $0x3  }
0x2bc: {  	v21 =	vld.idx.msk [tilespmem:v49+s20+$0x0], $0xffff;
	_ =	sdelay $0x1  }
0x2bd: {  	v22 =	vld.idx.msk [tilespmem:v50+s20+$0x0], $0xffff;
	_ =	sdelay $0x1  }
0x2be: {  	v20 =	vld.idx.msk [tilespmem:v20+s20+$0x0], $0xffff  }
0x2bf: {  	v51 =	vld [tilespmem:$0x1FD10];
	v19 =	vadd.f32 v21, v19;
	_ =	sdelay $0x1  }
0x2c0: {  	v24 =	vld [tilespmem:$0x1FD20];
	v19 =	vadd.f32 v22, v19;
	_ =	sdelay $0x1  }
0x2c1: {  	v19 =	vadd.f32 v20, v19;
	v20 =	vld [tilespmem:$0x1FD30];
	_ =	sdelay $0x3  }
0x2c2: {  	v21 =	vld.idx.msk [tilespmem:v51+s20+$0x0], $0xffff;
	_ =	sdelay $0x1  }
0x2c3: {  	v22 =	vld.idx.msk [tilespmem:v24+s20+$0x0], $0xffff;
	_ =	sdelay $0x1  }
0x2c4: {  	v20 =	vld.idx.msk [tilespmem:v20+s20+$0x0], $0xffff  }
0x2c5: {  	v25 =	vld [tilespmem:$0x1FD40];
	v19 =	vadd.f32 v21, v19;
	_ =	sdelay $0x1  }
0x2c6: {  	v26 =	vld [tilespmem:$0x1FD50];
	v19 =	vadd.f32 v22, v19;
	_ =	sdelay $0x1  }
0x2c7: {  	v19 =	vadd.f32 v20, v19;
	v20 =	vld [tilespmem:$0x1FD60];
	_ =	sdelay $0x3  }
0x2c8: {  	v21 =	vld.idx.msk [tilespmem:v25+s20+$0x0], $0xffff;
	_ =	sdelay $0x1  }
0x2c9: {  	v22 =	vld.idx.msk [tilespmem:v26+s20+$0x0], $0xffff;
	_ =	sdelay $0x1  }
0x2ca: {  	v20 =	vld.idx.msk [tilespmem:v20+s20+$0x0], $0xffff  }
0x2cb: {  	v27 =	vld [tilespmem:$0x1FD70];
	v19 =	vadd.f32 v21, v19;
	_ =	sdelay $0x1  }
0x2cc: {  	v28 =	vld [tilespmem:$0x1FD80];
	v19 =	vadd.f32 v22, v19;
	_ =	sdelay $0x1  }
0x2cd: {  	v19 =	vadd.f32 v20, v19;
	v20 =	vld [tilespmem:$0x1FD90];
	_ =	sdelay $0x1  }
0x2ce: {  	v29 =	vld [tilespmem:$0x1FDA0]  }
0x2cf: {  	v30 =	vld [tilespmem:$0x1FDB0]  }
0x2d0: {  	v21 =	vld.idx.msk [tilespmem:v27+s20+$0x0], $0xffff;
	_ =	sdelay $0x1  }
0x2d1: {  	v22 =	vld.idx.msk [tilespmem:v28+s20+$0x0], $0xffff;
	_ =	sdelay $0x1  }
0x2d2: {  	v20 =	vld.idx.msk [tilespmem:v20+s20+$0x0], $0xffff  }
0x2d3: {  	v19 =	vadd.f32 v21, v19  }
0x2d4: {  	v21 =	vld.idx.msk [tilespmem:v29+s20+$0x0], $0xffff  }
0x2d5: {  	v19 =	vadd.f32 v22, v19  }
0x2d6: {  	v22 =	vld.idx.msk [tilespmem:v30+s20+$0x0], $0xffff  }
0x2d7: {  	v19 =	vadd.f32 v20, v19;
	_ =	sdelay $0x1  }
0x2d8: {  	v19 =	vadd.f32 v21, v19;
	_ =	sdelay $0x1  }
0x2d9: {  	v19 =	vadd.f32 v22, v19;
	_ =	sdelay $0x1  }
0x2da: {  	[tilespmem:s26+$0x4F70] =	vst v19;
	v19 =	vld [tilespmem:$0x1FDC0];
	_ =	sdelay $0x1  }
0x2db: {  	v20 =	vld [tilespmem:$0x1FDD0];
	_ =	sdelay $0x5  }
0x2dc: {  	v19 =	vld.idx.msk [tilespmem:v19+s20+$0x0], $0xffff;
	_ =	sdelay $0x1  }
0x2dd: {  	v20 =	vld.idx.msk [tilespmem:v20+s20+$0x0], $0xffff;
	_ =	sdelay $0x1  }
0x2de: {  	v31 =	vld.idx.msk [tilespmem:v52+s20+$0x0], $0xffff  }
0x2df: {  	v19 =	vadd.f32 v19, v36  }
0x2e0: {  	v32 =	vld.idx.msk [tilespmem:v53+s20+$0x0], $0xffff  }
0x2e1: {  	v19 =	vadd.f32 v20, v19  }
0x2e2: {  	v20 =	vld.idx.msk [tilespmem:v54+s20+$0x0], $0xffff  }
0x2e3: {  	v19 =	vadd.f32 v31, v19  }
0x2e4: {  	v33 =	vld.idx.msk [tilespmem:v55+s20+$0x0], $0xffff  }
0x2e5: {  	v19 =	vadd.f32 v32, v19  }
0x2e6: {  	v34 =	vld.idx.msk [tilespmem:v56+s20+$0x0], $0xffff  }
0x2e7: {  	v19 =	vadd.f32 v20, v19  }
0x2e8: {  	v20 =	vld.idx.msk [tilespmem:v57+s20+$0x0], $0xffff  }
0x2e9: {  	v19 =	vadd.f32 v33, v19  }
0x2ea: {  	v35 =	vld.idx.msk [tilespmem:v58+s20+$0x0], $0xffff  }
0x2eb: {  	v19 =	vadd.f32 v34, v19  }
0x2ec: {  	v37 =	vld.idx.msk [tilespmem:v59+s20+$0x0], $0xffff  }
0x2ed: {  	v19 =	vadd.f32 v20, v19  }
0x2ee: {  	v20 =	vld.idx.msk [tilespmem:v60+s20+$0x0], $0xffff  }
0x2ef: {  	v19 =	vadd.f32 v35, v19  }
0x2f0: {  	v38 =	vld.idx.msk [tilespmem:v61+s20+$0x0], $0xffff  }
0x2f1: {  	v19 =	vadd.f32 v37, v19  }
0x2f2: {  	v39 =	vld.idx.msk [tilespmem:v62+s20+$0x0], $0xffff  }
0x2f3: {  	v19 =	vadd.f32 v20, v19  }
0x2f4: {  	v20 =	vld.idx.msk [tilespmem:v63+s20+$0x0], $0xffff  }
0x2f5: {  	v19 =	vadd.f32 v38, v19  }
0x2f6: {  	v40 =	vld.idx.msk [tilespmem:v1+s20+$0x0], $0xffff  }
0x2f7: {  	v19 =	vadd.f32 v39, v19  }
0x2f8: {  	v41 =	vld.idx.msk [tilespmem:v2+s20+$0x0], $0xffff  }
0x2f9: {  	v19 =	vadd.f32 v20, v19;
	_ =	sdelay $0x1  }
0x2fa: {  	v19 =	vadd.f32 v40, v19;
	_ =	sdelay $0x1  }
0x2fb: {  	v19 =	vadd.f32 v41, v19  }
0x2fc: {  	s1 =	sand.u32 $0x3FE0, s26  }
0x2fd: {  	[tilespmem:s1+$0x4F80] =	vst v19  }
0x2fe: {  	v19 =	vld.idx.msk [tilespmem:v3+s20+$0x0], $0xffff;
	_ =	sdelay $0x1  }
0x2ff: {  	v20 =	vld.idx.msk [tilespmem:v4+s20+$0x0], $0xffff;
	_ =	sdelay $0x1  }
0x300: {  	v42 =	vld.idx.msk [tilespmem:v5+s20+$0x0], $0xffff  }
0x301: {  	v19 =	vadd.f32 v19, v36  }
0x302: {  	v43 =	vld.idx.msk [tilespmem:v6+s20+$0x0], $0xffff  }
0x303: {  	v19 =	vadd.f32 v20, v19  }
0x304: {  	v20 =	vld.idx.msk [tilespmem:v7+s20+$0x0], $0xffff  }
0x305: {  	v19 =	vadd.f32 v42, v19  }
0x306: {  	v44 =	vld.idx.msk [tilespmem:v8+s20+$0x0], $0xffff  }
0x307: {  	v19 =	vadd.f32 v43, v19  }
0x308: {  	v45 =	vld.idx.msk [tilespmem:v9+s20+$0x0], $0xffff  }
0x309: {  	v19 =	vadd.f32 v20, v19  }
0x30a: {  	v20 =	vld.idx.msk [tilespmem:v10+s20+$0x0], $0xffff  }
0x30b: {  	v19 =	vadd.f32 v44, v19  }
0x30c: {  	v46 =	vld.idx.msk [tilespmem:v11+s20+$0x0], $0xffff  }
0x30d: {  	v19 =	vadd.f32 v45, v19  }
0x30e: {  	v47 =	vld.idx.msk [tilespmem:v12+s20+$0x0], $0xffff  }
0x30f: {  	v19 =	vadd.f32 v20, v19  }
0x310: {  	v20 =	vld.idx.msk [tilespmem:v13+s20+$0x0], $0xffff  }
0x311: {  	v19 =	vadd.f32 v46, v19  }
0x312: {  	v48 =	vld.idx.msk [tilespmem:v14+s20+$0x0], $0xffff  }
0x313: {  	v19 =	vadd.f32 v47, v19  }
0x314: {  	v49 =	vld.idx.msk [tilespmem:v15+s20+$0x0], $0xffff  }
0x315: {  	v19 =	vadd.f32 v20, v19  }
0x316: {  	v20 =	vld.idx.msk [tilespmem:v16+s20+$0x0], $0xffff  }
0x317: {  	v19 =	vadd.f32 v48, v19  }
0x318: {  	v50 =	vld.idx.msk [tilespmem:v17+s20+$0x0], $0xffff  }
0x319: {  	v19 =	vadd.f32 v49, v19  }
0x31a: {  	v51 =	vld.idx.msk [tilespmem:v18+s20+$0x0], $0xffff  }
0x31b: {  	s25 =	sadd.s32 $0x1, s25;
	v19 =	vadd.f32 v20, v19  }
0x31c: {  	p0 =	sne.s32 s25, $0x3E  }
.Ltmp2:
0x31d: {  	v19 =	vadd.f32 v50, v19;
	(pc) =	sbr.rel @p0 .LBB2_2-.Ltmp2, $3  }
0x31e: {  	_ = 	snop  }
0x31f: {  	v19 =	vadd.f32 v51, v19;
	_ =	sdelay $0x1  }
0x320: {  	[tilespmem:s26+$0x4F90] =	vst v19  }
0x321: {  	_ =	swait.ge [sflag:s18], $0x2800  }
0x322: {  	[sflag:s18] =	ssyncset.done $0x0  }
0x323: {  	[sflag:s18] =	ssyncadd.s32 $0xFFFFD800  }
0x324: {  	_ =	swait.ge [sflag:s19], $0x2800  }
0x325: {  	[sflag:s19] =	ssyncset.done $0x0  }
0x326: {  	s25 =	simm.s32 $0x0;
	[sflag:s19] =	ssyncadd.s32 $0xFFFFD800  }
0x327: {  	v19 =	vld [tilespmem:s25+$0x7690]  }
0x328: {  	v20 =	vld [tilespmem:s25+$0x9E90]  }
0x329: {  	v21 =	vld [tilespmem:s25+$0x76B0]  }
0x32a: {  	v22 =	vld [tilespmem:s25+$0x9EB0]  }
0x32b: {  	v23 =	vld [tilespmem:s25+$0x7680]  }
0x32c: {  	v24 =	vld [tilespmem:s25+$0x9E80]  }
0x32d: {  	v25 =	vld [tilespmem:s25+$0x76A0]  }
0x32e: {  	v26 =	vunpack.i.u.bf16.f32 v19  }
0x32f: {  	v29 =	vld [tilespmem:s25+$0x9EA0];
	v27 =	vunpack.i.u.bf16.f32 v20;
	v28 =	vunpack.i.u.bf16.f32 v21;
	v19 =	vunpack.i.l.bf16.f32 v19  }
0x330: {  	v30 =	vunpack.i.u.bf16.f32 v22;
	v20 =	vunpack.i.l.bf16.f32 v20;
	v21 =	vunpack.i.l.bf16.f32 v21  }
0x331: {  	v31 =	vunpack.i.u.bf16.f32 v23;
	v22 =	vunpack.i.l.bf16.f32 v22;
	v32 =	vunpack.i.u.bf16.f32 v24  }
0x332: {  	v33 =	vunpack.i.u.bf16.f32 v25;
	v23 =	vunpack.i.l.bf16.f32 v23;
	v24 =	vunpack.i.l.bf16.f32 v24  }
0x333: {  	v25 =	vunpack.i.l.bf16.f32 v25;
	v19 =	vadd.f32 v20, v19;
	v20 =	vadd.f32 v22, v21  }
0x334: {  	v21 =	vunpack.i.l.bf16.f32 v29;
	v22 =	vadd.f32 v32, v31;
	v23 =	vadd.f32 v24, v23  }
0x335: {  	v24 =	vunpack.i.u.bf16.f32 v29;
	v21 =	vadd.f32 v21, v25;
	v19 =	vsub.f32 $0.0e+00, v19  }
0x336: {  	v24 =	vadd.f32 v24, v33;
	v22 =	vsub.f32 $0.0e+00, v22  }
0x337: {  	v23 =	vsub.f32 $0.0e+00, v23;
	v21 =	vmin.f32 v21, $1.500000000e+01;
	v19 =	vmul.f32 $1.442695020e+00, v19  }
0x338: {  	v26 =	vadd.f32 v27, v26;
	v21 =	vadd.f32 v21, v21;
	v22 =	vmul.f32 $1.442695020e+00, v22  }
0x339: {  	v24 =	vmin.f32 v24, $1.500000000e+01;
	(erf) = vpow2.f32 v19;
	v19 =	vmul.f32 $1.442695020e+00, v23  }
0x33a: {  	v24 =	vadd.f32 v24, v24;
	v21 =	vmul.f32 $1.442695020e+00, v21;
	(erf) = vpow2.f32 v22  }
0x33b: {  	v27 =	vadd.f32 v30, v28;
	v20 =	vmin.f32 v20, $1.500000000e+01;
	(erf) = vpow2.f32 v19  }
0x33c: {  	v22 =	vsub.f32 $0.0e+00, v26;
	v19 =	vmul.f32 $1.442695020e+00, v24;
	(erf) = vpow2.f32 v21  }
0x33d: {  	v20 =	vadd.f32 v20, v20  }
0x33e: {  	v21 =	vmin.f32 v27, $1.500000000e+01;
	(erf) = vpow2.f32 v19;
	v19 =	vmul.f32 $1.442695020e+00, v22  }
0x33f: {  	v20 =	vmul.f32 $1.442695020e+00, v20;
	v21 =	vadd.f32 v21, v21  }
0x340: {  	s26 =	simm.s32 $0x80  }
0x341: {  	v35 =	vld [tilespmem:s26+$0x9EB0];
	(erf) = vpow2.f32 v20;
	v21 =	vmul.f32 $1.442695020e+00, v21  }
0x342: {  	v32 =	vld [tilespmem:s26+$0x76B0];
	(erf) = vpow2.f32 v19;
	v19 =	vpop (erf)  }
0x343: {  	(erf) = vpow2.f32 v21;
	v21 =	vld [tilespmem:s25+$0x76C0];
	v23 =	vpop (erf)  }
0x344: {  	v25 =	vld [tilespmem:s26+$0x7690];
	v26 =	vpop (erf)  }
0x345: {  	v24 =	vld [tilespmem:s25+$0x9EC0];
	v30 =	vpop (erf)  }
0x346: {  	v31 =	vadd.f32 $1.000000000e+00, v30  }
0x347: {  	v48 =	vunpack.i.u.bf16.f32 v35;
	v27 =	vld [tilespmem:s26+$0x9E90];
	v26 =	vadd.f32 $1.000000000e+00, v26  }
0x348: {  	v46 =	vld [tilespmem:s26+$0x9EA0];
	v35 =	vunpack.i.l.bf16.f32 v35;
	v23 =	vadd.f32 $1.000000000e+00, v23;
	v33 =	vpop (erf);
	v34 =	vunpack.i.u.bf16.f32 v21  }
0x349: {  	v22 =	vld [tilespmem:s25+$0x76D0];
	v39 =	vunpack.i.l.bf16.f32 v21;
	v37 =	vadd.f32 $1.000000000e+00, v33;
	v21 =	vmul.f32 v31, v26  }
0x34a: {  	v47 =	vunpack.i.u.bf16.f32 v32;
	v40 =	vunpack.i.u.bf16.f32 v25;
	v20 =	vld [tilespmem:s25+$0x9ED0];
	v38 =	vunpack.i.u.bf16.f32 v24;
	v31 =	vpop (erf)  }
0x34b: {  	v41 =	vunpack.i.l.bf16.f32 v24;
	v23 =	vmul.f32 v37, v23;
	(erf) = vrcp.f32 v21;
	v24 =	vpop (erf)  }
0x34c: {  	v45 =	vunpack.i.u.bf16.f32 v27;
	v19 =	vadd.f32 $1.000000000e+00, v19;
	v50 =	vadd.f32 $1.000000000e+00, v31;
	v44 =	vpop (erf)  }
0x34d: {  	v43 =	vld [tilespmem:s26+$0x76A0];
	(erf) = vrcp.f32 v23;
	v21 =	vadd.f32 $1.000000000e+00, v24;
	v24 =	vadd.f32 $1.000000000e+00, v44  }
0x34e: {  	v49 =	vunpack.i.l.bf16.f32 v27;
	v27 =	vunpack.i.u.bf16.f32 v46;
	v19 =	vmul.f32 v50, v19  }
0x34f: {  	v42 =	vld [tilespmem:s26+$0x9E80];
	v28 =	vunpack.i.u.bf16.f32 v22;
	v29 =	vunpack.i.u.bf16.f32 v20;
	v21 =	vmul.f32 v24, v21  }
0x350: {  	v22 =	vunpack.i.l.bf16.f32 v22;
	v51 =	vadd.f32 v29, v28;
	(erf) = vrcp.f32 v19  }
0x351: {  	v29 =	vadd.f32 $-1.000000000e+00, v30;
	v30 =	vadd.f32 v41, v39;
	(erf) = vrcp.f32 v21  }
0x352: {  	v20 =	vunpack.i.l.bf16.f32 v20;
	v28 =	vunpack.i.l.bf16.f32 v43;
	v34 =	vadd.f32 v38, v34  }
0x353: {  	v33 =	vadd.f32 $-1.000000000e+00, v33;
	v37 =	vunpack.i.l.bf16.f32 v25;
	v30 =	vsub.f32 $0.0e+00, v30  }
0x354: {  	v24 =	vunpack.i.u.bf16.f32 v42;
	v19 =	vadd.f32 v20, v22;
	v21 =	vunpack.i.l.bf16.f32 v42;
	v42 =	vpop (erf)  }
0x355: {  	v25 =	vunpack.i.u.bf16.f32 v43;
	v34 =	vsub.f32 $0.0e+00, v34;
	v38 =	vmul.f32 v42, v29  }
0x356: {  	v31 =	vadd.f32 $-1.000000000e+00, v31;
	v30 =	vmul.f32 $1.442695020e+00, v30;
	v19 =	vsub.f32 $0.0e+00, v19;
	v43 =	vpop (erf)  }
0x357: {  	v34 =	vmul.f32 $1.442695020e+00, v34;
	v33 =	vmul.f32 v43, v33;
	v38 =	vadd.f32 v38, v38  }
0x358: {  	v26 =	vld [tilespmem:s26+$0x7680];
	v22 =	vadd.f32 v45, v40;
	v20 =	vadd.f32 v48, v47;
	v19 =	vmul.f32 $1.442695020e+00, v19  }
0x359: {  	v29 =	vunpack.i.l.bf16.f32 v46;
	v33 =	vadd.f32 v33, v33;
	v46 =	vpop (erf);
	v38 =	vmul.f32 $1.442695020e+00, v38  }
0x35a: {  	v45 =	vadd.f32 $-1.000000000e+00, v44;
	v31 =	vmul.f32 v46, v31;
	v47 =	vpop (erf);
	(erf) = vpow2.f32 v30  }
0x35b: {  	v50 =	vunpack.i.l.bf16.f32 v32;
	v30 =	vmul.f32 $1.442695020e+00, v33;
	(erf) = vpow2.f32 v38  }
0x35c: {  	v39 =	vmul.f32 v47, v45;
	v31 =	vadd.f32 v31, v31;
	(erf) = vpow2.f32 v34  }
0x35d: {  	v23 =	vunpack.i.u.bf16.f32 v26;
	v32 =	vsub.f32 $0.0e+00, v51;
	(erf) = vpow2.f32 v30  }
0x35e: {  	v48 =	vmul.f32 $1.442695020e+00, v31;
	v51 =	vadd.f32 v39, v39;
	(erf) = vpow2.f32 v19;
	v19 =	vld [tilespmem:s26+$0x76D0]  }
0x35f: {  	v26 =	vunpack.i.l.bf16.f32 v26;
	v32 =	vmul.f32 $1.442695020e+00, v32;
	v31 =	vadd.f32 v49, v37  }
0x360: {  	s28 =	simm.s32 $0x400;
	v30 =	vadd.f32 v35, v50;
	v33 =	vmul.f32 $1.442695020e+00, v51;
	(erf) = vpow2.f32 v48  }
.LBB2_8:
0x361: {  	p0 =	sne.s32 s28, $0x9E00;
	v23 =	vadd.f32 v24, v23;
	v24 =	vadd.f32 v27, v25;
	(erf) = vpow2.f32 v32  }
0x362: {  	v25 =	vadd.f32 v21, v26;
	v26 =	vadd.f32 v29, v28;
	(erf) = vpow2.f32 v33  }
0x363: {  	v27 =	vsub.f32 $0.0e+00, v31;
	v22 =	vsub.f32 $0.0e+00, v22;
	v21 =	vunpack.i.u.bf16.f32 v19  }
0x364: {  	v28 =	vmin.f32 v30, $1.500000000e+01;
	v23 =	vsub.f32 $0.0e+00, v23;
	v24 =	vmin.f32 v24, $1.500000000e+01;
	v29 =	vpop (erf)  }
0x365: {  	v25 =	vsub.f32 $0.0e+00, v25;
	v35 =	vmul.f32 $1.442695020e+00, v27;
	v24 =	vadd.f32 v24, v24;
	v30 =	vpop (erf)  }
0x366: {  	v26 =	vmin.f32 v26, $1.500000000e+01;
	v29 =	vadd.f32 $1.000000000e+00, v29;
	v31 =	vadd.f32 $1.000000000e+00, v30;
	v32 =	vpop (erf)  }
0x367: {  	v26 =	vadd.f32 v26, v26;
	v23 =	vmul.f32 $1.442695020e+00, v23;
	(erf) = vpow2.f32 v35;
	v27 =	vpop (erf)  }
0x368: {  	v34 =	vmul.f32 v31, v29;
	v31 =	vadd.f32 $1.000000000e+00, v32;
	v32 =	vadd.f32 $1.000000000e+00, v27;
	v33 =	vpop (erf)  }
0x369: {  	v25 =	vmul.f32 $1.442695020e+00, v25;
	(erf) = vpow2.f32 v23;
	v23 =	vadd.f32 $1.000000000e+00, v33;
	v33 =	vpop (erf)  }
0x36a: {  	v31 =	vmul.f32 v32, v31;
	v32 =	vadd.f32 $1.000000000e+00, v33;
	(erf) = vrcp.f32 v34;
	v29 =	vpop (erf)  }
0x36b: {  	v26 =	vmul.f32 $1.442695020e+00, v26;
	v34 =	vld [tilespmem:s26+$0x9ED0];
	(erf) = vpow2.f32 v25;
	v25 =	vadd.f32 $1.000000000e+00, v29;
	v29 =	vpop (erf)  }
0x36c: {  	v23 =	vmul.f32 v32, v23;
	v32 =	vadd.f32 $1.000000000e+00, v29;
	(erf) = vrcp.f32 v31  }
0x36d: {  	v28 =	vadd.f32 v28, v28;
	v24 =	vmul.f32 $1.442695020e+00, v24;
	v31 =	vld [tilespmem:s26+$0x76C0];
	(erf) = vpow2.f32 v26  }
0x36e: {  	v20 =	vmin.f32 v20, $1.500000000e+01;
	v26 =	vld [tilespmem:s26+$0x9EC0];
	v25 =	vmul.f32 v32, v25;
	(erf) = vrcp.f32 v23  }
0x36f: {  	s1 =	sshra.s32 s28, $0x2;
	v20 =	vadd.f32 v20, v20;
	v23 =	vmul.f32 $1.442695020e+00, v28;
	(erf) = vpow2.f32 v24  }
0x370: {  	v22 =	vmul.f32 $1.442695020e+00, v22;
	v24 =	vld [tilespmem:s1+$0x7690];
	v28 =	vunpack.i.u.bf16.f32 v34;
	v32 =	vpop (erf);
	(erf) = vrcp.f32 v25  }
0x371: {  	v19 =	vunpack.i.l.bf16.f32 v19;
	v20 =	vmul.f32 $1.442695020e+00, v20;
	(erf) = vpow2.f32 v23;
	v23 =	vld [tilespmem:$0x13E80]  }
0x372: {  	v34 =	vunpack.i.l.bf16.f32 v34;
	v25 =	vld [tilespmem:s1+$0x9E90];
	v35 =	vpop (erf);
	(erf) = vpow2.f32 v22;
	v22 =	vadd.f32 $-1.000000000e+00, v30  }
0x373: {  	v30 =	vunpack.i.u.bf16.f32 v31;
	v37 =	vunpack.i.u.bf16.f32 v26;
	(erf) = vpow2.f32 v20;
	v20 =	vld [tilespmem:$0x13E90];
	v38 =	vpop (erf)  }
0x374: {  	v27 =	vadd.f32 $-1.000000000e+00, v27;
	v31 =	vunpack.i.l.bf16.f32 v31;
	v39 =	vpop (erf);
	v22 =	vmul.f32 v38, v22  }
0x375: {  	v40 =	vunpack.i.l.bf16.f32 v26;
	v38 =	vunpack.i.u.bf16.f32 v24;
	v26 =	vadd.f32 $1.000000000e+00, v39;
	v39 =	vld [tilespmem:$0x13EA0];
	v41 =	vpop (erf)  }
0x376: {  	v42 =	vpop (erf);
	v22 =	vmul.f32 v22, v23;
	v23 =	vmul.f32 v41, v27;
	v27 =	vadd.f32 $-1.000000000e+00, v33  }
0x377: {  	v29 =	vadd.f32 $-1.000000000e+00, v29;
	v33 =	vunpack.i.u.bf16.f32 v25;
	v41 =	vadd.f32 $1.000000000e+00, v42;
	v43 =	vld [tilespmem:$0x13EB0];
	v44 =	vpop (erf)  }
0x378: {  	v45 =	vld [tilespmem:s1+$0x76B0];
	v46 =	vpop (erf);
	v22 =	vadd.f32 $0.0e+00, v22;
	v20 =	vmul.f32 v23, v20;
	v23 =	vmul.f32 v44, v27  }
0x379: {  	v35 =	vadd.f32 $1.000000000e+00, v35;
	v27 =	vld [tilespmem:s1+$0x9EB0];
	v26 =	vmul.f32 v41, v26;
	v50 =	vadd.f32 $1.000000000e+00, v46;
	v44 =	vpop (erf)  }
0x37a: {  	v47 =	vld [tilespmem:s1+$0x7680];
	v48 =	vpop (erf);
	v20 =	vadd.f32 v22, v20;
	v22 =	vmul.f32 v23, v39;
	v23 =	vmul.f32 v44, v29  }
0x37b: {  	v32 =	vadd.f32 $1.000000000e+00, v32;
	v29 =	vld [tilespmem:s1+$0x9E80];
	v35 =	vmul.f32 v50, v35;
	v39 =	vadd.f32 $1.000000000e+00, v48;
	v41 =	vpop (erf)  }
0x37c: {  	v44 =	vld [tilespmem:s1+$0x76A0];
	(erf) = vrcp.f32 v26;
	v49 =	vpop (erf);
	v20 =	vadd.f32 v22, v20;
	v22 =	vmul.f32 v23, v43  }
0x37d: {  	v23 =	vadd.f32 $1.000000000e+00, v41;
	v43 =	vld [tilespmem:s1+$0x9EA0];
	v50 =	vunpack.i.u.bf16.f32 v45;
	v26 =	vadd.f32 $1.000000000e+00, v49  }
0x37e: {  	v32 =	vmul.f32 v39, v32;
	(erf) = vrcp.f32 v35;
	v20 =	vadd.f32 v20, v22  }
0x37f: {  	v35 =	vunpack.i.l.bf16.f32 v24;
	v39 =	vunpack.i.u.bf16.f32 v27;
	v22 =	vmul.f32 v26, v23  }
0x380: {  	v41 =	vunpack.i.l.bf16.f32 v25;
	v45 =	vunpack.i.l.bf16.f32 v45;
	(erf) = vrcp.f32 v32;
	[tilespmem:s25+$0x11680] =	vst v20;
	s25 =	smov.u32 s26;
	s26 =	smov.u32 s1  }
0x381: {  	v51 =	vunpack.i.l.bf16.f32 v27;
	v23 =	vunpack.i.u.bf16.f32 v47;
	(erf) = vrcp.f32 v22  }
0x382: {  	v24 =	vunpack.i.u.bf16.f32 v29;
	v25 =	vunpack.i.u.bf16.f32 v44;
	v27 =	vunpack.i.u.bf16.f32 v43  }
0x383: {  	v19 =	vadd.f32 v34, v19;
	v26 =	vunpack.i.l.bf16.f32 v47;
	v32 =	vadd.f32 v28, v21  }
0x384: {  	v30 =	vadd.f32 v37, v30;
	v21 =	vunpack.i.l.bf16.f32 v29;
	v29 =	vadd.f32 $-1.000000000e+00, v42  }
0x385: {  	v31 =	vadd.f32 v40, v31;
	v28 =	vunpack.i.l.bf16.f32 v44;
	v22 =	vadd.f32 v33, v38;
	v33 =	vpop (erf)  }
0x386: {  	v34 =	vadd.f32 $-1.000000000e+00, v46;
	v20 =	vadd.f32 v39, v50;
	v33 =	vmul.f32 v33, v29  }
0x387: {  	v31 =	vsub.f32 $0.0e+00, v31;
	v30 =	vsub.f32 $0.0e+00, v30;
	v29 =	vunpack.i.l.bf16.f32 v43;
	v37 =	vpop (erf)  }
0x388: {  	v33 =	vadd.f32 v33, v33;
	v34 =	vmul.f32 v37, v34;
	v37 =	vadd.f32 $-1.000000000e+00, v48  }
0x389: {  	v31 =	vmul.f32 $1.442695020e+00, v31;
	v30 =	vmul.f32 $1.442695020e+00, v30;
	v38 =	vadd.f32 $-1.000000000e+00, v49;
	v39 =	vpop (erf)  }
0x38a: {  	v33 =	vmul.f32 $1.442695020e+00, v33;
	v34 =	vadd.f32 v34, v34;
	v37 =	vmul.f32 v39, v37;
	v39 =	vpop (erf)  }
0x38b: {  	v19 =	vsub.f32 $0.0e+00, v19;
	v38 =	vmul.f32 v39, v38;
	(erf) = vpow2.f32 v31  }
.Ltmp3:
0x38c: {  	v31 =	vmul.f32 $1.442695020e+00, v34;
	v34 =	vadd.f32 v37, v37;
	(erf) = vpow2.f32 v33;
	(pc) =	sbr.rel @p0 .LBB2_8-.Ltmp3, $4  }
0x38d: {  	v32 =	vsub.f32 $0.0e+00, v32;
	v33 =	vmul.f32 $1.442695020e+00, v19;
	(erf) = vpow2.f32 v30  }
0x38e: {  	v37 =	vadd.f32 v38, v38;
	v19 =	vld [tilespmem:s26+$0x76D0];
	v34 =	vmul.f32 $1.442695020e+00, v34;
	(erf) = vpow2.f32 v31  }
0x38f: {  	v32 =	vmul.f32 $1.442695020e+00, v32;
	v31 =	vadd.f32 v41, v35;
	(erf) = vpow2.f32 v33  }
0x390: {  	s28 =	sadd.s32 $0x200, s28;
	v30 =	vadd.f32 v51, v45;
	v33 =	vmul.f32 $1.442695020e+00, v37;
	(erf) = vpow2.f32 v34  }
0x391: {  	v39 =	vsub.f32 $0.0e+00, v31  }
0x392: {  	v23 =	vadd.f32 v24, v23;
	v38 =	vadd.f32 v27, v25  }
0x393: {  	(erf) = vpow2.f32 v32;
	v21 =	vadd.f32 v21, v26;
	v25 =	vmul.f32 $1.442695020e+00, v39  }
0x394: {  	v40 =	vadd.f32 v29, v28;
	(erf) = vpow2.f32 v33;
	v42 =	vmin.f32 v30, $1.500000000e+01;
	v41 =	vpop (erf)  }
0x395: {  	v23 =	vsub.f32 $0.0e+00, v23;
	v24 =	vmin.f32 v38, $1.500000000e+01;
	v21 =	vsub.f32 $0.0e+00, v21;
	v29 =	vpop (erf)  }
0x396: {  	v26 =	vmin.f32 v40, $1.500000000e+01;
	v27 =	vadd.f32 $1.000000000e+00, v41;
	v43 =	vadd.f32 $1.000000000e+00, v29;
	v44 =	vpop (erf)  }
0x397: {  	v26 =	vadd.f32 v26, v26;
	v23 =	vmul.f32 $1.442695020e+00, v23;
	(erf) = vpow2.f32 v25;
	v25 =	vpop (erf)  }
0x398: {  	v45 =	vadd.f32 $1.000000000e+00, v44;
	v27 =	vmul.f32 v43, v27;
	v46 =	vadd.f32 $1.000000000e+00, v25;
	v47 =	vpop (erf)  }
0x399: {  	v21 =	vmul.f32 $1.442695020e+00, v21;
	(erf) = vpow2.f32 v23;
	v48 =	vadd.f32 $1.000000000e+00, v47;
	v32 =	vpop (erf)  }
0x39a: {  	v30 =	vmul.f32 v46, v45;
	v49 =	vadd.f32 $1.000000000e+00, v32;
	(erf) = vrcp.f32 v27  }
0x39b: {  	v24 =	vadd.f32 v24, v24;
	v26 =	vmul.f32 $1.442695020e+00, v26;
	(erf) = vpow2.f32 v21  }
0x39c: {  	v50 =	vpop (erf);
	v23 =	vmul.f32 v49, v48;
	(erf) = vrcp.f32 v30  }
0x39d: {  	v20 =	vmin.f32 v20, $1.500000000e+01;
	v24 =	vmul.f32 $1.442695020e+00, v24;
	v27 =	vpop (erf);
	(erf) = vpow2.f32 v26  }
0x39e: {  	v51 =	vadd.f32 $1.000000000e+00, v50;
	v33 =	vadd.f32 $1.000000000e+00, v27;
	(erf) = vrcp.f32 v23  }
0x39f: {  	v20 =	vadd.f32 v20, v20;
	v34 =	vadd.f32 v42, v42;
	(erf) = vpow2.f32 v24  }
0x3a0: {  	v22 =	vsub.f32 $0.0e+00, v22;
	v21 =	vmul.f32 v33, v51  }
0x3a1: {  	v20 =	vmul.f32 $1.442695020e+00, v20;
	v35 =	vmul.f32 $1.442695020e+00, v34;
	v37 =	vpop (erf)  }
0x3a2: {  	v38 =	vmul.f32 $1.442695020e+00, v22;
	(erf) = vrcp.f32 v21;
	v39 =	vpop (erf)  }
0x3a3: {  	(erf) = vpow2.f32 v35;
	v23 =	vpop (erf)  }
0x3a4: {  	(erf) = vpow2.f32 v38;
	v40 =	vpop (erf)  }
0x3a5: {  	(erf) = vpow2.f32 v20;
	v20 =	vpop (erf)  }
0x3a6: {  	v41 =	vpop (erf)  }
0x3a7: {  	v28 =	vpop (erf)  }
0x3a8: {  	v22 =	vadd.f32 $1.000000000e+00, v39;
	v21 =	vadd.f32 $1.000000000e+00, v40;
	v45 =	vpop (erf)  }
0x3a9: {  	v44 =	vadd.f32 $1.000000000e+00, v41;
	v46 =	vadd.f32 $1.000000000e+00, v45;
	_ =	sdelay $0x1  }
0x3aa: {  	v21 =	vmul.f32 v44, v21;
	v22 =	vmul.f32 v46, v22  }
0x3ab: {  	v30 =	vpop (erf)  }
0x3ac: {  	v34 =	vpop (erf);
	(erf) = vrcp.f32 v21  }
0x3ad: {  	v47 =	vld [tilespmem:s26+$0x76C0];
	v24 =	vadd.f32 $1.000000000e+00, v37;
	v35 =	vadd.f32 $1.000000000e+00, v34;
	v37 =	vpop (erf)  }
0x3ae: {  	v48 =	vld [tilespmem:s26+$0x9EC0];
	(erf) = vrcp.f32 v22;
	v22 =	vpop (erf)  }
0x3af: {  	v49 =	vadd.f32 $1.000000000e+00, v37;
	v24 =	vmul.f32 v35, v24;
	v50 =	vadd.f32 $1.000000000e+00, v22;
	_ =	sdelay $0x1  }
0x3b0: {  	(erf) = vrcp.f32 v24;
	v35 =	vmul.f32 v50, v49  }
0x3b1: {  	v42 =	vunpack.i.l.bf16.f32 v47;
	v51 =	vld [tilespmem:s26+$0x9ED0]  }
0x3b2: {  	v33 =	vunpack.i.u.bf16.f32 v47;
	v38 =	vunpack.i.l.bf16.f32 v48;
	(erf) = vrcp.f32 v35  }
0x3b3: {  	v43 =	vadd.f32 v38, v42;
	v26 =	vadd.f32 $-1.000000000e+00, v41;
	v21 =	vunpack.i.u.bf16.f32 v48  }
0x3b4: {  	v47 =	vunpack.i.u.bf16.f32 v19;
	v44 =	vunpack.i.l.bf16.f32 v19;
	v21 =	vadd.f32 v21, v33;
	v39 =	vpop (erf)  }
0x3b5: {  	v31 =	vadd.f32 $-1.000000000e+00, v45;
	v48 =	vsub.f32 $0.0e+00, v43;
	v26 =	vmul.f32 v39, v26  }
0x3b6: {  	v45 =	vunpack.i.l.bf16.f32 v51;
	v34 =	vadd.f32 $-1.000000000e+00, v34;
	v21 =	vsub.f32 $0.0e+00, v21;
	v46 =	vpop (erf)  }
0x3b7: {  	v37 =	vadd.f32 v45, v44;
	v31 =	vmul.f32 v46, v31;
	v26 =	vadd.f32 v26, v26  }
0x3b8: {  	v24 =	vunpack.i.u.bf16.f32 v51;
	v21 =	vmul.f32 $1.442695020e+00, v21;
	v49 =	vmul.f32 $1.442695020e+00, v48  }
0x3b9: {  	v22 =	vadd.f32 $-1.000000000e+00, v22;
	v50 =	vpop (erf);
	v26 =	vmul.f32 $1.442695020e+00, v26;
	v31 =	vadd.f32 v31, v31  }
0x3ba: {  	v19 =	vadd.f32 v24, v47;
	(erf) = vpow2.f32 v49;
	v33 =	vmul.f32 v50, v34  }
0x3bb: {  	v34 =	vsub.f32 $0.0e+00, v37;
	(erf) = vpow2.f32 v26;
	v31 =	vmul.f32 $1.442695020e+00, v31;
	v51 =	vpop (erf)  }
0x3bc: {  	(erf) = vpow2.f32 v21;
	v35 =	vadd.f32 v33, v33;
	v22 =	vmul.f32 v51, v22  }
0x3bd: {  	v19 =	vsub.f32 $0.0e+00, v19;
	v37 =	vmul.f32 $1.442695020e+00, v34;
	(erf) = vpow2.f32 v31  }
0x3be: {  	v21 =	vmul.f32 $1.442695020e+00, v35;
	v22 =	vadd.f32 v22, v22  }
0x3bf: {  	v38 =	vld [tilespmem:$0x13E80];
	v19 =	vmul.f32 $1.442695020e+00, v19;
	(erf) = vpow2.f32 v37  }
0x3c0: {  	v29 =	vadd.f32 $-1.000000000e+00, v29;
	(erf) = vpow2.f32 v21;
	v22 =	vmul.f32 $1.442695020e+00, v22  }
0x3c1: {  	(erf) = vpow2.f32 v19  }
0x3c2: {  	v40 =	vld [tilespmem:$0x13E90];
	v39 =	vmul.f32 v23, v29;
	(erf) = vpow2.f32 v22  }
0x3c3: {  	v42 =	vld [tilespmem:$0x13EA0];
	v41 =	vadd.f32 $-1.000000000e+00, v25;
	v43 =	vpop (erf)  }
0x3c4: {  	v44 =	vadd.f32 $-1.000000000e+00, v32;
	v21 =	vmul.f32 v39, v38;
	v45 =	vpop (erf)  }
0x3c5: {  	v20 =	vmul.f32 v20, v41;
	v46 =	vadd.f32 $-1.000000000e+00, v27;
	v24 =	vadd.f32 $1.000000000e+00, v43;
	v47 =	vpop (erf)  }
0x3c6: {  	v25 =	vmul.f32 v28, v44;
	v48 =	vld [tilespmem:$0x13EB0];
	v21 =	vadd.f32 $0.0e+00, v21;
	v49 =	vadd.f32 $1.000000000e+00, v45;
	v31 =	vpop (erf)  }
0x3c7: {  	v19 =	vmul.f32 v20, v40;
	v50 =	vadd.f32 $1.000000000e+00, v47;
	v51 =	vadd.f32 $1.000000000e+00, v31  }
0x3c8: {  	v23 =	vmul.f32 v25, v42;
	v24 =	vmul.f32 v49, v24;
	v28 =	vpop (erf)  }
0x3c9: {  	v32 =	vmul.f32 v30, v46;
	v19 =	vadd.f32 v21, v19;
	v33 =	vpop (erf);
	v20 =	vmul.f32 v51, v50  }
0x3ca: {  	v25 =	vadd.f32 $1.000000000e+00, v28;
	(erf) = vrcp.f32 v24;
	v34 =	vadd.f32 $1.000000000e+00, v33;
	v35 =	vpop (erf)  }
0x3cb: {  	v21 =	vmul.f32 v32, v48;
	v19 =	vadd.f32 v23, v19;
	(erf) = vrcp.f32 v20;
	v37 =	vpop (erf)  }
0x3cc: {  	v38 =	vadd.f32 $1.000000000e+00, v35;
	v39 =	vmul.f32 v34, v25;
	v40 =	vadd.f32 $1.000000000e+00, v37;
	_ =	sdelay $0x1  }
0x3cd: {  	v19 =	vadd.f32 v19, v21;
	(erf) = vrcp.f32 v39;
	v41 =	vmul.f32 v40, v38;
	_ =	sdelay $0x1  }
0x3ce: {  	[tilespmem:s25+$0x11680] =	vst v19;
	(erf) = vrcp.f32 v41  }
0x3cf: {  	v19 =	vld [tilespmem:$0x13E80]  }
0x3d0: {  	v42 =	vadd.f32 $-1.000000000e+00, v45  }
0x3d1: {  	v43 =	vld [tilespmem:$0x13E90];
	v44 =	vpop (erf)  }
0x3d2: {  	v45 =	vadd.f32 $-1.000000000e+00, v31;
	v21 =	vmul.f32 v44, v42  }
0x3d3: {  	v47 =	vld [tilespmem:$0x13EA0];
	v46 =	vpop (erf)  }
0x3d4: {  	v48 =	vadd.f32 $-1.000000000e+00, v33;
	v24 =	vmul.f32 v46, v45;
	v19 =	vmul.f32 v21, v19  }
0x3d5: {  	v49 =	vld [tilespmem:$0x13EB0];
	v20 =	vadd.f32 $-1.000000000e+00, v37;
	v50 =	vpop (erf)  }
0x3d6: {  	v23 =	vmul.f32 v24, v43;
	v19 =	vadd.f32 $0.0e+00, v19;
	v21 =	vmul.f32 v50, v48  }
0x3d7: {  	v51 =	vpop (erf)  }
0x3d8: {  	v19 =	vadd.f32 v19, v23;
	v21 =	vmul.f32 v21, v47;
	v20 =	vmul.f32 v51, v20  }
0x3d9: {  	v24 =	vld [tilespmem:$0x1FDE0]  }
0x3da: {  	v19 =	vadd.f32 v21, v19;
	v20 =	vmul.f32 v20, v49  }
0x3db: {  	v25 =	vld [tilespmem:$0x1FDF0]  }
0x3dc: {  	v19 =	vadd.f32 v19, v20  }
0x3dd: {  	v26 =	vld [tilespmem:$0x1FE00]  }
0x3de: {  	v27 =	vld [tilespmem:$0x1FE10];
	[tilespmem:s26+$0x11680] =	vst v19  }
0x3df: {  	v19 =	vld.idx.msk [tilespmem:v0+s20+$0x0], $0xffff  }
0x3e0: {  	v28 =	vld [tilespmem:$0x1FE20]  }
0x3e1: {  	v20 =	vld.idx.msk [tilespmem:v24+s20+$0x0], $0xffff  }
0x3e2: {  	v29 =	vld [tilespmem:$0x1FE30]  }
0x3e3: {  	v21 =	vld.idx.msk [tilespmem:v25+s20+$0x0], $0xffff  }
0x3e4: {  	v30 =	vld [tilespmem:$0x1FE40];
	v19 =	vadd.f32 v19, v36  }
0x3e5: {  	v22 =	vld.idx.msk [tilespmem:v26+s20+$0x0], $0xffff  }
0x3e6: {  	v31 =	vld [tilespmem:$0x1FE50];
	v19 =	vadd.f32 v20, v19  }
0x3e7: {  	v20 =	vld.idx.msk [tilespmem:v27+s20+$0x0], $0xffff  }
0x3e8: {  	v32 =	vld [tilespmem:$0x1FE60];
	v19 =	vadd.f32 v21, v19  }
0x3e9: {  	v21 =	vld.idx.msk [tilespmem:v28+s20+$0x0], $0xffff  }
0x3ea: {  	v33 =	vld [tilespmem:$0x1FE70];
	v19 =	vadd.f32 v22, v19  }
0x3eb: {  	v22 =	vld.idx.msk [tilespmem:v29+s20+$0x0], $0xffff  }
0x3ec: {  	v34 =	vld [tilespmem:$0x1FE80];
	v19 =	vadd.f32 v20, v19  }
0x3ed: {  	v20 =	vld.idx.msk [tilespmem:v30+s20+$0x0], $0xffff  }
0x3ee: {  	v35 =	vld [tilespmem:$0x1FE90];
	v19 =	vadd.f32 v21, v19  }
0x3ef: {  	v21 =	vld.idx.msk [tilespmem:v31+s20+$0x0], $0xffff  }
0x3f0: {  	v37 =	vld [tilespmem:$0x1FEA0];
	v19 =	vadd.f32 v22, v19  }
0x3f1: {  	v22 =	vld.idx.msk [tilespmem:v32+s20+$0x0], $0xffff  }
0x3f2: {  	v38 =	vld [tilespmem:$0x1FEB0];
	v19 =	vadd.f32 v20, v19  }
0x3f3: {  	v20 =	vld.idx.msk [tilespmem:v33+s20+$0x0], $0xffff  }
0x3f4: {  	v39 =	vld [tilespmem:$0x1FEC0];
	v19 =	vadd.f32 v21, v19  }
0x3f5: {  	v21 =	vld.idx.msk [tilespmem:v34+s20+$0x0], $0xffff  }
0x3f6: {  	v19 =	vadd.f32 v22, v19  }
0x3f7: {  	v22 =	vld.idx.msk [tilespmem:v35+s20+$0x0], $0xffff  }
0x3f8: {  	v19 =	vadd.f32 v20, v19  }
0x3f9: {  	v20 =	vld.idx.msk [tilespmem:v37+s20+$0x0], $0xffff  }
0x3fa: {  	v19 =	vadd.f32 v21, v19  }
0x3fb: {  	v21 =	vld.idx.msk [tilespmem:v38+s20+$0x0], $0xffff  }
0x3fc: {  	v40 =	vld [tilespmem:$0x1FED0];
	v19 =	vadd.f32 v22, v19  }
0x3fd: {  	v22 =	vld.idx.msk [tilespmem:v39+s20+$0x0], $0xffff  }
0x3fe: {  	v19 =	vadd.f32 v20, v19  }
0x3ff: {  	v41 =	vld [tilespmem:$0x1FEE0]  }
0x400: {  	v19 =	vadd.f32 v21, v19  }
0x401: {  	v42 =	vld [tilespmem:$0x1FEF0]  }
0x402: {  	v19 =	vadd.f32 v22, v19  }
0x403: {  	v43 =	vld [tilespmem:$0x1FF00]  }
0x404: {  	v44 =	vld [tilespmem:$0x1FF10];
	[tilespmem:$0x75C0] =	vst v19  }
0x405: {  	v19 =	vld.idx.msk [tilespmem:v40+s20+$0x0], $0xffff  }
0x406: {  	v45 =	vld [tilespmem:$0x1FF20]  }
0x407: {  	v20 =	vld.idx.msk [tilespmem:v41+s20+$0x0], $0xffff  }
0x408: {  	v46 =	vld [tilespmem:$0x1FF30]  }
0x409: {  	v21 =	vld.idx.msk [tilespmem:v42+s20+$0x0], $0xffff  }
0x40a: {  	v47 =	vld [tilespmem:$0x1FF40];
	v19 =	vadd.f32 v19, v36  }
0x40b: {  	v22 =	vld.idx.msk [tilespmem:v43+s20+$0x0], $0xffff  }
0x40c: {  	v48 =	vld [tilespmem:$0x1FF50];
	v19 =	vadd.f32 v20, v19  }
0x40d: {  	v20 =	vld.idx.msk [tilespmem:v44+s20+$0x0], $0xffff  }
0x40e: {  	v49 =	vld [tilespmem:$0x1FF60];
	v19 =	vadd.f32 v21, v19  }
0x40f: {  	v21 =	vld.idx.msk [tilespmem:v45+s20+$0x0], $0xffff  }
0x410: {  	v50 =	vld [tilespmem:$0x1FF70];
	v19 =	vadd.f32 v22, v19  }
0x411: {  	v22 =	vld.idx.msk [tilespmem:v46+s20+$0x0], $0xffff  }
0x412: {  	v51 =	vld [tilespmem:$0x1FF80];
	v19 =	vadd.f32 v20, v19  }
0x413: {  	v20 =	vld.idx.msk [tilespmem:v47+s20+$0x0], $0xffff  }
0x414: {  	v24 =	vld [tilespmem:$0x1FF90];
	v19 =	vadd.f32 v21, v19  }
0x415: {  	v21 =	vld.idx.msk [tilespmem:v48+s20+$0x0], $0xffff  }
0x416: {  	v25 =	vld [tilespmem:$0x1FFA0];
	v19 =	vadd.f32 v22, v19  }
0x417: {  	v22 =	vld.idx.msk [tilespmem:v49+s20+$0x0], $0xffff  }
0x418: {  	v26 =	vld [tilespmem:$0x1FFB0];
	v19 =	vadd.f32 v20, v19  }
0x419: {  	v20 =	vld.idx.msk [tilespmem:v50+s20+$0x0], $0xffff  }
0x41a: {  	v27 =	vld [tilespmem:$0x1FFC0];
	v19 =	vadd.f32 v21, v19  }
0x41b: {  	v21 =	vld.idx.msk [tilespmem:v51+s20+$0x0], $0xffff  }
0x41c: {  	v19 =	vadd.f32 v22, v19  }
0x41d: {  	v22 =	vld.idx.msk [tilespmem:v24+s20+$0x0], $0xffff  }
0x41e: {  	v19 =	vadd.f32 v20, v19  }
0x41f: {  	v20 =	vld.idx.msk [tilespmem:v25+s20+$0x0], $0xffff  }
0x420: {  	v19 =	vadd.f32 v21, v19  }
0x421: {  	v21 =	vld.idx.msk [tilespmem:v26+s20+$0x0], $0xffff  }
0x422: {  	v28 =	vld [tilespmem:$0x1FFD0];
	v19 =	vadd.f32 v22, v19  }
0x423: {  	v22 =	vld.idx.msk [tilespmem:v27+s20+$0x0], $0xffff  }
0x424: {  	v19 =	vadd.f32 v20, v19  }
0x425: {  	v29 =	vld [tilespmem:$0x1FFE0]  }
0x426: {  	v19 =	vadd.f32 v21, v19  }
0x427: {  	v30 =	vld [tilespmem:$0x1FFF0]  }
0x428: {  	v19 =	vadd.f32 v22, v19  }
0x429: {  	v31 =	vld [tilespmem:$0x1FCF0]  }
0x42a: {  	v32 =	vld [tilespmem:$0x1FD00];
	[tilespmem:$0x75D0] =	vst v19  }
0x42b: {  	v19 =	vld.idx.msk [tilespmem:v28+s20+$0x0], $0xffff  }
0x42c: {  	v33 =	vld [tilespmem:$0x1FD10]  }
0x42d: {  	v20 =	vld.idx.msk [tilespmem:v29+s20+$0x0], $0xffff  }
0x42e: {  	v34 =	vld [tilespmem:$0x1FD20]  }
0x42f: {  	v21 =	vld.idx.msk [tilespmem:v30+s20+$0x0], $0xffff  }
0x430: {  	v35 =	vld [tilespmem:$0x1FD30];
	v19 =	vadd.f32 v19, v36  }
0x431: {  	v22 =	vld.idx.msk [tilespmem:v31+s20+$0x0], $0xffff  }
0x432: {  	v37 =	vld [tilespmem:$0x1FD40];
	v19 =	vadd.f32 v20, v19  }
0x433: {  	v20 =	vld.idx.msk [tilespmem:v32+s20+$0x0], $0xffff  }
0x434: {  	v38 =	vld [tilespmem:$0x1FD50];
	v19 =	vadd.f32 v21, v19  }
0x435: {  	v21 =	vld.idx.msk [tilespmem:v33+s20+$0x0], $0xffff  }
0x436: {  	v39 =	vld [tilespmem:$0x1FD60];
	v19 =	vadd.f32 v22, v19  }
0x437: {  	v22 =	vld.idx.msk [tilespmem:v34+s20+$0x0], $0xffff  }
0x438: {  	v40 =	vld [tilespmem:$0x1FD70];
	v19 =	vadd.f32 v20, v19  }
0x439: {  	v20 =	vld.idx.msk [tilespmem:v35+s20+$0x0], $0xffff  }
0x43a: {  	v41 =	vld [tilespmem:$0x1FD80];
	v19 =	vadd.f32 v21, v19  }
0x43b: {  	v21 =	vld.idx.msk [tilespmem:v37+s20+$0x0], $0xffff  }
0x43c: {  	v42 =	vld [tilespmem:$0x1FD90];
	v19 =	vadd.f32 v22, v19  }
0x43d: {  	v22 =	vld.idx.msk [tilespmem:v38+s20+$0x0], $0xffff  }
0x43e: {  	v43 =	vld [tilespmem:$0x1FDA0];
	v19 =	vadd.f32 v20, v19  }
0x43f: {  	v20 =	vld.idx.msk [tilespmem:v39+s20+$0x0], $0xffff  }
0x440: {  	v44 =	vld [tilespmem:$0x1FDB0];
	v19 =	vadd.f32 v21, v19  }
0x441: {  	v21 =	vld.idx.msk [tilespmem:v40+s20+$0x0], $0xffff  }
0x442: {  	v19 =	vadd.f32 v22, v19  }
0x443: {  	v22 =	vld.idx.msk [tilespmem:v41+s20+$0x0], $0xffff  }
0x444: {  	v19 =	vadd.f32 v20, v19  }
0x445: {  	v20 =	vld.idx.msk [tilespmem:v42+s20+$0x0], $0xffff  }
0x446: {  	v19 =	vadd.f32 v21, v19  }
0x447: {  	v21 =	vld.idx.msk [tilespmem:v43+s20+$0x0], $0xffff  }
0x448: {  	v45 =	vld [tilespmem:$0x1FDC0];
	v19 =	vadd.f32 v22, v19  }
0x449: {  	v22 =	vld.idx.msk [tilespmem:v44+s20+$0x0], $0xffff  }
0x44a: {  	v19 =	vadd.f32 v20, v19  }
0x44b: {  	v46 =	vld [tilespmem:$0x1FDD0]  }
0x44c: {  	v19 =	vadd.f32 v21, v19;
	_ =	sdelay $0x1  }
0x44d: {  	v19 =	vadd.f32 v22, v19;
	_ =	sdelay $0x1  }
0x44e: {  	[tilespmem:$0x75E0] =	vst v19  }
0x44f: {  	v19 =	vld.idx.msk [tilespmem:v45+s20+$0x0], $0xffff;
	_ =	sdelay $0x1  }
0x450: {  	v20 =	vld.idx.msk [tilespmem:v46+s20+$0x0], $0xffff;
	_ =	sdelay $0x1  }
0x451: {  	v47 =	vld.idx.msk [tilespmem:v52+s20+$0x0], $0xffff  }
0x452: {  	v19 =	vadd.f32 v19, v36  }
0x453: {  	v48 =	vld.idx.msk [tilespmem:v53+s20+$0x0], $0xffff  }
0x454: {  	v19 =	vadd.f32 v20, v19  }
0x455: {  	v49 =	vld.idx.msk [tilespmem:v54+s20+$0x0], $0xffff  }
0x456: {  	v19 =	vadd.f32 v47, v19  }
0x457: {  	v50 =	vld.idx.msk [tilespmem:v55+s20+$0x0], $0xffff  }
0x458: {  	v19 =	vadd.f32 v48, v19  }
0x459: {  	v51 =	vld.idx.msk [tilespmem:v56+s20+$0x0], $0xffff  }
0x45a: {  	v19 =	vadd.f32 v49, v19  }
0x45b: {  	v52 =	vld.idx.msk [tilespmem:v57+s20+$0x0], $0xffff  }
0x45c: {  	v19 =	vadd.f32 v50, v19  }
0x45d: {  	v53 =	vld.idx.msk [tilespmem:v58+s20+$0x0], $0xffff  }
0x45e: {  	v19 =	vadd.f32 v51, v19  }
0x45f: {  	v54 =	vld.idx.msk [tilespmem:v59+s20+$0x0], $0xffff  }
0x460: {  	v19 =	vadd.f32 v52, v19  }
0x461: {  	v55 =	vld.idx.msk [tilespmem:v60+s20+$0x0], $0xffff  }
0x462: {  	v19 =	vadd.f32 v53, v19  }
0x463: {  	v56 =	vld.idx.msk [tilespmem:v61+s20+$0x0], $0xffff  }
0x464: {  	v19 =	vadd.f32 v54, v19  }
0x465: {  	v57 =	vld.idx.msk [tilespmem:v62+s20+$0x0], $0xffff  }
0x466: {  	v19 =	vadd.f32 v55, v19  }
0x467: {  	v58 =	vld.idx.msk [tilespmem:v63+s20+$0x0], $0xffff  }
0x468: {  	v19 =	vadd.f32 v56, v19  }
0x469: {  	v1 =	vld.idx.msk [tilespmem:v1+s20+$0x0], $0xffff  }
0x46a: {  	v19 =	vadd.f32 v57, v19  }
0x46b: {  	v2 =	vld.idx.msk [tilespmem:v2+s20+$0x0], $0xffff  }
0x46c: {  	v19 =	vadd.f32 v58, v19;
	_ =	sdelay $0x1  }
0x46d: {  	v1 =	vadd.f32 v1, v19;
	_ =	sdelay $0x1  }
0x46e: {  	v1 =	vadd.f32 v2, v1;
	_ =	sdelay $0x1  }
0x46f: {  	[tilespmem:$0x75F0] =	vst v1  }
0x470: {  	v1 =	vld.idx.msk [tilespmem:v3+s20+$0x0], $0xffff;
	_ =	sdelay $0x1  }
0x471: {  	v2 =	vld.idx.msk [tilespmem:v4+s20+$0x0], $0xffff;
	_ =	sdelay $0x1  }
0x472: {  	v3 =	vld.idx.msk [tilespmem:v5+s20+$0x0], $0xffff  }
0x473: {  	v1 =	vadd.f32 v1, v36  }
0x474: {  	v59 =	vld.idx.msk [tilespmem:v6+s20+$0x0], $0xffff  }
0x475: {  	v1 =	vadd.f32 v2, v1  }
0x476: {  	v2 =	vld.idx.msk [tilespmem:v7+s20+$0x0], $0xffff  }
0x477: {  	v1 =	vadd.f32 v3, v1  }
0x478: {  	v3 =	vld.idx.msk [tilespmem:v8+s20+$0x0], $0xffff  }
0x479: {  	v1 =	vadd.f32 v59, v1  }
0x47a: {  	v60 =	vld.idx.msk [tilespmem:v9+s20+$0x0], $0xffff  }
0x47b: {  	v1 =	vadd.f32 v2, v1  }
0x47c: {  	v2 =	vld.idx.msk [tilespmem:v10+s20+$0x0], $0xffff  }
0x47d: {  	v1 =	vadd.f32 v3, v1  }
0x47e: {  	v3 =	vld.idx.msk [tilespmem:v11+s20+$0x0], $0xffff  }
0x47f: {  	v1 =	vadd.f32 v60, v1  }
0x480: {  	v61 =	vld.idx.msk [tilespmem:v12+s20+$0x0], $0xffff  }
0x481: {  	v1 =	vadd.f32 v2, v1  }
0x482: {  	v2 =	vld.idx.msk [tilespmem:v13+s20+$0x0], $0xffff  }
0x483: {  	v1 =	vadd.f32 v3, v1  }
0x484: {  	v3 =	vld.idx.msk [tilespmem:v14+s20+$0x0], $0xffff  }
0x485: {  	v1 =	vadd.f32 v61, v1  }
0x486: {  	v62 =	vld.idx.msk [tilespmem:v15+s20+$0x0], $0xffff  }
0x487: {  	v1 =	vadd.f32 v2, v1  }
0x488: {  	v2 =	vld.idx.msk [tilespmem:v16+s20+$0x0], $0xffff  }
0x489: {  	v1 =	vadd.f32 v3, v1  }
0x48a: {  	v3 =	vld.idx.msk [tilespmem:v17+s20+$0x0], $0xffff  }
0x48b: {  	v1 =	vadd.f32 v62, v1  }
0x48c: {  	v63 =	vld.idx.msk [tilespmem:v18+s20+$0x0], $0xffff  }
0x48d: {  	v1 =	vadd.f32 v2, v1;
	_ =	sdelay $0x1  }
0x48e: {  	v1 =	vadd.f32 v3, v1;
	_ =	sdelay $0x1  }
0x48f: {  	s24 =	sadd.s32 $0x1, s24;
	v1 =	vadd.f32 v63, v1  }
0x490: {  	p0 =	sne.s32 s24, s9  }
.Ltmp4:
0x491: {  	[tilespmem:$0x7600] =	vst v1;
	(pc) =	sbr.rel @p0 .LBB2_1-.Ltmp4, $4  }
0x492: {  	[hbm4b:s8+s2] =	stream.linear.scatter [tilespmem:s23], [sflag:$0x5], $0x2710, $0x38;
	[tilespmem:$0x13F00] =	vst v63  }
0x493: {  	_ =	swait.ge [sflag:s11], $0x2710  }
0x494: {  	[sflag:s11] =	ssyncset.done $0x0  }
0x495: {  	[sflag:s11] =	ssyncadd.s32 $0xFFFFD8F0  }
0x496: {  	_ =	sfence.sel $0x180000  }
0x497: {  	[bflag:$0x0] =	sbarrier.arrive $0xFFFF  }
0x498: {  	_ =	strace $0x9000004D  }
0x499: {  	[bflag:$0x2] =	sbarrier.arrive $0xFFFF  }
0x49a: {  	p0 =	sne.s32 s0, $0x0;
	s0 =	rddreg [dreg:$0x1]  }
0x49b: {  	s0 =	sadd.s32 @!p0 $0x100000, s0  }
0x49c: {  	[sflag:s0] =	ssyncadd.tile.s32 @!p0 $0x1;
	_ =	shalt  }
.Lfunc_end2:
_tile_overlayer_lowered:
.L_overlay_start_2:
0x49d: {  	(tag) =	ssettag $0x2  }
0x49e: {  	s0 =	rddreg [dreg:$0x0];
	s2 =	stileid.u32  }
0x49f: {  	s1 =	rddreg [dreg:$0x1];
	p0 =	sne.s32 s2, $0x0  }
0x4a0: {  	s3 =	rddreg [dreg:$0x2];
	[bflag:$0x3] =	sbarrier.arrive $0xFFFF;
	s2 =	simm.s32 @!p0 $0x1C05  }
0x4a1: {  	[timem:s3], [sflag:s2] =	dma.local @!p0 [hbm:s0], s1  }
0x4a2: {  	s0 =	simm.s32 @!p0 $0x5  }
0x4a3: {  	_ =	swait.ge @!p0 [sflag:s0], s1  }
0x4a4: {  	s1 =	ssub.s32 @!p0 $0x0, s1;
	[sflag:s0] =	ssyncset.done @!p0 $0x0  }
0x4a5: {  	[sflag:s0] =	ssyncadd.s32 @!p0 s1  }
0x4a6: {  	[bflag:$0x3] =	sbarrier.arrive $0xFFFF  }
0x4a7: {  	_ =	shalt  }

// kernel: kernel.7.cloned.1.call-start
scs
__scs_entry_jumppad:
0x0: {  	(pc) =	sbr.rel $0x88, $3  }
0x1: {  	(tag) =	ssettag $0x0;
	lr =	simm.s32 $0x1  }
0x2: {  	[smem:$0x3F98] =	sst lr;
	_ =	strace $0xD0000000  }
0x3: {  	_ = 	snop  }
0x4: {  	_ = 	snop  }
0x5: {  	_ = 	snop  }
0x6: {  	_ = 	snop  }
0x7: {  	_ = 	snop  }
__scs_overlays_trampoline_lowered:
0x8: {  	[smem:$0x3FA7] =	sst s0  }
0x9: {  	[smem:$0x3FA8] =	sst s1  }
0xa: {  	[smem:$0x3FA9] =	sst s2  }
0xb: {  	[smem:$0x3FAA] =	sst s3  }
0xc: {  	[smem:$0x3FAB] =	sst s4  }
0xd: {  	[smem:$0x3FAC] =	sst s5  }
0xe: {  	[smem:$0x3FAD] =	sst s6  }
0xf: {  	[smem:$0x3FAE] =	sst s7  }
0x10: {  	[smem:$0x3FAF] =	sst s8  }
0x11: {  	[smem:$0x3FB0] =	sst s9;
	s0 =	simm.s32 @!p0 $0x0  }
0x12: {  	s1 =	sld [smem:$0x3F96];
	s0 =	simm.s32 @p0 $0x1  }
0x13: {  	[smem:$0x3FB1] =	sst s0;
	s0 =	simm.s32 @!p1 $0x0  }
0x14: {  	s2 =	sld [smem:$0x3F95];
	s0 =	simm.s32 @p1 $0x1  }
0x15: {  	[smem:$0x3FB2] =	sst s0;
	s0 =	simm.s32 @!p2 $0x0  }
0x16: {  	s3 =	sld [smem:$0x3FDB];
	s0 =	simm.s32 @p2 $0x1  }
0x17: {  	s4 =	simm.s32 $0x1BF5;
	[smem:$0x3FB4] =	sst s0  }
0x18: {  	s0 =	sld [smem:$0x3F97];
	_ =	swait.ge [sflag:s4], $0x0  }
0x19: {  	s7 =	sld [smem:$0x3F98]  }
0x1a: {  	s8 =	sadd.s32 $0xFFFFE003, lr  }
0x1b: {  	s9 =	sadd.s32 $0xFFFFFEF7, lr;
	s5 =	simm.s32 $0xFFFFFFFF;
	p2 =	slt.u32 s8, $0xFFFFF086  }
0x1c: {  	p1 =	slt.u32 s9, $0xF7A;
	s5 =	simm.s32 @!p2 $0x0  }
0x1d: {  	s5 =	simm.s32 @p1 $0x1;
	p0 =	seq.s32 s7, s2  }
0x1e: {  	s7 =	smul.u32 @!p0 $0xF7A, s2;
	p2 =	seq.s32 @!p0 s5, $0x0  }
0x1f: {  	s9 =	smul.u32 $0xF7A, s1;
	s8 =	simm.s32 @!p0 $0x1BF5;
	p2 =	por !p2, p0  }
0x20: {  	[sflag:s8] =	ssyncset.s32 @!p0 $0xFFFFF086;
	s6 =	sadd.s32 @!p0 s3, s7;
	s7 =	simm.s32 @!p0 $0x108  }
0x21: {  	s3 =	sadd.s32 s3, s9;
	s6 =	sadd.s32 @!p0 $0x88, s6;
	s7 =	simm.s32 @p2 $0x1082  }
0x22: {  	[simem:s7], [sflag:s8] =	dma.local @!p0 [hbm:s6], $0xF7A  }
0x23: {  	s9 =	sor.u32 $0xD0000000, s2;
	s6 =	simm.s32 $0x108;
	_ =	swait.ge @!p0 [sflag:s8], $0x0  }
0x24: {  	s3 =	sadd.s32 $0x88, s3;
	s6 =	simm.s32 @!p1 $0x1082;
	[sflag:s4] =	ssyncset.s32 $0xFFFFF086  }
0x25: {  	[simem:s6], [sflag:s4] =	dma.local [hbm:s3], $0xF7A  }
0x26: {  	[smem:$0x3F98] =	sst s1;
	(tag) =	ssettag s2;
	_ =	strace s9  }
0x27: {  	s1 =	sld [smem:$0x3FA8]  }
0x28: {  	s2 =	sld [smem:$0x3FA9]  }
0x29: {  	s4 =	sld [smem:$0x3FAB]  }
0x2a: {  	p0 =	seq.s32 s5, $0x0;
	s5 =	sld [smem:$0x3FAC]  }
0x2b: {  	s6 =	sld [smem:$0x3FAD]  }
0x2c: {  	s7 =	sld [smem:$0x3FAE]  }
0x2d: {  	s3 =	simm.s32 $0x108;
	s8 =	sld [smem:$0x3FAF]  }
0x2e: {  	s3 =	simm.s32 @!p0 $0x1082;
	s9 =	sld [smem:$0x3FB0]  }
0x2f: {  	lr =	sadd.s32 s0, s3;
	s0 =	sld [smem:$0x3FA7]  }
0x30: {  	s3 =	sld [smem:$0x3FAA]  }
0x31: {  	[smem:$0x3FB3] =	sst s10  }
0x32: {  	s10 =	sld [smem:$0x3FB1];
	_ =	sdelay $0x3  }
0x33: {  	p0 =	seq.s32 s10, $0x1;
	s10 =	sld [smem:$0x3FB3];
	_ =	sdelay $0x3  }
0x34: {  	[smem:$0x3FB3] =	sst s10  }
0x35: {  	s10 =	sld [smem:$0x3FB2];
	_ =	sdelay $0x3  }
0x36: {  	p1 =	seq.s32 s10, $0x1;
	s10 =	sld [smem:$0x3FB3];
	_ =	sdelay $0x3  }
0x37: {  	[smem:$0x3FB3] =	sst s10  }
0x38: {  	s10 =	sld [smem:$0x3FB4]  }
0x39: {  	_ = 	snop;
	(pc) =	sbr.ind lr, $3  }
0x3a: {  	_ = 	snop  }
0x3b: {  	_ = 	snop  }
0x3c: {  	p2 =	seq.s32 s10, $0x1;
	s10 =	sld [smem:$0x3FB3]  }
0x3d: {  	_ =	shalt  }
0x3e: {  	_ =	shalt  }
0x3f: {  	_ =	shalt  }
0x40: {  	_ =	shalt  }
0x41: {  	_ =	shalt  }
0x42: {  	_ =	shalt  }
0x43: {  	_ =	shalt  }
0x44: {  	_ =	shalt  }
0x45: {  	_ =	shalt  }
0x46: {  	_ =	shalt  }
0x47: {  	_ =	shalt  }
0x48: {  	_ =	shalt  }
0x49: {  	_ =	shalt  }
0x4a: {  	_ =	shalt  }
0x4b: {  	_ =	shalt  }
0x4c: {  	_ =	shalt  }
0x4d: {  	_ =	shalt  }
0x4e: {  	_ =	shalt  }
0x4f: {  	_ =	shalt  }
0x50: {  	_ =	shalt  }
0x51: {  	_ =	shalt  }
0x52: {  	_ =	shalt  }
0x53: {  	_ =	shalt  }
0x54: {  	_ =	shalt  }
0x55: {  	_ =	shalt  }
0x56: {  	_ =	shalt  }
0x57: {  	_ =	shalt  }
0x58: {  	_ =	shalt  }
0x59: {  	_ =	shalt  }
0x5a: {  	_ =	shalt  }
0x5b: {  	_ =	shalt  }
0x5c: {  	_ =	shalt  }
0x5d: {  	_ =	shalt  }
0x5e: {  	_ =	shalt  }
0x5f: {  	_ =	shalt  }
0x60: {  	_ =	shalt  }
0x61: {  	_ =	shalt  }
0x62: {  	_ =	shalt  }
0x63: {  	_ =	shalt  }
0x64: {  	_ =	shalt  }
0x65: {  	_ =	shalt  }
0x66: {  	_ =	shalt  }
0x67: {  	_ =	shalt  }
0x68: {  	_ =	shalt  }
0x69: {  	_ =	shalt  }
0x6a: {  	_ =	shalt  }
0x6b: {  	_ =	shalt  }
0x6c: {  	_ =	shalt  }
0x6d: {  	_ =	shalt  }
0x6e: {  	_ =	shalt  }
0x6f: {  	_ =	shalt  }
0x70: {  	_ =	shalt  }
0x71: {  	_ =	shalt  }
0x72: {  	_ =	shalt  }
0x73: {  	_ =	shalt  }
0x74: {  	_ =	shalt  }
0x75: {  	_ =	shalt  }
0x76: {  	_ =	shalt  }
0x77: {  	_ =	shalt  }
0x78: {  	_ =	shalt  }
0x79: {  	_ =	shalt  }
0x7a: {  	_ =	shalt  }
0x7b: {  	_ =	shalt  }
0x7c: {  	_ =	shalt  }
0x7d: {  	_ =	shalt  }
0x7e: {  	_ =	shalt  }
0x7f: {  	_ =	shalt  }
0x80: {  	_ =	shalt  }
0x81: {  	_ =	shalt  }
0x82: {  	_ =	shalt  }
0x83: {  	_ =	shalt  }
0x84: {  	_ =	shalt  }
0x85: {  	_ =	shalt  }
0x86: {  	_ =	shalt  }
0x87: {  	_ =	shalt  }
.Lfunc_end0:
.L_simem_size_0:
called_computation_lowered:
.L_overlay_start_0:
0x88: {  	s2 =	sld [smem:$0x3FD9]  }
0x89: {  	s3 =	sld [smem:$0x3FFE];
	_ =	sdelay $0x1  }
0x8a: {  	s1 =	srdreg.scid  }
0x8b: {  	s0 =	sand.u32 $0x1, s1  }
0x8c: {  	s17 =	sshll.u32 s0, $0xA;
	s2 =	sadd.s32 s3, s2  }
0x8d: {  	s2 =	sadd.s32 s2, s17  }
0x8e: {  	[smem:$0x3FBF] =	sst s2  }
0x8f: {  	_ = 	snop  }
0x90: {  	s2 =	sld [smem:$0x3FD0];
	(tm) =	ssettm $0x1  }
0x91: {  	s18 =	sld [smem:$0x3FFB];
	_ =	sdelay $0x3  }
0x92: {  	_ =	strace s18  }
0x93: {  	s3 =	sld [smem:$0x3FFC];
	_ =	sdelay $0x3  }
0x94: {  	_ =	strace s3  }
0x95: {  	s3 =	sld [smem:$0x3FFD];
	_ =	sdelay $0x3  }
0x96: {  	_ =	strace s3  }
0x97: {  	_ =	strace $0x8FFFFFFF  }
0x98: {  	s19 =	sld [smem:$0x3FDB];
	_ =	sdelay $0x1  }
0x99: {  	s4 =	simm.s32 $_scs_section_size  }
0x9a: {  	s5 =	simm.s32 $_size__tile_overlayer_lowered;
	s6 =	simm.s32 $_tile_overlayer_lowered  }
0x9b: {  	s22 =	simm.s32 $0x1BFF;
	s21 =	sshll.u32 s6, $0x1;
	s3 =	sadd.s32 s4, s19  }
0x9c: {  	s7 =	simm.s32 $0x0;
	s20 =	sshll.u32 s5, $0x1;
	s5 =	sadd.s32 s21, s3  }
0x9d: {  	[timem:s7], [sflag:s22] =	dma.local [hbm:s5], s20  }
0x9e: {  	_ =	swait.ge [sflag:s22], s20  }
0x9f: {  	s4 =	ssub.s32 $0x0, s20;
	[sflag:s22] =	ssyncset.done $0x0  }
0xa0: {  	[sflag:s22] =	ssyncadd.s32 s4;
	_ =	sdelay $0x1  }
0xa1: {  	s23 =	simm.s32 $0x1B8B  }
0xa2: {  	_ =	swait.ge [sflag:s23], $0x1  }
0xa3: {  	[sflag:s23] =	ssyncset.done $0x0  }
0xa4: {  	s25 =	simm.s32 $0x1B8E;
	s24 =	sld [smem:$0x3FFE];
	[sflag:s23] =	ssyncadd.s32 $0xFFFFFFFF  }
0xa5: {  	s26 =	simm.s32 $execute0_lowered;
	[smem:$0x3FD2] =	sst s25  }
0xa6: {  	s5 =	sshll.u32 s26, $0x1;
	_ =	strace $0x80000046;
	[dreg:$0x1] =	wrdreg $0xFFFFFFFF  }
0xa7: {  	s28 =	simm.s32 $_size_execute0_lowered;
	s3 =	sadd.s32 s3, s5;
	[dreg:$0x0] =	wrdreg $0x0  }
0xa8: {  	s5 =	sshll.u32 s28, $0x1;
	[dreg:$0x2] =	wrdreg s3  }
0xa9: {  	[dreg:$0x3] =	wrdreg s5  }
0xaa: {  	[dreg:$0x4] =	wrdreg $0xC0  }
0xab: {  	_ =	task [dreg:s7], $0x5FFFF  }
0xac: {  	[dreg:$0x1] =	wrdreg $0xFFFFFFFF  }
0xad: {  	[dreg:$0x0] =	wrdreg $0x60  }
0xae: {  	[dreg:$0x2] =	wrdreg s24  }
0xaf: {  	[dreg:$0x3] =	wrdreg s2  }
0xb0: {  	[dreg:$0x4] =	wrdreg $0x28800  }
0xb1: {  	[dreg:$0x5] =	wrdreg $0x9  }
0xb2: {  	_ =	task.clear_ibuf [dreg:s7], $0x6FFFF;
	_ =	strace $0x90000046  }
0xb3: {  	s29 =	simm.s32 $0x9;
	_ =	strace $0x80000048  }
0xb4: {  	_ =	swait.ge [sflag:s29], $0x1  }
0xb5: {  	[sflag:s29] =	ssyncadd.s32 $0xFFFFFFFF  }
0xb6: {  	_ =	strace $0x90000048  }
0xb7: {  	_ =	sfence  }
0xb8: {  	s30 =	sld [smem:$0x0];
	_ =	sdelay $0x2  }
0xb9: {  	s31 =	sshll.u32 s1, $0xD;
	s1 =	sshrl.u32 s1, $0x2  }
0xba: {  	s3 =	sand.u32 $0x4000, s31;
	s1 =	sadd.s32 s1, s30  }
0xbb: {  	s0 =	sor.u32 s3, s0;
	s1 =	sshll.u32 s1, $0x11  }
0xbc: {  	s0 =	sor.u32 s1, s0  }
0xbd: {  	s0 =	sadd.s32 $0x8F2B, s0  }
0xbe: {  	[sflag:s0] =	ssyncadd.remote.s32 $0x1  }
0xbf: {  	_ =	sfence.sel $0xFFFF  }
0xc0: {  	[dreg:$0x0] =	wrdreg $0xFFFFFFFF;
	(pc) =	sbr.abs _section_cstart, $3  }
0xc1: {  	[dreg:$0x1] =	wrdreg $0xFFFFFFFF  }
0xc2: {  	_ =	task.clear_ibuf [dreg:s7], $0x2FFFF;
	_ =	strace $0x9FFFFFFF  }
0xc3: {  	(tm) =	ssettm $0x7FFFFFFF  }
tec
execute0_lowered:
.L_overlay_start_1:
0x0: {  	(tag) =	ssettag $0x1  }
0x1: {  	s6 =	rddreg [dreg:$0x0]  }
0x2: {  	s1 =	srdreg.scid;
	s2 =	rddreg [dreg:$0x1]  }
0x3: {  	s0 =	stileid.u32;
	s3 =	rddreg [dreg:$0x2]  }
0x4: {  	s4 =	simm.s32 $0x0;
	s13 =	simm.s32 $0x50;
	s7 =	smul.u32 $0x4E20, s0  }
0x5: {  	s14 =	simm.s32 $0x1;
	s15 =	simm.s32 $0x0;
	s9 =	smul.u32 $0x13C00, s0  }
0x6: {  	s5 =	sand.u32 $0x1, s1;
	s1 =	rddreg [dreg:$0x3];
	s28 =	smul.u32 $0x4F000, s0  }
0x7: {  	[smem:$0x7FF] =	sst s4;
	s31 =	sshll.u32 s0, $0x6;
	s8 =	smul.u32 $0x2710, s5  }
0x8: {  	s24 =	smul.u32 $0x13C000, s5;
	_ =	strace $0x80000047;
	s26 =	ssub.s32 $0x2, s5  }
0x9: {  	s5 =	sadd.s32 $0x15A00, s6;
	s11 =	sshrl.u32 s26, $0x1;
	s30 =	sshrl.u32 s28, $0x2  }
0xa: {  	s7 =	sadd.s32 s8, s7;
	s25 =	sadd.s32 s9, s24;
	s29 =	ssub.s32 s26, s11  }
0xb: {  	s12 =	sadd.s32 s30, s3;
	s9 =	simm.s32 $0x80;
	s7 =	sshrl.u32 s7, $0x3  }
0xc: {  	s11 =	sor.u32 $0x1C02, s31;
	s10 =	sadd.s32 s7, s6;
	s7 =	sshrl.u32 s25, $0x3  }
0xd: {  	s12 =	sshrl.u32 s12, $0x3;
	s6 =	sadd.s32 s7, s6;
	s7 =	smax.u32 s29, $0x1  }
0xe: {  	s8 =	sadd.s32 $0x1E00, s10;
	s10 =	simm.s32 $0x2;
	s6 =	sadd.s32 $0x16000, s6  }
.LBB2_1:
0xf: {  	[tilespmem:s9], [sflag:$0x2] =	stream.linear.gather [hbm4b:s5+s4], $0x2800, $0x38;
	[tilespmem:$0x16480] =	vst v63  }
0x10: {  	_ =	swait.ge [sflag:s10], $0x2800  }
0x11: {  	[sflag:s10] =	ssyncset.done $0x0  }
0x12: {  	[sflag:s10] =	ssyncadd.s32 $0xFFFFD800  }
0x13: {  	[spmem:s12], [sflag:s11] =	dma.local [hbm:s2], $0x2780  }
0x14: {  	_ =	swait.ge [sflag:s10], $0x2780  }
0x15: {  	[sflag:s10] =	ssyncset.done $0x0  }
0x16: {  	[sflag:s10] =	ssyncadd.s32 $0xFFFFD880  }
0x17: {  	s16 =	sadd.s32 $0x0, s8;
	[bflag:$0x0] =	sbarrier.arrive $0xFFFF  }
0x18: {  	[tilespmem:s4], [sflag:$0x2] =	stream.linear.gather [hbm4b:s16+s4], $0x50, $0x38;
	[tilespmem:$0x16480] =	vst v63  }
0x19: {  	_ =	swait.ge [sflag:s10], $0x50  }
0x1a: {  	[sflag:s10] =	ssyncset.done $0x0  }
0x1b: {  	[sflag:s10] =	ssyncadd.s32 $0xFFFFFFB0  }
0x1c: {  	[spmem:s3] =	stream.indirect.scatter.add.f32 [tilespmem:s9], [sflag:$0x1], $0x80, s4, s13, $0xb8;
	[tilespmem:$0x16480] =	vst v63  }
0x1d: {  	_ =	swait.ge [sflag:s14], $0x2800  }
0x1e: {  	s17 =	simm.s32 $0x14;
	s16 =	simm.s32 $0xA;
	[sflag:s14] =	ssyncset.done $0x0  }
.LBB2_2:
0x1f: {  	s18 =	sadd.s32 s16, s8  }
0x20: {  	[sflag:s14] =	ssyncadd.s32 $0xFFFFD800;
	s16 =	smov.u32 s17;
	s19 =	sadd.s32 $0xA, s17  }
0x21: {  	[tilespmem:s4], [sflag:$0x2] =	stream.linear.gather [hbm4b:s18+s4], $0x50, $0x38;
	[tilespmem:$0x16480] =	vst v63  }
0x22: {  	p0 =	sne.s32 s17, $0x4D8;
	_ =	swait.ge [sflag:s10], $0x50  }
.Ltmp0:
0x23: {  	[sflag:s10] =	ssyncset.done $0x0;
	(pc) =	sbr.rel @p0 .LBB2_2-.Ltmp0, $4  }
0x24: {  	[sflag:s10] =	ssyncadd.s32 $0xFFFFFFB0  }
0x25: {  	[spmem:s3] =	stream.indirect.scatter.add.f32 [tilespmem:s9], [sflag:$0x1], $0x80, s4, s13, $0xb8;
	[tilespmem:$0x16480] =	vst v63  }
0x26: {  	_ =	swait.ge [sflag:s14], $0x2800  }
0x27: {  	s17 =	smov.u32 s19;
	[sflag:s14] =	ssyncset.done $0x0  }
0x28: {  	s16 =	sadd.s32 s16, s8;
	[sflag:s14] =	ssyncadd.s32 $0xFFFFD800  }
0x29: {  	[tilespmem:s4], [sflag:$0x2] =	stream.linear.gather [hbm4b:s16+s4], $0x50, $0x38;
	[tilespmem:$0x16480] =	vst v63  }
0x2a: {  	_ =	swait.ge [sflag:s10], $0x50  }
0x2b: {  	[sflag:s10] =	ssyncset.done $0x0  }
0x2c: {  	[sflag:s10] =	ssyncadd.s32 $0xFFFFFFB0  }
0x2d: {  	[spmem:s3] =	stream.indirect.scatter.add.f32 [tilespmem:s9], [sflag:$0x1], $0x80, s4, s13, $0xb8;
	[tilespmem:$0x16480] =	vst v63  }
0x2e: {  	_ =	swait.ge [sflag:s14], $0x2800  }
0x2f: {  	s15 =	sadd.s32 $0x1, s15;
	[sflag:s14] =	ssyncset.done $0x0  }
0x30: {  	p0 =	sne.s32 s15, s7;
	[sflag:s14] =	ssyncadd.s32 $0xFFFFD800  }
.Ltmp1:
0x31: {  	[bflag:$0x0] =	sbarrier.arrive $0xFFFF;
	(pc) =	sbr.rel @p0 .LBB2_1-.Ltmp1, $4  }
0x32: {  	[hbm:s6], [sflag:s11] =	dma.local [spmem:s12], $0x2780  }
0x33: {  	_ =	swait.ge [sflag:s10], $0x2780  }
0x34: {  	[sflag:s10] =	ssyncset.done $0x0  }
0x35: {  	[sflag:s10] =	ssyncadd.s32 $0xFFFFD880  }
0x36: {  	_ =	sfence.sel $0x180000  }
0x37: {  	[bflag:$0x0] =	sbarrier.arrive $0xFFFF  }
0x38: {  	p0 =	sne.s32 s0, $0x0;
	_ =	strace $0x90000047  }
0x39: {  	s0 =	sadd.s32 @!p0 $0x100000, s1;
	[bflag:$0x2] =	sbarrier.arrive $0xFFFF  }
0x3a: {  	[sflag:s0] =	ssyncadd.tile.s32 @!p0 $0x1;
	_ =	shalt  }
.Lfunc_end2:
_tile_overlayer_lowered:
.L_overlay_start_2:
0x3b: {  	(tag) =	ssettag $0x2  }
0x3c: {  	s0 =	rddreg [dreg:$0x0];
	s2 =	stileid.u32  }
0x3d: {  	s1 =	rddreg [dreg:$0x1];
	p0 =	sne.s32 s2, $0x0  }
0x3e: {  	s3 =	rddreg [dreg:$0x2];
	[bflag:$0x3] =	sbarrier.arrive $0xFFFF;
	s2 =	simm.s32 @!p0 $0x1C02  }
0x3f: {  	[timem:s3], [sflag:s2] =	dma.local @!p0 [hbm:s0], s1  }
0x40: {  	s0 =	simm.s32 @!p0 $0x2  }
0x41: {  	_ =	swait.ge @!p0 [sflag:s0], s1  }
0x42: {  	s1 =	ssub.s32 @!p0 $0x0, s1;
	[sflag:s0] =	ssyncset.done @!p0 $0x0  }
0x43: {  	[sflag:s0] =	ssyncadd.s32 @!p0 s1  }
0x44: {  	[bflag:$0x3] =	sbarrier.arrive $0xFFFF  }
0x45: {  	_ =	shalt  }

</sc_bundles>
